<compile_context>
chip_gen: v7x
topology: tpu7x:2x2x1
jax: 0.10.2.dev20260603
libtpu: 0.0.44.dev20260713+nightly
codegen_flags: <defaults>
</compile_context>

<pallas_src>
import jax
import jax.numpy as jnp
from jax import lax
from jax.experimental import pallas as pl
from jax.experimental.pallas import tpu as pltpu
from jax.experimental.pallas import tpu_sc as plsc

B = 16
T = 4096
D = 128
MAXN = 2048
MAXE = 1024
N_NODE_OUT = MAXN * 2
N_EDGE_OUT = MAXE * 5
L = 16
NC, NS = 2, 16
CHUNK = 128
NODE_CHUNKS = MAXN // CHUNK
EDGE_CHUNKS = MAXE // CHUNK
POSBUF = T + L


def _pe_body(routing_hbm, scat_hbm, table_hbm, node_out, edge_out,
             routing_v, scat_v, posbuf, bufs, table_sp,
             gs0, gs1, gs2, gs3, os0, os1, os2, os3):
    gsems = (gs0, gs1, gs2, gs3)
    osems = (os0, os1, os2, os3)
    c = lax.axis_index("c")
    s = lax.axis_index("s")
    kind = s % 2
    b = c * 8 + s // 2

    stripe = T // NS
    pltpu.sync_copy(table_hbm.at[pl.ds(s * stripe, stripe)],
                    table_sp.at[pl.ds(s * stripe, stripe)])
    plsc.subcore_barrier()

    pltpu.async_copy(routing_hbm.at[b], routing_v, gs0)
    pltpu.async_copy(scat_hbm, scat_v, gs1)

    def fill(i, carry):
        posbuf[pl.ds(i * L, L)] = jnp.full((L,), 0, jnp.int32)
        return carry
    lax.fori_loop(0, (MAXN + L) // L, fill, 0)

    pltpu.make_async_copy(routing_hbm.at[b], routing_v, gs0).wait()
    pltpu.make_async_copy(scat_hbm, scat_v, gs1).wait()

    iota = lax.iota(jnp.int32, L)

    n_rank = jnp.where(kind == 0, MAXN, MAXE)

    def comp_cond(st):
        ci, cnt = st
        return jnp.logical_and(ci < T // L, cnt < n_rank)

    def comp(st):
        ci, cnt = st
        v = routing_v[pl.ds(ci * L, L)]
        m = v == kind
        mi = jnp.where(m, 1, 0)
        inc = plsc.cumsum(mi)
        tgt = jnp.where(m, inc + (cnt - 1), POSBUF - 1)
        t = iota + ci * L
        plsc.store_scatter(posbuf, [tgt], t)
        return ci + 1, cnt + jnp.sum(mi)
    lax.while_loop(comp_cond, comp, (jnp.int32(0), jnp.int32(0)))

    def kind_pipe(out_ref, rep, krow, n):
        def g_start(i, bi):
            pltpu.async_copy(
                table_sp.at[posbuf.at[pl.ds(i * CHUNK, CHUNK)]],
                bufs.at[bi], gsems[bi])

        def g_wait(i, bi):
            pltpu.make_async_copy(
                table_sp.at[posbuf.at[pl.ds(i * CHUNK, CHUNK)]],
                bufs.at[bi], gsems[bi]).wait()

        def o_span(i):
            return out_ref.at[b, pl.ds(i * rep * CHUNK, rep * CHUNK)]

        def o_start(i, bi):
            for k in range(rep):
                pltpu.async_copy(bufs.at[bi],
                                 o_span(i).at[scat_v.at[krow + k]],
                                 osems[bi])

        def o_wait(i, bi):
            for k in range(rep):
                pltpu.make_async_copy(bufs.at[bi],
                                      o_span(i).at[scat_v.at[krow + k]],
                                      osems[bi]).wait()

        g_start(0, 0)
        g_start(1, 1)
        g_start(2, 2)
        g_wait(0, 0)
        o_start(0, 0)
        g_start(3, 3)

        def grp(p, carry):
            i0 = 4 * p + 1
            for j0 in range(4):
                i = i0 + j0
                bi = (1 + j0) % 4
                bp = j0 % 4
                g_wait(i, bi)
                o_start(i, bi)
                o_wait(i - 1, bp)
                g_start(i + 3, bp)
            return carry
        lax.fori_loop(0, (n - 4) // 4, grp, 0)

        for i, bi, bp in ((n - 3, 1, 0), (n - 2, 2, 1), (n - 1, 3, 2)):
            g_wait(i, bi)
            o_start(i, bi)
            o_wait(i - 1, bp)
        o_wait(n - 1, 3)

    @pl.when(kind == 0)
    def _():
        kind_pipe(node_out, 2, 0, NODE_CHUNKS)

    @pl.when(kind != 0)
    def _():
        kind_pipe(edge_out, 5, 2, EDGE_CHUNKS)


@jax.jit
def _positional_encoding_sc(routing, scat_tbl, pos_embed):
    mesh = plsc.VectorSubcoreMesh(
        core_axis_name="c", subcore_axis_name="s", num_cores=NC,
        num_subcores=NS)
    return pl.kernel(
        _pe_body,
        out_type=(
            jax.ShapeDtypeStruct((B, N_NODE_OUT, D), jnp.float32),
            jax.ShapeDtypeStruct((B, N_EDGE_OUT, D), jnp.float32),
        ),
        mesh=mesh,
        compiler_params=pltpu.CompilerParams(needs_layout_passes=False),
        scratch_types=[
            pltpu.VMEM((T,), jnp.int32),
            pltpu.VMEM((8, CHUNK), jnp.int32),
            pltpu.VMEM((POSBUF,), jnp.int32),
            pltpu.VMEM((4, CHUNK, D), jnp.float32),
            pltpu.VMEM_SHARED((T, D), jnp.float32),
            pltpu.SemaphoreType.DMA,
            pltpu.SemaphoreType.DMA,
            pltpu.SemaphoreType.DMA,
            pltpu.SemaphoreType.DMA,
            pltpu.SemaphoreType.DMA,
            pltpu.SemaphoreType.DMA,
            pltpu.SemaphoreType.DMA,
            pltpu.SemaphoreType.DMA,
        ],
    )(routing, scat_tbl, pos_embed)


def kernel(routing, max_nodes, max_edges, pos_embed):
    t = jnp.arange(CHUNK, dtype=jnp.int32)
    scat_tbl = jnp.stack([
        2 * t, 2 * t + 1,
        5 * t, 5 * t + 1, 5 * t + 2, 5 * t + 3, 5 * t + 4,
        jnp.zeros((CHUNK,), jnp.int32),
    ])
    return _positional_encoding_sc(routing, scat_tbl, pos_embed)

# --- scband reference (transcript-rebuilt; emitter-appended) ---
"""Pipeline reference for scband-positional-encoding-19318762898057 (READ-ONLY COPY).

The authoritative reference and input builder live on the scoring server;
editing this copy changes nothing except your own understanding.
"""

import jax, jax.numpy as jnp
import numpy as np

B = 16
MAX_ROUTING = 4096
D_MODEL = 128
MAX_NODES = 2048
MAX_EDGES = 1024


def setup_inputs(seed: int = 0) -> dict:
    key = jax.random.key(seed)
    k1, k2 = jax.random.split(key)
    routing = jax.random.randint(k1, (B, MAX_ROUTING), 0, 2, dtype=jnp.int32)
    pos_embed = jax.random.normal(k2, (MAX_ROUTING, D_MODEL), dtype=jnp.float32)
    return {
        'routing': routing,
        'max_nodes': MAX_NODES,
        'max_edges': MAX_EDGES,
        'pos_embed': pos_embed,
    }


def _logical_positions(routing, max_nodes, max_edges):
    Bn, T = routing.shape
    t_idx = jnp.broadcast_to(jnp.arange(T, dtype=jnp.int32), (Bn, T))
    is_node = routing == 0
    is_edge = routing == 1
    node_rank = jnp.cumsum(is_node.astype(jnp.int32), axis=1) - 1
    edge_rank = jnp.cumsum(is_edge.astype(jnp.int32), axis=1) - 1
    brow = jnp.arange(Bn, dtype=jnp.int32)[:, None]
    node_idx = jnp.where(is_node & (node_rank < max_nodes), node_rank, max_nodes)
    edge_idx = jnp.where(is_edge & (edge_rank < max_edges), edge_rank, max_edges)
    node_positions = jnp.full((Bn, MAX_NODES), -1, dtype=jnp.int32)
    edge_positions = jnp.full((Bn, MAX_EDGES), -1, dtype=jnp.int32)
    node_positions = node_positions.at[brow, node_idx].set(t_idx, mode='drop')
    edge_positions = edge_positions.at[brow, edge_idx].set(t_idx, mode='drop')
    return node_positions, edge_positions


def reference(routing, max_nodes, max_edges, pos_embed):
    Bn = routing.shape[0]
    node_pos, edge_pos = _logical_positions(routing, max_nodes, max_edges)
    # unsqueeze(-1).repeat(1,1,2).view(B, max_nodes*2) == interleaved repeat along axis 1
    node_token_positions = jnp.repeat(node_pos, 2, axis=1)
    edge_token_positions = jnp.repeat(edge_pos, 5, axis=1)
    node_pe = jnp.take(pos_embed, jnp.maximum(node_token_positions, 0), axis=0)
    edge_pe = jnp.take(pos_embed, jnp.maximum(edge_token_positions, 0), axis=0)
    return (node_pe, edge_pe)

if __name__ == "__main__":
    import jax
    _d = setup_inputs()
    print(jax.jit(kernel)(*tuple(_d.values())))

</pallas_src>

<mosaic_0001>
#map = affine_map<(d0, d1) -> (0, 0)>
#map1 = affine_map<(d0, d1) -> (0, 0, 0)>
module attributes {stable_mosaic.version = 14 : i64} {
  func.func @_pe_body(%arg0: i32, %arg1: i32, %arg2: memref<16x4096xi32, #tpu.memory_space<hbm>>, %arg3: memref<8x128xi32, #tpu.memory_space<hbm>>, %arg4: memref<4096x128xf32, #tpu.memory_space<hbm>>, %arg5: memref<16x4096x128xf32, #tpu.memory_space<hbm>>, %arg6: memref<16x5120x128xf32, #tpu.memory_space<hbm>>, %arg7: memref<4096xi32, #tpu.memory_space<vmem>>, %arg8: memref<8x128xi32, #tpu.memory_space<vmem>>, %arg9: memref<4112xi32, #tpu.memory_space<vmem>>, %arg10: memref<4x128x128xf32, #tpu.memory_space<vmem>>, %arg11: memref<4096x128xf32, #tpu.memory_space<vmem_shared>>, %arg12: memref<!tpu.dma_semaphore, #tpu.memory_space<semaphore_mem>>, %arg13: memref<!tpu.dma_semaphore, #tpu.memory_space<semaphore_mem>>, %arg14: memref<!tpu.dma_semaphore, #tpu.memory_space<semaphore_mem>>, %arg15: memref<!tpu.dma_semaphore, #tpu.memory_space<semaphore_mem>>, %arg16: memref<!tpu.dma_semaphore, #tpu.memory_space<semaphore_mem>>, %arg17: memref<!tpu.dma_semaphore, #tpu.memory_space<semaphore_mem>>, %arg18: memref<!tpu.dma_semaphore, #tpu.memory_space<semaphore_mem>>, %arg19: memref<!tpu.dma_semaphore, #tpu.memory_space<semaphore_mem>>) attributes {dimension_semantics = [#tpu.dimension_semantics<core_parallel>, #tpu.dimension_semantics<subcore_parallel>], iteration_bounds = array<i64: 2, 16>, scalar_prefetch = 0 : i64, scratch_operands = 13 : i64, tpu.core_type = #tpu.core_type<sc_vector_subcore>, window_params = [{transform_indices = #map}, {transform_indices = #map}, {transform_indices = #map}, {transform_indices = #map1}, {transform_indices = #map1}]} {
    %jit3A = arith.constant 2 : i32
    %eq3A = arith.constant 0 : i32
    %eq3A_0 = arith.cmpi eq, %jit3A, %eq3A : i32
    %jit3A_1 = arith.constant 1 : i32
    %select_n3A = arith.select %eq3A_0, %jit3A_1, %jit3A : i32
    %rem3A = arith.remsi %arg1, %select_n3A : i32
    %ne3A = arith.constant 0 : i32
    %ne3A_2 = arith.cmpi ne, %rem3A, %ne3A : i32
    %lt3A = arith.constant 0 : i32
    %lt3A_3 = arith.cmpi slt, %rem3A, %lt3A : i32
    %lt3A_4 = arith.constant 0 : i32
    %lt3A_5 = arith.cmpi slt, %select_n3A, %lt3A_4 : i32
    %ne3A_6 = arith.xori %lt3A_3, %lt3A_5 : i1
    %and3A = arith.andi %ne3A_6, %ne3A_2 : i1
    %add3A = arith.addi %rem3A, %select_n3A : i32
    %select_n3A_7 = arith.select %and3A, %add3A, %rem3A : i32
    %mul3A = arith.constant 8 : i32
    %mul3A_8 = arith.muli %arg0, %mul3A : i32
    %jit3A_9 = arith.constant 2 : i32
    %div3A = arith.divsi %arg1, %jit3A_9 : i32
    %sign3A = arith.constant 0 : i32
    %sign3A_10 = arith.cmpi sgt, %arg1, %sign3A : i32
    %sign3A_11 = arith.extui %sign3A_10 : i1 to i32
    %sign3A_12 = arith.constant 0 : i32
    %sign3A_13 = arith.cmpi slt, %arg1, %sign3A_12 : i32
    %sign3A_14 = arith.extui %sign3A_13 : i1 to i32
    %sign3A_15 = arith.subi %sign3A_11, %sign3A_14 : i32
    %sign3A_16 = arith.constant 0 : i32
    %sign3A_17 = arith.cmpi sgt, %jit3A_9, %sign3A_16 : i32
    %sign3A_18 = arith.extui %sign3A_17 : i1 to i32
    %sign3A_19 = arith.constant 0 : i32
    %sign3A_20 = arith.cmpi slt, %jit3A_9, %sign3A_19 : i32
    %sign3A_21 = arith.extui %sign3A_20 : i1 to i32
    %sign3A_22 = arith.subi %sign3A_18, %sign3A_21 : i32
    %ne3A_23 = arith.cmpi ne, %sign3A_15, %sign3A_22 : i32
    %rem3A_24 = arith.remsi %arg1, %jit3A_9 : i32
    %ne3A_25 = arith.constant 0 : i32
    %ne3A_26 = arith.cmpi ne, %rem3A_24, %ne3A_25 : i32
    %and3A_27 = arith.andi %ne3A_23, %ne3A_26 : i1
    %sub3A = arith.constant 1 : i32
    %sub3A_28 = arith.subi %div3A, %sub3A : i32
    %select_n3A_29 = arith.select %and3A_27, %sub3A_28, %div3A : i32
    %add3A_30 = arith.addi %mul3A_8, %select_n3A_29 : i32
    %mul3A_31 = arith.constant 256 : i32
    %mul3A_32 = arith.muli %arg1, %mul3A_31 : i32
    %mul3A_33 = arith.constant 256 : i32
    %mul3A_34 = arith.muli %arg1, %mul3A_33 : i32
    "tpu.region"() ({
      %run_scoped3A = tpu.sem_alloc : memref<!tpu.dma_semaphore, #tpu.memory_space<semaphore_mem>>
      %dma_start3A_65 = arith.constant 0 : i32
      %dma_start3A_66 = tpu.memref_slice %arg11[%mul3A_34, %dma_start3A_65] : memref<4096x128xf32, #tpu.memory_space<vmem_shared>> -> memref<256x128xf32, #tpu.memory_space<vmem_shared>>
      %dma_start3A_67 = arith.constant 0 : i32
      %dma_start3A_68 = tpu.memref_slice %arg4[%mul3A_32, %dma_start3A_67] : memref<4096x128xf32, #tpu.memory_space<hbm>> -> memref<256x128xf32, #tpu.memory_space<hbm>>
      tpu.enqueue_dma source(%dma_start3A_68 : memref<256x128xf32, #tpu.memory_space<hbm>>) target(%dma_start3A_66 : memref<256x128xf32, #tpu.memory_space<vmem_shared>>) target_semaphore(%run_scoped3A : memref<!tpu.dma_semaphore, #tpu.memory_space<semaphore_mem>>)
      %dma_wait3A_69 = arith.constant 0 : i32
      %dma_wait3A_70 = tpu.memref_slice %arg11[%mul3A_34, %dma_wait3A_69] : memref<4096x128xf32, #tpu.memory_space<vmem_shared>> -> memref<256x128xf32, #tpu.memory_space<vmem_shared>>
      %dma_wait3A_71 = arith.constant 0 : i32
      %dma_wait3A_72 = tpu.memref_slice %arg4[%mul3A_32, %dma_wait3A_71] : memref<4096x128xf32, #tpu.memory_space<hbm>> -> memref<256x128xf32, #tpu.memory_space<hbm>>
      tpu.wait_dma2 semaphore(%run_scoped3A : memref<!tpu.dma_semaphore, #tpu.memory_space<semaphore_mem>>) src(%dma_wait3A_72 : memref<256x128xf32, #tpu.memory_space<hbm>>) dst(%dma_wait3A_70 : memref<256x128xf32, #tpu.memory_space<vmem_shared>>)
      tpu.yield
    }) : () -> ()
    %barrier3A = arith.constant 0 : index
    tpu.barrier barrier_id(%barrier3A)
    %dma_start3A = arith.constant 0 : i32
    %dma_start3A_35 = tpu.memref_slice %arg2[%add3A_30, %dma_start3A] : memref<16x4096xi32, #tpu.memory_space<hbm>> -> memref<1x4096xi32, #tpu.memory_space<hbm>>
    %dma_start3A_36 = tpu.memref_squeeze %dma_start3A_35 : memref<1x4096xi32, #tpu.memory_space<hbm>> -> memref<4096xi32, #tpu.memory_space<hbm>>
    %dma_start3A_37 = arith.constant 0 : i32
    %dma_start3A_38 = tpu.memref_slice %arg2[%add3A_30, %dma_start3A_37] : memref<16x4096xi32, #tpu.memory_space<hbm>> -> memref<1x4096xi32, #tpu.memory_space<hbm>>
    %dma_start3A_39 = tpu.memref_squeeze %dma_start3A_38 : memref<1x4096xi32, #tpu.memory_space<hbm>> -> memref<4096xi32, #tpu.memory_space<hbm>>
    tpu.enqueue_dma source(%dma_start3A_39 : memref<4096xi32, #tpu.memory_space<hbm>>) target(%arg7 : memref<4096xi32, #tpu.memory_space<vmem>>) target_semaphore(%arg12 : memref<!tpu.dma_semaphore, #tpu.memory_space<semaphore_mem>>)
    tpu.enqueue_dma source(%arg3 : memref<8x128xi32, #tpu.memory_space<hbm>>) target(%arg8 : memref<8x128xi32, #tpu.memory_space<vmem>>) target_semaphore(%arg13 : memref<!tpu.dma_semaphore, #tpu.memory_space<semaphore_mem>>)
    %scan3A = arith.constant 0 : i32
    %scan3A_40 = arith.constant 0 : i32
    %scan3A_41 = arith.constant 129 : i32
    %scan3A_42 = arith.addi %scan3A_40, %scan3A_41 : i32
    %scan3A_43 = arith.constant 1 : i32
    scf.for %scan3A_65 = %scan3A_40 to %scan3A_42 step %scan3A_43  : i32 {
      %broadcast_in_dim3A = arith.constant 0 : i32
      %broadcast_in_dim3A_66 = vector.broadcast %broadcast_in_dim3A : i32 to vector<16xi32>
      %mul3A_67 = arith.constant 16 : i32
      %mul3A_68 = arith.muli %scan3A_65, %mul3A_67 : i32
      %swap3A = arith.index_cast %mul3A_68 : i32 to index
      %swap3A_69 = tpu.vector_load %arg9[%swap3A] {strides = array<i32>} : memref<4112xi32, #tpu.memory_space<vmem>>, vector<16xi32>,
      tpu.vector_store %arg9[%swap3A], %broadcast_in_dim3A_66 {strides = array<i32>} : memref<4112xi32, #tpu.memory_space<vmem>>, vector<16xi32>,
    }
    %scan3A_44 = arith.constant 129 : i32
    %dma_wait3A = arith.constant 0 : i32
    %dma_wait3A_45 = tpu.memref_slice %arg2[%add3A_30, %dma_wait3A] : memref<16x4096xi32, #tpu.memory_space<hbm>> -> memref<1x4096xi32, #tpu.memory_space<hbm>>
    %dma_wait3A_46 = tpu.memref_squeeze %dma_wait3A_45 : memref<1x4096xi32, #tpu.memory_space<hbm>> -> memref<4096xi32, #tpu.memory_space<hbm>>
    %dma_wait3A_47 = arith.constant 0 : i32
    %dma_wait3A_48 = tpu.memref_slice %arg2[%add3A_30, %dma_wait3A_47] : memref<16x4096xi32, #tpu.memory_space<hbm>> -> memref<1x4096xi32, #tpu.memory_space<hbm>>
    %dma_wait3A_49 = tpu.memref_squeeze %dma_wait3A_48 : memref<1x4096xi32, #tpu.memory_space<hbm>> -> memref<4096xi32, #tpu.memory_space<hbm>>
    tpu.wait_dma2 semaphore(%arg12 : memref<!tpu.dma_semaphore, #tpu.memory_space<semaphore_mem>>) src(%dma_wait3A_49 : memref<4096xi32, #tpu.memory_space<hbm>>) dst(%arg7 : memref<4096xi32, #tpu.memory_space<vmem>>)
    tpu.wait_dma2 semaphore(%arg13 : memref<!tpu.dma_semaphore, #tpu.memory_space<semaphore_mem>>) src(%arg3 : memref<8x128xi32, #tpu.memory_space<hbm>>) dst(%arg8 : memref<8x128xi32, #tpu.memory_space<vmem>>)
    %iota3A = tpu.iota {dimensions = array<i32: 0>} : vector<16xi32>
    %eq3A_50 = arith.constant 0 : i32
    %eq3A_51 = arith.cmpi eq, %select_n3A_7, %eq3A_50 : i32
    %jit3A_52 = arith.constant 2048 : i32
    %jit3A_53 = arith.constant 1024 : i32
    %select_n3A_54 = arith.select %eq3A_51, %jit3A_52, %jit3A_53 : i32
    %while3A = arith.constant 0 : i32
    %while3A_55 = arith.constant 0 : i32
    %while3A_56:2 = scf.while (%while3A_65 = %while3A, %while3A_66 = %while3A_55) : (i32, i32) -> (i32, i32) {
      %lt3A_67 = arith.constant 256 : i32
      %lt3A_68 = arith.cmpi slt, %while3A_65, %lt3A_67 : i32
      %lt3A_69 = arith.cmpi slt, %while3A_66, %select_n3A_54 : i32
      %and3A_70 = arith.andi %lt3A_68, %lt3A_69 : i1
      scf.condition(%and3A_70) %while3A_65, %while3A_66 : i32, i32
    } do {
    ^bb0(%while3A_65: i32, %while3A_66: i32):
      %mul3A_67 = arith.constant 16 : i32
      %mul3A_68 = arith.muli %while3A_65, %mul3A_67 : i32
      %get3A = arith.index_cast %mul3A_68 : i32 to index
      %get3A_69 = tpu.vector_load %arg7[%get3A] {strides = array<i32>} : memref<4096xi32, #tpu.memory_space<vmem>>, vector<16xi32>,
      %eq3A_70 = vector.broadcast %select_n3A_7 : i32 to vector<16xi32>
      %eq3A_71 = arith.cmpi eq, %get3A_69, %eq3A_70 : vector<16xi32>
      %jit3A_72 = arith.constant 1 : i32
      %jit3A_73 = arith.constant 0 : i32
      %broadcast_in_dim3A = vector.broadcast %jit3A_72 : i32 to vector<16xi32>
      %broadcast_in_dim3A_74 = vector.broadcast %jit3A_73 : i32 to vector<16xi32>
      %select_n3A_75 = arith.select %eq3A_71, %broadcast_in_dim3A, %broadcast_in_dim3A_74 : vector<16xi1>, vector<16xi32>
      %broadcast_in_dim3A_76 = arith.constant true
      %broadcast_in_dim3A_77 = vector.broadcast %broadcast_in_dim3A_76 : i1 to vector<16xi1>
      %masked_cumsum3A = tpu.scan <sum>, %select_n3A_75 masked %broadcast_in_dim3A_77 : vector<16xi32>, vector<16xi1> -> vector<16xi32>
      %sub3A_78 = arith.constant 1 : i32
      %sub3A_79 = arith.subi %while3A_66, %sub3A_78 : i32
      %add3A_80 = vector.broadcast %sub3A_79 : i32 to vector<16xi32>
      %add3A_81 = arith.addi %masked_cumsum3A, %add3A_80 : vector<16xi32>
      %jit3A_82 = arith.constant 4111 : i32
      %broadcast_in_dim3A_83 = vector.broadcast %jit3A_82 : i32 to vector<16xi32>
      %select_n3A_84 = arith.select %eq3A_71, %add3A_81, %broadcast_in_dim3A_83 : vector<16xi1>, vector<16xi32>
      %mul3A_85 = arith.constant 16 : i32
      %mul3A_86 = arith.muli %while3A_65, %mul3A_85 : i32
      %add3A_87 = vector.broadcast %mul3A_86 : i32 to vector<16xi32>
      %add3A_88 = arith.addi %iota3A, %add3A_87 : vector<16xi32>
      tpu.vector_store_idx %arg9[%select_n3A_84], %add3A_88 : memref<4112xi32, #tpu.memory_space<vmem>>[vector<16xi32>], vector<16xi32>,
      %add3A_89 = arith.constant 1 : i32
      %add3A_90 = arith.addi %while3A_65, %add3A_89 : i32
      %reduce_sum3A = arith.constant true
      %reduce_sum3A_91 = vector.broadcast %reduce_sum3A : i1 to vector<16xi1>
      %reduce_sum3A_92 = tpu.scan <sum>, %select_n3A_75 masked %reduce_sum3A_91 : vector<16xi32>, vector<16xi1> -> vector<16xi32>
      %reduce_sum3A_93 = vector.extract %reduce_sum3A_92[15] : i32 from vector<16xi32>
      %add3A_94 = arith.addi %while3A_66, %reduce_sum3A_93 : i32
      scf.yield %add3A_90, %add3A_94 : i32, i32
    }
    %eq3A_57 = arith.constant 0 : i32
    %eq3A_58 = arith.cmpi eq, %select_n3A_7, %eq3A_57 : i32
    %convert_element_type3A = arith.extui %eq3A_58 : i1 to i32
    %cond3A = arith.constant 0 : i32
    %cond3A_59 = arith.cmpi ne, %convert_element_type3A, %cond3A : i32
    scf.if %cond3A_59 {
      %dma_start3A_65 = arith.constant 0 : i32
      %dma_start3A_66 = arith.constant 0 : i32
      %dma_start3A_67 = arith.constant 0 : i32
      %dma_start3A_68 = tpu.memref_slice %arg10[%dma_start3A_65, %dma_start3A_66, %dma_start3A_67] : memref<4x128x128xf32, #tpu.memory_space<vmem>> -> memref<1x128x128xf32, #tpu.memory_space<vmem>>
      %dma_start3A_69 = tpu.memref_squeeze %dma_start3A_68 : memref<1x128x128xf32, #tpu.memory_space<vmem>> -> memref<128x128xf32, #tpu.memory_space<vmem>>
      %dma_start3A_70 = arith.constant 0 : i32
      %dma_start3A_71 = tpu.memref_slice %arg9[%dma_start3A_70] : memref<4112xi32, #tpu.memory_space<vmem>> -> memref<128xi32, #tpu.memory_space<vmem>>
      %dma_start3A_72 = arith.constant 0 : i32
      %dma_start3A_73 = arith.constant 0 : i32
      %dma_start3A_74 = tpu.memref_slice %arg11[%dma_start3A_72, %dma_start3A_73] : memref<4096x128xf32, #tpu.memory_space<vmem_shared>> -> memref<4096x128xf32, #tpu.memory_space<vmem_shared>>
      tpu.enqueue_indirect_dma source(%dma_start3A_74 : memref<4096x128xf32, #tpu.memory_space<vmem_shared>>) target(%dma_start3A_69 : memref<128x128xf32, #tpu.memory_space<vmem>>) offsets(%dma_start3A_71 : memref<128xi32, #tpu.memory_space<vmem>>) semaphore(%arg12 : memref<!tpu.dma_semaphore, #tpu.memory_space<semaphore_mem>>)
      %dma_start3A_75 = arith.constant 1 : i32
      %dma_start3A_76 = arith.constant 0 : i32
      %dma_start3A_77 = arith.constant 0 : i32
      %dma_start3A_78 = tpu.memref_slice %arg10[%dma_start3A_75, %dma_start3A_76, %dma_start3A_77] : memref<4x128x128xf32, #tpu.memory_space<vmem>> -> memref<1x128x128xf32, #tpu.memory_space<vmem>>
      %dma_start3A_79 = tpu.memref_squeeze %dma_start3A_78 : memref<1x128x128xf32, #tpu.memory_space<vmem>> -> memref<128x128xf32, #tpu.memory_space<vmem>>
      %dma_start3A_80 = arith.constant 128 : i32
      %dma_start3A_81 = tpu.memref_slice %arg9[%dma_start3A_80] : memref<4112xi32, #tpu.memory_space<vmem>> -> memref<128xi32, #tpu.memory_space<vmem>>
      %dma_start3A_82 = arith.constant 0 : i32
      %dma_start3A_83 = arith.constant 0 : i32
      %dma_start3A_84 = tpu.memref_slice %arg11[%dma_start3A_82, %dma_start3A_83] : memref<4096x128xf32, #tpu.memory_space<vmem_shared>> -> memref<4096x128xf32, #tpu.memory_space<vmem_shared>>
      tpu.enqueue_indirect_dma source(%dma_start3A_84 : memref<4096x128xf32, #tpu.memory_space<vmem_shared>>) target(%dma_start3A_79 : memref<128x128xf32, #tpu.memory_space<vmem>>) offsets(%dma_start3A_81 : memref<128xi32, #tpu.memory_space<vmem>>) semaphore(%arg13 : memref<!tpu.dma_semaphore, #tpu.memory_space<semaphore_mem>>)
      %dma_start3A_85 = arith.constant 2 : i32
      %dma_start3A_86 = arith.constant 0 : i32
      %dma_start3A_87 = arith.constant 0 : i32
      %dma_start3A_88 = tpu.memref_slice %arg10[%dma_start3A_85, %dma_start3A_86, %dma_start3A_87] : memref<4x128x128xf32, #tpu.memory_space<vmem>> -> memref<1x128x128xf32, #tpu.memory_space<vmem>>
      %dma_start3A_89 = tpu.memref_squeeze %dma_start3A_88 : memref<1x128x128xf32, #tpu.memory_space<vmem>> -> memref<128x128xf32, #tpu.memory_space<vmem>>
      %dma_start3A_90 = arith.constant 256 : i32
      %dma_start3A_91 = tpu.memref_slice %arg9[%dma_start3A_90] : memref<4112xi32, #tpu.memory_space<vmem>> -> memref<128xi32, #tpu.memory_space<vmem>>
      %dma_start3A_92 = arith.constant 0 : i32
      %dma_start3A_93 = arith.constant 0 : i32
      %dma_start3A_94 = tpu.memref_slice %arg11[%dma_start3A_92, %dma_start3A_93] : memref<4096x128xf32, #tpu.memory_space<vmem_shared>> -> memref<4096x128xf32, #tpu.memory_space<vmem_shared>>
      tpu.enqueue_indirect_dma source(%dma_start3A_94 : memref<4096x128xf32, #tpu.memory_space<vmem_shared>>) target(%dma_start3A_89 : memref<128x128xf32, #tpu.memory_space<vmem>>) offsets(%dma_start3A_91 : memref<128xi32, #tpu.memory_space<vmem>>) semaphore(%arg14 : memref<!tpu.dma_semaphore, #tpu.memory_space<semaphore_mem>>)
      %dma_wait3A_95 = arith.constant 0 : i32
      %dma_wait3A_96 = arith.constant 0 : i32
      %dma_wait3A_97 = arith.constant 0 : i32
      %dma_wait3A_98 = tpu.memref_slice %arg10[%dma_wait3A_95, %dma_wait3A_96, %dma_wait3A_97] : memref<4x128x128xf32, #tpu.memory_space<vmem>> -> memref<1x128x128xf32, #tpu.memory_space<vmem>>
      %dma_wait3A_99 = tpu.memref_squeeze %dma_wait3A_98 : memref<1x128x128xf32, #tpu.memory_space<vmem>> -> memref<128x128xf32, #tpu.memory_space<vmem>>
      %dma_wait3A_100 = arith.constant 0 : i32
      %dma_wait3A_101 = tpu.memref_slice %arg9[%dma_wait3A_100] : memref<4112xi32, #tpu.memory_space<vmem>> -> memref<128xi32, #tpu.memory_space<vmem>>
      %dma_wait3A_102 = arith.constant 0 : i32
      %dma_wait3A_103 = arith.constant 0 : i32
      %dma_wait3A_104 = tpu.memref_slice %arg11[%dma_wait3A_102, %dma_wait3A_103] : memref<4096x128xf32, #tpu.memory_space<vmem_shared>> -> memref<4096x128xf32, #tpu.memory_space<vmem_shared>>
      tpu.wait_indirect_dma semaphore(%arg12 : memref<!tpu.dma_semaphore, #tpu.memory_space<semaphore_mem>>) src(%dma_wait3A_104 : memref<4096x128xf32, #tpu.memory_space<vmem_shared>>) dst(%dma_wait3A_99 : memref<128x128xf32, #tpu.memory_space<vmem>>)
      %dma_start3A_105 = arith.constant 0 : i32
      %dma_start3A_106 = arith.constant 0 : i32
      %dma_start3A_107 = arith.constant 0 : i32
      %dma_start3A_108 = arith.constant 0 : i32
      %dma_start3A_109 = tpu.memref_slice %arg10[%dma_start3A_105, %dma_start3A_107, %dma_start3A_108] : memref<4x128x128xf32, #tpu.memory_space<vmem>> -> memref<1x128x128xf32, #tpu.memory_space<vmem>>
      %dma_start3A_110 = tpu.memref_squeeze %dma_start3A_109 : memref<1x128x128xf32, #tpu.memory_space<vmem>> -> memref<128x128xf32, #tpu.memory_space<vmem>>
      %dma_start3A_111 = arith.constant 0 : i32
      %dma_start3A_112 = tpu.memref_slice %arg8[%dma_start3A_106, %dma_start3A_111] : memref<8x128xi32, #tpu.memory_space<vmem>> -> memref<1x128xi32, #tpu.memory_space<vmem>>
      %dma_start3A_113 = tpu.memref_squeeze %dma_start3A_112 : memref<1x128xi32, #tpu.memory_space<vmem>> -> memref<128xi32, #tpu.memory_space<vmem>>
      %dma_start3A_114 = arith.constant 0 : i32
      %dma_start3A_115 = arith.constant 0 : i32
      %dma_start3A_116 = tpu.memref_slice %arg5[%add3A_30, %dma_start3A_114, %dma_start3A_115] : memref<16x4096x128xf32, #tpu.memory_space<hbm>> -> memref<1x256x128xf32, #tpu.memory_space<hbm>>
      %dma_start3A_117 = tpu.memref_squeeze %dma_start3A_116 : memref<1x256x128xf32, #tpu.memory_space<hbm>> -> memref<256x128xf32, #tpu.memory_space<hbm>>
      %dma_start3A_118 = arith.constant 0 : i32
      %dma_start3A_119 = arith.constant 0 : i32
      %dma_start3A_120 = tpu.memref_slice %dma_start3A_117[%dma_start3A_118, %dma_start3A_119] : memref<256x128xf32, #tpu.memory_space<hbm>> -> memref<256x128xf32, #tpu.memory_space<hbm>>
      tpu.enqueue_indirect_dma source(%dma_start3A_110 : memref<128x128xf32, #tpu.memory_space<vmem>>) target(%dma_start3A_120 : memref<256x128xf32, #tpu.memory_space<hbm>>) offsets(%dma_start3A_113 : memref<128xi32, #tpu.memory_space<vmem>>) semaphore(%arg16 : memref<!tpu.dma_semaphore, #tpu.memory_space<semaphore_mem>>)
      %dma_start3A_121 = arith.constant 0 : i32
      %dma_start3A_122 = arith.constant 1 : i32
      %dma_start3A_123 = arith.constant 0 : i32
      %dma_start3A_124 = arith.constant 0 : i32
      %dma_start3A_125 = tpu.memref_slice %arg10[%dma_start3A_121, %dma_start3A_123, %dma_start3A_124] : memref<4x128x128xf32, #tpu.memory_space<vmem>> -> memref<1x128x128xf32, #tpu.memory_space<vmem>>
      %dma_start3A_126 = tpu.memref_squeeze %dma_start3A_125 : memref<1x128x128xf32, #tpu.memory_space<vmem>> -> memref<128x128xf32, #tpu.memory_space<vmem>>
      %dma_start3A_127 = arith.constant 0 : i32
      %dma_start3A_128 = tpu.memref_slice %arg8[%dma_start3A_122, %dma_start3A_127] : memref<8x128xi32, #tpu.memory_space<vmem>> -> memref<1x128xi32, #tpu.memory_space<vmem>>
      %dma_start3A_129 = tpu.memref_squeeze %dma_start3A_128 : memref<1x128xi32, #tpu.memory_space<vmem>> -> memref<128xi32, #tpu.memory_space<vmem>>
      %dma_start3A_130 = arith.constant 0 : i32
      %dma_start3A_131 = arith.constant 0 : i32
      %dma_start3A_132 = tpu.memref_slice %arg5[%add3A_30, %dma_start3A_130, %dma_start3A_131] : memref<16x4096x128xf32, #tpu.memory_space<hbm>> -> memref<1x256x128xf32, #tpu.memory_space<hbm>>
      %dma_start3A_133 = tpu.memref_squeeze %dma_start3A_132 : memref<1x256x128xf32, #tpu.memory_space<hbm>> -> memref<256x128xf32, #tpu.memory_space<hbm>>
      %dma_start3A_134 = arith.constant 0 : i32
      %dma_start3A_135 = arith.constant 0 : i32
      %dma_start3A_136 = tpu.memref_slice %dma_start3A_133[%dma_start3A_134, %dma_start3A_135] : memref<256x128xf32, #tpu.memory_space<hbm>> -> memref<256x128xf32, #tpu.memory_space<hbm>>
      tpu.enqueue_indirect_dma source(%dma_start3A_126 : memref<128x128xf32, #tpu.memory_space<vmem>>) target(%dma_start3A_136 : memref<256x128xf32, #tpu.memory_space<hbm>>) offsets(%dma_start3A_129 : memref<128xi32, #tpu.memory_space<vmem>>) semaphore(%arg16 : memref<!tpu.dma_semaphore, #tpu.memory_space<semaphore_mem>>)
      %dma_start3A_137 = arith.constant 3 : i32
      %dma_start3A_138 = arith.constant 0 : i32
      %dma_start3A_139 = arith.constant 0 : i32
      %dma_start3A_140 = tpu.memref_slice %arg10[%dma_start3A_137, %dma_start3A_138, %dma_start3A_139] : memref<4x128x128xf32, #tpu.memory_space<vmem>> -> memref<1x128x128xf32, #tpu.memory_space<vmem>>
      %dma_start3A_141 = tpu.memref_squeeze %dma_start3A_140 : memref<1x128x128xf32, #tpu.memory_space<vmem>> -> memref<128x128xf32, #tpu.memory_space<vmem>>
      %dma_start3A_142 = arith.constant 384 : i32
      %dma_start3A_143 = tpu.memref_slice %arg9[%dma_start3A_142] : memref<4112xi32, #tpu.memory_space<vmem>> -> memref<128xi32, #tpu.memory_space<vmem>>
      %dma_start3A_144 = arith.constant 0 : i32
      %dma_start3A_145 = arith.constant 0 : i32
      %dma_start3A_146 = tpu.memref_slice %arg11[%dma_start3A_144, %dma_start3A_145] : memref<4096x128xf32, #tpu.memory_space<vmem_shared>> -> memref<4096x128xf32, #tpu.memory_space<vmem_shared>>
      tpu.enqueue_indirect_dma source(%dma_start3A_146 : memref<4096x128xf32, #tpu.memory_space<vmem_shared>>) target(%dma_start3A_141 : memref<128x128xf32, #tpu.memory_space<vmem>>) offsets(%dma_start3A_143 : memref<128xi32, #tpu.memory_space<vmem>>) semaphore(%arg15 : memref<!tpu.dma_semaphore, #tpu.memory_space<semaphore_mem>>)
      %scan3A_147 = arith.constant 0 : i32
      %scan3A_148 = arith.constant 0 : i32
      %scan3A_149 = arith.constant 3 : i32
      %scan3A_150 = arith.addi %scan3A_148, %scan3A_149 : i32
      %scan3A_151 = arith.constant 1 : i32
      scf.for %scan3A_407 = %scan3A_148 to %scan3A_150 step %scan3A_151  : i32 {
        %mul3A_408 = arith.constant 4 : i32
        %mul3A_409 = arith.muli %mul3A_408, %scan3A_407 : i32
        %add3A_410 = arith.constant 1 : i32
        %add3A_411 = arith.addi %mul3A_409, %add3A_410 : i32
        %add3A_412 = arith.constant 0 : i32
        %add3A_413 = arith.addi %add3A_411, %add3A_412 : i32
        %mul3A_414 = arith.constant 128 : i32
        %mul3A_415 = arith.muli %add3A_413, %mul3A_414 : i32
        %dma_wait3A_416 = arith.constant 1 : i32
        %dma_wait3A_417 = arith.constant 0 : i32
        %dma_wait3A_418 = arith.constant 0 : i32
        %dma_wait3A_419 = tpu.memref_slice %arg10[%dma_wait3A_416, %dma_wait3A_417, %dma_wait3A_418] : memref<4x128x128xf32, #tpu.memory_space<vmem>> -> memref<1x128x128xf32, #tpu.memory_space<vmem>>
        %dma_wait3A_420 = tpu.memref_squeeze %dma_wait3A_419 : memref<1x128x128xf32, #tpu.memory_space<vmem>> -> memref<128x128xf32, #tpu.memory_space<vmem>>
        %dma_wait3A_421 = tpu.memref_slice %arg9[%mul3A_415] : memref<4112xi32, #tpu.memory_space<vmem>> -> memref<128xi32, #tpu.memory_space<vmem>>
        %dma_wait3A_422 = arith.constant 0 : i32
        %dma_wait3A_423 = arith.constant 0 : i32
        %dma_wait3A_424 = tpu.memref_slice %arg11[%dma_wait3A_422, %dma_wait3A_423] : memref<4096x128xf32, #tpu.memory_space<vmem_shared>> -> memref<4096x128xf32, #tpu.memory_space<vmem_shared>>
        tpu.wait_indirect_dma semaphore(%arg13 : memref<!tpu.dma_semaphore, #tpu.memory_space<semaphore_mem>>) src(%dma_wait3A_424 : memref<4096x128xf32, #tpu.memory_space<vmem_shared>>) dst(%dma_wait3A_420 : memref<128x128xf32, #tpu.memory_space<vmem>>)
        %mul3A_425 = arith.constant 2 : i32
        %mul3A_426 = arith.muli %add3A_413, %mul3A_425 : i32
        %mul3A_427 = arith.constant 128 : i32
        %mul3A_428 = arith.muli %mul3A_426, %mul3A_427 : i32
        %dma_start3A_429 = arith.constant 1 : i32
        %dma_start3A_430 = arith.constant 0 : i32
        %dma_start3A_431 = arith.constant 0 : i32
        %dma_start3A_432 = arith.constant 0 : i32
        %dma_start3A_433 = tpu.memref_slice %arg10[%dma_start3A_429, %dma_start3A_431, %dma_start3A_432] : memref<4x128x128xf32, #tpu.memory_space<vmem>> -> memref<1x128x128xf32, #tpu.memory_space<vmem>>
        %dma_start3A_434 = tpu.memref_squeeze %dma_start3A_433 : memref<1x128x128xf32, #tpu.memory_space<vmem>> -> memref<128x128xf32, #tpu.memory_space<vmem>>
        %dma_start3A_435 = arith.constant 0 : i32
        %dma_start3A_436 = tpu.memref_slice %arg8[%dma_start3A_430, %dma_start3A_435] : memref<8x128xi32, #tpu.memory_space<vmem>> -> memref<1x128xi32, #tpu.memory_space<vmem>>
        %dma_start3A_437 = tpu.memref_squeeze %dma_start3A_436 : memref<1x128xi32, #tpu.memory_space<vmem>> -> memref<128xi32, #tpu.memory_space<vmem>>
        %dma_start3A_438 = arith.constant 0 : i32
        %dma_start3A_439 = tpu.memref_slice %arg5[%add3A_30, %mul3A_428, %dma_start3A_438] : memref<16x4096x128xf32, #tpu.memory_space<hbm>> -> memref<1x256x128xf32, #tpu.memory_space<hbm>>
        %dma_start3A_440 = tpu.memref_squeeze %dma_start3A_439 : memref<1x256x128xf32, #tpu.memory_space<hbm>> -> memref<256x128xf32, #tpu.memory_space<hbm>>
        %dma_start3A_441 = arith.constant 0 : i32
        %dma_start3A_442 = arith.constant 0 : i32
        %dma_start3A_443 = tpu.memref_slice %dma_start3A_440[%dma_start3A_441, %dma_start3A_442] : memref<256x128xf32, #tpu.memory_space<hbm>> -> memref<256x128xf32, #tpu.memory_space<hbm>>
        tpu.enqueue_indirect_dma source(%dma_start3A_434 : memref<128x128xf32, #tpu.memory_space<vmem>>) target(%dma_start3A_443 : memref<256x128xf32, #tpu.memory_space<hbm>>) offsets(%dma_start3A_437 : memref<128xi32, #tpu.memory_space<vmem>>) semaphore(%arg17 : memref<!tpu.dma_semaphore, #tpu.memory_space<semaphore_mem>>)
        %mul3A_444 = arith.constant 2 : i32
        %mul3A_445 = arith.muli %add3A_413, %mul3A_444 : i32
        %mul3A_446 = arith.constant 128 : i32
        %mul3A_447 = arith.muli %mul3A_445, %mul3A_446 : i32
        %dma_start3A_448 = arith.constant 1 : i32
        %dma_start3A_449 = arith.constant 1 : i32
        %dma_start3A_450 = arith.constant 0 : i32
        %dma_start3A_451 = arith.constant 0 : i32
        %dma_start3A_452 = tpu.memref_slice %arg10[%dma_start3A_448, %dma_start3A_450, %dma_start3A_451] : memref<4x128x128xf32, #tpu.memory_space<vmem>> -> memref<1x128x128xf32, #tpu.memory_space<vmem>>
        %dma_start3A_453 = tpu.memref_squeeze %dma_start3A_452 : memref<1x128x128xf32, #tpu.memory_space<vmem>> -> memref<128x128xf32, #tpu.memory_space<vmem>>
        %dma_start3A_454 = arith.constant 0 : i32
        %dma_start3A_455 = tpu.memref_slice %arg8[%dma_start3A_449, %dma_start3A_454] : memref<8x128xi32, #tpu.memory_space<vmem>> -> memref<1x128xi32, #tpu.memory_space<vmem>>
        %dma_start3A_456 = tpu.memref_squeeze %dma_start3A_455 : memref<1x128xi32, #tpu.memory_space<vmem>> -> memref<128xi32, #tpu.memory_space<vmem>>
        %dma_start3A_457 = arith.constant 0 : i32
        %dma_start3A_458 = tpu.memref_slice %arg5[%add3A_30, %mul3A_447, %dma_start3A_457] : memref<16x4096x128xf32, #tpu.memory_space<hbm>> -> memref<1x256x128xf32, #tpu.memory_space<hbm>>
        %dma_start3A_459 = tpu.memref_squeeze %dma_start3A_458 : memref<1x256x128xf32, #tpu.memory_space<hbm>> -> memref<256x128xf32, #tpu.memory_space<hbm>>
        %dma_start3A_460 = arith.constant 0 : i32
        %dma_start3A_461 = arith.constant 0 : i32
        %dma_start3A_462 = tpu.memref_slice %dma_start3A_459[%dma_start3A_460, %dma_start3A_461] : memref<256x128xf32, #tpu.memory_space<hbm>> -> memref<256x128xf32, #tpu.memory_space<hbm>>
        tpu.enqueue_indirect_dma source(%dma_start3A_453 : memref<128x128xf32, #tpu.memory_space<vmem>>) target(%dma_start3A_462 : memref<256x128xf32, #tpu.memory_space<hbm>>) offsets(%dma_start3A_456 : memref<128xi32, #tpu.memory_space<vmem>>) semaphore(%arg17 : memref<!tpu.dma_semaphore, #tpu.memory_space<semaphore_mem>>)
        %sub3A_463 = arith.constant 1 : i32
        %sub3A_464 = arith.subi %add3A_413, %sub3A_463 : i32
        %mul3A_465 = arith.constant 2 : i32
        %mul3A_466 = arith.muli %sub3A_464, %mul3A_465 : i32
        %mul3A_467 = arith.constant 128 : i32
        %mul3A_468 = arith.muli %mul3A_466, %mul3A_467 : i32
        %dma_wait3A_469 = arith.constant 0 : i32
        %dma_wait3A_470 = arith.constant 0 : i32
        %dma_wait3A_471 = arith.constant 0 : i32
        %dma_wait3A_472 = arith.constant 0 : i32
        %dma_wait3A_473 = tpu.memref_slice %arg10[%dma_wait3A_469, %dma_wait3A_471, %dma_wait3A_472] : memref<4x128x128xf32, #tpu.memory_space<vmem>> -> memref<1x128x128xf32, #tpu.memory_space<vmem>>
        %dma_wait3A_474 = tpu.memref_squeeze %dma_wait3A_473 : memref<1x128x128xf32, #tpu.memory_space<vmem>> -> memref<128x128xf32, #tpu.memory_space<vmem>>
        %dma_wait3A_475 = arith.constant 0 : i32
        %dma_wait3A_476 = tpu.memref_slice %arg8[%dma_wait3A_470, %dma_wait3A_475] : memref<8x128xi32, #tpu.memory_space<vmem>> -> memref<1x128xi32, #tpu.memory_space<vmem>>
        %dma_wait3A_477 = tpu.memref_squeeze %dma_wait3A_476 : memref<1x128xi32, #tpu.memory_space<vmem>> -> memref<128xi32, #tpu.memory_space<vmem>>
        %dma_wait3A_478 = arith.constant 0 : i32
        %dma_wait3A_479 = tpu.memref_slice %arg5[%add3A_30, %mul3A_468, %dma_wait3A_478] : memref<16x4096x128xf32, #tpu.memory_space<hbm>> -> memref<1x256x128xf32, #tpu.memory_space<hbm>>
        %dma_wait3A_480 = tpu.memref_squeeze %dma_wait3A_479 : memref<1x256x128xf32, #tpu.memory_space<hbm>> -> memref<256x128xf32, #tpu.memory_space<hbm>>
        %dma_wait3A_481 = arith.constant 0 : i32
        %dma_wait3A_482 = arith.constant 0 : i32
        %dma_wait3A_483 = tpu.memref_slice %dma_wait3A_480[%dma_wait3A_481, %dma_wait3A_482] : memref<256x128xf32, #tpu.memory_space<hbm>> -> memref<256x128xf32, #tpu.memory_space<hbm>>
        tpu.wait_indirect_dma semaphore(%arg16 : memref<!tpu.dma_semaphore, #tpu.memory_space<semaphore_mem>>) src(%dma_wait3A_474 : memref<128x128xf32, #tpu.memory_space<vmem>>) dst(%dma_wait3A_483 : memref<256x128xf32, #tpu.memory_space<hbm>>)
        %mul3A_484 = arith.constant 2 : i32
        %mul3A_485 = arith.muli %sub3A_464, %mul3A_484 : i32
        %mul3A_486 = arith.constant 128 : i32
        %mul3A_487 = arith.muli %mul3A_485, %mul3A_486 : i32
        %dma_wait3A_488 = arith.constant 0 : i32
        %dma_wait3A_489 = arith.constant 1 : i32
        %dma_wait3A_490 = arith.constant 0 : i32
        %dma_wait3A_491 = arith.constant 0 : i32
        %dma_wait3A_492 = tpu.memref_slice %arg10[%dma_wait3A_488, %dma_wait3A_490, %dma_wait3A_491] : memref<4x128x128xf32, #tpu.memory_space<vmem>> -> memref<1x128x128xf32, #tpu.memory_space<vmem>>
        %dma_wait3A_493 = tpu.memref_squeeze %dma_wait3A_492 : memref<1x128x128xf32, #tpu.memory_space<vmem>> -> memref<128x128xf32, #tpu.memory_space<vmem>>
        %dma_wait3A_494 = arith.constant 0 : i32
        %dma_wait3A_495 = tpu.memref_slice %arg8[%dma_wait3A_489, %dma_wait3A_494] : memref<8x128xi32, #tpu.memory_space<vmem>> -> memref<1x128xi32, #tpu.memory_space<vmem>>
        %dma_wait3A_496 = tpu.memref_squeeze %dma_wait3A_495 : memref<1x128xi32, #tpu.memory_space<vmem>> -> memref<128xi32, #tpu.memory_space<vmem>>
        %dma_wait3A_497 = arith.constant 0 : i32
        %dma_wait3A_498 = tpu.memref_slice %arg5[%add3A_30, %mul3A_487, %dma_wait3A_497] : memref<16x4096x128xf32, #tpu.memory_space<hbm>> -> memref<1x256x128xf32, #tpu.memory_space<hbm>>
        %dma_wait3A_499 = tpu.memref_squeeze %dma_wait3A_498 : memref<1x256x128xf32, #tpu.memory_space<hbm>> -> memref<256x128xf32, #tpu.memory_space<hbm>>
        %dma_wait3A_500 = arith.constant 0 : i32
        %dma_wait3A_501 = arith.constant 0 : i32
        %dma_wait3A_502 = tpu.memref_slice %dma_wait3A_499[%dma_wait3A_500, %dma_wait3A_501] : memref<256x128xf32, #tpu.memory_space<hbm>> -> memref<256x128xf32, #tpu.memory_space<hbm>>
        tpu.wait_indirect_dma semaphore(%arg16 : memref<!tpu.dma_semaphore, #tpu.memory_space<semaphore_mem>>) src(%dma_wait3A_493 : memref<128x128xf32, #tpu.memory_space<vmem>>) dst(%dma_wait3A_502 : memref<256x128xf32, #tpu.memory_space<hbm>>)
        %add3A_503 = arith.constant 3 : i32
        %add3A_504 = arith.addi %add3A_413, %add3A_503 : i32
        %mul3A_505 = arith.constant 128 : i32
        %mul3A_506 = arith.muli %add3A_504, %mul3A_505 : i32
        %dma_start3A_507 = arith.constant 0 : i32
        %dma_start3A_508 = arith.constant 0 : i32
        %dma_start3A_509 = arith.constant 0 : i32
        %dma_start3A_510 = tpu.memref_slice %arg10[%dma_start3A_507, %dma_start3A_508, %dma_start3A_509] : memref<4x128x128xf32, #tpu.memory_space<vmem>> -> memref<1x128x128xf32, #tpu.memory_space<vmem>>
        %dma_start3A_511 = tpu.memref_squeeze %dma_start3A_510 : memref<1x128x128xf32, #tpu.memory_space<vmem>> -> memref<128x128xf32, #tpu.memory_space<vmem>>
        %dma_start3A_512 = tpu.memref_slice %arg9[%mul3A_506] : memref<4112xi32, #tpu.memory_space<vmem>> -> memref<128xi32, #tpu.memory_space<vmem>>
        %dma_start3A_513 = arith.constant 0 : i32
        %dma_start3A_514 = arith.constant 0 : i32
        %dma_start3A_515 = tpu.memref_slice %arg11[%dma_start3A_513, %dma_start3A_514] : memref<4096x128xf32, #tpu.memory_space<vmem_shared>> -> memref<4096x128xf32, #tpu.memory_space<vmem_shared>>
        tpu.enqueue_indirect_dma source(%dma_start3A_515 : memref<4096x128xf32, #tpu.memory_space<vmem_shared>>) target(%dma_start3A_511 : memref<128x128xf32, #tpu.memory_space<vmem>>) offsets(%dma_start3A_512 : memref<128xi32, #tpu.memory_space<vmem>>) semaphore(%arg12 : memref<!tpu.dma_semaphore, #tpu.memory_space<semaphore_mem>>)
        %add3A_516 = arith.constant 1 : i32
        %add3A_517 = arith.addi %add3A_411, %add3A_516 : i32
        %mul3A_518 = arith.constant 128 : i32
        %mul3A_519 = arith.muli %add3A_517, %mul3A_518 : i32
        %dma_wait3A_520 = arith.constant 2 : i32
        %dma_wait3A_521 = arith.constant 0 : i32
        %dma_wait3A_522 = arith.constant 0 : i32
        %dma_wait3A_523 = tpu.memref_slice %arg10[%dma_wait3A_520, %dma_wait3A_521, %dma_wait3A_522] : memref<4x128x128xf32, #tpu.memory_space<vmem>> -> memref<1x128x128xf32, #tpu.memory_space<vmem>>
        %dma_wait3A_524 = tpu.memref_squeeze %dma_wait3A_523 : memref<1x128x128xf32, #tpu.memory_space<vmem>> -> memref<128x128xf32, #tpu.memory_space<vmem>>
        %dma_wait3A_525 = tpu.memref_slice %arg9[%mul3A_519] : memref<4112xi32, #tpu.memory_space<vmem>> -> memref<128xi32, #tpu.memory_space<vmem>>
        %dma_wait3A_526 = arith.constant 0 : i32
        %dma_wait3A_527 = arith.constant 0 : i32
        %dma_wait3A_528 = tpu.memref_slice %arg11[%dma_wait3A_526, %dma_wait3A_527] : memref<4096x128xf32, #tpu.memory_space<vmem_shared>> -> memref<4096x128xf32, #tpu.memory_space<vmem_shared>>
        tpu.wait_indirect_dma semaphore(%arg14 : memref<!tpu.dma_semaphore, #tpu.memory_space<semaphore_mem>>) src(%dma_wait3A_528 : memref<4096x128xf32, #tpu.memory_space<vmem_shared>>) dst(%dma_wait3A_524 : memref<128x128xf32, #tpu.memory_space<vmem>>)
        %mul3A_529 = arith.constant 2 : i32
        %mul3A_530 = arith.muli %add3A_517, %mul3A_529 : i32
        %mul3A_531 = arith.constant 128 : i32
        %mul3A_532 = arith.muli %mul3A_530, %mul3A_531 : i32
        %dma_start3A_533 = arith.constant 2 : i32
        %dma_start3A_534 = arith.constant 0 : i32
        %dma_start3A_535 = arith.constant 0 : i32
        %dma_start3A_536 = arith.constant 0 : i32
        %dma_start3A_537 = tpu.memref_slice %arg10[%dma_start3A_533, %dma_start3A_535, %dma_start3A_536] : memref<4x128x128xf32, #tpu.memory_space<vmem>> -> memref<1x128x128xf32, #tpu.memory_space<vmem>>
        %dma_start3A_538 = tpu.memref_squeeze %dma_start3A_537 : memref<1x128x128xf32, #tpu.memory_space<vmem>> -> memref<128x128xf32, #tpu.memory_space<vmem>>
        %dma_start3A_539 = arith.constant 0 : i32
        %dma_start3A_540 = tpu.memref_slice %arg8[%dma_start3A_534, %dma_start3A_539] : memref<8x128xi32, #tpu.memory_space<vmem>> -> memref<1x128xi32, #tpu.memory_space<vmem>>
        %dma_start3A_541 = tpu.memref_squeeze %dma_start3A_540 : memref<1x128xi32, #tpu.memory_space<vmem>> -> memref<128xi32, #tpu.memory_space<vmem>>
        %dma_start3A_542 = arith.constant 0 : i32
        %dma_start3A_543 = tpu.memref_slice %arg5[%add3A_30, %mul3A_532, %dma_start3A_542] : memref<16x4096x128xf32, #tpu.memory_space<hbm>> -> memref<1x256x128xf32, #tpu.memory_space<hbm>>
        %dma_start3A_544 = tpu.memref_squeeze %dma_start3A_543 : memref<1x256x128xf32, #tpu.memory_space<hbm>> -> memref<256x128xf32, #tpu.memory_space<hbm>>
        %dma_start3A_545 = arith.constant 0 : i32
        %dma_start3A_546 = arith.constant 0 : i32
        %dma_start3A_547 = tpu.memref_slice %dma_start3A_544[%dma_start3A_545, %dma_start3A_546] : memref<256x128xf32, #tpu.memory_space<hbm>> -> memref<256x128xf32, #tpu.memory_space<hbm>>
        tpu.enqueue_indirect_dma source(%dma_start3A_538 : memref<128x128xf32, #tpu.memory_space<vmem>>) target(%dma_start3A_547 : memref<256x128xf32, #tpu.memory_space<hbm>>) offsets(%dma_start3A_541 : memref<128xi32, #tpu.memory_space<vmem>>) semaphore(%arg18 : memref<!tpu.dma_semaphore, #tpu.memory_space<semaphore_mem>>)
        %mul3A_548 = arith.constant 2 : i32
        %mul3A_549 = arith.muli %add3A_517, %mul3A_548 : i32
        %mul3A_550 = arith.constant 128 : i32
        %mul3A_551 = arith.muli %mul3A_549, %mul3A_550 : i32
        %dma_start3A_552 = arith.constant 2 : i32
        %dma_start3A_553 = arith.constant 1 : i32
        %dma_start3A_554 = arith.constant 0 : i32
        %dma_start3A_555 = arith.constant 0 : i32
        %dma_start3A_556 = tpu.memref_slice %arg10[%dma_start3A_552, %dma_start3A_554, %dma_start3A_555] : memref<4x128x128xf32, #tpu.memory_space<vmem>> -> memref<1x128x128xf32, #tpu.memory_space<vmem>>
        %dma_start3A_557 = tpu.memref_squeeze %dma_start3A_556 : memref<1x128x128xf32, #tpu.memory_space<vmem>> -> memref<128x128xf32, #tpu.memory_space<vmem>>
        %dma_start3A_558 = arith.constant 0 : i32
        %dma_start3A_559 = tpu.memref_slice %arg8[%dma_start3A_553, %dma_start3A_558] : memref<8x128xi32, #tpu.memory_space<vmem>> -> memref<1x128xi32, #tpu.memory_space<vmem>>
        %dma_start3A_560 = tpu.memref_squeeze %dma_start3A_559 : memref<1x128xi32, #tpu.memory_space<vmem>> -> memref<128xi32, #tpu.memory_space<vmem>>
        %dma_start3A_561 = arith.constant 0 : i32
        %dma_start3A_562 = tpu.memref_slice %arg5[%add3A_30, %mul3A_551, %dma_start3A_561] : memref<16x4096x128xf32, #tpu.memory_space<hbm>> -> memref<1x256x128xf32, #tpu.memory_space<hbm>>
        %dma_start3A_563 = tpu.memref_squeeze %dma_start3A_562 : memref<1x256x128xf32, #tpu.memory_space<hbm>> -> memref<256x128xf32, #tpu.memory_space<hbm>>
        %dma_start3A_564 = arith.constant 0 : i32
        %dma_start3A_565 = arith.constant 0 : i32
        %dma_start3A_566 = tpu.memref_slice %dma_start3A_563[%dma_start3A_564, %dma_start3A_565] : memref<256x128xf32, #tpu.memory_space<hbm>> -> memref<256x128xf32, #tpu.memory_space<hbm>>
        tpu.enqueue_indirect_dma source(%dma_start3A_557 : memref<128x128xf32, #tpu.memory_space<vmem>>) target(%dma_start3A_566 : memref<256x128xf32, #tpu.memory_space<hbm>>) offsets(%dma_start3A_560 : memref<128xi32, #tpu.memory_space<vmem>>) semaphore(%arg18 : memref<!tpu.dma_semaphore, #tpu.memory_space<semaphore_mem>>)
        %sub3A_567 = arith.constant 1 : i32
        %sub3A_568 = arith.subi %add3A_517, %sub3A_567 : i32
        %mul3A_569 = arith.constant 2 : i32
        %mul3A_570 = arith.muli %sub3A_568, %mul3A_569 : i32
        %mul3A_571 = arith.constant 128 : i32
        %mul3A_572 = arith.muli %mul3A_570, %mul3A_571 : i32
        %dma_wait3A_573 = arith.constant 1 : i32
        %dma_wait3A_574 = arith.constant 0 : i32
        %dma_wait3A_575 = arith.constant 0 : i32
        %dma_wait3A_576 = arith.constant 0 : i32
        %dma_wait3A_577 = tpu.memref_slice %arg10[%dma_wait3A_573, %dma_wait3A_575, %dma_wait3A_576] : memref<4x128x128xf32, #tpu.memory_space<vmem>> -> memref<1x128x128xf32, #tpu.memory_space<vmem>>
        %dma_wait3A_578 = tpu.memref_squeeze %dma_wait3A_577 : memref<1x128x128xf32, #tpu.memory_space<vmem>> -> memref<128x128xf32, #tpu.memory_space<vmem>>
        %dma_wait3A_579 = arith.constant 0 : i32
        %dma_wait3A_580 = tpu.memref_slice %arg8[%dma_wait3A_574, %dma_wait3A_579] : memref<8x128xi32, #tpu.memory_space<vmem>> -> memref<1x128xi32, #tpu.memory_space<vmem>>
        %dma_wait3A_581 = tpu.memref_squeeze %dma_wait3A_580 : memref<1x128xi32, #tpu.memory_space<vmem>> -> memref<128xi32, #tpu.memory_space<vmem>>
        %dma_wait3A_582 = arith.constant 0 : i32
        %dma_wait3A_583 = tpu.memref_slice %arg5[%add3A_30, %mul3A_572, %dma_wait3A_582] : memref<16x4096x128xf32, #tpu.memory_space<hbm>> -> memref<1x256x128xf32, #tpu.memory_space<hbm>>
        %dma_wait3A_584 = tpu.memref_squeeze %dma_wait3A_583 : memref<1x256x128xf32, #tpu.memory_space<hbm>> -> memref<256x128xf32, #tpu.memory_space<hbm>>
        %dma_wait3A_585 = arith.constant 0 : i32
        %dma_wait3A_586 = arith.constant 0 : i32
        %dma_wait3A_587 = tpu.memref_slice %dma_wait3A_584[%dma_wait3A_585, %dma_wait3A_586] : memref<256x128xf32, #tpu.memory_space<hbm>> -> memref<256x128xf32, #tpu.memory_space<hbm>>
        tpu.wait_indirect_dma semaphore(%arg17 : memref<!tpu.dma_semaphore, #tpu.memory_space<semaphore_mem>>) src(%dma_wait3A_578 : memref<128x128xf32, #tpu.memory_space<vmem>>) dst(%dma_wait3A_587 : memref<256x128xf32, #tpu.memory_space<hbm>>)
        %mul3A_588 = arith.constant 2 : i32
        %mul3A_589 = arith.muli %sub3A_568, %mul3A_588 : i32
        %mul3A_590 = arith.constant 128 : i32
        %mul3A_591 = arith.muli %mul3A_589, %mul3A_590 : i32
        %dma_wait3A_592 = arith.constant 1 : i32
        %dma_wait3A_593 = arith.constant 1 : i32
        %dma_wait3A_594 = arith.constant 0 : i32
        %dma_wait3A_595 = arith.constant 0 : i32
        %dma_wait3A_596 = tpu.memref_slice %arg10[%dma_wait3A_592, %dma_wait3A_594, %dma_wait3A_595] : memref<4x128x128xf32, #tpu.memory_space<vmem>> -> memref<1x128x128xf32, #tpu.memory_space<vmem>>
        %dma_wait3A_597 = tpu.memref_squeeze %dma_wait3A_596 : memref<1x128x128xf32, #tpu.memory_space<vmem>> -> memref<128x128xf32, #tpu.memory_space<vmem>>
        %dma_wait3A_598 = arith.constant 0 : i32
        %dma_wait3A_599 = tpu.memref_slice %arg8[%dma_wait3A_593, %dma_wait3A_598] : memref<8x128xi32, #tpu.memory_space<vmem>> -> memref<1x128xi32, #tpu.memory_space<vmem>>
        %dma_wait3A_600 = tpu.memref_squeeze %dma_wait3A_599 : memref<1x128xi32, #tpu.memory_space<vmem>> -> memref<128xi32, #tpu.memory_space<vmem>>
        %dma_wait3A_601 = arith.constant 0 : i32
        %dma_wait3A_602 = tpu.memref_slice %arg5[%add3A_30, %mul3A_591, %dma_wait3A_601] : memref<16x4096x128xf32, #tpu.memory_space<hbm>> -> memref<1x256x128xf32, #tpu.memory_space<hbm>>
        %dma_wait3A_603 = tpu.memref_squeeze %dma_wait3A_602 : memref<1x256x128xf32, #tpu.memory_space<hbm>> -> memref<256x128xf32, #tpu.memory_space<hbm>>
        %dma_wait3A_604 = arith.constant 0 : i32
        %dma_wait3A_605 = arith.constant 0 : i32
        %dma_wait3A_606 = tpu.memref_slice %dma_wait3A_603[%dma_wait3A_604, %dma_wait3A_605] : memref<256x128xf32, #tpu.memory_space<hbm>> -> memref<256x128xf32, #tpu.memory_space<hbm>>
        tpu.wait_indirect_dma semaphore(%arg17 : memref<!tpu.dma_semaphore, #tpu.memory_space<semaphore_mem>>) src(%dma_wait3A_597 : memref<128x128xf32, #tpu.memory_space<vmem>>) dst(%dma_wait3A_606 : memref<256x128xf32, #tpu.memory_space<hbm>>)
        %add3A_607 = arith.constant 3 : i32
        %add3A_608 = arith.addi %add3A_517, %add3A_607 : i32
        %mul3A_609 = arith.constant 128 : i32
        %mul3A_610 = arith.muli %add3A_608, %mul3A_609 : i32
        %dma_start3A_611 = arith.constant 1 : i32
        %dma_start3A_612 = arith.constant 0 : i32
        %dma_start3A_613 = arith.constant 0 : i32
        %dma_start3A_614 = tpu.memref_slice %arg10[%dma_start3A_611, %dma_start3A_612, %dma_start3A_613] : memref<4x128x128xf32, #tpu.memory_space<vmem>> -> memref<1x128x128xf32, #tpu.memory_space<vmem>>
        %dma_start3A_615 = tpu.memref_squeeze %dma_start3A_614 : memref<1x128x128xf32, #tpu.memory_space<vmem>> -> memref<128x128xf32, #tpu.memory_space<vmem>>
        %dma_start3A_616 = tpu.memref_slice %arg9[%mul3A_610] : memref<4112xi32, #tpu.memory_space<vmem>> -> memref<128xi32, #tpu.memory_space<vmem>>
        %dma_start3A_617 = arith.constant 0 : i32
        %dma_start3A_618 = arith.constant 0 : i32
        %dma_start3A_619 = tpu.memref_slice %arg11[%dma_start3A_617, %dma_start3A_618] : memref<4096x128xf32, #tpu.memory_space<vmem_shared>> -> memref<4096x128xf32, #tpu.memory_space<vmem_shared>>
        tpu.enqueue_indirect_dma source(%dma_start3A_619 : memref<4096x128xf32, #tpu.memory_space<vmem_shared>>) target(%dma_start3A_615 : memref<128x128xf32, #tpu.memory_space<vmem>>) offsets(%dma_start3A_616 : memref<128xi32, #tpu.memory_space<vmem>>) semaphore(%arg13 : memref<!tpu.dma_semaphore, #tpu.memory_space<semaphore_mem>>)
        %add3A_620 = arith.constant 2 : i32
        %add3A_621 = arith.addi %add3A_411, %add3A_620 : i32
        %mul3A_622 = arith.constant 128 : i32
        %mul3A_623 = arith.muli %add3A_621, %mul3A_622 : i32
        %dma_wait3A_624 = arith.constant 3 : i32
        %dma_wait3A_625 = arith.constant 0 : i32
        %dma_wait3A_626 = arith.constant 0 : i32
        %dma_wait3A_627 = tpu.memref_slice %arg10[%dma_wait3A_624, %dma_wait3A_625, %dma_wait3A_626] : memref<4x128x128xf32, #tpu.memory_space<vmem>> -> memref<1x128x128xf32, #tpu.memory_space<vmem>>
        %dma_wait3A_628 = tpu.memref_squeeze %dma_wait3A_627 : memref<1x128x128xf32, #tpu.memory_space<vmem>> -> memref<128x128xf32, #tpu.memory_space<vmem>>
        %dma_wait3A_629 = tpu.memref_slice %arg9[%mul3A_623] : memref<4112xi32, #tpu.memory_space<vmem>> -> memref<128xi32, #tpu.memory_space<vmem>>
        %dma_wait3A_630 = arith.constant 0 : i32
        %dma_wait3A_631 = arith.constant 0 : i32
        %dma_wait3A_632 = tpu.memref_slice %arg11[%dma_wait3A_630, %dma_wait3A_631] : memref<4096x128xf32, #tpu.memory_space<vmem_shared>> -> memref<4096x128xf32, #tpu.memory_space<vmem_shared>>
        tpu.wait_indirect_dma semaphore(%arg15 : memref<!tpu.dma_semaphore, #tpu.memory_space<semaphore_mem>>) src(%dma_wait3A_632 : memref<4096x128xf32, #tpu.memory_space<vmem_shared>>) dst(%dma_wait3A_628 : memref<128x128xf32, #tpu.memory_space<vmem>>)
        %mul3A_633 = arith.constant 2 : i32
        %mul3A_634 = arith.muli %add3A_621, %mul3A_633 : i32
        %mul3A_635 = arith.constant 128 : i32
        %mul3A_636 = arith.muli %mul3A_634, %mul3A_635 : i32
        %dma_start3A_637 = arith.constant 3 : i32
        %dma_start3A_638 = arith.constant 0 : i32
        %dma_start3A_639 = arith.constant 0 : i32
        %dma_start3A_640 = arith.constant 0 : i32
        %dma_start3A_641 = tpu.memref_slice %arg10[%dma_start3A_637, %dma_start3A_639, %dma_start3A_640] : memref<4x128x128xf32, #tpu.memory_space<vmem>> -> memref<1x128x128xf32, #tpu.memory_space<vmem>>
        %dma_start3A_642 = tpu.memref_squeeze %dma_start3A_641 : memref<1x128x128xf32, #tpu.memory_space<vmem>> -> memref<128x128xf32, #tpu.memory_space<vmem>>
        %dma_start3A_643 = arith.constant 0 : i32
        %dma_start3A_644 = tpu.memref_slice %arg8[%dma_start3A_638, %dma_start3A_643] : memref<8x128xi32, #tpu.memory_space<vmem>> -> memref<1x128xi32, #tpu.memory_space<vmem>>
        %dma_start3A_645 = tpu.memref_squeeze %dma_start3A_644 : memref<1x128xi32, #tpu.memory_space<vmem>> -> memref<128xi32, #tpu.memory_space<vmem>>
        %dma_start3A_646 = arith.constant 0 : i32
        %dma_start3A_647 = tpu.memref_slice %arg5[%add3A_30, %mul3A_636, %dma_start3A_646] : memref<16x4096x128xf32, #tpu.memory_space<hbm>> -> memref<1x256x128xf32, #tpu.memory_space<hbm>>
        %dma_start3A_648 = tpu.memref_squeeze %dma_start3A_647 : memref<1x256x128xf32, #tpu.memory_space<hbm>> -> memref<256x128xf32, #tpu.memory_space<hbm>>
        %dma_start3A_649 = arith.constant 0 : i32
        %dma_start3A_650 = arith.constant 0 : i32
        %dma_start3A_651 = tpu.memref_slice %dma_start3A_648[%dma_start3A_649, %dma_start3A_650] : memref<256x128xf32, #tpu.memory_space<hbm>> -> memref<256x128xf32, #tpu.memory_space<hbm>>
        tpu.enqueue_indirect_dma source(%dma_start3A_642 : memref<128x128xf32, #tpu.memory_space<vmem>>) target(%dma_start3A_651 : memref<256x128xf32, #tpu.memory_space<hbm>>) offsets(%dma_start3A_645 : memref<128xi32, #tpu.memory_space<vmem>>) semaphore(%arg19 : memref<!tpu.dma_semaphore, #tpu.memory_space<semaphore_mem>>)
        %mul3A_652 = arith.constant 2 : i32
        %mul3A_653 = arith.muli %add3A_621, %mul3A_652 : i32
        %mul3A_654 = arith.constant 128 : i32
        %mul3A_655 = arith.muli %mul3A_653, %mul3A_654 : i32
        %dma_start3A_656 = arith.constant 3 : i32
        %dma_start3A_657 = arith.constant 1 : i32
        %dma_start3A_658 = arith.constant 0 : i32
        %dma_start3A_659 = arith.constant 0 : i32
        %dma_start3A_660 = tpu.memref_slice %arg10[%dma_start3A_656, %dma_start3A_658, %dma_start3A_659] : memref<4x128x128xf32, #tpu.memory_space<vmem>> -> memref<1x128x128xf32, #tpu.memory_space<vmem>>
        %dma_start3A_661 = tpu.memref_squeeze %dma_start3A_660 : memref<1x128x128xf32, #tpu.memory_space<vmem>> -> memref<128x128xf32, #tpu.memory_space<vmem>>
        %dma_start3A_662 = arith.constant 0 : i32
        %dma_start3A_663 = tpu.memref_slice %arg8[%dma_start3A_657, %dma_start3A_662] : memref<8x128xi32, #tpu.memory_space<vmem>> -> memref<1x128xi32, #tpu.memory_space<vmem>>
        %dma_start3A_664 = tpu.memref_squeeze %dma_start3A_663 : memref<1x128xi32, #tpu.memory_space<vmem>> -> memref<128xi32, #tpu.memory_space<vmem>>
        %dma_start3A_665 = arith.constant 0 : i32
        %dma_start3A_666 = tpu.memref_slice %arg5[%add3A_30, %mul3A_655, %dma_start3A_665] : memref<16x4096x128xf32, #tpu.memory_space<hbm>> -> memref<1x256x128xf32, #tpu.memory_space<hbm>>
        %dma_start3A_667 = tpu.memref_squeeze %dma_start3A_666 : memref<1x256x128xf32, #tpu.memory_space<hbm>> -> memref<256x128xf32, #tpu.memory_space<hbm>>
        %dma_start3A_668 = arith.constant 0 : i32
        %dma_start3A_669 = arith.constant 0 : i32
        %dma_start3A_670 = tpu.memref_slice %dma_start3A_667[%dma_start3A_668, %dma_start3A_669] : memref<256x128xf32, #tpu.memory_space<hbm>> -> memref<256x128xf32, #tpu.memory_space<hbm>>
        tpu.enqueue_indirect_dma source(%dma_start3A_661 : memref<128x128xf32, #tpu.memory_space<vmem>>) target(%dma_start3A_670 : memref<256x128xf32, #tpu.memory_space<hbm>>) offsets(%dma_start3A_664 : memref<128xi32, #tpu.memory_space<vmem>>) semaphore(%arg19 : memref<!tpu.dma_semaphore, #tpu.memory_space<semaphore_mem>>)
        %sub3A_671 = arith.constant 1 : i32
        %sub3A_672 = arith.subi %add3A_621, %sub3A_671 : i32
        %mul3A_673 = arith.constant 2 : i32
        %mul3A_674 = arith.muli %sub3A_672, %mul3A_673 : i32
        %mul3A_675 = arith.constant 128 : i32
        %mul3A_676 = arith.muli %mul3A_674, %mul3A_675 : i32
        %dma_wait3A_677 = arith.constant 2 : i32
        %dma_wait3A_678 = arith.constant 0 : i32
        %dma_wait3A_679 = arith.constant 0 : i32
        %dma_wait3A_680 = arith.constant 0 : i32
        %dma_wait3A_681 = tpu.memref_slice %arg10[%dma_wait3A_677, %dma_wait3A_679, %dma_wait3A_680] : memref<4x128x128xf32, #tpu.memory_space<vmem>> -> memref<1x128x128xf32, #tpu.memory_space<vmem>>
        %dma_wait3A_682 = tpu.memref_squeeze %dma_wait3A_681 : memref<1x128x128xf32, #tpu.memory_space<vmem>> -> memref<128x128xf32, #tpu.memory_space<vmem>>
        %dma_wait3A_683 = arith.constant 0 : i32
        %dma_wait3A_684 = tpu.memref_slice %arg8[%dma_wait3A_678, %dma_wait3A_683] : memref<8x128xi32, #tpu.memory_space<vmem>> -> memref<1x128xi32, #tpu.memory_space<vmem>>
        %dma_wait3A_685 = tpu.memref_squeeze %dma_wait3A_684 : memref<1x128xi32, #tpu.memory_space<vmem>> -> memref<128xi32, #tpu.memory_space<vmem>>
        %dma_wait3A_686 = arith.constant 0 : i32
        %dma_wait3A_687 = tpu.memref_slice %arg5[%add3A_30, %mul3A_676, %dma_wait3A_686] : memref<16x4096x128xf32, #tpu.memory_space<hbm>> -> memref<1x256x128xf32, #tpu.memory_space<hbm>>
        %dma_wait3A_688 = tpu.memref_squeeze %dma_wait3A_687 : memref<1x256x128xf32, #tpu.memory_space<hbm>> -> memref<256x128xf32, #tpu.memory_space<hbm>>
        %dma_wait3A_689 = arith.constant 0 : i32
        %dma_wait3A_690 = arith.constant 0 : i32
        %dma_wait3A_691 = tpu.memref_slice %dma_wait3A_688[%dma_wait3A_689, %dma_wait3A_690] : memref<256x128xf32, #tpu.memory_space<hbm>> -> memref<256x128xf32, #tpu.memory_space<hbm>>
        tpu.wait_indirect_dma semaphore(%arg18 : memref<!tpu.dma_semaphore, #tpu.memory_space<semaphore_mem>>) src(%dma_wait3A_682 : memref<128x128xf32, #tpu.memory_space<vmem>>) dst(%dma_wait3A_691 : memref<256x128xf32, #tpu.memory_space<hbm>>)
        %mul3A_692 = arith.constant 2 : i32
        %mul3A_693 = arith.muli %sub3A_672, %mul3A_692 : i32
        %mul3A_694 = arith.constant 128 : i32
        %mul3A_695 = arith.muli %mul3A_693, %mul3A_694 : i32
        %dma_wait3A_696 = arith.constant 2 : i32
        %dma_wait3A_697 = arith.constant 1 : i32
        %dma_wait3A_698 = arith.constant 0 : i32
        %dma_wait3A_699 = arith.constant 0 : i32
        %dma_wait3A_700 = tpu.memref_slice %arg10[%dma_wait3A_696, %dma_wait3A_698, %dma_wait3A_699] : memref<4x128x128xf32, #tpu.memory_space<vmem>> -> memref<1x128x128xf32, #tpu.memory_space<vmem>>
        %dma_wait3A_701 = tpu.memref_squeeze %dma_wait3A_700 : memref<1x128x128xf32, #tpu.memory_space<vmem>> -> memref<128x128xf32, #tpu.memory_space<vmem>>
        %dma_wait3A_702 = arith.constant 0 : i32
        %dma_wait3A_703 = tpu.memref_slice %arg8[%dma_wait3A_697, %dma_wait3A_702] : memref<8x128xi32, #tpu.memory_space<vmem>> -> memref<1x128xi32, #tpu.memory_space<vmem>>
        %dma_wait3A_704 = tpu.memref_squeeze %dma_wait3A_703 : memref<1x128xi32, #tpu.memory_space<vmem>> -> memref<128xi32, #tpu.memory_space<vmem>>
        %dma_wait3A_705 = arith.constant 0 : i32
        %dma_wait3A_706 = tpu.memref_slice %arg5[%add3A_30, %mul3A_695, %dma_wait3A_705] : memref<16x4096x128xf32, #tpu.memory_space<hbm>> -> memref<1x256x128xf32, #tpu.memory_space<hbm>>
        %dma_wait3A_707 = tpu.memref_squeeze %dma_wait3A_706 : memref<1x256x128xf32, #tpu.memory_space<hbm>> -> memref<256x128xf32, #tpu.memory_space<hbm>>
        %dma_wait3A_708 = arith.constant 0 : i32
        %dma_wait3A_709 = arith.constant 0 : i32
        %dma_wait3A_710 = tpu.memref_slice %dma_wait3A_707[%dma_wait3A_708, %dma_wait3A_709] : memref<256x128xf32, #tpu.memory_space<hbm>> -> memref<256x128xf32, #tpu.memory_space<hbm>>
        tpu.wait_indirect_dma semaphore(%arg18 : memref<!tpu.dma_semaphore, #tpu.memory_space<semaphore_mem>>) src(%dma_wait3A_701 : memref<128x128xf32, #tpu.memory_space<vmem>>) dst(%dma_wait3A_710 : memref<256x128xf32, #tpu.memory_space<hbm>>)
        %add3A_711 = arith.constant 3 : i32
        %add3A_712 = arith.addi %add3A_621, %add3A_711 : i32
        %mul3A_713 = arith.constant 128 : i32
        %mul3A_714 = arith.muli %add3A_712, %mul3A_713 : i32
        %dma_start3A_715 = arith.constant 2 : i32
        %dma_start3A_716 = arith.constant 0 : i32
        %dma_start3A_717 = arith.constant 0 : i32
        %dma_start3A_718 = tpu.memref_slice %arg10[%dma_start3A_715, %dma_start3A_716, %dma_start3A_717] : memref<4x128x128xf32, #tpu.memory_space<vmem>> -> memref<1x128x128xf32, #tpu.memory_space<vmem>>
        %dma_start3A_719 = tpu.memref_squeeze %dma_start3A_718 : memref<1x128x128xf32, #tpu.memory_space<vmem>> -> memref<128x128xf32, #tpu.memory_space<vmem>>
        %dma_start3A_720 = tpu.memref_slice %arg9[%mul3A_714] : memref<4112xi32, #tpu.memory_space<vmem>> -> memref<128xi32, #tpu.memory_space<vmem>>
        %dma_start3A_721 = arith.constant 0 : i32
        %dma_start3A_722 = arith.constant 0 : i32
        %dma_start3A_723 = tpu.memref_slice %arg11[%dma_start3A_721, %dma_start3A_722] : memref<4096x128xf32, #tpu.memory_space<vmem_shared>> -> memref<4096x128xf32, #tpu.memory_space<vmem_shared>>
        tpu.enqueue_indirect_dma source(%dma_start3A_723 : memref<4096x128xf32, #tpu.memory_space<vmem_shared>>) target(%dma_start3A_719 : memref<128x128xf32, #tpu.memory_space<vmem>>) offsets(%dma_start3A_720 : memref<128xi32, #tpu.memory_space<vmem>>) semaphore(%arg14 : memref<!tpu.dma_semaphore, #tpu.memory_space<semaphore_mem>>)
        %add3A_724 = arith.constant 3 : i32
        %add3A_725 = arith.addi %add3A_411, %add3A_724 : i32
        %mul3A_726 = arith.constant 128 : i32
        %mul3A_727 = arith.muli %add3A_725, %mul3A_726 : i32
        %dma_wait3A_728 = arith.constant 0 : i32
        %dma_wait3A_729 = arith.constant 0 : i32
        %dma_wait3A_730 = arith.constant 0 : i32
        %dma_wait3A_731 = tpu.memref_slice %arg10[%dma_wait3A_728, %dma_wait3A_729, %dma_wait3A_730] : memref<4x128x128xf32, #tpu.memory_space<vmem>> -> memref<1x128x128xf32, #tpu.memory_space<vmem>>
        %dma_wait3A_732 = tpu.memref_squeeze %dma_wait3A_731 : memref<1x128x128xf32, #tpu.memory_space<vmem>> -> memref<128x128xf32, #tpu.memory_space<vmem>>
        %dma_wait3A_733 = tpu.memref_slice %arg9[%mul3A_727] : memref<4112xi32, #tpu.memory_space<vmem>> -> memref<128xi32, #tpu.memory_space<vmem>>
        %dma_wait3A_734 = arith.constant 0 : i32
        %dma_wait3A_735 = arith.constant 0 : i32
        %dma_wait3A_736 = tpu.memref_slice %arg11[%dma_wait3A_734, %dma_wait3A_735] : memref<4096x128xf32, #tpu.memory_space<vmem_shared>> -> memref<4096x128xf32, #tpu.memory_space<vmem_shared>>
        tpu.wait_indirect_dma semaphore(%arg12 : memref<!tpu.dma_semaphore, #tpu.memory_space<semaphore_mem>>) src(%dma_wait3A_736 : memref<4096x128xf32, #tpu.memory_space<vmem_shared>>) dst(%dma_wait3A_732 : memref<128x128xf32, #tpu.memory_space<vmem>>)
        %mul3A_737 = arith.constant 2 : i32
        %mul3A_738 = arith.muli %add3A_725, %mul3A_737 : i32
        %mul3A_739 = arith.constant 128 : i32
        %mul3A_740 = arith.muli %mul3A_738, %mul3A_739 : i32
        %dma_start3A_741 = arith.constant 0 : i32
        %dma_start3A_742 = arith.constant 0 : i32
        %dma_start3A_743 = arith.constant 0 : i32
        %dma_start3A_744 = arith.constant 0 : i32
        %dma_start3A_745 = tpu.memref_slice %arg10[%dma_start3A_741, %dma_start3A_743, %dma_start3A_744] : memref<4x128x128xf32, #tpu.memory_space<vmem>> -> memref<1x128x128xf32, #tpu.memory_space<vmem>>
        %dma_start3A_746 = tpu.memref_squeeze %dma_start3A_745 : memref<1x128x128xf32, #tpu.memory_space<vmem>> -> memref<128x128xf32, #tpu.memory_space<vmem>>
        %dma_start3A_747 = arith.constant 0 : i32
        %dma_start3A_748 = tpu.memref_slice %arg8[%dma_start3A_742, %dma_start3A_747] : memref<8x128xi32, #tpu.memory_space<vmem>> -> memref<1x128xi32, #tpu.memory_space<vmem>>
        %dma_start3A_749 = tpu.memref_squeeze %dma_start3A_748 : memref<1x128xi32, #tpu.memory_space<vmem>> -> memref<128xi32, #tpu.memory_space<vmem>>
        %dma_start3A_750 = arith.constant 0 : i32
        %dma_start3A_751 = tpu.memref_slice %arg5[%add3A_30, %mul3A_740, %dma_start3A_750] : memref<16x4096x128xf32, #tpu.memory_space<hbm>> -> memref<1x256x128xf32, #tpu.memory_space<hbm>>
        %dma_start3A_752 = tpu.memref_squeeze %dma_start3A_751 : memref<1x256x128xf32, #tpu.memory_space<hbm>> -> memref<256x128xf32, #tpu.memory_space<hbm>>
        %dma_start3A_753 = arith.constant 0 : i32
        %dma_start3A_754 = arith.constant 0 : i32
        %dma_start3A_755 = tpu.memref_slice %dma_start3A_752[%dma_start3A_753, %dma_start3A_754] : memref<256x128xf32, #tpu.memory_space<hbm>> -> memref<256x128xf32, #tpu.memory_space<hbm>>
        tpu.enqueue_indirect_dma source(%dma_start3A_746 : memref<128x128xf32, #tpu.memory_space<vmem>>) target(%dma_start3A_755 : memref<256x128xf32, #tpu.memory_space<hbm>>) offsets(%dma_start3A_749 : memref<128xi32, #tpu.memory_space<vmem>>) semaphore(%arg16 : memref<!tpu.dma_semaphore, #tpu.memory_space<semaphore_mem>>)
        %mul3A_756 = arith.constant 2 : i32
        %mul3A_757 = arith.muli %add3A_725, %mul3A_756 : i32
        %mul3A_758 = arith.constant 128 : i32
        %mul3A_759 = arith.muli %mul3A_757, %mul3A_758 : i32
        %dma_start3A_760 = arith.constant 0 : i32
        %dma_start3A_761 = arith.constant 1 : i32
        %dma_start3A_762 = arith.constant 0 : i32
        %dma_start3A_763 = arith.constant 0 : i32
        %dma_start3A_764 = tpu.memref_slice %arg10[%dma_start3A_760, %dma_start3A_762, %dma_start3A_763] : memref<4x128x128xf32, #tpu.memory_space<vmem>> -> memref<1x128x128xf32, #tpu.memory_space<vmem>>
        %dma_start3A_765 = tpu.memref_squeeze %dma_start3A_764 : memref<1x128x128xf32, #tpu.memory_space<vmem>> -> memref<128x128xf32, #tpu.memory_space<vmem>>
        %dma_start3A_766 = arith.constant 0 : i32
        %dma_start3A_767 = tpu.memref_slice %arg8[%dma_start3A_761, %dma_start3A_766] : memref<8x128xi32, #tpu.memory_space<vmem>> -> memref<1x128xi32, #tpu.memory_space<vmem>>
        %dma_start3A_768 = tpu.memref_squeeze %dma_start3A_767 : memref<1x128xi32, #tpu.memory_space<vmem>> -> memref<128xi32, #tpu.memory_space<vmem>>
        %dma_start3A_769 = arith.constant 0 : i32
        %dma_start3A_770 = tpu.memref_slice %arg5[%add3A_30, %mul3A_759, %dma_start3A_769] : memref<16x4096x128xf32, #tpu.memory_space<hbm>> -> memref<1x256x128xf32, #tpu.memory_space<hbm>>
        %dma_start3A_771 = tpu.memref_squeeze %dma_start3A_770 : memref<1x256x128xf32, #tpu.memory_space<hbm>> -> memref<256x128xf32, #tpu.memory_space<hbm>>
        %dma_start3A_772 = arith.constant 0 : i32
        %dma_start3A_773 = arith.constant 0 : i32
        %dma_start3A_774 = tpu.memref_slice %dma_start3A_771[%dma_start3A_772, %dma_start3A_773] : memref<256x128xf32, #tpu.memory_space<hbm>> -> memref<256x128xf32, #tpu.memory_space<hbm>>
        tpu.enqueue_indirect_dma source(%dma_start3A_765 : memref<128x128xf32, #tpu.memory_space<vmem>>) target(%dma_start3A_774 : memref<256x128xf32, #tpu.memory_space<hbm>>) offsets(%dma_start3A_768 : memref<128xi32, #tpu.memory_space<vmem>>) semaphore(%arg16 : memref<!tpu.dma_semaphore, #tpu.memory_space<semaphore_mem>>)
        %sub3A_775 = arith.constant 1 : i32
        %sub3A_776 = arith.subi %add3A_725, %sub3A_775 : i32
        %mul3A_777 = arith.constant 2 : i32
        %mul3A_778 = arith.muli %sub3A_776, %mul3A_777 : i32
        %mul3A_779 = arith.constant 128 : i32
        %mul3A_780 = arith.muli %mul3A_778, %mul3A_779 : i32
        %dma_wait3A_781 = arith.constant 3 : i32
        %dma_wait3A_782 = arith.constant 0 : i32
        %dma_wait3A_783 = arith.constant 0 : i32
        %dma_wait3A_784 = arith.constant 0 : i32
        %dma_wait3A_785 = tpu.memref_slice %arg10[%dma_wait3A_781, %dma_wait3A_783, %dma_wait3A_784] : memref<4x128x128xf32, #tpu.memory_space<vmem>> -> memref<1x128x128xf32, #tpu.memory_space<vmem>>
        %dma_wait3A_786 = tpu.memref_squeeze %dma_wait3A_785 : memref<1x128x128xf32, #tpu.memory_space<vmem>> -> memref<128x128xf32, #tpu.memory_space<vmem>>
        %dma_wait3A_787 = arith.constant 0 : i32
        %dma_wait3A_788 = tpu.memref_slice %arg8[%dma_wait3A_782, %dma_wait3A_787] : memref<8x128xi32, #tpu.memory_space<vmem>> -> memref<1x128xi32, #tpu.memory_space<vmem>>
        %dma_wait3A_789 = tpu.memref_squeeze %dma_wait3A_788 : memref<1x128xi32, #tpu.memory_space<vmem>> -> memref<128xi32, #tpu.memory_space<vmem>>
        %dma_wait3A_790 = arith.constant 0 : i32
        %dma_wait3A_791 = tpu.memref_slice %arg5[%add3A_30, %mul3A_780, %dma_wait3A_790] : memref<16x4096x128xf32, #tpu.memory_space<hbm>> -> memref<1x256x128xf32, #tpu.memory_space<hbm>>
        %dma_wait3A_792 = tpu.memref_squeeze %dma_wait3A_791 : memref<1x256x128xf32, #tpu.memory_space<hbm>> -> memref<256x128xf32, #tpu.memory_space<hbm>>
        %dma_wait3A_793 = arith.constant 0 : i32
        %dma_wait3A_794 = arith.constant 0 : i32
        %dma_wait3A_795 = tpu.memref_slice %dma_wait3A_792[%dma_wait3A_793, %dma_wait3A_794] : memref<256x128xf32, #tpu.memory_space<hbm>> -> memref<256x128xf32, #tpu.memory_space<hbm>>
        tpu.wait_indirect_dma semaphore(%arg19 : memref<!tpu.dma_semaphore, #tpu.memory_space<semaphore_mem>>) src(%dma_wait3A_786 : memref<128x128xf32, #tpu.memory_space<vmem>>) dst(%dma_wait3A_795 : memref<256x128xf32, #tpu.memory_space<hbm>>)
        %mul3A_796 = arith.constant 2 : i32
        %mul3A_797 = arith.muli %sub3A_776, %mul3A_796 : i32
        %mul3A_798 = arith.constant 128 : i32
        %mul3A_799 = arith.muli %mul3A_797, %mul3A_798 : i32
        %dma_wait3A_800 = arith.constant 3 : i32
        %dma_wait3A_801 = arith.constant 1 : i32
        %dma_wait3A_802 = arith.constant 0 : i32
        %dma_wait3A_803 = arith.constant 0 : i32
        %dma_wait3A_804 = tpu.memref_slice %arg10[%dma_wait3A_800, %dma_wait3A_802, %dma_wait3A_803] : memref<4x128x128xf32, #tpu.memory_space<vmem>> -> memref<1x128x128xf32, #tpu.memory_space<vmem>>
        %dma_wait3A_805 = tpu.memref_squeeze %dma_wait3A_804 : memref<1x128x128xf32, #tpu.memory_space<vmem>> -> memref<128x128xf32, #tpu.memory_space<vmem>>
        %dma_wait3A_806 = arith.constant 0 : i32
        %dma_wait3A_807 = tpu.memref_slice %arg8[%dma_wait3A_801, %dma_wait3A_806] : memref<8x128xi32, #tpu.memory_space<vmem>> -> memref<1x128xi32, #tpu.memory_space<vmem>>
        %dma_wait3A_808 = tpu.memref_squeeze %dma_wait3A_807 : memref<1x128xi32, #tpu.memory_space<vmem>> -> memref<128xi32, #tpu.memory_space<vmem>>
        %dma_wait3A_809 = arith.constant 0 : i32
        %dma_wait3A_810 = tpu.memref_slice %arg5[%add3A_30, %mul3A_799, %dma_wait3A_809] : memref<16x4096x128xf32, #tpu.memory_space<hbm>> -> memref<1x256x128xf32, #tpu.memory_space<hbm>>
        %dma_wait3A_811 = tpu.memref_squeeze %dma_wait3A_810 : memref<1x256x128xf32, #tpu.memory_space<hbm>> -> memref<256x128xf32, #tpu.memory_space<hbm>>
        %dma_wait3A_812 = arith.constant 0 : i32
        %dma_wait3A_813 = arith.constant 0 : i32
        %dma_wait3A_814 = tpu.memref_slice %dma_wait3A_811[%dma_wait3A_812, %dma_wait3A_813] : memref<256x128xf32, #tpu.memory_space<hbm>> -> memref<256x128xf32, #tpu.memory_space<hbm>>
        tpu.wait_indirect_dma semaphore(%arg19 : memref<!tpu.dma_semaphore, #tpu.memory_space<semaphore_mem>>) src(%dma_wait3A_805 : memref<128x128xf32, #tpu.memory_space<vmem>>) dst(%dma_wait3A_814 : memref<256x128xf32, #tpu.memory_space<hbm>>)
        %add3A_815 = arith.constant 3 : i32
        %add3A_816 = arith.addi %add3A_725, %add3A_815 : i32
        %mul3A_817 = arith.constant 128 : i32
        %mul3A_818 = arith.muli %add3A_816, %mul3A_817 : i32
        %dma_start3A_819 = arith.constant 3 : i32
        %dma_start3A_820 = arith.constant 0 : i32
        %dma_start3A_821 = arith.constant 0 : i32
        %dma_start3A_822 = tpu.memref_slice %arg10[%dma_start3A_819, %dma_start3A_820, %dma_start3A_821] : memref<4x128x128xf32, #tpu.memory_space<vmem>> -> memref<1x128x128xf32, #tpu.memory_space<vmem>>
        %dma_start3A_823 = tpu.memref_squeeze %dma_start3A_822 : memref<1x128x128xf32, #tpu.memory_space<vmem>> -> memref<128x128xf32, #tpu.memory_space<vmem>>
        %dma_start3A_824 = tpu.memref_slice %arg9[%mul3A_818] : memref<4112xi32, #tpu.memory_space<vmem>> -> memref<128xi32, #tpu.memory_space<vmem>>
        %dma_start3A_825 = arith.constant 0 : i32
        %dma_start3A_826 = arith.constant 0 : i32
        %dma_start3A_827 = tpu.memref_slice %arg11[%dma_start3A_825, %dma_start3A_826] : memref<4096x128xf32, #tpu.memory_space<vmem_shared>> -> memref<4096x128xf32, #tpu.memory_space<vmem_shared>>
        tpu.enqueue_indirect_dma source(%dma_start3A_827 : memref<4096x128xf32, #tpu.memory_space<vmem_shared>>) target(%dma_start3A_823 : memref<128x128xf32, #tpu.memory_space<vmem>>) offsets(%dma_start3A_824 : memref<128xi32, #tpu.memory_space<vmem>>) semaphore(%arg15 : memref<!tpu.dma_semaphore, #tpu.memory_space<semaphore_mem>>)
      }
      %scan3A_152 = arith.constant 3 : i32
      %dma_wait3A_153 = arith.constant 1 : i32
      %dma_wait3A_154 = arith.constant 0 : i32
      %dma_wait3A_155 = arith.constant 0 : i32
      %dma_wait3A_156 = tpu.memref_slice %arg10[%dma_wait3A_153, %dma_wait3A_154, %dma_wait3A_155] : memref<4x128x128xf32, #tpu.memory_space<vmem>> -> memref<1x128x128xf32, #tpu.memory_space<vmem>>
      %dma_wait3A_157 = tpu.memref_squeeze %dma_wait3A_156 : memref<1x128x128xf32, #tpu.memory_space<vmem>> -> memref<128x128xf32, #tpu.memory_space<vmem>>
      %dma_wait3A_158 = arith.constant 1664 : i32
      %dma_wait3A_159 = tpu.memref_slice %arg9[%dma_wait3A_158] : memref<4112xi32, #tpu.memory_space<vmem>> -> memref<128xi32, #tpu.memory_space<vmem>>
      %dma_wait3A_160 = arith.constant 0 : i32
      %dma_wait3A_161 = arith.constant 0 : i32
      %dma_wait3A_162 = tpu.memref_slice %arg11[%dma_wait3A_160, %dma_wait3A_161] : memref<4096x128xf32, #tpu.memory_space<vmem_shared>> -> memref<4096x128xf32, #tpu.memory_space<vmem_shared>>
      tpu.wait_indirect_dma semaphore(%arg13 : memref<!tpu.dma_semaphore, #tpu.memory_space<semaphore_mem>>) src(%dma_wait3A_162 : memref<4096x128xf32, #tpu.memory_space<vmem_shared>>) dst(%dma_wait3A_157 : memref<128x128xf32, #tpu.memory_space<vmem>>)
      %dma_start3A_163 = arith.constant 1 : i32
      %dma_start3A_164 = arith.constant 0 : i32
      %dma_start3A_165 = arith.constant 0 : i32
      %dma_start3A_166 = arith.constant 0 : i32
      %dma_start3A_167 = tpu.memref_slice %arg10[%dma_start3A_163, %dma_start3A_165, %dma_start3A_166] : memref<4x128x128xf32, #tpu.memory_space<vmem>> -> memref<1x128x128xf32, #tpu.memory_space<vmem>>
      %dma_start3A_168 = tpu.memref_squeeze %dma_start3A_167 : memref<1x128x128xf32, #tpu.memory_space<vmem>> -> memref<128x128xf32, #tpu.memory_space<vmem>>
      %dma_start3A_169 = arith.constant 0 : i32
      %dma_start3A_170 = tpu.memref_slice %arg8[%dma_start3A_164, %dma_start3A_169] : memref<8x128xi32, #tpu.memory_space<vmem>> -> memref<1x128xi32, #tpu.memory_space<vmem>>
      %dma_start3A_171 = tpu.memref_squeeze %dma_start3A_170 : memref<1x128xi32, #tpu.memory_space<vmem>> -> memref<128xi32, #tpu.memory_space<vmem>>
      %dma_start3A_172 = arith.constant 3328 : i32
      %dma_start3A_173 = arith.constant 0 : i32
      %dma_start3A_174 = tpu.memref_slice %arg5[%add3A_30, %dma_start3A_172, %dma_start3A_173] : memref<16x4096x128xf32, #tpu.memory_space<hbm>> -> memref<1x256x128xf32, #tpu.memory_space<hbm>>
      %dma_start3A_175 = tpu.memref_squeeze %dma_start3A_174 : memref<1x256x128xf32, #tpu.memory_space<hbm>> -> memref<256x128xf32, #tpu.memory_space<hbm>>
      %dma_start3A_176 = arith.constant 0 : i32
      %dma_start3A_177 = arith.constant 0 : i32
      %dma_start3A_178 = tpu.memref_slice %dma_start3A_175[%dma_start3A_176, %dma_start3A_177] : memref<256x128xf32, #tpu.memory_space<hbm>> -> memref<256x128xf32, #tpu.memory_space<hbm>>
      tpu.enqueue_indirect_dma source(%dma_start3A_168 : memref<128x128xf32, #tpu.memory_space<vmem>>) target(%dma_start3A_178 : memref<256x128xf32, #tpu.memory_space<hbm>>) offsets(%dma_start3A_171 : memref<128xi32, #tpu.memory_space<vmem>>) semaphore(%arg17 : memref<!tpu.dma_semaphore, #tpu.memory_space<semaphore_mem>>)
      %dma_start3A_179 = arith.constant 1 : i32
      %dma_start3A_180 = arith.constant 1 : i32
      %dma_start3A_181 = arith.constant 0 : i32
      %dma_start3A_182 = arith.constant 0 : i32
      %dma_start3A_183 = tpu.memref_slice %arg10[%dma_start3A_179, %dma_start3A_181, %dma_start3A_182] : memref<4x128x128xf32, #tpu.memory_space<vmem>> -> memref<1x128x128xf32, #tpu.memory_space<vmem>>
      %dma_start3A_184 = tpu.memref_squeeze %dma_start3A_183 : memref<1x128x128xf32, #tpu.memory_space<vmem>> -> memref<128x128xf32, #tpu.memory_space<vmem>>
      %dma_start3A_185 = arith.constant 0 : i32
      %dma_start3A_186 = tpu.memref_slice %arg8[%dma_start3A_180, %dma_start3A_185] : memref<8x128xi32, #tpu.memory_space<vmem>> -> memref<1x128xi32, #tpu.memory_space<vmem>>
      %dma_start3A_187 = tpu.memref_squeeze %dma_start3A_186 : memref<1x128xi32, #tpu.memory_space<vmem>> -> memref<128xi32, #tpu.memory_space<vmem>>
      %dma_start3A_188 = arith.constant 3328 : i32
      %dma_start3A_189 = arith.constant 0 : i32
      %dma_start3A_190 = tpu.memref_slice %arg5[%add3A_30, %dma_start3A_188, %dma_start3A_189] : memref<16x4096x128xf32, #tpu.memory_space<hbm>> -> memref<1x256x128xf32, #tpu.memory_space<hbm>>
      %dma_start3A_191 = tpu.memref_squeeze %dma_start3A_190 : memref<1x256x128xf32, #tpu.memory_space<hbm>> -> memref<256x128xf32, #tpu.memory_space<hbm>>
      %dma_start3A_192 = arith.constant 0 : i32
      %dma_start3A_193 = arith.constant 0 : i32
      %dma_start3A_194 = tpu.memref_slice %dma_start3A_191[%dma_start3A_192, %dma_start3A_193] : memref<256x128xf32, #tpu.memory_space<hbm>> -> memref<256x128xf32, #tpu.memory_space<hbm>>
      tpu.enqueue_indirect_dma source(%dma_start3A_184 : memref<128x128xf32, #tpu.memory_space<vmem>>) target(%dma_start3A_194 : memref<256x128xf32, #tpu.memory_space<hbm>>) offsets(%dma_start3A_187 : memref<128xi32, #tpu.memory_space<vmem>>) semaphore(%arg17 : memref<!tpu.dma_semaphore, #tpu.memory_space<semaphore_mem>>)
      %dma_wait3A_195 = arith.constant 0 : i32
      %dma_wait3A_196 = arith.constant 0 : i32
      %dma_wait3A_197 = arith.constant 0 : i32
      %dma_wait3A_198 = arith.constant 0 : i32
      %dma_wait3A_199 = tpu.memref_slice %arg10[%dma_wait3A_195, %dma_wait3A_197, %dma_wait3A_198] : memref<4x128x128xf32, #tpu.memory_space<vmem>> -> memref<1x128x128xf32, #tpu.memory_space<vmem>>
      %dma_wait3A_200 = tpu.memref_squeeze %dma_wait3A_199 : memref<1x128x128xf32, #tpu.memory_space<vmem>> -> memref<128x128xf32, #tpu.memory_space<vmem>>
      %dma_wait3A_201 = arith.constant 0 : i32
      %dma_wait3A_202 = tpu.memref_slice %arg8[%dma_wait3A_196, %dma_wait3A_201] : memref<8x128xi32, #tpu.memory_space<vmem>> -> memref<1x128xi32, #tpu.memory_space<vmem>>
      %dma_wait3A_203 = tpu.memref_squeeze %dma_wait3A_202 : memref<1x128xi32, #tpu.memory_space<vmem>> -> memref<128xi32, #tpu.memory_space<vmem>>
      %dma_wait3A_204 = arith.constant 3072 : i32
      %dma_wait3A_205 = arith.constant 0 : i32
      %dma_wait3A_206 = tpu.memref_slice %arg5[%add3A_30, %dma_wait3A_204, %dma_wait3A_205] : memref<16x4096x128xf32, #tpu.memory_space<hbm>> -> memref<1x256x128xf32, #tpu.memory_space<hbm>>
      %dma_wait3A_207 = tpu.memref_squeeze %dma_wait3A_206 : memref<1x256x128xf32, #tpu.memory_space<hbm>> -> memref<256x128xf32, #tpu.memory_space<hbm>>
      %dma_wait3A_208 = arith.constant 0 : i32
      %dma_wait3A_209 = arith.constant 0 : i32
      %dma_wait3A_210 = tpu.memref_slice %dma_wait3A_207[%dma_wait3A_208, %dma_wait3A_209] : memref<256x128xf32, #tpu.memory_space<hbm>> -> memref<256x128xf32, #tpu.memory_space<hbm>>
      tpu.wait_indirect_dma semaphore(%arg16 : memref<!tpu.dma_semaphore, #tpu.memory_space<semaphore_mem>>) src(%dma_wait3A_200 : memref<128x128xf32, #tpu.memory_space<vmem>>) dst(%dma_wait3A_210 : memref<256x128xf32, #tpu.memory_space<hbm>>)
      %dma_wait3A_211 = arith.constant 0 : i32
      %dma_wait3A_212 = arith.constant 1 : i32
      %dma_wait3A_213 = arith.constant 0 : i32
      %dma_wait3A_214 = arith.constant 0 : i32
      %dma_wait3A_215 = tpu.memref_slice %arg10[%dma_wait3A_211, %dma_wait3A_213, %dma_wait3A_214] : memref<4x128x128xf32, #tpu.memory_space<vmem>> -> memref<1x128x128xf32, #tpu.memory_space<vmem>>
      %dma_wait3A_216 = tpu.memref_squeeze %dma_wait3A_215 : memref<1x128x128xf32, #tpu.memory_space<vmem>> -> memref<128x128xf32, #tpu.memory_space<vmem>>
      %dma_wait3A_217 = arith.constant 0 : i32
      %dma_wait3A_218 = tpu.memref_slice %arg8[%dma_wait3A_212, %dma_wait3A_217] : memref<8x128xi32, #tpu.memory_space<vmem>> -> memref<1x128xi32, #tpu.memory_space<vmem>>
      %dma_wait3A_219 = tpu.memref_squeeze %dma_wait3A_218 : memref<1x128xi32, #tpu.memory_space<vmem>> -> memref<128xi32, #tpu.memory_space<vmem>>
      %dma_wait3A_220 = arith.constant 3072 : i32
      %dma_wait3A_221 = arith.constant 0 : i32
      %dma_wait3A_222 = tpu.memref_slice %arg5[%add3A_30, %dma_wait3A_220, %dma_wait3A_221] : memref<16x4096x128xf32, #tpu.memory_space<hbm>> -> memref<1x256x128xf32, #tpu.memory_space<hbm>>
      %dma_wait3A_223 = tpu.memref_squeeze %dma_wait3A_222 : memref<1x256x128xf32, #tpu.memory_space<hbm>> -> memref<256x128xf32, #tpu.memory_space<hbm>>
      %dma_wait3A_224 = arith.constant 0 : i32
      %dma_wait3A_225 = arith.constant 0 : i32
      %dma_wait3A_226 = tpu.memref_slice %dma_wait3A_223[%dma_wait3A_224, %dma_wait3A_225] : memref<256x128xf32, #tpu.memory_space<hbm>> -> memref<256x128xf32, #tpu.memory_space<hbm>>
      tpu.wait_indirect_dma semaphore(%arg16 : memref<!tpu.dma_semaphore, #tpu.memory_space<semaphore_mem>>) src(%dma_wait3A_216 : memref<128x128xf32, #tpu.memory_space<vmem>>) dst(%dma_wait3A_226 : memref<256x128xf32, #tpu.memory_space<hbm>>)
      %dma_wait3A_227 = arith.constant 2 : i32
      %dma_wait3A_228 = arith.constant 0 : i32
      %dma_wait3A_229 = arith.constant 0 : i32
      %dma_wait3A_230 = tpu.memref_slice %arg10[%dma_wait3A_227, %dma_wait3A_228, %dma_wait3A_229] : memref<4x128x128xf32, #tpu.memory_space<vmem>> -> memref<1x128x128xf32, #tpu.memory_space<vmem>>
      %dma_wait3A_231 = tpu.memref_squeeze %dma_wait3A_230 : memref<1x128x128xf32, #tpu.memory_space<vmem>> -> memref<128x128xf32, #tpu.memory_space<vmem>>
      %dma_wait3A_232 = arith.constant 1792 : i32
      %dma_wait3A_233 = tpu.memref_slice %arg9[%dma_wait3A_232] : memref<4112xi32, #tpu.memory_space<vmem>> -> memref<128xi32, #tpu.memory_space<vmem>>
      %dma_wait3A_234 = arith.constant 0 : i32
      %dma_wait3A_235 = arith.constant 0 : i32
      %dma_wait3A_236 = tpu.memref_slice %arg11[%dma_wait3A_234, %dma_wait3A_235] : memref<4096x128xf32, #tpu.memory_space<vmem_shared>> -> memref<4096x128xf32, #tpu.memory_space<vmem_shared>>
      tpu.wait_indirect_dma semaphore(%arg14 : memref<!tpu.dma_semaphore, #tpu.memory_space<semaphore_mem>>) src(%dma_wait3A_236 : memref<4096x128xf32, #tpu.memory_space<vmem_shared>>) dst(%dma_wait3A_231 : memref<128x128xf32, #tpu.memory_space<vmem>>)
      %dma_start3A_237 = arith.constant 2 : i32
      %dma_start3A_238 = arith.constant 0 : i32
      %dma_start3A_239 = arith.constant 0 : i32
      %dma_start3A_240 = arith.constant 0 : i32
      %dma_start3A_241 = tpu.memref_slice %arg10[%dma_start3A_237, %dma_start3A_239, %dma_start3A_240] : memref<4x128x128xf32, #tpu.memory_space<vmem>> -> memref<1x128x128xf32, #tpu.memory_space<vmem>>
      %dma_start3A_242 = tpu.memref_squeeze %dma_start3A_241 : memref<1x128x128xf32, #tpu.memory_space<vmem>> -> memref<128x128xf32, #tpu.memory_space<vmem>>
      %dma_start3A_243 = arith.constant 0 : i32
      %dma_start3A_244 = tpu.memref_slice %arg8[%dma_start3A_238, %dma_start3A_243] : memref<8x128xi32, #tpu.memory_space<vmem>> -> memref<1x128xi32, #tpu.memory_space<vmem>>
      %dma_start3A_245 = tpu.memref_squeeze %dma_start3A_244 : memref<1x128xi32, #tpu.memory_space<vmem>> -> memref<128xi32, #tpu.memory_space<vmem>>
      %dma_start3A_246 = arith.constant 3584 : i32
      %dma_start3A_247 = arith.constant 0 : i32
      %dma_start3A_248 = tpu.memref_slice %arg5[%add3A_30, %dma_start3A_246, %dma_start3A_247] : memref<16x4096x128xf32, #tpu.memory_space<hbm>> -> memref<1x256x128xf32, #tpu.memory_space<hbm>>
      %dma_start3A_249 = tpu.memref_squeeze %dma_start3A_248 : memref<1x256x128xf32, #tpu.memory_space<hbm>> -> memref<256x128xf32, #tpu.memory_space<hbm>>
      %dma_start3A_250 = arith.constant 0 : i32
      %dma_start3A_251 = arith.constant 0 : i32
      %dma_start3A_252 = tpu.memref_slice %dma_start3A_249[%dma_start3A_250, %dma_start3A_251] : memref<256x128xf32, #tpu.memory_space<hbm>> -> memref<256x128xf32, #tpu.memory_space<hbm>>
      tpu.enqueue_indirect_dma source(%dma_start3A_242 : memref<128x128xf32, #tpu.memory_space<vmem>>) target(%dma_start3A_252 : memref<256x128xf32, #tpu.memory_space<hbm>>) offsets(%dma_start3A_245 : memref<128xi32, #tpu.memory_space<vmem>>) semaphore(%arg18 : memref<!tpu.dma_semaphore, #tpu.memory_space<semaphore_mem>>)
      %dma_start3A_253 = arith.constant 2 : i32
      %dma_start3A_254 = arith.constant 1 : i32
      %dma_start3A_255 = arith.constant 0 : i32
      %dma_start3A_256 = arith.constant 0 : i32
      %dma_start3A_257 = tpu.memref_slice %arg10[%dma_start3A_253, %dma_start3A_255, %dma_start3A_256] : memref<4x128x128xf32, #tpu.memory_space<vmem>> -> memref<1x128x128xf32, #tpu.memory_space<vmem>>
      %dma_start3A_258 = tpu.memref_squeeze %dma_start3A_257 : memref<1x128x128xf32, #tpu.memory_space<vmem>> -> memref<128x128xf32, #tpu.memory_space<vmem>>
      %dma_start3A_259 = arith.constant 0 : i32
      %dma_start3A_260 = tpu.memref_slice %arg8[%dma_start3A_254, %dma_start3A_259] : memref<8x128xi32, #tpu.memory_space<vmem>> -> memref<1x128xi32, #tpu.memory_space<vmem>>
      %dma_start3A_261 = tpu.memref_squeeze %dma_start3A_260 : memref<1x128xi32, #tpu.memory_space<vmem>> -> memref<128xi32, #tpu.memory_space<vmem>>
      %dma_start3A_262 = arith.constant 3584 : i32
      %dma_start3A_263 = arith.constant 0 : i32
      %dma_start3A_264 = tpu.memref_slice %arg5[%add3A_30, %dma_start3A_262, %dma_start3A_263] : memref<16x4096x128xf32, #tpu.memory_space<hbm>> -> memref<1x256x128xf32, #tpu.memory_space<hbm>>
      %dma_start3A_265 = tpu.memref_squeeze %dma_start3A_264 : memref<1x256x128xf32, #tpu.memory_space<hbm>> -> memref<256x128xf32, #tpu.memory_space<hbm>>
      %dma_start3A_266 = arith.constant 0 : i32
      %dma_start3A_267 = arith.constant 0 : i32
      %dma_start3A_268 = tpu.memref_slice %dma_start3A_265[%dma_start3A_266, %dma_start3A_267] : memref<256x128xf32, #tpu.memory_space<hbm>> -> memref<256x128xf32, #tpu.memory_space<hbm>>
      tpu.enqueue_indirect_dma source(%dma_start3A_258 : memref<128x128xf32, #tpu.memory_space<vmem>>) target(%dma_start3A_268 : memref<256x128xf32, #tpu.memory_space<hbm>>) offsets(%dma_start3A_261 : memref<128xi32, #tpu.memory_space<vmem>>) semaphore(%arg18 : memref<!tpu.dma_semaphore, #tpu.memory_space<semaphore_mem>>)
      %dma_wait3A_269 = arith.constant 1 : i32
      %dma_wait3A_270 = arith.constant 0 : i32
      %dma_wait3A_271 = arith.constant 0 : i32
      %dma_wait3A_272 = arith.constant 0 : i32
      %dma_wait3A_273 = tpu.memref_slice %arg10[%dma_wait3A_269, %dma_wait3A_271, %dma_wait3A_272] : memref<4x128x128xf32, #tpu.memory_space<vmem>> -> memref<1x128x128xf32, #tpu.memory_space<vmem>>
      %dma_wait3A_274 = tpu.memref_squeeze %dma_wait3A_273 : memref<1x128x128xf32, #tpu.memory_space<vmem>> -> memref<128x128xf32, #tpu.memory_space<vmem>>
      %dma_wait3A_275 = arith.constant 0 : i32
      %dma_wait3A_276 = tpu.memref_slice %arg8[%dma_wait3A_270, %dma_wait3A_275] : memref<8x128xi32, #tpu.memory_space<vmem>> -> memref<1x128xi32, #tpu.memory_space<vmem>>
      %dma_wait3A_277 = tpu.memref_squeeze %dma_wait3A_276 : memref<1x128xi32, #tpu.memory_space<vmem>> -> memref<128xi32, #tpu.memory_space<vmem>>
      %dma_wait3A_278 = arith.constant 3328 : i32
      %dma_wait3A_279 = arith.constant 0 : i32
      %dma_wait3A_280 = tpu.memref_slice %arg5[%add3A_30, %dma_wait3A_278, %dma_wait3A_279] : memref<16x4096x128xf32, #tpu.memory_space<hbm>> -> memref<1x256x128xf32, #tpu.memory_space<hbm>>
      %dma_wait3A_281 = tpu.memref_squeeze %dma_wait3A_280 : memref<1x256x128xf32, #tpu.memory_space<hbm>> -> memref<256x128xf32, #tpu.memory_space<hbm>>
      %dma_wait3A_282 = arith.constant 0 : i32
      %dma_wait3A_283 = arith.constant 0 : i32
      %dma_wait3A_284 = tpu.memref_slice %dma_wait3A_281[%dma_wait3A_282, %dma_wait3A_283] : memref<256x128xf32, #tpu.memory_space<hbm>> -> memref<256x128xf32, #tpu.memory_space<hbm>>
      tpu.wait_indirect_dma semaphore(%arg17 : memref<!tpu.dma_semaphore, #tpu.memory_space<semaphore_mem>>) src(%dma_wait3A_274 : memref<128x128xf32, #tpu.memory_space<vmem>>) dst(%dma_wait3A_284 : memref<256x128xf32, #tpu.memory_space<hbm>>)
      %dma_wait3A_285 = arith.constant 1 : i32
      %dma_wait3A_286 = arith.constant 1 : i32
      %dma_wait3A_287 = arith.constant 0 : i32
      %dma_wait3A_288 = arith.constant 0 : i32
      %dma_wait3A_289 = tpu.memref_slice %arg10[%dma_wait3A_285, %dma_wait3A_287, %dma_wait3A_288] : memref<4x128x128xf32, #tpu.memory_space<vmem>> -> memref<1x128x128xf32, #tpu.memory_space<vmem>>
      %dma_wait3A_290 = tpu.memref_squeeze %dma_wait3A_289 : memref<1x128x128xf32, #tpu.memory_space<vmem>> -> memref<128x128xf32, #tpu.memory_space<vmem>>
      %dma_wait3A_291 = arith.constant 0 : i32
      %dma_wait3A_292 = tpu.memref_slice %arg8[%dma_wait3A_286, %dma_wait3A_291] : memref<8x128xi32, #tpu.memory_space<vmem>> -> memref<1x128xi32, #tpu.memory_space<vmem>>
      %dma_wait3A_293 = tpu.memref_squeeze %dma_wait3A_292 : memref<1x128xi32, #tpu.memory_space<vmem>> -> memref<128xi32, #tpu.memory_space<vmem>>
      %dma_wait3A_294 = arith.constant 3328 : i32
      %dma_wait3A_295 = arith.constant 0 : i32
      %dma_wait3A_296 = tpu.memref_slice %arg5[%add3A_30, %dma_wait3A_294, %dma_wait3A_295] : memref<16x4096x128xf32, #tpu.memory_space<hbm>> -> memref<1x256x128xf32, #tpu.memory_space<hbm>>
      %dma_wait3A_297 = tpu.memref_squeeze %dma_wait3A_296 : memref<1x256x128xf32, #tpu.memory_space<hbm>> -> memref<256x128xf32, #tpu.memory_space<hbm>>
      %dma_wait3A_298 = arith.constant 0 : i32
      %dma_wait3A_299 = arith.constant 0 : i32
      %dma_wait3A_300 = tpu.memref_slice %dma_wait3A_297[%dma_wait3A_298, %dma_wait3A_299] : memref<256x128xf32, #tpu.memory_space<hbm>> -> memref<256x128xf32, #tpu.memory_space<hbm>>
      tpu.wait_indirect_dma semaphore(%arg17 : memref<!tpu.dma_semaphore, #tpu.memory_space<semaphore_mem>>) src(%dma_wait3A_290 : memref<128x128xf32, #tpu.memory_space<vmem>>) dst(%dma_wait3A_300 : memref<256x128xf32, #tpu.memory_space<hbm>>)
      %dma_wait3A_301 = arith.constant 3 : i32
      %dma_wait3A_302 = arith.constant 0 : i32
      %dma_wait3A_303 = arith.constant 0 : i32
      %dma_wait3A_304 = tpu.memref_slice %arg10[%dma_wait3A_301, %dma_wait3A_302, %dma_wait3A_303] : memref<4x128x128xf32, #tpu.memory_space<vmem>> -> memref<1x128x128xf32, #tpu.memory_space<vmem>>
      %dma_wait3A_305 = tpu.memref_squeeze %dma_wait3A_304 : memref<1x128x128xf32, #tpu.memory_space<vmem>> -> memref<128x128xf32, #tpu.memory_space<vmem>>
      %dma_wait3A_306 = arith.constant 1920 : i32
      %dma_wait3A_307 = tpu.memref_slice %arg9[%dma_wait3A_306] : memref<4112xi32, #tpu.memory_space<vmem>> -> memref<128xi32, #tpu.memory_space<vmem>>
      %dma_wait3A_308 = arith.constant 0 : i32
      %dma_wait3A_309 = arith.constant 0 : i32
      %dma_wait3A_310 = tpu.memref_slice %arg11[%dma_wait3A_308, %dma_wait3A_309] : memref<4096x128xf32, #tpu.memory_space<vmem_shared>> -> memref<4096x128xf32, #tpu.memory_space<vmem_shared>>
      tpu.wait_indirect_dma semaphore(%arg15 : memref<!tpu.dma_semaphore, #tpu.memory_space<semaphore_mem>>) src(%dma_wait3A_310 : memref<4096x128xf32, #tpu.memory_space<vmem_shared>>) dst(%dma_wait3A_305 : memref<128x128xf32, #tpu.memory_space<vmem>>)
      %dma_start3A_311 = arith.constant 3 : i32
      %dma_start3A_312 = arith.constant 0 : i32
      %dma_start3A_313 = arith.constant 0 : i32
      %dma_start3A_314 = arith.constant 0 : i32
      %dma_start3A_315 = tpu.memref_slice %arg10[%dma_start3A_311, %dma_start3A_313, %dma_start3A_314] : memref<4x128x128xf32, #tpu.memory_space<vmem>> -> memref<1x128x128xf32, #tpu.memory_space<vmem>>
      %dma_start3A_316 = tpu.memref_squeeze %dma_start3A_315 : memref<1x128x128xf32, #tpu.memory_space<vmem>> -> memref<128x128xf32, #tpu.memory_space<vmem>>
      %dma_start3A_317 = arith.constant 0 : i32
      %dma_start3A_318 = tpu.memref_slice %arg8[%dma_start3A_312, %dma_start3A_317] : memref<8x128xi32, #tpu.memory_space<vmem>> -> memref<1x128xi32, #tpu.memory_space<vmem>>
      %dma_start3A_319 = tpu.memref_squeeze %dma_start3A_318 : memref<1x128xi32, #tpu.memory_space<vmem>> -> memref<128xi32, #tpu.memory_space<vmem>>
      %dma_start3A_320 = arith.constant 3840 : i32
      %dma_start3A_321 = arith.constant 0 : i32
      %dma_start3A_322 = tpu.memref_slice %arg5[%add3A_30, %dma_start3A_320, %dma_start3A_321] : memref<16x4096x128xf32, #tpu.memory_space<hbm>> -> memref<1x256x128xf32, #tpu.memory_space<hbm>>
      %dma_start3A_323 = tpu.memref_squeeze %dma_start3A_322 : memref<1x256x128xf32, #tpu.memory_space<hbm>> -> memref<256x128xf32, #tpu.memory_space<hbm>>
      %dma_start3A_324 = arith.constant 0 : i32
      %dma_start3A_325 = arith.constant 0 : i32
      %dma_start3A_326 = tpu.memref_slice %dma_start3A_323[%dma_start3A_324, %dma_start3A_325] : memref<256x128xf32, #tpu.memory_space<hbm>> -> memref<256x128xf32, #tpu.memory_space<hbm>>
      tpu.enqueue_indirect_dma source(%dma_start3A_316 : memref<128x128xf32, #tpu.memory_space<vmem>>) target(%dma_start3A_326 : memref<256x128xf32, #tpu.memory_space<hbm>>) offsets(%dma_start3A_319 : memref<128xi32, #tpu.memory_space<vmem>>) semaphore(%arg19 : memref<!tpu.dma_semaphore, #tpu.memory_space<semaphore_mem>>)
      %dma_start3A_327 = arith.constant 3 : i32
      %dma_start3A_328 = arith.constant 1 : i32
      %dma_start3A_329 = arith.constant 0 : i32
      %dma_start3A_330 = arith.constant 0 : i32
      %dma_start3A_331 = tpu.memref_slice %arg10[%dma_start3A_327, %dma_start3A_329, %dma_start3A_330] : memref<4x128x128xf32, #tpu.memory_space<vmem>> -> memref<1x128x128xf32, #tpu.memory_space<vmem>>
      %dma_start3A_332 = tpu.memref_squeeze %dma_start3A_331 : memref<1x128x128xf32, #tpu.memory_space<vmem>> -> memref<128x128xf32, #tpu.memory_space<vmem>>
      %dma_start3A_333 = arith.constant 0 : i32
      %dma_start3A_334 = tpu.memref_slice %arg8[%dma_start3A_328, %dma_start3A_333] : memref<8x128xi32, #tpu.memory_space<vmem>> -> memref<1x128xi32, #tpu.memory_space<vmem>>
      %dma_start3A_335 = tpu.memref_squeeze %dma_start3A_334 : memref<1x128xi32, #tpu.memory_space<vmem>> -> memref<128xi32, #tpu.memory_space<vmem>>
      %dma_start3A_336 = arith.constant 3840 : i32
      %dma_start3A_337 = arith.constant 0 : i32
      %dma_start3A_338 = tpu.memref_slice %arg5[%add3A_30, %dma_start3A_336, %dma_start3A_337] : memref<16x4096x128xf32, #tpu.memory_space<hbm>> -> memref<1x256x128xf32, #tpu.memory_space<hbm>>
      %dma_start3A_339 = tpu.memref_squeeze %dma_start3A_338 : memref<1x256x128xf32, #tpu.memory_space<hbm>> -> memref<256x128xf32, #tpu.memory_space<hbm>>
      %dma_start3A_340 = arith.constant 0 : i32
      %dma_start3A_341 = arith.constant 0 : i32
      %dma_start3A_342 = tpu.memref_slice %dma_start3A_339[%dma_start3A_340, %dma_start3A_341] : memref<256x128xf32, #tpu.memory_space<hbm>> -> memref<256x128xf32, #tpu.memory_space<hbm>>
      tpu.enqueue_indirect_dma source(%dma_start3A_332 : memref<128x128xf32, #tpu.memory_space<vmem>>) target(%dma_start3A_342 : memref<256x128xf32, #tpu.memory_space<hbm>>) offsets(%dma_start3A_335 : memref<128xi32, #tpu.memory_space<vmem>>) semaphore(%arg19 : memref<!tpu.dma_semaphore, #tpu.memory_space<semaphore_mem>>)
      %dma_wait3A_343 = arith.constant 2 : i32
      %dma_wait3A_344 = arith.constant 0 : i32
      %dma_wait3A_345 = arith.constant 0 : i32
      %dma_wait3A_346 = arith.constant 0 : i32
      %dma_wait3A_347 = tpu.memref_slice %arg10[%dma_wait3A_343, %dma_wait3A_345, %dma_wait3A_346] : memref<4x128x128xf32, #tpu.memory_space<vmem>> -> memref<1x128x128xf32, #tpu.memory_space<vmem>>
      %dma_wait3A_348 = tpu.memref_squeeze %dma_wait3A_347 : memref<1x128x128xf32, #tpu.memory_space<vmem>> -> memref<128x128xf32, #tpu.memory_space<vmem>>
      %dma_wait3A_349 = arith.constant 0 : i32
      %dma_wait3A_350 = tpu.memref_slice %arg8[%dma_wait3A_344, %dma_wait3A_349] : memref<8x128xi32, #tpu.memory_space<vmem>> -> memref<1x128xi32, #tpu.memory_space<vmem>>
      %dma_wait3A_351 = tpu.memref_squeeze %dma_wait3A_350 : memref<1x128xi32, #tpu.memory_space<vmem>> -> memref<128xi32, #tpu.memory_space<vmem>>
      %dma_wait3A_352 = arith.constant 3584 : i32
      %dma_wait3A_353 = arith.constant 0 : i32
      %dma_wait3A_354 = tpu.memref_slice %arg5[%add3A_30, %dma_wait3A_352, %dma_wait3A_353] : memref<16x4096x128xf32, #tpu.memory_space<hbm>> -> memref<1x256x128xf32, #tpu.memory_space<hbm>>
      %dma_wait3A_355 = tpu.memref_squeeze %dma_wait3A_354 : memref<1x256x128xf32, #tpu.memory_space<hbm>> -> memref<256x128xf32, #tpu.memory_space<hbm>>
      %dma_wait3A_356 = arith.constant 0 : i32
      %dma_wait3A_357 = arith.constant 0 : i32
      %dma_wait3A_358 = tpu.memref_slice %dma_wait3A_355[%dma_wait3A_356, %dma_wait3A_357] : memref<256x128xf32, #tpu.memory_space<hbm>> -> memref<256x128xf32, #tpu.memory_space<hbm>>
      tpu.wait_indirect_dma semaphore(%arg18 : memref<!tpu.dma_semaphore, #tpu.memory_space<semaphore_mem>>) src(%dma_wait3A_348 : memref<128x128xf32, #tpu.memory_space<vmem>>) dst(%dma_wait3A_358 : memref<256x128xf32, #tpu.memory_space<hbm>>)
      %dma_wait3A_359 = arith.constant 2 : i32
      %dma_wait3A_360 = arith.constant 1 : i32
      %dma_wait3A_361 = arith.constant 0 : i32
      %dma_wait3A_362 = arith.constant 0 : i32
      %dma_wait3A_363 = tpu.memref_slice %arg10[%dma_wait3A_359, %dma_wait3A_361, %dma_wait3A_362] : memref<4x128x128xf32, #tpu.memory_space<vmem>> -> memref<1x128x128xf32, #tpu.memory_space<vmem>>
      %dma_wait3A_364 = tpu.memref_squeeze %dma_wait3A_363 : memref<1x128x128xf32, #tpu.memory_space<vmem>> -> memref<128x128xf32, #tpu.memory_space<vmem>>
      %dma_wait3A_365 = arith.constant 0 : i32
      %dma_wait3A_366 = tpu.memref_slice %arg8[%dma_wait3A_360, %dma_wait3A_365] : memref<8x128xi32, #tpu.memory_space<vmem>> -> memref<1x128xi32, #tpu.memory_space<vmem>>
      %dma_wait3A_367 = tpu.memref_squeeze %dma_wait3A_366 : memref<1x128xi32, #tpu.memory_space<vmem>> -> memref<128xi32, #tpu.memory_space<vmem>>
      %dma_wait3A_368 = arith.constant 3584 : i32
      %dma_wait3A_369 = arith.constant 0 : i32
      %dma_wait3A_370 = tpu.memref_slice %arg5[%add3A_30, %dma_wait3A_368, %dma_wait3A_369] : memref<16x4096x128xf32, #tpu.memory_space<hbm>> -> memref<1x256x128xf32, #tpu.memory_space<hbm>>
      %dma_wait3A_371 = tpu.memref_squeeze %dma_wait3A_370 : memref<1x256x128xf32, #tpu.memory_space<hbm>> -> memref<256x128xf32, #tpu.memory_space<hbm>>
      %dma_wait3A_372 = arith.constant 0 : i32
      %dma_wait3A_373 = arith.constant 0 : i32
      %dma_wait3A_374 = tpu.memref_slice %dma_wait3A_371[%dma_wait3A_372, %dma_wait3A_373] : memref<256x128xf32, #tpu.memory_space<hbm>> -> memref<256x128xf32, #tpu.memory_space<hbm>>
      tpu.wait_indirect_dma semaphore(%arg18 : memref<!tpu.dma_semaphore, #tpu.memory_space<semaphore_mem>>) src(%dma_wait3A_364 : memref<128x128xf32, #tpu.memory_space<vmem>>) dst(%dma_wait3A_374 : memref<256x128xf32, #tpu.memory_space<hbm>>)
      %dma_wait3A_375 = arith.constant 3 : i32
      %dma_wait3A_376 = arith.constant 0 : i32
      %dma_wait3A_377 = arith.constant 0 : i32
      %dma_wait3A_378 = arith.constant 0 : i32
      %dma_wait3A_379 = tpu.memref_slice %arg10[%dma_wait3A_375, %dma_wait3A_377, %dma_wait3A_378] : memref<4x128x128xf32, #tpu.memory_space<vmem>> -> memref<1x128x128xf32, #tpu.memory_space<vmem>>
      %dma_wait3A_380 = tpu.memref_squeeze %dma_wait3A_379 : memref<1x128x128xf32, #tpu.memory_space<vmem>> -> memref<128x128xf32, #tpu.memory_space<vmem>>
      %dma_wait3A_381 = arith.constant 0 : i32
      %dma_wait3A_382 = tpu.memref_slice %arg8[%dma_wait3A_376, %dma_wait3A_381] : memref<8x128xi32, #tpu.memory_space<vmem>> -> memref<1x128xi32, #tpu.memory_space<vmem>>
      %dma_wait3A_383 = tpu.memref_squeeze %dma_wait3A_382 : memref<1x128xi32, #tpu.memory_space<vmem>> -> memref<128xi32, #tpu.memory_space<vmem>>
      %dma_wait3A_384 = arith.constant 3840 : i32
      %dma_wait3A_385 = arith.constant 0 : i32
      %dma_wait3A_386 = tpu.memref_slice %arg5[%add3A_30, %dma_wait3A_384, %dma_wait3A_385] : memref<16x4096x128xf32, #tpu.memory_space<hbm>> -> memref<1x256x128xf32, #tpu.memory_space<hbm>>
      %dma_wait3A_387 = tpu.memref_squeeze %dma_wait3A_386 : memref<1x256x128xf32, #tpu.memory_space<hbm>> -> memref<256x128xf32, #tpu.memory_space<hbm>>
      %dma_wait3A_388 = arith.constant 0 : i32
      %dma_wait3A_389 = arith.constant 0 : i32
      %dma_wait3A_390 = tpu.memref_slice %dma_wait3A_387[%dma_wait3A_388, %dma_wait3A_389] : memref<256x128xf32, #tpu.memory_space<hbm>> -> memref<256x128xf32, #tpu.memory_space<hbm>>
      tpu.wait_indirect_dma semaphore(%arg19 : memref<!tpu.dma_semaphore, #tpu.memory_space<semaphore_mem>>) src(%dma_wait3A_380 : memref<128x128xf32, #tpu.memory_space<vmem>>) dst(%dma_wait3A_390 : memref<256x128xf32, #tpu.memory_space<hbm>>)
      %dma_wait3A_391 = arith.constant 3 : i32
      %dma_wait3A_392 = arith.constant 1 : i32
      %dma_wait3A_393 = arith.constant 0 : i32
      %dma_wait3A_394 = arith.constant 0 : i32
      %dma_wait3A_395 = tpu.memref_slice %arg10[%dma_wait3A_391, %dma_wait3A_393, %dma_wait3A_394] : memref<4x128x128xf32, #tpu.memory_space<vmem>> -> memref<1x128x128xf32, #tpu.memory_space<vmem>>
      %dma_wait3A_396 = tpu.memref_squeeze %dma_wait3A_395 : memref<1x128x128xf32, #tpu.memory_space<vmem>> -> memref<128x128xf32, #tpu.memory_space<vmem>>
      %dma_wait3A_397 = arith.constant 0 : i32
      %dma_wait3A_398 = tpu.memref_slice %arg8[%dma_wait3A_392, %dma_wait3A_397] : memref<8x128xi32, #tpu.memory_space<vmem>> -> memref<1x128xi32, #tpu.memory_space<vmem>>
      %dma_wait3A_399 = tpu.memref_squeeze %dma_wait3A_398 : memref<1x128xi32, #tpu.memory_space<vmem>> -> memref<128xi32, #tpu.memory_space<vmem>>
      %dma_wait3A_400 = arith.constant 3840 : i32
      %dma_wait3A_401 = arith.constant 0 : i32
      %dma_wait3A_402 = tpu.memref_slice %arg5[%add3A_30, %dma_wait3A_400, %dma_wait3A_401] : memref<16x4096x128xf32, #tpu.memory_space<hbm>> -> memref<1x256x128xf32, #tpu.memory_space<hbm>>
      %dma_wait3A_403 = tpu.memref_squeeze %dma_wait3A_402 : memref<1x256x128xf32, #tpu.memory_space<hbm>> -> memref<256x128xf32, #tpu.memory_space<hbm>>
      %dma_wait3A_404 = arith.constant 0 : i32
      %dma_wait3A_405 = arith.constant 0 : i32
      %dma_wait3A_406 = tpu.memref_slice %dma_wait3A_403[%dma_wait3A_404, %dma_wait3A_405] : memref<256x128xf32, #tpu.memory_space<hbm>> -> memref<256x128xf32, #tpu.memory_space<hbm>>
      tpu.wait_indirect_dma semaphore(%arg19 : memref<!tpu.dma_semaphore, #tpu.memory_space<semaphore_mem>>) src(%dma_wait3A_396 : memref<128x128xf32, #tpu.memory_space<vmem>>) dst(%dma_wait3A_406 : memref<256x128xf32, #tpu.memory_space<hbm>>)
    } else {
    }
    %ne3A_60 = arith.constant 0 : i32
    %ne3A_61 = arith.cmpi ne, %select_n3A_7, %ne3A_60 : i32
    %convert_element_type3A_62 = arith.extui %ne3A_61 : i1 to i32
    %cond3A_63 = arith.constant 0 : i32
    %cond3A_64 = arith.cmpi ne, %convert_element_type3A_62, %cond3A_63 : i32
    scf.if %cond3A_64 {
      %dma_start3A_65 = arith.constant 0 : i32
      %dma_start3A_66 = arith.constant 0 : i32
      %dma_start3A_67 = arith.constant 0 : i32
      %dma_start3A_68 = tpu.memref_slice %arg10[%dma_start3A_65, %dma_start3A_66, %dma_start3A_67] : memref<4x128x128xf32, #tpu.memory_space<vmem>> -> memref<1x128x128xf32, #tpu.memory_space<vmem>>
      %dma_start3A_69 = tpu.memref_squeeze %dma_start3A_68 : memref<1x128x128xf32, #tpu.memory_space<vmem>> -> memref<128x128xf32, #tpu.memory_space<vmem>>
      %dma_start3A_70 = arith.constant 0 : i32
      %dma_start3A_71 = tpu.memref_slice %arg9[%dma_start3A_70] : memref<4112xi32, #tpu.memory_space<vmem>> -> memref<128xi32, #tpu.memory_space<vmem>>
      %dma_start3A_72 = arith.constant 0 : i32
      %dma_start3A_73 = arith.constant 0 : i32
      %dma_start3A_74 = tpu.memref_slice %arg11[%dma_start3A_72, %dma_start3A_73] : memref<4096x128xf32, #tpu.memory_space<vmem_shared>> -> memref<4096x128xf32, #tpu.memory_space<vmem_shared>>
      tpu.enqueue_indirect_dma source(%dma_start3A_74 : memref<4096x128xf32, #tpu.memory_space<vmem_shared>>) target(%dma_start3A_69 : memref<128x128xf32, #tpu.memory_space<vmem>>) offsets(%dma_start3A_71 : memref<128xi32, #tpu.memory_space<vmem>>) semaphore(%arg12 : memref<!tpu.dma_semaphore, #tpu.memory_space<semaphore_mem>>)
      %dma_start3A_75 = arith.constant 1 : i32
      %dma_start3A_76 = arith.constant 0 : i32
      %dma_start3A_77 = arith.constant 0 : i32
      %dma_start3A_78 = tpu.memref_slice %arg10[%dma_start3A_75, %dma_start3A_76, %dma_start3A_77] : memref<4x128x128xf32, #tpu.memory_space<vmem>> -> memref<1x128x128xf32, #tpu.memory_space<vmem>>
      %dma_start3A_79 = tpu.memref_squeeze %dma_start3A_78 : memref<1x128x128xf32, #tpu.memory_space<vmem>> -> memref<128x128xf32, #tpu.memory_space<vmem>>
      %dma_start3A_80 = arith.constant 128 : i32
      %dma_start3A_81 = tpu.memref_slice %arg9[%dma_start3A_80] : memref<4112xi32, #tpu.memory_space<vmem>> -> memref<128xi32, #tpu.memory_space<vmem>>
      %dma_start3A_82 = arith.constant 0 : i32
      %dma_start3A_83 = arith.constant 0 : i32
      %dma_start3A_84 = tpu.memref_slice %arg11[%dma_start3A_82, %dma_start3A_83] : memref<4096x128xf32, #tpu.memory_space<vmem_shared>> -> memref<4096x128xf32, #tpu.memory_space<vmem_shared>>
      tpu.enqueue_indirect_dma source(%dma_start3A_84 : memref<4096x128xf32, #tpu.memory_space<vmem_shared>>) target(%dma_start3A_79 : memref<128x128xf32, #tpu.memory_space<vmem>>) offsets(%dma_start3A_81 : memref<128xi32, #tpu.memory_space<vmem>>) semaphore(%arg13 : memref<!tpu.dma_semaphore, #tpu.memory_space<semaphore_mem>>)
      %dma_start3A_85 = arith.constant 2 : i32
      %dma_start3A_86 = arith.constant 0 : i32
      %dma_start3A_87 = arith.constant 0 : i32
      %dma_start3A_88 = tpu.memref_slice %arg10[%dma_start3A_85, %dma_start3A_86, %dma_start3A_87] : memref<4x128x128xf32, #tpu.memory_space<vmem>> -> memref<1x128x128xf32, #tpu.memory_space<vmem>>
      %dma_start3A_89 = tpu.memref_squeeze %dma_start3A_88 : memref<1x128x128xf32, #tpu.memory_space<vmem>> -> memref<128x128xf32, #tpu.memory_space<vmem>>
      %dma_start3A_90 = arith.constant 256 : i32
      %dma_start3A_91 = tpu.memref_slice %arg9[%dma_start3A_90] : memref<4112xi32, #tpu.memory_space<vmem>> -> memref<128xi32, #tpu.memory_space<vmem>>
      %dma_start3A_92 = arith.constant 0 : i32
      %dma_start3A_93 = arith.constant 0 : i32
      %dma_start3A_94 = tpu.memref_slice %arg11[%dma_start3A_92, %dma_start3A_93] : memref<4096x128xf32, #tpu.memory_space<vmem_shared>> -> memref<4096x128xf32, #tpu.memory_space<vmem_shared>>
      tpu.enqueue_indirect_dma source(%dma_start3A_94 : memref<4096x128xf32, #tpu.memory_space<vmem_shared>>) target(%dma_start3A_89 : memref<128x128xf32, #tpu.memory_space<vmem>>) offsets(%dma_start3A_91 : memref<128xi32, #tpu.memory_space<vmem>>) semaphore(%arg14 : memref<!tpu.dma_semaphore, #tpu.memory_space<semaphore_mem>>)
      %dma_wait3A_95 = arith.constant 0 : i32
      %dma_wait3A_96 = arith.constant 0 : i32
      %dma_wait3A_97 = arith.constant 0 : i32
      %dma_wait3A_98 = tpu.memref_slice %arg10[%dma_wait3A_95, %dma_wait3A_96, %dma_wait3A_97] : memref<4x128x128xf32, #tpu.memory_space<vmem>> -> memref<1x128x128xf32, #tpu.memory_space<vmem>>
      %dma_wait3A_99 = tpu.memref_squeeze %dma_wait3A_98 : memref<1x128x128xf32, #tpu.memory_space<vmem>> -> memref<128x128xf32, #tpu.memory_space<vmem>>
      %dma_wait3A_100 = arith.constant 0 : i32
      %dma_wait3A_101 = tpu.memref_slice %arg9[%dma_wait3A_100] : memref<4112xi32, #tpu.memory_space<vmem>> -> memref<128xi32, #tpu.memory_space<vmem>>
      %dma_wait3A_102 = arith.constant 0 : i32
      %dma_wait3A_103 = arith.constant 0 : i32
      %dma_wait3A_104 = tpu.memref_slice %arg11[%dma_wait3A_102, %dma_wait3A_103] : memref<4096x128xf32, #tpu.memory_space<vmem_shared>> -> memref<4096x128xf32, #tpu.memory_space<vmem_shared>>
      tpu.wait_indirect_dma semaphore(%arg12 : memref<!tpu.dma_semaphore, #tpu.memory_space<semaphore_mem>>) src(%dma_wait3A_104 : memref<4096x128xf32, #tpu.memory_space<vmem_shared>>) dst(%dma_wait3A_99 : memref<128x128xf32, #tpu.memory_space<vmem>>)
      %dma_start3A_105 = arith.constant 0 : i32
      %dma_start3A_106 = arith.constant 2 : i32
      %dma_start3A_107 = arith.constant 0 : i32
      %dma_start3A_108 = arith.constant 0 : i32
      %dma_start3A_109 = tpu.memref_slice %arg10[%dma_start3A_105, %dma_start3A_107, %dma_start3A_108] : memref<4x128x128xf32, #tpu.memory_space<vmem>> -> memref<1x128x128xf32, #tpu.memory_space<vmem>>
      %dma_start3A_110 = tpu.memref_squeeze %dma_start3A_109 : memref<1x128x128xf32, #tpu.memory_space<vmem>> -> memref<128x128xf32, #tpu.memory_space<vmem>>
      %dma_start3A_111 = arith.constant 0 : i32
      %dma_start3A_112 = tpu.memref_slice %arg8[%dma_start3A_106, %dma_start3A_111] : memref<8x128xi32, #tpu.memory_space<vmem>> -> memref<1x128xi32, #tpu.memory_space<vmem>>
      %dma_start3A_113 = tpu.memref_squeeze %dma_start3A_112 : memref<1x128xi32, #tpu.memory_space<vmem>> -> memref<128xi32, #tpu.memory_space<vmem>>
      %dma_start3A_114 = arith.constant 0 : i32
      %dma_start3A_115 = arith.constant 0 : i32
      %dma_start3A_116 = tpu.memref_slice %arg6[%add3A_30, %dma_start3A_114, %dma_start3A_115] : memref<16x5120x128xf32, #tpu.memory_space<hbm>> -> memref<1x640x128xf32, #tpu.memory_space<hbm>>
      %dma_start3A_117 = tpu.memref_squeeze %dma_start3A_116 : memref<1x640x128xf32, #tpu.memory_space<hbm>> -> memref<640x128xf32, #tpu.memory_space<hbm>>
      %dma_start3A_118 = arith.constant 0 : i32
      %dma_start3A_119 = arith.constant 0 : i32
      %dma_start3A_120 = tpu.memref_slice %dma_start3A_117[%dma_start3A_118, %dma_start3A_119] : memref<640x128xf32, #tpu.memory_space<hbm>> -> memref<640x128xf32, #tpu.memory_space<hbm>>
      tpu.enqueue_indirect_dma source(%dma_start3A_110 : memref<128x128xf32, #tpu.memory_space<vmem>>) target(%dma_start3A_120 : memref<640x128xf32, #tpu.memory_space<hbm>>) offsets(%dma_start3A_113 : memref<128xi32, #tpu.memory_space<vmem>>) semaphore(%arg16 : memref<!tpu.dma_semaphore, #tpu.memory_space<semaphore_mem>>)
      %dma_start3A_121 = arith.constant 0 : i32
      %dma_start3A_122 = arith.constant 3 : i32
      %dma_start3A_123 = arith.constant 0 : i32
      %dma_start3A_124 = arith.constant 0 : i32
      %dma_start3A_125 = tpu.memref_slice %arg10[%dma_start3A_121, %dma_start3A_123, %dma_start3A_124] : memref<4x128x128xf32, #tpu.memory_space<vmem>> -> memref<1x128x128xf32, #tpu.memory_space<vmem>>
      %dma_start3A_126 = tpu.memref_squeeze %dma_start3A_125 : memref<1x128x128xf32, #tpu.memory_space<vmem>> -> memref<128x128xf32, #tpu.memory_space<vmem>>
      %dma_start3A_127 = arith.constant 0 : i32
      %dma_start3A_128 = tpu.memref_slice %arg8[%dma_start3A_122, %dma_start3A_127] : memref<8x128xi32, #tpu.memory_space<vmem>> -> memref<1x128xi32, #tpu.memory_space<vmem>>
      %dma_start3A_129 = tpu.memref_squeeze %dma_start3A_128 : memref<1x128xi32, #tpu.memory_space<vmem>> -> memref<128xi32, #tpu.memory_space<vmem>>
      %dma_start3A_130 = arith.constant 0 : i32
      %dma_start3A_131 = arith.constant 0 : i32
      %dma_start3A_132 = tpu.memref_slice %arg6[%add3A_30, %dma_start3A_130, %dma_start3A_131] : memref<16x5120x128xf32, #tpu.memory_space<hbm>> -> memref<1x640x128xf32, #tpu.memory_space<hbm>>
      %dma_start3A_133 = tpu.memref_squeeze %dma_start3A_132 : memref<1x640x128xf32, #tpu.memory_space<hbm>> -> memref<640x128xf32, #tpu.memory_space<hbm>>
      %dma_start3A_134 = arith.constant 0 : i32
      %dma_start3A_135 = arith.constant 0 : i32
      %dma_start3A_136 = tpu.memref_slice %dma_start3A_133[%dma_start3A_134, %dma_start3A_135] : memref<640x128xf32, #tpu.memory_space<hbm>> -> memref<640x128xf32, #tpu.memory_space<hbm>>
      tpu.enqueue_indirect_dma source(%dma_start3A_126 : memref<128x128xf32, #tpu.memory_space<vmem>>) target(%dma_start3A_136 : memref<640x128xf32, #tpu.memory_space<hbm>>) offsets(%dma_start3A_129 : memref<128xi32, #tpu.memory_space<vmem>>) semaphore(%arg16 : memref<!tpu.dma_semaphore, #tpu.memory_space<semaphore_mem>>)
      %dma_start3A_137 = arith.constant 0 : i32
      %dma_start3A_138 = arith.constant 4 : i32
      %dma_start3A_139 = arith.constant 0 : i32
      %dma_start3A_140 = arith.constant 0 : i32
      %dma_start3A_141 = tpu.memref_slice %arg10[%dma_start3A_137, %dma_start3A_139, %dma_start3A_140] : memref<4x128x128xf32, #tpu.memory_space<vmem>> -> memref<1x128x128xf32, #tpu.memory_space<vmem>>
      %dma_start3A_142 = tpu.memref_squeeze %dma_start3A_141 : memref<1x128x128xf32, #tpu.memory_space<vmem>> -> memref<128x128xf32, #tpu.memory_space<vmem>>
      %dma_start3A_143 = arith.constant 0 : i32
      %dma_start3A_144 = tpu.memref_slice %arg8[%dma_start3A_138, %dma_start3A_143] : memref<8x128xi32, #tpu.memory_space<vmem>> -> memref<1x128xi32, #tpu.memory_space<vmem>>
      %dma_start3A_145 = tpu.memref_squeeze %dma_start3A_144 : memref<1x128xi32, #tpu.memory_space<vmem>> -> memref<128xi32, #tpu.memory_space<vmem>>
      %dma_start3A_146 = arith.constant 0 : i32
      %dma_start3A_147 = arith.constant 0 : i32
      %dma_start3A_148 = tpu.memref_slice %arg6[%add3A_30, %dma_start3A_146, %dma_start3A_147] : memref<16x5120x128xf32, #tpu.memory_space<hbm>> -> memref<1x640x128xf32, #tpu.memory_space<hbm>>
      %dma_start3A_149 = tpu.memref_squeeze %dma_start3A_148 : memref<1x640x128xf32, #tpu.memory_space<hbm>> -> memref<640x128xf32, #tpu.memory_space<hbm>>
      %dma_start3A_150 = arith.constant 0 : i32
      %dma_start3A_151 = arith.constant 0 : i32
      %dma_start3A_152 = tpu.memref_slice %dma_start3A_149[%dma_start3A_150, %dma_start3A_151] : memref<640x128xf32, #tpu.memory_space<hbm>> -> memref<640x128xf32, #tpu.memory_space<hbm>>
      tpu.enqueue_indirect_dma source(%dma_start3A_142 : memref<128x128xf32, #tpu.memory_space<vmem>>) target(%dma_start3A_152 : memref<640x128xf32, #tpu.memory_space<hbm>>) offsets(%dma_start3A_145 : memref<128xi32, #tpu.memory_space<vmem>>) semaphore(%arg16 : memref<!tpu.dma_semaphore, #tpu.memory_space<semaphore_mem>>)
      %dma_start3A_153 = arith.constant 0 : i32
      %dma_start3A_154 = arith.constant 5 : i32
      %dma_start3A_155 = arith.constant 0 : i32
      %dma_start3A_156 = arith.constant 0 : i32
      %dma_start3A_157 = tpu.memref_slice %arg10[%dma_start3A_153, %dma_start3A_155, %dma_start3A_156] : memref<4x128x128xf32, #tpu.memory_space<vmem>> -> memref<1x128x128xf32, #tpu.memory_space<vmem>>
      %dma_start3A_158 = tpu.memref_squeeze %dma_start3A_157 : memref<1x128x128xf32, #tpu.memory_space<vmem>> -> memref<128x128xf32, #tpu.memory_space<vmem>>
      %dma_start3A_159 = arith.constant 0 : i32
      %dma_start3A_160 = tpu.memref_slice %arg8[%dma_start3A_154, %dma_start3A_159] : memref<8x128xi32, #tpu.memory_space<vmem>> -> memref<1x128xi32, #tpu.memory_space<vmem>>
      %dma_start3A_161 = tpu.memref_squeeze %dma_start3A_160 : memref<1x128xi32, #tpu.memory_space<vmem>> -> memref<128xi32, #tpu.memory_space<vmem>>
      %dma_start3A_162 = arith.constant 0 : i32
      %dma_start3A_163 = arith.constant 0 : i32
      %dma_start3A_164 = tpu.memref_slice %arg6[%add3A_30, %dma_start3A_162, %dma_start3A_163] : memref<16x5120x128xf32, #tpu.memory_space<hbm>> -> memref<1x640x128xf32, #tpu.memory_space<hbm>>
      %dma_start3A_165 = tpu.memref_squeeze %dma_start3A_164 : memref<1x640x128xf32, #tpu.memory_space<hbm>> -> memref<640x128xf32, #tpu.memory_space<hbm>>
      %dma_start3A_166 = arith.constant 0 : i32
      %dma_start3A_167 = arith.constant 0 : i32
      %dma_start3A_168 = tpu.memref_slice %dma_start3A_165[%dma_start3A_166, %dma_start3A_167] : memref<640x128xf32, #tpu.memory_space<hbm>> -> memref<640x128xf32, #tpu.memory_space<hbm>>
      tpu.enqueue_indirect_dma source(%dma_start3A_158 : memref<128x128xf32, #tpu.memory_space<vmem>>) target(%dma_start3A_168 : memref<640x128xf32, #tpu.memory_space<hbm>>) offsets(%dma_start3A_161 : memref<128xi32, #tpu.memory_space<vmem>>) semaphore(%arg16 : memref<!tpu.dma_semaphore, #tpu.memory_space<semaphore_mem>>)
      %dma_start3A_169 = arith.constant 0 : i32
      %dma_start3A_170 = arith.constant 6 : i32
      %dma_start3A_171 = arith.constant 0 : i32
      %dma_start3A_172 = arith.constant 0 : i32
      %dma_start3A_173 = tpu.memref_slice %arg10[%dma_start3A_169, %dma_start3A_171, %dma_start3A_172] : memref<4x128x128xf32, #tpu.memory_space<vmem>> -> memref<1x128x128xf32, #tpu.memory_space<vmem>>
      %dma_start3A_174 = tpu.memref_squeeze %dma_start3A_173 : memref<1x128x128xf32, #tpu.memory_space<vmem>> -> memref<128x128xf32, #tpu.memory_space<vmem>>
      %dma_start3A_175 = arith.constant 0 : i32
      %dma_start3A_176 = tpu.memref_slice %arg8[%dma_start3A_170, %dma_start3A_175] : memref<8x128xi32, #tpu.memory_space<vmem>> -> memref<1x128xi32, #tpu.memory_space<vmem>>
      %dma_start3A_177 = tpu.memref_squeeze %dma_start3A_176 : memref<1x128xi32, #tpu.memory_space<vmem>> -> memref<128xi32, #tpu.memory_space<vmem>>
      %dma_start3A_178 = arith.constant 0 : i32
      %dma_start3A_179 = arith.constant 0 : i32
      %dma_start3A_180 = tpu.memref_slice %arg6[%add3A_30, %dma_start3A_178, %dma_start3A_179] : memref<16x5120x128xf32, #tpu.memory_space<hbm>> -> memref<1x640x128xf32, #tpu.memory_space<hbm>>
      %dma_start3A_181 = tpu.memref_squeeze %dma_start3A_180 : memref<1x640x128xf32, #tpu.memory_space<hbm>> -> memref<640x128xf32, #tpu.memory_space<hbm>>
      %dma_start3A_182 = arith.constant 0 : i32
      %dma_start3A_183 = arith.constant 0 : i32
      %dma_start3A_184 = tpu.memref_slice %dma_start3A_181[%dma_start3A_182, %dma_start3A_183] : memref<640x128xf32, #tpu.memory_space<hbm>> -> memref<640x128xf32, #tpu.memory_space<hbm>>
      tpu.enqueue_indirect_dma source(%dma_start3A_174 : memref<128x128xf32, #tpu.memory_space<vmem>>) target(%dma_start3A_184 : memref<640x128xf32, #tpu.memory_space<hbm>>) offsets(%dma_start3A_177 : memref<128xi32, #tpu.memory_space<vmem>>) semaphore(%arg16 : memref<!tpu.dma_semaphore, #tpu.memory_space<semaphore_mem>>)
      %dma_start3A_185 = arith.constant 3 : i32
      %dma_start3A_186 = arith.constant 0 : i32
      %dma_start3A_187 = arith.constant 0 : i32
      %dma_start3A_188 = tpu.memref_slice %arg10[%dma_start3A_185, %dma_start3A_186, %dma_start3A_187] : memref<4x128x128xf32, #tpu.memory_space<vmem>> -> memref<1x128x128xf32, #tpu.memory_space<vmem>>
      %dma_start3A_189 = tpu.memref_squeeze %dma_start3A_188 : memref<1x128x128xf32, #tpu.memory_space<vmem>> -> memref<128x128xf32, #tpu.memory_space<vmem>>
      %dma_start3A_190 = arith.constant 384 : i32
      %dma_start3A_191 = tpu.memref_slice %arg9[%dma_start3A_190] : memref<4112xi32, #tpu.memory_space<vmem>> -> memref<128xi32, #tpu.memory_space<vmem>>
      %dma_start3A_192 = arith.constant 0 : i32
      %dma_start3A_193 = arith.constant 0 : i32
      %dma_start3A_194 = tpu.memref_slice %arg11[%dma_start3A_192, %dma_start3A_193] : memref<4096x128xf32, #tpu.memory_space<vmem_shared>> -> memref<4096x128xf32, #tpu.memory_space<vmem_shared>>
      tpu.enqueue_indirect_dma source(%dma_start3A_194 : memref<4096x128xf32, #tpu.memory_space<vmem_shared>>) target(%dma_start3A_189 : memref<128x128xf32, #tpu.memory_space<vmem>>) offsets(%dma_start3A_191 : memref<128xi32, #tpu.memory_space<vmem>>) semaphore(%arg15 : memref<!tpu.dma_semaphore, #tpu.memory_space<semaphore_mem>>)
      %scan3A_195 = arith.constant 0 : i32
      %scan3A_196 = arith.constant 0 : i32
      %mul3A_197 = arith.constant 4 : i32
      %mul3A_198 = arith.muli %mul3A_197, %scan3A_196 : i32
      %add3A_199 = arith.constant 1 : i32
      %add3A_200 = arith.addi %mul3A_198, %add3A_199 : i32
      %add3A_201 = arith.constant 0 : i32
      %add3A_202 = arith.addi %add3A_200, %add3A_201 : i32
      %mul3A_203 = arith.constant 128 : i32
      %mul3A_204 = arith.muli %add3A_202, %mul3A_203 : i32
      %dma_wait3A_205 = arith.constant 1 : i32
      %dma_wait3A_206 = arith.constant 0 : i32
      %dma_wait3A_207 = arith.constant 0 : i32
      %dma_wait3A_208 = tpu.memref_slice %arg10[%dma_wait3A_205, %dma_wait3A_206, %dma_wait3A_207] : memref<4x128x128xf32, #tpu.memory_space<vmem>> -> memref<1x128x128xf32, #tpu.memory_space<vmem>>
      %dma_wait3A_209 = tpu.memref_squeeze %dma_wait3A_208 : memref<1x128x128xf32, #tpu.memory_space<vmem>> -> memref<128x128xf32, #tpu.memory_space<vmem>>
      %dma_wait3A_210 = tpu.memref_slice %arg9[%mul3A_204] : memref<4112xi32, #tpu.memory_space<vmem>> -> memref<128xi32, #tpu.memory_space<vmem>>
      %dma_wait3A_211 = arith.constant 0 : i32
      %dma_wait3A_212 = arith.constant 0 : i32
      %dma_wait3A_213 = tpu.memref_slice %arg11[%dma_wait3A_211, %dma_wait3A_212] : memref<4096x128xf32, #tpu.memory_space<vmem_shared>> -> memref<4096x128xf32, #tpu.memory_space<vmem_shared>>
      tpu.wait_indirect_dma semaphore(%arg13 : memref<!tpu.dma_semaphore, #tpu.memory_space<semaphore_mem>>) src(%dma_wait3A_213 : memref<4096x128xf32, #tpu.memory_space<vmem_shared>>) dst(%dma_wait3A_209 : memref<128x128xf32, #tpu.memory_space<vmem>>)
      %mul3A_214 = arith.constant 5 : i32
      %mul3A_215 = arith.muli %add3A_202, %mul3A_214 : i32
      %mul3A_216 = arith.constant 128 : i32
      %mul3A_217 = arith.muli %mul3A_215, %mul3A_216 : i32
      %dma_start3A_218 = arith.constant 1 : i32
      %dma_start3A_219 = arith.constant 2 : i32
      %dma_start3A_220 = arith.constant 0 : i32
      %dma_start3A_221 = arith.constant 0 : i32
      %dma_start3A_222 = tpu.memref_slice %arg10[%dma_start3A_218, %dma_start3A_220, %dma_start3A_221] : memref<4x128x128xf32, #tpu.memory_space<vmem>> -> memref<1x128x128xf32, #tpu.memory_space<vmem>>
      %dma_start3A_223 = tpu.memref_squeeze %dma_start3A_222 : memref<1x128x128xf32, #tpu.memory_space<vmem>> -> memref<128x128xf32, #tpu.memory_space<vmem>>
      %dma_start3A_224 = arith.constant 0 : i32
      %dma_start3A_225 = tpu.memref_slice %arg8[%dma_start3A_219, %dma_start3A_224] : memref<8x128xi32, #tpu.memory_space<vmem>> -> memref<1x128xi32, #tpu.memory_space<vmem>>
      %dma_start3A_226 = tpu.memref_squeeze %dma_start3A_225 : memref<1x128xi32, #tpu.memory_space<vmem>> -> memref<128xi32, #tpu.memory_space<vmem>>
      %dma_start3A_227 = arith.constant 0 : i32
      %dma_start3A_228 = tpu.memref_slice %arg6[%add3A_30, %mul3A_217, %dma_start3A_227] : memref<16x5120x128xf32, #tpu.memory_space<hbm>> -> memref<1x640x128xf32, #tpu.memory_space<hbm>>
      %dma_start3A_229 = tpu.memref_squeeze %dma_start3A_228 : memref<1x640x128xf32, #tpu.memory_space<hbm>> -> memref<640x128xf32, #tpu.memory_space<hbm>>
      %dma_start3A_230 = arith.constant 0 : i32
      %dma_start3A_231 = arith.constant 0 : i32
      %dma_start3A_232 = tpu.memref_slice %dma_start3A_229[%dma_start3A_230, %dma_start3A_231] : memref<640x128xf32, #tpu.memory_space<hbm>> -> memref<640x128xf32, #tpu.memory_space<hbm>>
      tpu.enqueue_indirect_dma source(%dma_start3A_223 : memref<128x128xf32, #tpu.memory_space<vmem>>) target(%dma_start3A_232 : memref<640x128xf32, #tpu.memory_space<hbm>>) offsets(%dma_start3A_226 : memref<128xi32, #tpu.memory_space<vmem>>) semaphore(%arg17 : memref<!tpu.dma_semaphore, #tpu.memory_space<semaphore_mem>>)
      %mul3A_233 = arith.constant 5 : i32
      %mul3A_234 = arith.muli %add3A_202, %mul3A_233 : i32
      %mul3A_235 = arith.constant 128 : i32
      %mul3A_236 = arith.muli %mul3A_234, %mul3A_235 : i32
      %dma_start3A_237 = arith.constant 1 : i32
      %dma_start3A_238 = arith.constant 3 : i32
      %dma_start3A_239 = arith.constant 0 : i32
      %dma_start3A_240 = arith.constant 0 : i32
      %dma_start3A_241 = tpu.memref_slice %arg10[%dma_start3A_237, %dma_start3A_239, %dma_start3A_240] : memref<4x128x128xf32, #tpu.memory_space<vmem>> -> memref<1x128x128xf32, #tpu.memory_space<vmem>>
      %dma_start3A_242 = tpu.memref_squeeze %dma_start3A_241 : memref<1x128x128xf32, #tpu.memory_space<vmem>> -> memref<128x128xf32, #tpu.memory_space<vmem>>
      %dma_start3A_243 = arith.constant 0 : i32
      %dma_start3A_244 = tpu.memref_slice %arg8[%dma_start3A_238, %dma_start3A_243] : memref<8x128xi32, #tpu.memory_space<vmem>> -> memref<1x128xi32, #tpu.memory_space<vmem>>
      %dma_start3A_245 = tpu.memref_squeeze %dma_start3A_244 : memref<1x128xi32, #tpu.memory_space<vmem>> -> memref<128xi32, #tpu.memory_space<vmem>>
      %dma_start3A_246 = arith.constant 0 : i32
      %dma_start3A_247 = tpu.memref_slice %arg6[%add3A_30, %mul3A_236, %dma_start3A_246] : memref<16x5120x128xf32, #tpu.memory_space<hbm>> -> memref<1x640x128xf32, #tpu.memory_space<hbm>>
      %dma_start3A_248 = tpu.memref_squeeze %dma_start3A_247 : memref<1x640x128xf32, #tpu.memory_space<hbm>> -> memref<640x128xf32, #tpu.memory_space<hbm>>
      %dma_start3A_249 = arith.constant 0 : i32
      %dma_start3A_250 = arith.constant 0 : i32
      %dma_start3A_251 = tpu.memref_slice %dma_start3A_248[%dma_start3A_249, %dma_start3A_250] : memref<640x128xf32, #tpu.memory_space<hbm>> -> memref<640x128xf32, #tpu.memory_space<hbm>>
      tpu.enqueue_indirect_dma source(%dma_start3A_242 : memref<128x128xf32, #tpu.memory_space<vmem>>) target(%dma_start3A_251 : memref<640x128xf32, #tpu.memory_space<hbm>>) offsets(%dma_start3A_245 : memref<128xi32, #tpu.memory_space<vmem>>) semaphore(%arg17 : memref<!tpu.dma_semaphore, #tpu.memory_space<semaphore_mem>>)
      %mul3A_252 = arith.constant 5 : i32
      %mul3A_253 = arith.muli %add3A_202, %mul3A_252 : i32
      %mul3A_254 = arith.constant 128 : i32
      %mul3A_255 = arith.muli %mul3A_253, %mul3A_254 : i32
      %dma_start3A_256 = arith.constant 1 : i32
      %dma_start3A_257 = arith.constant 4 : i32
      %dma_start3A_258 = arith.constant 0 : i32
      %dma_start3A_259 = arith.constant 0 : i32
      %dma_start3A_260 = tpu.memref_slice %arg10[%dma_start3A_256, %dma_start3A_258, %dma_start3A_259] : memref<4x128x128xf32, #tpu.memory_space<vmem>> -> memref<1x128x128xf32, #tpu.memory_space<vmem>>
      %dma_start3A_261 = tpu.memref_squeeze %dma_start3A_260 : memref<1x128x128xf32, #tpu.memory_space<vmem>> -> memref<128x128xf32, #tpu.memory_space<vmem>>
      %dma_start3A_262 = arith.constant 0 : i32
      %dma_start3A_263 = tpu.memref_slice %arg8[%dma_start3A_257, %dma_start3A_262] : memref<8x128xi32, #tpu.memory_space<vmem>> -> memref<1x128xi32, #tpu.memory_space<vmem>>
      %dma_start3A_264 = tpu.memref_squeeze %dma_start3A_263 : memref<1x128xi32, #tpu.memory_space<vmem>> -> memref<128xi32, #tpu.memory_space<vmem>>
      %dma_start3A_265 = arith.constant 0 : i32
      %dma_start3A_266 = tpu.memref_slice %arg6[%add3A_30, %mul3A_255, %dma_start3A_265] : memref<16x5120x128xf32, #tpu.memory_space<hbm>> -> memref<1x640x128xf32, #tpu.memory_space<hbm>>
      %dma_start3A_267 = tpu.memref_squeeze %dma_start3A_266 : memref<1x640x128xf32, #tpu.memory_space<hbm>> -> memref<640x128xf32, #tpu.memory_space<hbm>>
      %dma_start3A_268 = arith.constant 0 : i32
      %dma_start3A_269 = arith.constant 0 : i32
      %dma_start3A_270 = tpu.memref_slice %dma_start3A_267[%dma_start3A_268, %dma_start3A_269] : memref<640x128xf32, #tpu.memory_space<hbm>> -> memref<640x128xf32, #tpu.memory_space<hbm>>
      tpu.enqueue_indirect_dma source(%dma_start3A_261 : memref<128x128xf32, #tpu.memory_space<vmem>>) target(%dma_start3A_270 : memref<640x128xf32, #tpu.memory_space<hbm>>) offsets(%dma_start3A_264 : memref<128xi32, #tpu.memory_space<vmem>>) semaphore(%arg17 : memref<!tpu.dma_semaphore, #tpu.memory_space<semaphore_mem>>)
      %mul3A_271 = arith.constant 5 : i32
      %mul3A_272 = arith.muli %add3A_202, %mul3A_271 : i32
      %mul3A_273 = arith.constant 128 : i32
      %mul3A_274 = arith.muli %mul3A_272, %mul3A_273 : i32
      %dma_start3A_275 = arith.constant 1 : i32
      %dma_start3A_276 = arith.constant 5 : i32
      %dma_start3A_277 = arith.constant 0 : i32
      %dma_start3A_278 = arith.constant 0 : i32
      %dma_start3A_279 = tpu.memref_slice %arg10[%dma_start3A_275, %dma_start3A_277, %dma_start3A_278] : memref<4x128x128xf32, #tpu.memory_space<vmem>> -> memref<1x128x128xf32, #tpu.memory_space<vmem>>
      %dma_start3A_280 = tpu.memref_squeeze %dma_start3A_279 : memref<1x128x128xf32, #tpu.memory_space<vmem>> -> memref<128x128xf32, #tpu.memory_space<vmem>>
      %dma_start3A_281 = arith.constant 0 : i32
      %dma_start3A_282 = tpu.memref_slice %arg8[%dma_start3A_276, %dma_start3A_281] : memref<8x128xi32, #tpu.memory_space<vmem>> -> memref<1x128xi32, #tpu.memory_space<vmem>>
      %dma_start3A_283 = tpu.memref_squeeze %dma_start3A_282 : memref<1x128xi32, #tpu.memory_space<vmem>> -> memref<128xi32, #tpu.memory_space<vmem>>
      %dma_start3A_284 = arith.constant 0 : i32
      %dma_start3A_285 = tpu.memref_slice %arg6[%add3A_30, %mul3A_274, %dma_start3A_284] : memref<16x5120x128xf32, #tpu.memory_space<hbm>> -> memref<1x640x128xf32, #tpu.memory_space<hbm>>
      %dma_start3A_286 = tpu.memref_squeeze %dma_start3A_285 : memref<1x640x128xf32, #tpu.memory_space<hbm>> -> memref<640x128xf32, #tpu.memory_space<hbm>>
      %dma_start3A_287 = arith.constant 0 : i32
      %dma_start3A_288 = arith.constant 0 : i32
      %dma_start3A_289 = tpu.memref_slice %dma_start3A_286[%dma_start3A_287, %dma_start3A_288] : memref<640x128xf32, #tpu.memory_space<hbm>> -> memref<640x128xf32, #tpu.memory_space<hbm>>
      tpu.enqueue_indirect_dma source(%dma_start3A_280 : memref<128x128xf32, #tpu.memory_space<vmem>>) target(%dma_start3A_289 : memref<640x128xf32, #tpu.memory_space<hbm>>) offsets(%dma_start3A_283 : memref<128xi32, #tpu.memory_space<vmem>>) semaphore(%arg17 : memref<!tpu.dma_semaphore, #tpu.memory_space<semaphore_mem>>)
      %mul3A_290 = arith.constant 5 : i32
      %mul3A_291 = arith.muli %add3A_202, %mul3A_290 : i32
      %mul3A_292 = arith.constant 128 : i32
      %mul3A_293 = arith.muli %mul3A_291, %mul3A_292 : i32
      %dma_start3A_294 = arith.constant 1 : i32
      %dma_start3A_295 = arith.constant 6 : i32
      %dma_start3A_296 = arith.constant 0 : i32
      %dma_start3A_297 = arith.constant 0 : i32
      %dma_start3A_298 = tpu.memref_slice %arg10[%dma_start3A_294, %dma_start3A_296, %dma_start3A_297] : memref<4x128x128xf32, #tpu.memory_space<vmem>> -> memref<1x128x128xf32, #tpu.memory_space<vmem>>
      %dma_start3A_299 = tpu.memref_squeeze %dma_start3A_298 : memref<1x128x128xf32, #tpu.memory_space<vmem>> -> memref<128x128xf32, #tpu.memory_space<vmem>>
      %dma_start3A_300 = arith.constant 0 : i32
      %dma_start3A_301 = tpu.memref_slice %arg8[%dma_start3A_295, %dma_start3A_300] : memref<8x128xi32, #tpu.memory_space<vmem>> -> memref<1x128xi32, #tpu.memory_space<vmem>>
      %dma_start3A_302 = tpu.memref_squeeze %dma_start3A_301 : memref<1x128xi32, #tpu.memory_space<vmem>> -> memref<128xi32, #tpu.memory_space<vmem>>
      %dma_start3A_303 = arith.constant 0 : i32
      %dma_start3A_304 = tpu.memref_slice %arg6[%add3A_30, %mul3A_293, %dma_start3A_303] : memref<16x5120x128xf32, #tpu.memory_space<hbm>> -> memref<1x640x128xf32, #tpu.memory_space<hbm>>
      %dma_start3A_305 = tpu.memref_squeeze %dma_start3A_304 : memref<1x640x128xf32, #tpu.memory_space<hbm>> -> memref<640x128xf32, #tpu.memory_space<hbm>>
      %dma_start3A_306 = arith.constant 0 : i32
      %dma_start3A_307 = arith.constant 0 : i32
      %dma_start3A_308 = tpu.memref_slice %dma_start3A_305[%dma_start3A_306, %dma_start3A_307] : memref<640x128xf32, #tpu.memory_space<hbm>> -> memref<640x128xf32, #tpu.memory_space<hbm>>
      tpu.enqueue_indirect_dma source(%dma_start3A_299 : memref<128x128xf32, #tpu.memory_space<vmem>>) target(%dma_start3A_308 : memref<640x128xf32, #tpu.memory_space<hbm>>) offsets(%dma_start3A_302 : memref<128xi32, #tpu.memory_space<vmem>>) semaphore(%arg17 : memref<!tpu.dma_semaphore, #tpu.memory_space<semaphore_mem>>)
      %sub3A_309 = arith.constant 1 : i32
      %sub3A_310 = arith.subi %add3A_202, %sub3A_309 : i32
      %mul3A_311 = arith.constant 5 : i32
      %mul3A_312 = arith.muli %sub3A_310, %mul3A_311 : i32
      %mul3A_313 = arith.constant 128 : i32
      %mul3A_314 = arith.muli %mul3A_312, %mul3A_313 : i32
      %dma_wait3A_315 = arith.constant 0 : i32
      %dma_wait3A_316 = arith.constant 2 : i32
      %dma_wait3A_317 = arith.constant 0 : i32
      %dma_wait3A_318 = arith.constant 0 : i32
      %dma_wait3A_319 = tpu.memref_slice %arg10[%dma_wait3A_315, %dma_wait3A_317, %dma_wait3A_318] : memref<4x128x128xf32, #tpu.memory_space<vmem>> -> memref<1x128x128xf32, #tpu.memory_space<vmem>>
      %dma_wait3A_320 = tpu.memref_squeeze %dma_wait3A_319 : memref<1x128x128xf32, #tpu.memory_space<vmem>> -> memref<128x128xf32, #tpu.memory_space<vmem>>
      %dma_wait3A_321 = arith.constant 0 : i32
      %dma_wait3A_322 = tpu.memref_slice %arg8[%dma_wait3A_316, %dma_wait3A_321] : memref<8x128xi32, #tpu.memory_space<vmem>> -> memref<1x128xi32, #tpu.memory_space<vmem>>
      %dma_wait3A_323 = tpu.memref_squeeze %dma_wait3A_322 : memref<1x128xi32, #tpu.memory_space<vmem>> -> memref<128xi32, #tpu.memory_space<vmem>>
      %dma_wait3A_324 = arith.constant 0 : i32
      %dma_wait3A_325 = tpu.memref_slice %arg6[%add3A_30, %mul3A_314, %dma_wait3A_324] : memref<16x5120x128xf32, #tpu.memory_space<hbm>> -> memref<1x640x128xf32, #tpu.memory_space<hbm>>
      %dma_wait3A_326 = tpu.memref_squeeze %dma_wait3A_325 : memref<1x640x128xf32, #tpu.memory_space<hbm>> -> memref<640x128xf32, #tpu.memory_space<hbm>>
      %dma_wait3A_327 = arith.constant 0 : i32
      %dma_wait3A_328 = arith.constant 0 : i32
      %dma_wait3A_329 = tpu.memref_slice %dma_wait3A_326[%dma_wait3A_327, %dma_wait3A_328] : memref<640x128xf32, #tpu.memory_space<hbm>> -> memref<640x128xf32, #tpu.memory_space<hbm>>
      tpu.wait_indirect_dma semaphore(%arg16 : memref<!tpu.dma_semaphore, #tpu.memory_space<semaphore_mem>>) src(%dma_wait3A_320 : memref<128x128xf32, #tpu.memory_space<vmem>>) dst(%dma_wait3A_329 : memref<640x128xf32, #tpu.memory_space<hbm>>)
      %mul3A_330 = arith.constant 5 : i32
      %mul3A_331 = arith.muli %sub3A_310, %mul3A_330 : i32
      %mul3A_332 = arith.constant 128 : i32
      %mul3A_333 = arith.muli %mul3A_331, %mul3A_332 : i32
      %dma_wait3A_334 = arith.constant 0 : i32
      %dma_wait3A_335 = arith.constant 3 : i32
      %dma_wait3A_336 = arith.constant 0 : i32
      %dma_wait3A_337 = arith.constant 0 : i32
      %dma_wait3A_338 = tpu.memref_slice %arg10[%dma_wait3A_334, %dma_wait3A_336, %dma_wait3A_337] : memref<4x128x128xf32, #tpu.memory_space<vmem>> -> memref<1x128x128xf32, #tpu.memory_space<vmem>>
      %dma_wait3A_339 = tpu.memref_squeeze %dma_wait3A_338 : memref<1x128x128xf32, #tpu.memory_space<vmem>> -> memref<128x128xf32, #tpu.memory_space<vmem>>
      %dma_wait3A_340 = arith.constant 0 : i32
      %dma_wait3A_341 = tpu.memref_slice %arg8[%dma_wait3A_335, %dma_wait3A_340] : memref<8x128xi32, #tpu.memory_space<vmem>> -> memref<1x128xi32, #tpu.memory_space<vmem>>
      %dma_wait3A_342 = tpu.memref_squeeze %dma_wait3A_341 : memref<1x128xi32, #tpu.memory_space<vmem>> -> memref<128xi32, #tpu.memory_space<vmem>>
      %dma_wait3A_343 = arith.constant 0 : i32
      %dma_wait3A_344 = tpu.memref_slice %arg6[%add3A_30, %mul3A_333, %dma_wait3A_343] : memref<16x5120x128xf32, #tpu.memory_space<hbm>> -> memref<1x640x128xf32, #tpu.memory_space<hbm>>
      %dma_wait3A_345 = tpu.memref_squeeze %dma_wait3A_344 : memref<1x640x128xf32, #tpu.memory_space<hbm>> -> memref<640x128xf32, #tpu.memory_space<hbm>>
      %dma_wait3A_346 = arith.constant 0 : i32
      %dma_wait3A_347 = arith.constant 0 : i32
      %dma_wait3A_348 = tpu.memref_slice %dma_wait3A_345[%dma_wait3A_346, %dma_wait3A_347] : memref<640x128xf32, #tpu.memory_space<hbm>> -> memref<640x128xf32, #tpu.memory_space<hbm>>
      tpu.wait_indirect_dma semaphore(%arg16 : memref<!tpu.dma_semaphore, #tpu.memory_space<semaphore_mem>>) src(%dma_wait3A_339 : memref<128x128xf32, #tpu.memory_space<vmem>>) dst(%dma_wait3A_348 : memref<640x128xf32, #tpu.memory_space<hbm>>)
      %mul3A_349 = arith.constant 5 : i32
      %mul3A_350 = arith.muli %sub3A_310, %mul3A_349 : i32
      %mul3A_351 = arith.constant 128 : i32
      %mul3A_352 = arith.muli %mul3A_350, %mul3A_351 : i32
      %dma_wait3A_353 = arith.constant 0 : i32
      %dma_wait3A_354 = arith.constant 4 : i32
      %dma_wait3A_355 = arith.constant 0 : i32
      %dma_wait3A_356 = arith.constant 0 : i32
      %dma_wait3A_357 = tpu.memref_slice %arg10[%dma_wait3A_353, %dma_wait3A_355, %dma_wait3A_356] : memref<4x128x128xf32, #tpu.memory_space<vmem>> -> memref<1x128x128xf32, #tpu.memory_space<vmem>>
      %dma_wait3A_358 = tpu.memref_squeeze %dma_wait3A_357 : memref<1x128x128xf32, #tpu.memory_space<vmem>> -> memref<128x128xf32, #tpu.memory_space<vmem>>
      %dma_wait3A_359 = arith.constant 0 : i32
      %dma_wait3A_360 = tpu.memref_slice %arg8[%dma_wait3A_354, %dma_wait3A_359] : memref<8x128xi32, #tpu.memory_space<vmem>> -> memref<1x128xi32, #tpu.memory_space<vmem>>
      %dma_wait3A_361 = tpu.memref_squeeze %dma_wait3A_360 : memref<1x128xi32, #tpu.memory_space<vmem>> -> memref<128xi32, #tpu.memory_space<vmem>>
      %dma_wait3A_362 = arith.constant 0 : i32
      %dma_wait3A_363 = tpu.memref_slice %arg6[%add3A_30, %mul3A_352, %dma_wait3A_362] : memref<16x5120x128xf32, #tpu.memory_space<hbm>> -> memref<1x640x128xf32, #tpu.memory_space<hbm>>
      %dma_wait3A_364 = tpu.memref_squeeze %dma_wait3A_363 : memref<1x640x128xf32, #tpu.memory_space<hbm>> -> memref<640x128xf32, #tpu.memory_space<hbm>>
      %dma_wait3A_365 = arith.constant 0 : i32
      %dma_wait3A_366 = arith.constant 0 : i32
      %dma_wait3A_367 = tpu.memref_slice %dma_wait3A_364[%dma_wait3A_365, %dma_wait3A_366] : memref<640x128xf32, #tpu.memory_space<hbm>> -> memref<640x128xf32, #tpu.memory_space<hbm>>
      tpu.wait_indirect_dma semaphore(%arg16 : memref<!tpu.dma_semaphore, #tpu.memory_space<semaphore_mem>>) src(%dma_wait3A_358 : memref<128x128xf32, #tpu.memory_space<vmem>>) dst(%dma_wait3A_367 : memref<640x128xf32, #tpu.memory_space<hbm>>)
      %mul3A_368 = arith.constant 5 : i32
      %mul3A_369 = arith.muli %sub3A_310, %mul3A_368 : i32
      %mul3A_370 = arith.constant 128 : i32
      %mul3A_371 = arith.muli %mul3A_369, %mul3A_370 : i32
      %dma_wait3A_372 = arith.constant 0 : i32
      %dma_wait3A_373 = arith.constant 5 : i32
      %dma_wait3A_374 = arith.constant 0 : i32
      %dma_wait3A_375 = arith.constant 0 : i32
      %dma_wait3A_376 = tpu.memref_slice %arg10[%dma_wait3A_372, %dma_wait3A_374, %dma_wait3A_375] : memref<4x128x128xf32, #tpu.memory_space<vmem>> -> memref<1x128x128xf32, #tpu.memory_space<vmem>>
      %dma_wait3A_377 = tpu.memref_squeeze %dma_wait3A_376 : memref<1x128x128xf32, #tpu.memory_space<vmem>> -> memref<128x128xf32, #tpu.memory_space<vmem>>
      %dma_wait3A_378 = arith.constant 0 : i32
      %dma_wait3A_379 = tpu.memref_slice %arg8[%dma_wait3A_373, %dma_wait3A_378] : memref<8x128xi32, #tpu.memory_space<vmem>> -> memref<1x128xi32, #tpu.memory_space<vmem>>
      %dma_wait3A_380 = tpu.memref_squeeze %dma_wait3A_379 : memref<1x128xi32, #tpu.memory_space<vmem>> -> memref<128xi32, #tpu.memory_space<vmem>>
      %dma_wait3A_381 = arith.constant 0 : i32
      %dma_wait3A_382 = tpu.memref_slice %arg6[%add3A_30, %mul3A_371, %dma_wait3A_381] : memref<16x5120x128xf32, #tpu.memory_space<hbm>> -> memref<1x640x128xf32, #tpu.memory_space<hbm>>
      %dma_wait3A_383 = tpu.memref_squeeze %dma_wait3A_382 : memref<1x640x128xf32, #tpu.memory_space<hbm>> -> memref<640x128xf32, #tpu.memory_space<hbm>>
      %dma_wait3A_384 = arith.constant 0 : i32
      %dma_wait3A_385 = arith.constant 0 : i32
      %dma_wait3A_386 = tpu.memref_slice %dma_wait3A_383[%dma_wait3A_384, %dma_wait3A_385] : memref<640x128xf32, #tpu.memory_space<hbm>> -> memref<640x128xf32, #tpu.memory_space<hbm>>
      tpu.wait_indirect_dma semaphore(%arg16 : memref<!tpu.dma_semaphore, #tpu.memory_space<semaphore_mem>>) src(%dma_wait3A_377 : memref<128x128xf32, #tpu.memory_space<vmem>>) dst(%dma_wait3A_386 : memref<640x128xf32, #tpu.memory_space<hbm>>)
      %mul3A_387 = arith.constant 5 : i32
      %mul3A_388 = arith.muli %sub3A_310, %mul3A_387 : i32
      %mul3A_389 = arith.constant 128 : i32
      %mul3A_390 = arith.muli %mul3A_388, %mul3A_389 : i32
      %dma_wait3A_391 = arith.constant 0 : i32
      %dma_wait3A_392 = arith.constant 6 : i32
      %dma_wait3A_393 = arith.constant 0 : i32
      %dma_wait3A_394 = arith.constant 0 : i32
      %dma_wait3A_395 = tpu.memref_slice %arg10[%dma_wait3A_391, %dma_wait3A_393, %dma_wait3A_394] : memref<4x128x128xf32, #tpu.memory_space<vmem>> -> memref<1x128x128xf32, #tpu.memory_space<vmem>>
      %dma_wait3A_396 = tpu.memref_squeeze %dma_wait3A_395 : memref<1x128x128xf32, #tpu.memory_space<vmem>> -> memref<128x128xf32, #tpu.memory_space<vmem>>
      %dma_wait3A_397 = arith.constant 0 : i32
      %dma_wait3A_398 = tpu.memref_slice %arg8[%dma_wait3A_392, %dma_wait3A_397] : memref<8x128xi32, #tpu.memory_space<vmem>> -> memref<1x128xi32, #tpu.memory_space<vmem>>
      %dma_wait3A_399 = tpu.memref_squeeze %dma_wait3A_398 : memref<1x128xi32, #tpu.memory_space<vmem>> -> memref<128xi32, #tpu.memory_space<vmem>>
      %dma_wait3A_400 = arith.constant 0 : i32
      %dma_wait3A_401 = tpu.memref_slice %arg6[%add3A_30, %mul3A_390, %dma_wait3A_400] : memref<16x5120x128xf32, #tpu.memory_space<hbm>> -> memref<1x640x128xf32, #tpu.memory_space<hbm>>
      %dma_wait3A_402 = tpu.memref_squeeze %dma_wait3A_401 : memref<1x640x128xf32, #tpu.memory_space<hbm>> -> memref<640x128xf32, #tpu.memory_space<hbm>>
      %dma_wait3A_403 = arith.constant 0 : i32
      %dma_wait3A_404 = arith.constant 0 : i32
      %dma_wait3A_405 = tpu.memref_slice %dma_wait3A_402[%dma_wait3A_403, %dma_wait3A_404] : memref<640x128xf32, #tpu.memory_space<hbm>> -> memref<640x128xf32, #tpu.memory_space<hbm>>
      tpu.wait_indirect_dma semaphore(%arg16 : memref<!tpu.dma_semaphore, #tpu.memory_space<semaphore_mem>>) src(%dma_wait3A_396 : memref<128x128xf32, #tpu.memory_space<vmem>>) dst(%dma_wait3A_405 : memref<640x128xf32, #tpu.memory_space<hbm>>)
      %add3A_406 = arith.constant 3 : i32
      %add3A_407 = arith.addi %add3A_202, %add3A_406 : i32
      %mul3A_408 = arith.constant 128 : i32
      %mul3A_409 = arith.muli %add3A_407, %mul3A_408 : i32
      %dma_start3A_410 = arith.constant 0 : i32
      %dma_start3A_411 = arith.constant 0 : i32
      %dma_start3A_412 = arith.constant 0 : i32
      %dma_start3A_413 = tpu.memref_slice %arg10[%dma_start3A_410, %dma_start3A_411, %dma_start3A_412] : memref<4x128x128xf32, #tpu.memory_space<vmem>> -> memref<1x128x128xf32, #tpu.memory_space<vmem>>
      %dma_start3A_414 = tpu.memref_squeeze %dma_start3A_413 : memref<1x128x128xf32, #tpu.memory_space<vmem>> -> memref<128x128xf32, #tpu.memory_space<vmem>>
      %dma_start3A_415 = tpu.memref_slice %arg9[%mul3A_409] : memref<4112xi32, #tpu.memory_space<vmem>> -> memref<128xi32, #tpu.memory_space<vmem>>
      %dma_start3A_416 = arith.constant 0 : i32
      %dma_start3A_417 = arith.constant 0 : i32
      %dma_start3A_418 = tpu.memref_slice %arg11[%dma_start3A_416, %dma_start3A_417] : memref<4096x128xf32, #tpu.memory_space<vmem_shared>> -> memref<4096x128xf32, #tpu.memory_space<vmem_shared>>
      tpu.enqueue_indirect_dma source(%dma_start3A_418 : memref<4096x128xf32, #tpu.memory_space<vmem_shared>>) target(%dma_start3A_414 : memref<128x128xf32, #tpu.memory_space<vmem>>) offsets(%dma_start3A_415 : memref<128xi32, #tpu.memory_space<vmem>>) semaphore(%arg12 : memref<!tpu.dma_semaphore, #tpu.memory_space<semaphore_mem>>)
      %add3A_419 = arith.constant 1 : i32
      %add3A_420 = arith.addi %add3A_200, %add3A_419 : i32
      %mul3A_421 = arith.constant 128 : i32
      %mul3A_422 = arith.muli %add3A_420, %mul3A_421 : i32
      %dma_wait3A_423 = arith.constant 2 : i32
      %dma_wait3A_424 = arith.constant 0 : i32
      %dma_wait3A_425 = arith.constant 0 : i32
      %dma_wait3A_426 = tpu.memref_slice %arg10[%dma_wait3A_423, %dma_wait3A_424, %dma_wait3A_425] : memref<4x128x128xf32, #tpu.memory_space<vmem>> -> memref<1x128x128xf32, #tpu.memory_space<vmem>>
      %dma_wait3A_427 = tpu.memref_squeeze %dma_wait3A_426 : memref<1x128x128xf32, #tpu.memory_space<vmem>> -> memref<128x128xf32, #tpu.memory_space<vmem>>
      %dma_wait3A_428 = tpu.memref_slice %arg9[%mul3A_422] : memref<4112xi32, #tpu.memory_space<vmem>> -> memref<128xi32, #tpu.memory_space<vmem>>
      %dma_wait3A_429 = arith.constant 0 : i32
      %dma_wait3A_430 = arith.constant 0 : i32
      %dma_wait3A_431 = tpu.memref_slice %arg11[%dma_wait3A_429, %dma_wait3A_430] : memref<4096x128xf32, #tpu.memory_space<vmem_shared>> -> memref<4096x128xf32, #tpu.memory_space<vmem_shared>>
      tpu.wait_indirect_dma semaphore(%arg14 : memref<!tpu.dma_semaphore, #tpu.memory_space<semaphore_mem>>) src(%dma_wait3A_431 : memref<4096x128xf32, #tpu.memory_space<vmem_shared>>) dst(%dma_wait3A_427 : memref<128x128xf32, #tpu.memory_space<vmem>>)
      %mul3A_432 = arith.constant 5 : i32
      %mul3A_433 = arith.muli %add3A_420, %mul3A_432 : i32
      %mul3A_434 = arith.constant 128 : i32
      %mul3A_435 = arith.muli %mul3A_433, %mul3A_434 : i32
      %dma_start3A_436 = arith.constant 2 : i32
      %dma_start3A_437 = arith.constant 2 : i32
      %dma_start3A_438 = arith.constant 0 : i32
      %dma_start3A_439 = arith.constant 0 : i32
      %dma_start3A_440 = tpu.memref_slice %arg10[%dma_start3A_436, %dma_start3A_438, %dma_start3A_439] : memref<4x128x128xf32, #tpu.memory_space<vmem>> -> memref<1x128x128xf32, #tpu.memory_space<vmem>>
      %dma_start3A_441 = tpu.memref_squeeze %dma_start3A_440 : memref<1x128x128xf32, #tpu.memory_space<vmem>> -> memref<128x128xf32, #tpu.memory_space<vmem>>
      %dma_start3A_442 = arith.constant 0 : i32
      %dma_start3A_443 = tpu.memref_slice %arg8[%dma_start3A_437, %dma_start3A_442] : memref<8x128xi32, #tpu.memory_space<vmem>> -> memref<1x128xi32, #tpu.memory_space<vmem>>
      %dma_start3A_444 = tpu.memref_squeeze %dma_start3A_443 : memref<1x128xi32, #tpu.memory_space<vmem>> -> memref<128xi32, #tpu.memory_space<vmem>>
      %dma_start3A_445 = arith.constant 0 : i32
      %dma_start3A_446 = tpu.memref_slice %arg6[%add3A_30, %mul3A_435, %dma_start3A_445] : memref<16x5120x128xf32, #tpu.memory_space<hbm>> -> memref<1x640x128xf32, #tpu.memory_space<hbm>>
      %dma_start3A_447 = tpu.memref_squeeze %dma_start3A_446 : memref<1x640x128xf32, #tpu.memory_space<hbm>> -> memref<640x128xf32, #tpu.memory_space<hbm>>
      %dma_start3A_448 = arith.constant 0 : i32
      %dma_start3A_449 = arith.constant 0 : i32
      %dma_start3A_450 = tpu.memref_slice %dma_start3A_447[%dma_start3A_448, %dma_start3A_449] : memref<640x128xf32, #tpu.memory_space<hbm>> -> memref<640x128xf32, #tpu.memory_space<hbm>>
      tpu.enqueue_indirect_dma source(%dma_start3A_441 : memref<128x128xf32, #tpu.memory_space<vmem>>) target(%dma_start3A_450 : memref<640x128xf32, #tpu.memory_space<hbm>>) offsets(%dma_start3A_444 : memref<128xi32, #tpu.memory_space<vmem>>) semaphore(%arg18 : memref<!tpu.dma_semaphore, #tpu.memory_space<semaphore_mem>>)
      %mul3A_451 = arith.constant 5 : i32
      %mul3A_452 = arith.muli %add3A_420, %mul3A_451 : i32
      %mul3A_453 = arith.constant 128 : i32
      %mul3A_454 = arith.muli %mul3A_452, %mul3A_453 : i32
      %dma_start3A_455 = arith.constant 2 : i32
      %dma_start3A_456 = arith.constant 3 : i32
      %dma_start3A_457 = arith.constant 0 : i32
      %dma_start3A_458 = arith.constant 0 : i32
      %dma_start3A_459 = tpu.memref_slice %arg10[%dma_start3A_455, %dma_start3A_457, %dma_start3A_458] : memref<4x128x128xf32, #tpu.memory_space<vmem>> -> memref<1x128x128xf32, #tpu.memory_space<vmem>>
      %dma_start3A_460 = tpu.memref_squeeze %dma_start3A_459 : memref<1x128x128xf32, #tpu.memory_space<vmem>> -> memref<128x128xf32, #tpu.memory_space<vmem>>
      %dma_start3A_461 = arith.constant 0 : i32
      %dma_start3A_462 = tpu.memref_slice %arg8[%dma_start3A_456, %dma_start3A_461] : memref<8x128xi32, #tpu.memory_space<vmem>> -> memref<1x128xi32, #tpu.memory_space<vmem>>
      %dma_start3A_463 = tpu.memref_squeeze %dma_start3A_462 : memref<1x128xi32, #tpu.memory_space<vmem>> -> memref<128xi32, #tpu.memory_space<vmem>>
      %dma_start3A_464 = arith.constant 0 : i32
      %dma_start3A_465 = tpu.memref_slice %arg6[%add3A_30, %mul3A_454, %dma_start3A_464] : memref<16x5120x128xf32, #tpu.memory_space<hbm>> -> memref<1x640x128xf32, #tpu.memory_space<hbm>>
      %dma_start3A_466 = tpu.memref_squeeze %dma_start3A_465 : memref<1x640x128xf32, #tpu.memory_space<hbm>> -> memref<640x128xf32, #tpu.memory_space<hbm>>
      %dma_start3A_467 = arith.constant 0 : i32
      %dma_start3A_468 = arith.constant 0 : i32
      %dma_start3A_469 = tpu.memref_slice %dma_start3A_466[%dma_start3A_467, %dma_start3A_468] : memref<640x128xf32, #tpu.memory_space<hbm>> -> memref<640x128xf32, #tpu.memory_space<hbm>>
      tpu.enqueue_indirect_dma source(%dma_start3A_460 : memref<128x128xf32, #tpu.memory_space<vmem>>) target(%dma_start3A_469 : memref<640x128xf32, #tpu.memory_space<hbm>>) offsets(%dma_start3A_463 : memref<128xi32, #tpu.memory_space<vmem>>) semaphore(%arg18 : memref<!tpu.dma_semaphore, #tpu.memory_space<semaphore_mem>>)
      %mul3A_470 = arith.constant 5 : i32
      %mul3A_471 = arith.muli %add3A_420, %mul3A_470 : i32
      %mul3A_472 = arith.constant 128 : i32
      %mul3A_473 = arith.muli %mul3A_471, %mul3A_472 : i32
      %dma_start3A_474 = arith.constant 2 : i32
      %dma_start3A_475 = arith.constant 4 : i32
      %dma_start3A_476 = arith.constant 0 : i32
      %dma_start3A_477 = arith.constant 0 : i32
      %dma_start3A_478 = tpu.memref_slice %arg10[%dma_start3A_474, %dma_start3A_476, %dma_start3A_477] : memref<4x128x128xf32, #tpu.memory_space<vmem>> -> memref<1x128x128xf32, #tpu.memory_space<vmem>>
      %dma_start3A_479 = tpu.memref_squeeze %dma_start3A_478 : memref<1x128x128xf32, #tpu.memory_space<vmem>> -> memref<128x128xf32, #tpu.memory_space<vmem>>
      %dma_start3A_480 = arith.constant 0 : i32
      %dma_start3A_481 = tpu.memref_slice %arg8[%dma_start3A_475, %dma_start3A_480] : memref<8x128xi32, #tpu.memory_space<vmem>> -> memref<1x128xi32, #tpu.memory_space<vmem>>
      %dma_start3A_482 = tpu.memref_squeeze %dma_start3A_481 : memref<1x128xi32, #tpu.memory_space<vmem>> -> memref<128xi32, #tpu.memory_space<vmem>>
      %dma_start3A_483 = arith.constant 0 : i32
      %dma_start3A_484 = tpu.memref_slice %arg6[%add3A_30, %mul3A_473, %dma_start3A_483] : memref<16x5120x128xf32, #tpu.memory_space<hbm>> -> memref<1x640x128xf32, #tpu.memory_space<hbm>>
      %dma_start3A_485 = tpu.memref_squeeze %dma_start3A_484 : memref<1x640x128xf32, #tpu.memory_space<hbm>> -> memref<640x128xf32, #tpu.memory_space<hbm>>
      %dma_start3A_486 = arith.constant 0 : i32
      %dma_start3A_487 = arith.constant 0 : i32
      %dma_start3A_488 = tpu.memref_slice %dma_start3A_485[%dma_start3A_486, %dma_start3A_487] : memref<640x128xf32, #tpu.memory_space<hbm>> -> memref<640x128xf32, #tpu.memory_space<hbm>>
      tpu.enqueue_indirect_dma source(%dma_start3A_479 : memref<128x128xf32, #tpu.memory_space<vmem>>) target(%dma_start3A_488 : memref<640x128xf32, #tpu.memory_space<hbm>>) offsets(%dma_start3A_482 : memref<128xi32, #tpu.memory_space<vmem>>) semaphore(%arg18 : memref<!tpu.dma_semaphore, #tpu.memory_space<semaphore_mem>>)
      %mul3A_489 = arith.constant 5 : i32
      %mul3A_490 = arith.muli %add3A_420, %mul3A_489 : i32
      %mul3A_491 = arith.constant 128 : i32
      %mul3A_492 = arith.muli %mul3A_490, %mul3A_491 : i32
      %dma_start3A_493 = arith.constant 2 : i32
      %dma_start3A_494 = arith.constant 5 : i32
      %dma_start3A_495 = arith.constant 0 : i32
      %dma_start3A_496 = arith.constant 0 : i32
      %dma_start3A_497 = tpu.memref_slice %arg10[%dma_start3A_493, %dma_start3A_495, %dma_start3A_496] : memref<4x128x128xf32, #tpu.memory_space<vmem>> -> memref<1x128x128xf32, #tpu.memory_space<vmem>>
      %dma_start3A_498 = tpu.memref_squeeze %dma_start3A_497 : memref<1x128x128xf32, #tpu.memory_space<vmem>> -> memref<128x128xf32, #tpu.memory_space<vmem>>
      %dma_start3A_499 = arith.constant 0 : i32
      %dma_start3A_500 = tpu.memref_slice %arg8[%dma_start3A_494, %dma_start3A_499] : memref<8x128xi32, #tpu.memory_space<vmem>> -> memref<1x128xi32, #tpu.memory_space<vmem>>
      %dma_start3A_501 = tpu.memref_squeeze %dma_start3A_500 : memref<1x128xi32, #tpu.memory_space<vmem>> -> memref<128xi32, #tpu.memory_space<vmem>>
      %dma_start3A_502 = arith.constant 0 : i32
      %dma_start3A_503 = tpu.memref_slice %arg6[%add3A_30, %mul3A_492, %dma_start3A_502] : memref<16x5120x128xf32, #tpu.memory_space<hbm>> -> memref<1x640x128xf32, #tpu.memory_space<hbm>>
      %dma_start3A_504 = tpu.memref_squeeze %dma_start3A_503 : memref<1x640x128xf32, #tpu.memory_space<hbm>> -> memref<640x128xf32, #tpu.memory_space<hbm>>
      %dma_start3A_505 = arith.constant 0 : i32
      %dma_start3A_506 = arith.constant 0 : i32
      %dma_start3A_507 = tpu.memref_slice %dma_start3A_504[%dma_start3A_505, %dma_start3A_506] : memref<640x128xf32, #tpu.memory_space<hbm>> -> memref<640x128xf32, #tpu.memory_space<hbm>>
      tpu.enqueue_indirect_dma source(%dma_start3A_498 : memref<128x128xf32, #tpu.memory_space<vmem>>) target(%dma_start3A_507 : memref<640x128xf32, #tpu.memory_space<hbm>>) offsets(%dma_start3A_501 : memref<128xi32, #tpu.memory_space<vmem>>) semaphore(%arg18 : memref<!tpu.dma_semaphore, #tpu.memory_space<semaphore_mem>>)
      %mul3A_508 = arith.constant 5 : i32
      %mul3A_509 = arith.muli %add3A_420, %mul3A_508 : i32
      %mul3A_510 = arith.constant 128 : i32
      %mul3A_511 = arith.muli %mul3A_509, %mul3A_510 : i32
      %dma_start3A_512 = arith.constant 2 : i32
      %dma_start3A_513 = arith.constant 6 : i32
      %dma_start3A_514 = arith.constant 0 : i32
      %dma_start3A_515 = arith.constant 0 : i32
      %dma_start3A_516 = tpu.memref_slice %arg10[%dma_start3A_512, %dma_start3A_514, %dma_start3A_515] : memref<4x128x128xf32, #tpu.memory_space<vmem>> -> memref<1x128x128xf32, #tpu.memory_space<vmem>>
      %dma_start3A_517 = tpu.memref_squeeze %dma_start3A_516 : memref<1x128x128xf32, #tpu.memory_space<vmem>> -> memref<128x128xf32, #tpu.memory_space<vmem>>
      %dma_start3A_518 = arith.constant 0 : i32
      %dma_start3A_519 = tpu.memref_slice %arg8[%dma_start3A_513, %dma_start3A_518] : memref<8x128xi32, #tpu.memory_space<vmem>> -> memref<1x128xi32, #tpu.memory_space<vmem>>
      %dma_start3A_520 = tpu.memref_squeeze %dma_start3A_519 : memref<1x128xi32, #tpu.memory_space<vmem>> -> memref<128xi32, #tpu.memory_space<vmem>>
      %dma_start3A_521 = arith.constant 0 : i32
      %dma_start3A_522 = tpu.memref_slice %arg6[%add3A_30, %mul3A_511, %dma_start3A_521] : memref<16x5120x128xf32, #tpu.memory_space<hbm>> -> memref<1x640x128xf32, #tpu.memory_space<hbm>>
      %dma_start3A_523 = tpu.memref_squeeze %dma_start3A_522 : memref<1x640x128xf32, #tpu.memory_space<hbm>> -> memref<640x128xf32, #tpu.memory_space<hbm>>
      %dma_start3A_524 = arith.constant 0 : i32
      %dma_start3A_525 = arith.constant 0 : i32
      %dma_start3A_526 = tpu.memref_slice %dma_start3A_523[%dma_start3A_524, %dma_start3A_525] : memref<640x128xf32, #tpu.memory_space<hbm>> -> memref<640x128xf32, #tpu.memory_space<hbm>>
      tpu.enqueue_indirect_dma source(%dma_start3A_517 : memref<128x128xf32, #tpu.memory_space<vmem>>) target(%dma_start3A_526 : memref<640x128xf32, #tpu.memory_space<hbm>>) offsets(%dma_start3A_520 : memref<128xi32, #tpu.memory_space<vmem>>) semaphore(%arg18 : memref<!tpu.dma_semaphore, #tpu.memory_space<semaphore_mem>>)
      %sub3A_527 = arith.constant 1 : i32
      %sub3A_528 = arith.subi %add3A_420, %sub3A_527 : i32
      %mul3A_529 = arith.constant 5 : i32
      %mul3A_530 = arith.muli %sub3A_528, %mul3A_529 : i32
      %mul3A_531 = arith.constant 128 : i32
      %mul3A_532 = arith.muli %mul3A_530, %mul3A_531 : i32
      %dma_wait3A_533 = arith.constant 1 : i32
      %dma_wait3A_534 = arith.constant 2 : i32
      %dma_wait3A_535 = arith.constant 0 : i32
      %dma_wait3A_536 = arith.constant 0 : i32
      %dma_wait3A_537 = tpu.memref_slice %arg10[%dma_wait3A_533, %dma_wait3A_535, %dma_wait3A_536] : memref<4x128x128xf32, #tpu.memory_space<vmem>> -> memref<1x128x128xf32, #tpu.memory_space<vmem>>
      %dma_wait3A_538 = tpu.memref_squeeze %dma_wait3A_537 : memref<1x128x128xf32, #tpu.memory_space<vmem>> -> memref<128x128xf32, #tpu.memory_space<vmem>>
      %dma_wait3A_539 = arith.constant 0 : i32
      %dma_wait3A_540 = tpu.memref_slice %arg8[%dma_wait3A_534, %dma_wait3A_539] : memref<8x128xi32, #tpu.memory_space<vmem>> -> memref<1x128xi32, #tpu.memory_space<vmem>>
      %dma_wait3A_541 = tpu.memref_squeeze %dma_wait3A_540 : memref<1x128xi32, #tpu.memory_space<vmem>> -> memref<128xi32, #tpu.memory_space<vmem>>
      %dma_wait3A_542 = arith.constant 0 : i32
      %dma_wait3A_543 = tpu.memref_slice %arg6[%add3A_30, %mul3A_532, %dma_wait3A_542] : memref<16x5120x128xf32, #tpu.memory_space<hbm>> -> memref<1x640x128xf32, #tpu.memory_space<hbm>>
      %dma_wait3A_544 = tpu.memref_squeeze %dma_wait3A_543 : memref<1x640x128xf32, #tpu.memory_space<hbm>> -> memref<640x128xf32, #tpu.memory_space<hbm>>
      %dma_wait3A_545 = arith.constant 0 : i32
      %dma_wait3A_546 = arith.constant 0 : i32
      %dma_wait3A_547 = tpu.memref_slice %dma_wait3A_544[%dma_wait3A_545, %dma_wait3A_546] : memref<640x128xf32, #tpu.memory_space<hbm>> -> memref<640x128xf32, #tpu.memory_space<hbm>>
      tpu.wait_indirect_dma semaphore(%arg17 : memref<!tpu.dma_semaphore, #tpu.memory_space<semaphore_mem>>) src(%dma_wait3A_538 : memref<128x128xf32, #tpu.memory_space<vmem>>) dst(%dma_wait3A_547 : memref<640x128xf32, #tpu.memory_space<hbm>>)
      %mul3A_548 = arith.constant 5 : i32
      %mul3A_549 = arith.muli %sub3A_528, %mul3A_548 : i32
      %mul3A_550 = arith.constant 128 : i32
      %mul3A_551 = arith.muli %mul3A_549, %mul3A_550 : i32
      %dma_wait3A_552 = arith.constant 1 : i32
      %dma_wait3A_553 = arith.constant 3 : i32
      %dma_wait3A_554 = arith.constant 0 : i32
      %dma_wait3A_555 = arith.constant 0 : i32
      %dma_wait3A_556 = tpu.memref_slice %arg10[%dma_wait3A_552, %dma_wait3A_554, %dma_wait3A_555] : memref<4x128x128xf32, #tpu.memory_space<vmem>> -> memref<1x128x128xf32, #tpu.memory_space<vmem>>
      %dma_wait3A_557 = tpu.memref_squeeze %dma_wait3A_556 : memref<1x128x128xf32, #tpu.memory_space<vmem>> -> memref<128x128xf32, #tpu.memory_space<vmem>>
      %dma_wait3A_558 = arith.constant 0 : i32
      %dma_wait3A_559 = tpu.memref_slice %arg8[%dma_wait3A_553, %dma_wait3A_558] : memref<8x128xi32, #tpu.memory_space<vmem>> -> memref<1x128xi32, #tpu.memory_space<vmem>>
      %dma_wait3A_560 = tpu.memref_squeeze %dma_wait3A_559 : memref<1x128xi32, #tpu.memory_space<vmem>> -> memref<128xi32, #tpu.memory_space<vmem>>
      %dma_wait3A_561 = arith.constant 0 : i32
      %dma_wait3A_562 = tpu.memref_slice %arg6[%add3A_30, %mul3A_551, %dma_wait3A_561] : memref<16x5120x128xf32, #tpu.memory_space<hbm>> -> memref<1x640x128xf32, #tpu.memory_space<hbm>>
      %dma_wait3A_563 = tpu.memref_squeeze %dma_wait3A_562 : memref<1x640x128xf32, #tpu.memory_space<hbm>> -> memref<640x128xf32, #tpu.memory_space<hbm>>
      %dma_wait3A_564 = arith.constant 0 : i32
      %dma_wait3A_565 = arith.constant 0 : i32
      %dma_wait3A_566 = tpu.memref_slice %dma_wait3A_563[%dma_wait3A_564, %dma_wait3A_565] : memref<640x128xf32, #tpu.memory_space<hbm>> -> memref<640x128xf32, #tpu.memory_space<hbm>>
      tpu.wait_indirect_dma semaphore(%arg17 : memref<!tpu.dma_semaphore, #tpu.memory_space<semaphore_mem>>) src(%dma_wait3A_557 : memref<128x128xf32, #tpu.memory_space<vmem>>) dst(%dma_wait3A_566 : memref<640x128xf32, #tpu.memory_space<hbm>>)
      %mul3A_567 = arith.constant 5 : i32
      %mul3A_568 = arith.muli %sub3A_528, %mul3A_567 : i32
      %mul3A_569 = arith.constant 128 : i32
      %mul3A_570 = arith.muli %mul3A_568, %mul3A_569 : i32
      %dma_wait3A_571 = arith.constant 1 : i32
      %dma_wait3A_572 = arith.constant 4 : i32
      %dma_wait3A_573 = arith.constant 0 : i32
      %dma_wait3A_574 = arith.constant 0 : i32
      %dma_wait3A_575 = tpu.memref_slice %arg10[%dma_wait3A_571, %dma_wait3A_573, %dma_wait3A_574] : memref<4x128x128xf32, #tpu.memory_space<vmem>> -> memref<1x128x128xf32, #tpu.memory_space<vmem>>
      %dma_wait3A_576 = tpu.memref_squeeze %dma_wait3A_575 : memref<1x128x128xf32, #tpu.memory_space<vmem>> -> memref<128x128xf32, #tpu.memory_space<vmem>>
      %dma_wait3A_577 = arith.constant 0 : i32
      %dma_wait3A_578 = tpu.memref_slice %arg8[%dma_wait3A_572, %dma_wait3A_577] : memref<8x128xi32, #tpu.memory_space<vmem>> -> memref<1x128xi32, #tpu.memory_space<vmem>>
      %dma_wait3A_579 = tpu.memref_squeeze %dma_wait3A_578 : memref<1x128xi32, #tpu.memory_space<vmem>> -> memref<128xi32, #tpu.memory_space<vmem>>
      %dma_wait3A_580 = arith.constant 0 : i32
      %dma_wait3A_581 = tpu.memref_slice %arg6[%add3A_30, %mul3A_570, %dma_wait3A_580] : memref<16x5120x128xf32, #tpu.memory_space<hbm>> -> memref<1x640x128xf32, #tpu.memory_space<hbm>>
      %dma_wait3A_582 = tpu.memref_squeeze %dma_wait3A_581 : memref<1x640x128xf32, #tpu.memory_space<hbm>> -> memref<640x128xf32, #tpu.memory_space<hbm>>
      %dma_wait3A_583 = arith.constant 0 : i32
      %dma_wait3A_584 = arith.constant 0 : i32
      %dma_wait3A_585 = tpu.memref_slice %dma_wait3A_582[%dma_wait3A_583, %dma_wait3A_584] : memref<640x128xf32, #tpu.memory_space<hbm>> -> memref<640x128xf32, #tpu.memory_space<hbm>>
      tpu.wait_indirect_dma semaphore(%arg17 : memref<!tpu.dma_semaphore, #tpu.memory_space<semaphore_mem>>) src(%dma_wait3A_576 : memref<128x128xf32, #tpu.memory_space<vmem>>) dst(%dma_wait3A_585 : memref<640x128xf32, #tpu.memory_space<hbm>>)
      %mul3A_586 = arith.constant 5 : i32
      %mul3A_587 = arith.muli %sub3A_528, %mul3A_586 : i32
      %mul3A_588 = arith.constant 128 : i32
      %mul3A_589 = arith.muli %mul3A_587, %mul3A_588 : i32
      %dma_wait3A_590 = arith.constant 1 : i32
      %dma_wait3A_591 = arith.constant 5 : i32
      %dma_wait3A_592 = arith.constant 0 : i32
      %dma_wait3A_593 = arith.constant 0 : i32
      %dma_wait3A_594 = tpu.memref_slice %arg10[%dma_wait3A_590, %dma_wait3A_592, %dma_wait3A_593] : memref<4x128x128xf32, #tpu.memory_space<vmem>> -> memref<1x128x128xf32, #tpu.memory_space<vmem>>
      %dma_wait3A_595 = tpu.memref_squeeze %dma_wait3A_594 : memref<1x128x128xf32, #tpu.memory_space<vmem>> -> memref<128x128xf32, #tpu.memory_space<vmem>>
      %dma_wait3A_596 = arith.constant 0 : i32
      %dma_wait3A_597 = tpu.memref_slice %arg8[%dma_wait3A_591, %dma_wait3A_596] : memref<8x128xi32, #tpu.memory_space<vmem>> -> memref<1x128xi32, #tpu.memory_space<vmem>>
      %dma_wait3A_598 = tpu.memref_squeeze %dma_wait3A_597 : memref<1x128xi32, #tpu.memory_space<vmem>> -> memref<128xi32, #tpu.memory_space<vmem>>
      %dma_wait3A_599 = arith.constant 0 : i32
      %dma_wait3A_600 = tpu.memref_slice %arg6[%add3A_30, %mul3A_589, %dma_wait3A_599] : memref<16x5120x128xf32, #tpu.memory_space<hbm>> -> memref<1x640x128xf32, #tpu.memory_space<hbm>>
      %dma_wait3A_601 = tpu.memref_squeeze %dma_wait3A_600 : memref<1x640x128xf32, #tpu.memory_space<hbm>> -> memref<640x128xf32, #tpu.memory_space<hbm>>
      %dma_wait3A_602 = arith.constant 0 : i32
      %dma_wait3A_603 = arith.constant 0 : i32
      %dma_wait3A_604 = tpu.memref_slice %dma_wait3A_601[%dma_wait3A_602, %dma_wait3A_603] : memref<640x128xf32, #tpu.memory_space<hbm>> -> memref<640x128xf32, #tpu.memory_space<hbm>>
      tpu.wait_indirect_dma semaphore(%arg17 : memref<!tpu.dma_semaphore, #tpu.memory_space<semaphore_mem>>) src(%dma_wait3A_595 : memref<128x128xf32, #tpu.memory_space<vmem>>) dst(%dma_wait3A_604 : memref<640x128xf32, #tpu.memory_space<hbm>>)
      %mul3A_605 = arith.constant 5 : i32
      %mul3A_606 = arith.muli %sub3A_528, %mul3A_605 : i32
      %mul3A_607 = arith.constant 128 : i32
      %mul3A_608 = arith.muli %mul3A_606, %mul3A_607 : i32
      %dma_wait3A_609 = arith.constant 1 : i32
      %dma_wait3A_610 = arith.constant 6 : i32
      %dma_wait3A_611 = arith.constant 0 : i32
      %dma_wait3A_612 = arith.constant 0 : i32
      %dma_wait3A_613 = tpu.memref_slice %arg10[%dma_wait3A_609, %dma_wait3A_611, %dma_wait3A_612] : memref<4x128x128xf32, #tpu.memory_space<vmem>> -> memref<1x128x128xf32, #tpu.memory_space<vmem>>
      %dma_wait3A_614 = tpu.memref_squeeze %dma_wait3A_613 : memref<1x128x128xf32, #tpu.memory_space<vmem>> -> memref<128x128xf32, #tpu.memory_space<vmem>>
      %dma_wait3A_615 = arith.constant 0 : i32
      %dma_wait3A_616 = tpu.memref_slice %arg8[%dma_wait3A_610, %dma_wait3A_615] : memref<8x128xi32, #tpu.memory_space<vmem>> -> memref<1x128xi32, #tpu.memory_space<vmem>>
      %dma_wait3A_617 = tpu.memref_squeeze %dma_wait3A_616 : memref<1x128xi32, #tpu.memory_space<vmem>> -> memref<128xi32, #tpu.memory_space<vmem>>
      %dma_wait3A_618 = arith.constant 0 : i32
      %dma_wait3A_619 = tpu.memref_slice %arg6[%add3A_30, %mul3A_608, %dma_wait3A_618] : memref<16x5120x128xf32, #tpu.memory_space<hbm>> -> memref<1x640x128xf32, #tpu.memory_space<hbm>>
      %dma_wait3A_620 = tpu.memref_squeeze %dma_wait3A_619 : memref<1x640x128xf32, #tpu.memory_space<hbm>> -> memref<640x128xf32, #tpu.memory_space<hbm>>
      %dma_wait3A_621 = arith.constant 0 : i32
      %dma_wait3A_622 = arith.constant 0 : i32
      %dma_wait3A_623 = tpu.memref_slice %dma_wait3A_620[%dma_wait3A_621, %dma_wait3A_622] : memref<640x128xf32, #tpu.memory_space<hbm>> -> memref<640x128xf32, #tpu.memory_space<hbm>>
      tpu.wait_indirect_dma semaphore(%arg17 : memref<!tpu.dma_semaphore, #tpu.memory_space<semaphore_mem>>) src(%dma_wait3A_614 : memref<128x128xf32, #tpu.memory_space<vmem>>) dst(%dma_wait3A_623 : memref<640x128xf32, #tpu.memory_space<hbm>>)
      %add3A_624 = arith.constant 3 : i32
      %add3A_625 = arith.addi %add3A_420, %add3A_624 : i32
      %mul3A_626 = arith.constant 128 : i32
      %mul3A_627 = arith.muli %add3A_625, %mul3A_626 : i32
      %dma_start3A_628 = arith.constant 1 : i32
      %dma_start3A_629 = arith.constant 0 : i32
      %dma_start3A_630 = arith.constant 0 : i32
      %dma_start3A_631 = tpu.memref_slice %arg10[%dma_start3A_628, %dma_start3A_629, %dma_start3A_630] : memref<4x128x128xf32, #tpu.memory_space<vmem>> -> memref<1x128x128xf32, #tpu.memory_space<vmem>>
      %dma_start3A_632 = tpu.memref_squeeze %dma_start3A_631 : memref<1x128x128xf32, #tpu.memory_space<vmem>> -> memref<128x128xf32, #tpu.memory_space<vmem>>
      %dma_start3A_633 = tpu.memref_slice %arg9[%mul3A_627] : memref<4112xi32, #tpu.memory_space<vmem>> -> memref<128xi32, #tpu.memory_space<vmem>>
      %dma_start3A_634 = arith.constant 0 : i32
      %dma_start3A_635 = arith.constant 0 : i32
      %dma_start3A_636 = tpu.memref_slice %arg11[%dma_start3A_634, %dma_start3A_635] : memref<4096x128xf32, #tpu.memory_space<vmem_shared>> -> memref<4096x128xf32, #tpu.memory_space<vmem_shared>>
      tpu.enqueue_indirect_dma source(%dma_start3A_636 : memref<4096x128xf32, #tpu.memory_space<vmem_shared>>) target(%dma_start3A_632 : memref<128x128xf32, #tpu.memory_space<vmem>>) offsets(%dma_start3A_633 : memref<128xi32, #tpu.memory_space<vmem>>) semaphore(%arg13 : memref<!tpu.dma_semaphore, #tpu.memory_space<semaphore_mem>>)
      %add3A_637 = arith.constant 2 : i32
      %add3A_638 = arith.addi %add3A_200, %add3A_637 : i32
      %mul3A_639 = arith.constant 128 : i32
      %mul3A_640 = arith.muli %add3A_638, %mul3A_639 : i32
      %dma_wait3A_641 = arith.constant 3 : i32
      %dma_wait3A_642 = arith.constant 0 : i32
      %dma_wait3A_643 = arith.constant 0 : i32
      %dma_wait3A_644 = tpu.memref_slice %arg10[%dma_wait3A_641, %dma_wait3A_642, %dma_wait3A_643] : memref<4x128x128xf32, #tpu.memory_space<vmem>> -> memref<1x128x128xf32, #tpu.memory_space<vmem>>
      %dma_wait3A_645 = tpu.memref_squeeze %dma_wait3A_644 : memref<1x128x128xf32, #tpu.memory_space<vmem>> -> memref<128x128xf32, #tpu.memory_space<vmem>>
      %dma_wait3A_646 = tpu.memref_slice %arg9[%mul3A_640] : memref<4112xi32, #tpu.memory_space<vmem>> -> memref<128xi32, #tpu.memory_space<vmem>>
      %dma_wait3A_647 = arith.constant 0 : i32
      %dma_wait3A_648 = arith.constant 0 : i32
      %dma_wait3A_649 = tpu.memref_slice %arg11[%dma_wait3A_647, %dma_wait3A_648] : memref<4096x128xf32, #tpu.memory_space<vmem_shared>> -> memref<4096x128xf32, #tpu.memory_space<vmem_shared>>
      tpu.wait_indirect_dma semaphore(%arg15 : memref<!tpu.dma_semaphore, #tpu.memory_space<semaphore_mem>>) src(%dma_wait3A_649 : memref<4096x128xf32, #tpu.memory_space<vmem_shared>>) dst(%dma_wait3A_645 : memref<128x128xf32, #tpu.memory_space<vmem>>)
      %mul3A_650 = arith.constant 5 : i32
      %mul3A_651 = arith.muli %add3A_638, %mul3A_650 : i32
      %mul3A_652 = arith.constant 128 : i32
      %mul3A_653 = arith.muli %mul3A_651, %mul3A_652 : i32
      %dma_start3A_654 = arith.constant 3 : i32
      %dma_start3A_655 = arith.constant 2 : i32
      %dma_start3A_656 = arith.constant 0 : i32
      %dma_start3A_657 = arith.constant 0 : i32
      %dma_start3A_658 = tpu.memref_slice %arg10[%dma_start3A_654, %dma_start3A_656, %dma_start3A_657] : memref<4x128x128xf32, #tpu.memory_space<vmem>> -> memref<1x128x128xf32, #tpu.memory_space<vmem>>
      %dma_start3A_659 = tpu.memref_squeeze %dma_start3A_658 : memref<1x128x128xf32, #tpu.memory_space<vmem>> -> memref<128x128xf32, #tpu.memory_space<vmem>>
      %dma_start3A_660 = arith.constant 0 : i32
      %dma_start3A_661 = tpu.memref_slice %arg8[%dma_start3A_655, %dma_start3A_660] : memref<8x128xi32, #tpu.memory_space<vmem>> -> memref<1x128xi32, #tpu.memory_space<vmem>>
      %dma_start3A_662 = tpu.memref_squeeze %dma_start3A_661 : memref<1x128xi32, #tpu.memory_space<vmem>> -> memref<128xi32, #tpu.memory_space<vmem>>
      %dma_start3A_663 = arith.constant 0 : i32
      %dma_start3A_664 = tpu.memref_slice %arg6[%add3A_30, %mul3A_653, %dma_start3A_663] : memref<16x5120x128xf32, #tpu.memory_space<hbm>> -> memref<1x640x128xf32, #tpu.memory_space<hbm>>
      %dma_start3A_665 = tpu.memref_squeeze %dma_start3A_664 : memref<1x640x128xf32, #tpu.memory_space<hbm>> -> memref<640x128xf32, #tpu.memory_space<hbm>>
      %dma_start3A_666 = arith.constant 0 : i32
      %dma_start3A_667 = arith.constant 0 : i32
      %dma_start3A_668 = tpu.memref_slice %dma_start3A_665[%dma_start3A_666, %dma_start3A_667] : memref<640x128xf32, #tpu.memory_space<hbm>> -> memref<640x128xf32, #tpu.memory_space<hbm>>
      tpu.enqueue_indirect_dma source(%dma_start3A_659 : memref<128x128xf32, #tpu.memory_space<vmem>>) target(%dma_start3A_668 : memref<640x128xf32, #tpu.memory_space<hbm>>) offsets(%dma_start3A_662 : memref<128xi32, #tpu.memory_space<vmem>>) semaphore(%arg19 : memref<!tpu.dma_semaphore, #tpu.memory_space<semaphore_mem>>)
      %mul3A_669 = arith.constant 5 : i32
      %mul3A_670 = arith.muli %add3A_638, %mul3A_669 : i32
      %mul3A_671 = arith.constant 128 : i32
      %mul3A_672 = arith.muli %mul3A_670, %mul3A_671 : i32
      %dma_start3A_673 = arith.constant 3 : i32
      %dma_start3A_674 = arith.constant 3 : i32
      %dma_start3A_675 = arith.constant 0 : i32
      %dma_start3A_676 = arith.constant 0 : i32
      %dma_start3A_677 = tpu.memref_slice %arg10[%dma_start3A_673, %dma_start3A_675, %dma_start3A_676] : memref<4x128x128xf32, #tpu.memory_space<vmem>> -> memref<1x128x128xf32, #tpu.memory_space<vmem>>
      %dma_start3A_678 = tpu.memref_squeeze %dma_start3A_677 : memref<1x128x128xf32, #tpu.memory_space<vmem>> -> memref<128x128xf32, #tpu.memory_space<vmem>>
      %dma_start3A_679 = arith.constant 0 : i32
      %dma_start3A_680 = tpu.memref_slice %arg8[%dma_start3A_674, %dma_start3A_679] : memref<8x128xi32, #tpu.memory_space<vmem>> -> memref<1x128xi32, #tpu.memory_space<vmem>>
      %dma_start3A_681 = tpu.memref_squeeze %dma_start3A_680 : memref<1x128xi32, #tpu.memory_space<vmem>> -> memref<128xi32, #tpu.memory_space<vmem>>
      %dma_start3A_682 = arith.constant 0 : i32
      %dma_start3A_683 = tpu.memref_slice %arg6[%add3A_30, %mul3A_672, %dma_start3A_682] : memref<16x5120x128xf32, #tpu.memory_space<hbm>> -> memref<1x640x128xf32, #tpu.memory_space<hbm>>
      %dma_start3A_684 = tpu.memref_squeeze %dma_start3A_683 : memref<1x640x128xf32, #tpu.memory_space<hbm>> -> memref<640x128xf32, #tpu.memory_space<hbm>>
      %dma_start3A_685 = arith.constant 0 : i32
      %dma_start3A_686 = arith.constant 0 : i32
      %dma_start3A_687 = tpu.memref_slice %dma_start3A_684[%dma_start3A_685, %dma_start3A_686] : memref<640x128xf32, #tpu.memory_space<hbm>> -> memref<640x128xf32, #tpu.memory_space<hbm>>
      tpu.enqueue_indirect_dma source(%dma_start3A_678 : memref<128x128xf32, #tpu.memory_space<vmem>>) target(%dma_start3A_687 : memref<640x128xf32, #tpu.memory_space<hbm>>) offsets(%dma_start3A_681 : memref<128xi32, #tpu.memory_space<vmem>>) semaphore(%arg19 : memref<!tpu.dma_semaphore, #tpu.memory_space<semaphore_mem>>)
      %mul3A_688 = arith.constant 5 : i32
      %mul3A_689 = arith.muli %add3A_638, %mul3A_688 : i32
      %mul3A_690 = arith.constant 128 : i32
      %mul3A_691 = arith.muli %mul3A_689, %mul3A_690 : i32
      %dma_start3A_692 = arith.constant 3 : i32
      %dma_start3A_693 = arith.constant 4 : i32
      %dma_start3A_694 = arith.constant 0 : i32
      %dma_start3A_695 = arith.constant 0 : i32
      %dma_start3A_696 = tpu.memref_slice %arg10[%dma_start3A_692, %dma_start3A_694, %dma_start3A_695] : memref<4x128x128xf32, #tpu.memory_space<vmem>> -> memref<1x128x128xf32, #tpu.memory_space<vmem>>
      %dma_start3A_697 = tpu.memref_squeeze %dma_start3A_696 : memref<1x128x128xf32, #tpu.memory_space<vmem>> -> memref<128x128xf32, #tpu.memory_space<vmem>>
      %dma_start3A_698 = arith.constant 0 : i32
      %dma_start3A_699 = tpu.memref_slice %arg8[%dma_start3A_693, %dma_start3A_698] : memref<8x128xi32, #tpu.memory_space<vmem>> -> memref<1x128xi32, #tpu.memory_space<vmem>>
      %dma_start3A_700 = tpu.memref_squeeze %dma_start3A_699 : memref<1x128xi32, #tpu.memory_space<vmem>> -> memref<128xi32, #tpu.memory_space<vmem>>
      %dma_start3A_701 = arith.constant 0 : i32
      %dma_start3A_702 = tpu.memref_slice %arg6[%add3A_30, %mul3A_691, %dma_start3A_701] : memref<16x5120x128xf32, #tpu.memory_space<hbm>> -> memref<1x640x128xf32, #tpu.memory_space<hbm>>
      %dma_start3A_703 = tpu.memref_squeeze %dma_start3A_702 : memref<1x640x128xf32, #tpu.memory_space<hbm>> -> memref<640x128xf32, #tpu.memory_space<hbm>>
      %dma_start3A_704 = arith.constant 0 : i32
      %dma_start3A_705 = arith.constant 0 : i32
      %dma_start3A_706 = tpu.memref_slice %dma_start3A_703[%dma_start3A_704, %dma_start3A_705] : memref<640x128xf32, #tpu.memory_space<hbm>> -> memref<640x128xf32, #tpu.memory_space<hbm>>
      tpu.enqueue_indirect_dma source(%dma_start3A_697 : memref<128x128xf32, #tpu.memory_space<vmem>>) target(%dma_start3A_706 : memref<640x128xf32, #tpu.memory_space<hbm>>) offsets(%dma_start3A_700 : memref<128xi32, #tpu.memory_space<vmem>>) semaphore(%arg19 : memref<!tpu.dma_semaphore, #tpu.memory_space<semaphore_mem>>)
      %mul3A_707 = arith.constant 5 : i32
      %mul3A_708 = arith.muli %add3A_638, %mul3A_707 : i32
      %mul3A_709 = arith.constant 128 : i32
      %mul3A_710 = arith.muli %mul3A_708, %mul3A_709 : i32
      %dma_start3A_711 = arith.constant 3 : i32
      %dma_start3A_712 = arith.constant 5 : i32
      %dma_start3A_713 = arith.constant 0 : i32
      %dma_start3A_714 = arith.constant 0 : i32
      %dma_start3A_715 = tpu.memref_slice %arg10[%dma_start3A_711, %dma_start3A_713, %dma_start3A_714] : memref<4x128x128xf32, #tpu.memory_space<vmem>> -> memref<1x128x128xf32, #tpu.memory_space<vmem>>
      %dma_start3A_716 = tpu.memref_squeeze %dma_start3A_715 : memref<1x128x128xf32, #tpu.memory_space<vmem>> -> memref<128x128xf32, #tpu.memory_space<vmem>>
      %dma_start3A_717 = arith.constant 0 : i32
      %dma_start3A_718 = tpu.memref_slice %arg8[%dma_start3A_712, %dma_start3A_717] : memref<8x128xi32, #tpu.memory_space<vmem>> -> memref<1x128xi32, #tpu.memory_space<vmem>>
      %dma_start3A_719 = tpu.memref_squeeze %dma_start3A_718 : memref<1x128xi32, #tpu.memory_space<vmem>> -> memref<128xi32, #tpu.memory_space<vmem>>
      %dma_start3A_720 = arith.constant 0 : i32
      %dma_start3A_721 = tpu.memref_slice %arg6[%add3A_30, %mul3A_710, %dma_start3A_720] : memref<16x5120x128xf32, #tpu.memory_space<hbm>> -> memref<1x640x128xf32, #tpu.memory_space<hbm>>
      %dma_start3A_722 = tpu.memref_squeeze %dma_start3A_721 : memref<1x640x128xf32, #tpu.memory_space<hbm>> -> memref<640x128xf32, #tpu.memory_space<hbm>>
      %dma_start3A_723 = arith.constant 0 : i32
      %dma_start3A_724 = arith.constant 0 : i32
      %dma_start3A_725 = tpu.memref_slice %dma_start3A_722[%dma_start3A_723, %dma_start3A_724] : memref<640x128xf32, #tpu.memory_space<hbm>> -> memref<640x128xf32, #tpu.memory_space<hbm>>
      tpu.enqueue_indirect_dma source(%dma_start3A_716 : memref<128x128xf32, #tpu.memory_space<vmem>>) target(%dma_start3A_725 : memref<640x128xf32, #tpu.memory_space<hbm>>) offsets(%dma_start3A_719 : memref<128xi32, #tpu.memory_space<vmem>>) semaphore(%arg19 : memref<!tpu.dma_semaphore, #tpu.memory_space<semaphore_mem>>)
      %mul3A_726 = arith.constant 5 : i32
      %mul3A_727 = arith.muli %add3A_638, %mul3A_726 : i32
      %mul3A_728 = arith.constant 128 : i32
      %mul3A_729 = arith.muli %mul3A_727, %mul3A_728 : i32
      %dma_start3A_730 = arith.constant 3 : i32
      %dma_start3A_731 = arith.constant 6 : i32
      %dma_start3A_732 = arith.constant 0 : i32
      %dma_start3A_733 = arith.constant 0 : i32
      %dma_start3A_734 = tpu.memref_slice %arg10[%dma_start3A_730, %dma_start3A_732, %dma_start3A_733] : memref<4x128x128xf32, #tpu.memory_space<vmem>> -> memref<1x128x128xf32, #tpu.memory_space<vmem>>
      %dma_start3A_735 = tpu.memref_squeeze %dma_start3A_734 : memref<1x128x128xf32, #tpu.memory_space<vmem>> -> memref<128x128xf32, #tpu.memory_space<vmem>>
      %dma_start3A_736 = arith.constant 0 : i32
      %dma_start3A_737 = tpu.memref_slice %arg8[%dma_start3A_731, %dma_start3A_736] : memref<8x128xi32, #tpu.memory_space<vmem>> -> memref<1x128xi32, #tpu.memory_space<vmem>>
      %dma_start3A_738 = tpu.memref_squeeze %dma_start3A_737 : memref<1x128xi32, #tpu.memory_space<vmem>> -> memref<128xi32, #tpu.memory_space<vmem>>
      %dma_start3A_739 = arith.constant 0 : i32
      %dma_start3A_740 = tpu.memref_slice %arg6[%add3A_30, %mul3A_729, %dma_start3A_739] : memref<16x5120x128xf32, #tpu.memory_space<hbm>> -> memref<1x640x128xf32, #tpu.memory_space<hbm>>
      %dma_start3A_741 = tpu.memref_squeeze %dma_start3A_740 : memref<1x640x128xf32, #tpu.memory_space<hbm>> -> memref<640x128xf32, #tpu.memory_space<hbm>>
      %dma_start3A_742 = arith.constant 0 : i32
      %dma_start3A_743 = arith.constant 0 : i32
      %dma_start3A_744 = tpu.memref_slice %dma_start3A_741[%dma_start3A_742, %dma_start3A_743] : memref<640x128xf32, #tpu.memory_space<hbm>> -> memref<640x128xf32, #tpu.memory_space<hbm>>
      tpu.enqueue_indirect_dma source(%dma_start3A_735 : memref<128x128xf32, #tpu.memory_space<vmem>>) target(%dma_start3A_744 : memref<640x128xf32, #tpu.memory_space<hbm>>) offsets(%dma_start3A_738 : memref<128xi32, #tpu.memory_space<vmem>>) semaphore(%arg19 : memref<!tpu.dma_semaphore, #tpu.memory_space<semaphore_mem>>)
      %sub3A_745 = arith.constant 1 : i32
      %sub3A_746 = arith.subi %add3A_638, %sub3A_745 : i32
      %mul3A_747 = arith.constant 5 : i32
      %mul3A_748 = arith.muli %sub3A_746, %mul3A_747 : i32
      %mul3A_749 = arith.constant 128 : i32
      %mul3A_750 = arith.muli %mul3A_748, %mul3A_749 : i32
      %dma_wait3A_751 = arith.constant 2 : i32
      %dma_wait3A_752 = arith.constant 2 : i32
      %dma_wait3A_753 = arith.constant 0 : i32
      %dma_wait3A_754 = arith.constant 0 : i32
      %dma_wait3A_755 = tpu.memref_slice %arg10[%dma_wait3A_751, %dma_wait3A_753, %dma_wait3A_754] : memref<4x128x128xf32, #tpu.memory_space<vmem>> -> memref<1x128x128xf32, #tpu.memory_space<vmem>>
      %dma_wait3A_756 = tpu.memref_squeeze %dma_wait3A_755 : memref<1x128x128xf32, #tpu.memory_space<vmem>> -> memref<128x128xf32, #tpu.memory_space<vmem>>
      %dma_wait3A_757 = arith.constant 0 : i32
      %dma_wait3A_758 = tpu.memref_slice %arg8[%dma_wait3A_752, %dma_wait3A_757] : memref<8x128xi32, #tpu.memory_space<vmem>> -> memref<1x128xi32, #tpu.memory_space<vmem>>
      %dma_wait3A_759 = tpu.memref_squeeze %dma_wait3A_758 : memref<1x128xi32, #tpu.memory_space<vmem>> -> memref<128xi32, #tpu.memory_space<vmem>>
      %dma_wait3A_760 = arith.constant 0 : i32
      %dma_wait3A_761 = tpu.memref_slice %arg6[%add3A_30, %mul3A_750, %dma_wait3A_760] : memref<16x5120x128xf32, #tpu.memory_space<hbm>> -> memref<1x640x128xf32, #tpu.memory_space<hbm>>
      %dma_wait3A_762 = tpu.memref_squeeze %dma_wait3A_761 : memref<1x640x128xf32, #tpu.memory_space<hbm>> -> memref<640x128xf32, #tpu.memory_space<hbm>>
      %dma_wait3A_763 = arith.constant 0 : i32
      %dma_wait3A_764 = arith.constant 0 : i32
      %dma_wait3A_765 = tpu.memref_slice %dma_wait3A_762[%dma_wait3A_763, %dma_wait3A_764] : memref<640x128xf32, #tpu.memory_space<hbm>> -> memref<640x128xf32, #tpu.memory_space<hbm>>
      tpu.wait_indirect_dma semaphore(%arg18 : memref<!tpu.dma_semaphore, #tpu.memory_space<semaphore_mem>>) src(%dma_wait3A_756 : memref<128x128xf32, #tpu.memory_space<vmem>>) dst(%dma_wait3A_765 : memref<640x128xf32, #tpu.memory_space<hbm>>)
      %mul3A_766 = arith.constant 5 : i32
      %mul3A_767 = arith.muli %sub3A_746, %mul3A_766 : i32
      %mul3A_768 = arith.constant 128 : i32
      %mul3A_769 = arith.muli %mul3A_767, %mul3A_768 : i32
      %dma_wait3A_770 = arith.constant 2 : i32
      %dma_wait3A_771 = arith.constant 3 : i32
      %dma_wait3A_772 = arith.constant 0 : i32
      %dma_wait3A_773 = arith.constant 0 : i32
      %dma_wait3A_774 = tpu.memref_slice %arg10[%dma_wait3A_770, %dma_wait3A_772, %dma_wait3A_773] : memref<4x128x128xf32, #tpu.memory_space<vmem>> -> memref<1x128x128xf32, #tpu.memory_space<vmem>>
      %dma_wait3A_775 = tpu.memref_squeeze %dma_wait3A_774 : memref<1x128x128xf32, #tpu.memory_space<vmem>> -> memref<128x128xf32, #tpu.memory_space<vmem>>
      %dma_wait3A_776 = arith.constant 0 : i32
      %dma_wait3A_777 = tpu.memref_slice %arg8[%dma_wait3A_771, %dma_wait3A_776] : memref<8x128xi32, #tpu.memory_space<vmem>> -> memref<1x128xi32, #tpu.memory_space<vmem>>
      %dma_wait3A_778 = tpu.memref_squeeze %dma_wait3A_777 : memref<1x128xi32, #tpu.memory_space<vmem>> -> memref<128xi32, #tpu.memory_space<vmem>>
      %dma_wait3A_779 = arith.constant 0 : i32
      %dma_wait3A_780 = tpu.memref_slice %arg6[%add3A_30, %mul3A_769, %dma_wait3A_779] : memref<16x5120x128xf32, #tpu.memory_space<hbm>> -> memref<1x640x128xf32, #tpu.memory_space<hbm>>
      %dma_wait3A_781 = tpu.memref_squeeze %dma_wait3A_780 : memref<1x640x128xf32, #tpu.memory_space<hbm>> -> memref<640x128xf32, #tpu.memory_space<hbm>>
      %dma_wait3A_782 = arith.constant 0 : i32
      %dma_wait3A_783 = arith.constant 0 : i32
      %dma_wait3A_784 = tpu.memref_slice %dma_wait3A_781[%dma_wait3A_782, %dma_wait3A_783] : memref<640x128xf32, #tpu.memory_space<hbm>> -> memref<640x128xf32, #tpu.memory_space<hbm>>
      tpu.wait_indirect_dma semaphore(%arg18 : memref<!tpu.dma_semaphore, #tpu.memory_space<semaphore_mem>>) src(%dma_wait3A_775 : memref<128x128xf32, #tpu.memory_space<vmem>>) dst(%dma_wait3A_784 : memref<640x128xf32, #tpu.memory_space<hbm>>)
      %mul3A_785 = arith.constant 5 : i32
      %mul3A_786 = arith.muli %sub3A_746, %mul3A_785 : i32
      %mul3A_787 = arith.constant 128 : i32
      %mul3A_788 = arith.muli %mul3A_786, %mul3A_787 : i32
      %dma_wait3A_789 = arith.constant 2 : i32
      %dma_wait3A_790 = arith.constant 4 : i32
      %dma_wait3A_791 = arith.constant 0 : i32
      %dma_wait3A_792 = arith.constant 0 : i32
      %dma_wait3A_793 = tpu.memref_slice %arg10[%dma_wait3A_789, %dma_wait3A_791, %dma_wait3A_792] : memref<4x128x128xf32, #tpu.memory_space<vmem>> -> memref<1x128x128xf32, #tpu.memory_space<vmem>>
      %dma_wait3A_794 = tpu.memref_squeeze %dma_wait3A_793 : memref<1x128x128xf32, #tpu.memory_space<vmem>> -> memref<128x128xf32, #tpu.memory_space<vmem>>
      %dma_wait3A_795 = arith.constant 0 : i32
      %dma_wait3A_796 = tpu.memref_slice %arg8[%dma_wait3A_790, %dma_wait3A_795] : memref<8x128xi32, #tpu.memory_space<vmem>> -> memref<1x128xi32, #tpu.memory_space<vmem>>
      %dma_wait3A_797 = tpu.memref_squeeze %dma_wait3A_796 : memref<1x128xi32, #tpu.memory_space<vmem>> -> memref<128xi32, #tpu.memory_space<vmem>>
      %dma_wait3A_798 = arith.constant 0 : i32
      %dma_wait3A_799 = tpu.memref_slice %arg6[%add3A_30, %mul3A_788, %dma_wait3A_798] : memref<16x5120x128xf32, #tpu.memory_space<hbm>> -> memref<1x640x128xf32, #tpu.memory_space<hbm>>
      %dma_wait3A_800 = tpu.memref_squeeze %dma_wait3A_799 : memref<1x640x128xf32, #tpu.memory_space<hbm>> -> memref<640x128xf32, #tpu.memory_space<hbm>>
      %dma_wait3A_801 = arith.constant 0 : i32
      %dma_wait3A_802 = arith.constant 0 : i32
      %dma_wait3A_803 = tpu.memref_slice %dma_wait3A_800[%dma_wait3A_801, %dma_wait3A_802] : memref<640x128xf32, #tpu.memory_space<hbm>> -> memref<640x128xf32, #tpu.memory_space<hbm>>
      tpu.wait_indirect_dma semaphore(%arg18 : memref<!tpu.dma_semaphore, #tpu.memory_space<semaphore_mem>>) src(%dma_wait3A_794 : memref<128x128xf32, #tpu.memory_space<vmem>>) dst(%dma_wait3A_803 : memref<640x128xf32, #tpu.memory_space<hbm>>)
      %mul3A_804 = arith.constant 5 : i32
      %mul3A_805 = arith.muli %sub3A_746, %mul3A_804 : i32
      %mul3A_806 = arith.constant 128 : i32
      %mul3A_807 = arith.muli %mul3A_805, %mul3A_806 : i32
      %dma_wait3A_808 = arith.constant 2 : i32
      %dma_wait3A_809 = arith.constant 5 : i32
      %dma_wait3A_810 = arith.constant 0 : i32
      %dma_wait3A_811 = arith.constant 0 : i32
      %dma_wait3A_812 = tpu.memref_slice %arg10[%dma_wait3A_808, %dma_wait3A_810, %dma_wait3A_811] : memref<4x128x128xf32, #tpu.memory_space<vmem>> -> memref<1x128x128xf32, #tpu.memory_space<vmem>>
      %dma_wait3A_813 = tpu.memref_squeeze %dma_wait3A_812 : memref<1x128x128xf32, #tpu.memory_space<vmem>> -> memref<128x128xf32, #tpu.memory_space<vmem>>
      %dma_wait3A_814 = arith.constant 0 : i32
      %dma_wait3A_815 = tpu.memref_slice %arg8[%dma_wait3A_809, %dma_wait3A_814] : memref<8x128xi32, #tpu.memory_space<vmem>> -> memref<1x128xi32, #tpu.memory_space<vmem>>
      %dma_wait3A_816 = tpu.memref_squeeze %dma_wait3A_815 : memref<1x128xi32, #tpu.memory_space<vmem>> -> memref<128xi32, #tpu.memory_space<vmem>>
      %dma_wait3A_817 = arith.constant 0 : i32
      %dma_wait3A_818 = tpu.memref_slice %arg6[%add3A_30, %mul3A_807, %dma_wait3A_817] : memref<16x5120x128xf32, #tpu.memory_space<hbm>> -> memref<1x640x128xf32, #tpu.memory_space<hbm>>
      %dma_wait3A_819 = tpu.memref_squeeze %dma_wait3A_818 : memref<1x640x128xf32, #tpu.memory_space<hbm>> -> memref<640x128xf32, #tpu.memory_space<hbm>>
      %dma_wait3A_820 = arith.constant 0 : i32
      %dma_wait3A_821 = arith.constant 0 : i32
      %dma_wait3A_822 = tpu.memref_slice %dma_wait3A_819[%dma_wait3A_820, %dma_wait3A_821] : memref<640x128xf32, #tpu.memory_space<hbm>> -> memref<640x128xf32, #tpu.memory_space<hbm>>
      tpu.wait_indirect_dma semaphore(%arg18 : memref<!tpu.dma_semaphore, #tpu.memory_space<semaphore_mem>>) src(%dma_wait3A_813 : memref<128x128xf32, #tpu.memory_space<vmem>>) dst(%dma_wait3A_822 : memref<640x128xf32, #tpu.memory_space<hbm>>)
      %mul3A_823 = arith.constant 5 : i32
      %mul3A_824 = arith.muli %sub3A_746, %mul3A_823 : i32
      %mul3A_825 = arith.constant 128 : i32
      %mul3A_826 = arith.muli %mul3A_824, %mul3A_825 : i32
      %dma_wait3A_827 = arith.constant 2 : i32
      %dma_wait3A_828 = arith.constant 6 : i32
      %dma_wait3A_829 = arith.constant 0 : i32
      %dma_wait3A_830 = arith.constant 0 : i32
      %dma_wait3A_831 = tpu.memref_slice %arg10[%dma_wait3A_827, %dma_wait3A_829, %dma_wait3A_830] : memref<4x128x128xf32, #tpu.memory_space<vmem>> -> memref<1x128x128xf32, #tpu.memory_space<vmem>>
      %dma_wait3A_832 = tpu.memref_squeeze %dma_wait3A_831 : memref<1x128x128xf32, #tpu.memory_space<vmem>> -> memref<128x128xf32, #tpu.memory_space<vmem>>
      %dma_wait3A_833 = arith.constant 0 : i32
      %dma_wait3A_834 = tpu.memref_slice %arg8[%dma_wait3A_828, %dma_wait3A_833] : memref<8x128xi32, #tpu.memory_space<vmem>> -> memref<1x128xi32, #tpu.memory_space<vmem>>
      %dma_wait3A_835 = tpu.memref_squeeze %dma_wait3A_834 : memref<1x128xi32, #tpu.memory_space<vmem>> -> memref<128xi32, #tpu.memory_space<vmem>>
      %dma_wait3A_836 = arith.constant 0 : i32
      %dma_wait3A_837 = tpu.memref_slice %arg6[%add3A_30, %mul3A_826, %dma_wait3A_836] : memref<16x5120x128xf32, #tpu.memory_space<hbm>> -> memref<1x640x128xf32, #tpu.memory_space<hbm>>
      %dma_wait3A_838 = tpu.memref_squeeze %dma_wait3A_837 : memref<1x640x128xf32, #tpu.memory_space<hbm>> -> memref<640x128xf32, #tpu.memory_space<hbm>>
      %dma_wait3A_839 = arith.constant 0 : i32
      %dma_wait3A_840 = arith.constant 0 : i32
      %dma_wait3A_841 = tpu.memref_slice %dma_wait3A_838[%dma_wait3A_839, %dma_wait3A_840] : memref<640x128xf32, #tpu.memory_space<hbm>> -> memref<640x128xf32, #tpu.memory_space<hbm>>
      tpu.wait_indirect_dma semaphore(%arg18 : memref<!tpu.dma_semaphore, #tpu.memory_space<semaphore_mem>>) src(%dma_wait3A_832 : memref<128x128xf32, #tpu.memory_space<vmem>>) dst(%dma_wait3A_841 : memref<640x128xf32, #tpu.memory_space<hbm>>)
      %add3A_842 = arith.constant 3 : i32
      %add3A_843 = arith.addi %add3A_638, %add3A_842 : i32
      %mul3A_844 = arith.constant 128 : i32
      %mul3A_845 = arith.muli %add3A_843, %mul3A_844 : i32
      %dma_start3A_846 = arith.constant 2 : i32
      %dma_start3A_847 = arith.constant 0 : i32
      %dma_start3A_848 = arith.constant 0 : i32
      %dma_start3A_849 = tpu.memref_slice %arg10[%dma_start3A_846, %dma_start3A_847, %dma_start3A_848] : memref<4x128x128xf32, #tpu.memory_space<vmem>> -> memref<1x128x128xf32, #tpu.memory_space<vmem>>
      %dma_start3A_850 = tpu.memref_squeeze %dma_start3A_849 : memref<1x128x128xf32, #tpu.memory_space<vmem>> -> memref<128x128xf32, #tpu.memory_space<vmem>>
      %dma_start3A_851 = tpu.memref_slice %arg9[%mul3A_845] : memref<4112xi32, #tpu.memory_space<vmem>> -> memref<128xi32, #tpu.memory_space<vmem>>
      %dma_start3A_852 = arith.constant 0 : i32
      %dma_start3A_853 = arith.constant 0 : i32
      %dma_start3A_854 = tpu.memref_slice %arg11[%dma_start3A_852, %dma_start3A_853] : memref<4096x128xf32, #tpu.memory_space<vmem_shared>> -> memref<4096x128xf32, #tpu.memory_space<vmem_shared>>
      tpu.enqueue_indirect_dma source(%dma_start3A_854 : memref<4096x128xf32, #tpu.memory_space<vmem_shared>>) target(%dma_start3A_850 : memref<128x128xf32, #tpu.memory_space<vmem>>) offsets(%dma_start3A_851 : memref<128xi32, #tpu.memory_space<vmem>>) semaphore(%arg14 : memref<!tpu.dma_semaphore, #tpu.memory_space<semaphore_mem>>)
      %add3A_855 = arith.constant 3 : i32
      %add3A_856 = arith.addi %add3A_200, %add3A_855 : i32
      %mul3A_857 = arith.constant 128 : i32
      %mul3A_858 = arith.muli %add3A_856, %mul3A_857 : i32
      %dma_wait3A_859 = arith.constant 0 : i32
      %dma_wait3A_860 = arith.constant 0 : i32
      %dma_wait3A_861 = arith.constant 0 : i32
      %dma_wait3A_862 = tpu.memref_slice %arg10[%dma_wait3A_859, %dma_wait3A_860, %dma_wait3A_861] : memref<4x128x128xf32, #tpu.memory_space<vmem>> -> memref<1x128x128xf32, #tpu.memory_space<vmem>>
      %dma_wait3A_863 = tpu.memref_squeeze %dma_wait3A_862 : memref<1x128x128xf32, #tpu.memory_space<vmem>> -> memref<128x128xf32, #tpu.memory_space<vmem>>
      %dma_wait3A_864 = tpu.memref_slice %arg9[%mul3A_858] : memref<4112xi32, #tpu.memory_space<vmem>> -> memref<128xi32, #tpu.memory_space<vmem>>
      %dma_wait3A_865 = arith.constant 0 : i32
      %dma_wait3A_866 = arith.constant 0 : i32
      %dma_wait3A_867 = tpu.memref_slice %arg11[%dma_wait3A_865, %dma_wait3A_866] : memref<4096x128xf32, #tpu.memory_space<vmem_shared>> -> memref<4096x128xf32, #tpu.memory_space<vmem_shared>>
      tpu.wait_indirect_dma semaphore(%arg12 : memref<!tpu.dma_semaphore, #tpu.memory_space<semaphore_mem>>) src(%dma_wait3A_867 : memref<4096x128xf32, #tpu.memory_space<vmem_shared>>) dst(%dma_wait3A_863 : memref<128x128xf32, #tpu.memory_space<vmem>>)
      %mul3A_868 = arith.constant 5 : i32
      %mul3A_869 = arith.muli %add3A_856, %mul3A_868 : i32
      %mul3A_870 = arith.constant 128 : i32
      %mul3A_871 = arith.muli %mul3A_869, %mul3A_870 : i32
      %dma_start3A_872 = arith.constant 0 : i32
      %dma_start3A_873 = arith.constant 2 : i32
      %dma_start3A_874 = arith.constant 0 : i32
      %dma_start3A_875 = arith.constant 0 : i32
      %dma_start3A_876 = tpu.memref_slice %arg10[%dma_start3A_872, %dma_start3A_874, %dma_start3A_875] : memref<4x128x128xf32, #tpu.memory_space<vmem>> -> memref<1x128x128xf32, #tpu.memory_space<vmem>>
      %dma_start3A_877 = tpu.memref_squeeze %dma_start3A_876 : memref<1x128x128xf32, #tpu.memory_space<vmem>> -> memref<128x128xf32, #tpu.memory_space<vmem>>
      %dma_start3A_878 = arith.constant 0 : i32
      %dma_start3A_879 = tpu.memref_slice %arg8[%dma_start3A_873, %dma_start3A_878] : memref<8x128xi32, #tpu.memory_space<vmem>> -> memref<1x128xi32, #tpu.memory_space<vmem>>
      %dma_start3A_880 = tpu.memref_squeeze %dma_start3A_879 : memref<1x128xi32, #tpu.memory_space<vmem>> -> memref<128xi32, #tpu.memory_space<vmem>>
      %dma_start3A_881 = arith.constant 0 : i32
      %dma_start3A_882 = tpu.memref_slice %arg6[%add3A_30, %mul3A_871, %dma_start3A_881] : memref<16x5120x128xf32, #tpu.memory_space<hbm>> -> memref<1x640x128xf32, #tpu.memory_space<hbm>>
      %dma_start3A_883 = tpu.memref_squeeze %dma_start3A_882 : memref<1x640x128xf32, #tpu.memory_space<hbm>> -> memref<640x128xf32, #tpu.memory_space<hbm>>
      %dma_start3A_884 = arith.constant 0 : i32
      %dma_start3A_885 = arith.constant 0 : i32
      %dma_start3A_886 = tpu.memref_slice %dma_start3A_883[%dma_start3A_884, %dma_start3A_885] : memref<640x128xf32, #tpu.memory_space<hbm>> -> memref<640x128xf32, #tpu.memory_space<hbm>>
      tpu.enqueue_indirect_dma source(%dma_start3A_877 : memref<128x128xf32, #tpu.memory_space<vmem>>) target(%dma_start3A_886 : memref<640x128xf32, #tpu.memory_space<hbm>>) offsets(%dma_start3A_880 : memref<128xi32, #tpu.memory_space<vmem>>) semaphore(%arg16 : memref<!tpu.dma_semaphore, #tpu.memory_space<semaphore_mem>>)
      %mul3A_887 = arith.constant 5 : i32
      %mul3A_888 = arith.muli %add3A_856, %mul3A_887 : i32
      %mul3A_889 = arith.constant 128 : i32
      %mul3A_890 = arith.muli %mul3A_888, %mul3A_889 : i32
      %dma_start3A_891 = arith.constant 0 : i32
      %dma_start3A_892 = arith.constant 3 : i32
      %dma_start3A_893 = arith.constant 0 : i32
      %dma_start3A_894 = arith.constant 0 : i32
      %dma_start3A_895 = tpu.memref_slice %arg10[%dma_start3A_891, %dma_start3A_893, %dma_start3A_894] : memref<4x128x128xf32, #tpu.memory_space<vmem>> -> memref<1x128x128xf32, #tpu.memory_space<vmem>>
      %dma_start3A_896 = tpu.memref_squeeze %dma_start3A_895 : memref<1x128x128xf32, #tpu.memory_space<vmem>> -> memref<128x128xf32, #tpu.memory_space<vmem>>
      %dma_start3A_897 = arith.constant 0 : i32
      %dma_start3A_898 = tpu.memref_slice %arg8[%dma_start3A_892, %dma_start3A_897] : memref<8x128xi32, #tpu.memory_space<vmem>> -> memref<1x128xi32, #tpu.memory_space<vmem>>
      %dma_start3A_899 = tpu.memref_squeeze %dma_start3A_898 : memref<1x128xi32, #tpu.memory_space<vmem>> -> memref<128xi32, #tpu.memory_space<vmem>>
      %dma_start3A_900 = arith.constant 0 : i32
      %dma_start3A_901 = tpu.memref_slice %arg6[%add3A_30, %mul3A_890, %dma_start3A_900] : memref<16x5120x128xf32, #tpu.memory_space<hbm>> -> memref<1x640x128xf32, #tpu.memory_space<hbm>>
      %dma_start3A_902 = tpu.memref_squeeze %dma_start3A_901 : memref<1x640x128xf32, #tpu.memory_space<hbm>> -> memref<640x128xf32, #tpu.memory_space<hbm>>
      %dma_start3A_903 = arith.constant 0 : i32
      %dma_start3A_904 = arith.constant 0 : i32
      %dma_start3A_905 = tpu.memref_slice %dma_start3A_902[%dma_start3A_903, %dma_start3A_904] : memref<640x128xf32, #tpu.memory_space<hbm>> -> memref<640x128xf32, #tpu.memory_space<hbm>>
      tpu.enqueue_indirect_dma source(%dma_start3A_896 : memref<128x128xf32, #tpu.memory_space<vmem>>) target(%dma_start3A_905 : memref<640x128xf32, #tpu.memory_space<hbm>>) offsets(%dma_start3A_899 : memref<128xi32, #tpu.memory_space<vmem>>) semaphore(%arg16 : memref<!tpu.dma_semaphore, #tpu.memory_space<semaphore_mem>>)
      %mul3A_906 = arith.constant 5 : i32
      %mul3A_907 = arith.muli %add3A_856, %mul3A_906 : i32
      %mul3A_908 = arith.constant 128 : i32
      %mul3A_909 = arith.muli %mul3A_907, %mul3A_908 : i32
      %dma_start3A_910 = arith.constant 0 : i32
      %dma_start3A_911 = arith.constant 4 : i32
      %dma_start3A_912 = arith.constant 0 : i32
      %dma_start3A_913 = arith.constant 0 : i32
      %dma_start3A_914 = tpu.memref_slice %arg10[%dma_start3A_910, %dma_start3A_912, %dma_start3A_913] : memref<4x128x128xf32, #tpu.memory_space<vmem>> -> memref<1x128x128xf32, #tpu.memory_space<vmem>>
      %dma_start3A_915 = tpu.memref_squeeze %dma_start3A_914 : memref<1x128x128xf32, #tpu.memory_space<vmem>> -> memref<128x128xf32, #tpu.memory_space<vmem>>
      %dma_start3A_916 = arith.constant 0 : i32
      %dma_start3A_917 = tpu.memref_slice %arg8[%dma_start3A_911, %dma_start3A_916] : memref<8x128xi32, #tpu.memory_space<vmem>> -> memref<1x128xi32, #tpu.memory_space<vmem>>
      %dma_start3A_918 = tpu.memref_squeeze %dma_start3A_917 : memref<1x128xi32, #tpu.memory_space<vmem>> -> memref<128xi32, #tpu.memory_space<vmem>>
      %dma_start3A_919 = arith.constant 0 : i32
      %dma_start3A_920 = tpu.memref_slice %arg6[%add3A_30, %mul3A_909, %dma_start3A_919] : memref<16x5120x128xf32, #tpu.memory_space<hbm>> -> memref<1x640x128xf32, #tpu.memory_space<hbm>>
      %dma_start3A_921 = tpu.memref_squeeze %dma_start3A_920 : memref<1x640x128xf32, #tpu.memory_space<hbm>> -> memref<640x128xf32, #tpu.memory_space<hbm>>
      %dma_start3A_922 = arith.constant 0 : i32
      %dma_start3A_923 = arith.constant 0 : i32
      %dma_start3A_924 = tpu.memref_slice %dma_start3A_921[%dma_start3A_922, %dma_start3A_923] : memref<640x128xf32, #tpu.memory_space<hbm>> -> memref<640x128xf32, #tpu.memory_space<hbm>>
      tpu.enqueue_indirect_dma source(%dma_start3A_915 : memref<128x128xf32, #tpu.memory_space<vmem>>) target(%dma_start3A_924 : memref<640x128xf32, #tpu.memory_space<hbm>>) offsets(%dma_start3A_918 : memref<128xi32, #tpu.memory_space<vmem>>) semaphore(%arg16 : memref<!tpu.dma_semaphore, #tpu.memory_space<semaphore_mem>>)
      %mul3A_925 = arith.constant 5 : i32
      %mul3A_926 = arith.muli %add3A_856, %mul3A_925 : i32
      %mul3A_927 = arith.constant 128 : i32
      %mul3A_928 = arith.muli %mul3A_926, %mul3A_927 : i32
      %dma_start3A_929 = arith.constant 0 : i32
      %dma_start3A_930 = arith.constant 5 : i32
      %dma_start3A_931 = arith.constant 0 : i32
      %dma_start3A_932 = arith.constant 0 : i32
      %dma_start3A_933 = tpu.memref_slice %arg10[%dma_start3A_929, %dma_start3A_931, %dma_start3A_932] : memref<4x128x128xf32, #tpu.memory_space<vmem>> -> memref<1x128x128xf32, #tpu.memory_space<vmem>>
      %dma_start3A_934 = tpu.memref_squeeze %dma_start3A_933 : memref<1x128x128xf32, #tpu.memory_space<vmem>> -> memref<128x128xf32, #tpu.memory_space<vmem>>
      %dma_start3A_935 = arith.constant 0 : i32
      %dma_start3A_936 = tpu.memref_slice %arg8[%dma_start3A_930, %dma_start3A_935] : memref<8x128xi32, #tpu.memory_space<vmem>> -> memref<1x128xi32, #tpu.memory_space<vmem>>
      %dma_start3A_937 = tpu.memref_squeeze %dma_start3A_936 : memref<1x128xi32, #tpu.memory_space<vmem>> -> memref<128xi32, #tpu.memory_space<vmem>>
      %dma_start3A_938 = arith.constant 0 : i32
      %dma_start3A_939 = tpu.memref_slice %arg6[%add3A_30, %mul3A_928, %dma_start3A_938] : memref<16x5120x128xf32, #tpu.memory_space<hbm>> -> memref<1x640x128xf32, #tpu.memory_space<hbm>>
      %dma_start3A_940 = tpu.memref_squeeze %dma_start3A_939 : memref<1x640x128xf32, #tpu.memory_space<hbm>> -> memref<640x128xf32, #tpu.memory_space<hbm>>
      %dma_start3A_941 = arith.constant 0 : i32
      %dma_start3A_942 = arith.constant 0 : i32
      %dma_start3A_943 = tpu.memref_slice %dma_start3A_940[%dma_start3A_941, %dma_start3A_942] : memref<640x128xf32, #tpu.memory_space<hbm>> -> memref<640x128xf32, #tpu.memory_space<hbm>>
      tpu.enqueue_indirect_dma source(%dma_start3A_934 : memref<128x128xf32, #tpu.memory_space<vmem>>) target(%dma_start3A_943 : memref<640x128xf32, #tpu.memory_space<hbm>>) offsets(%dma_start3A_937 : memref<128xi32, #tpu.memory_space<vmem>>) semaphore(%arg16 : memref<!tpu.dma_semaphore, #tpu.memory_space<semaphore_mem>>)
      %mul3A_944 = arith.constant 5 : i32
      %mul3A_945 = arith.muli %add3A_856, %mul3A_944 : i32
      %mul3A_946 = arith.constant 128 : i32
      %mul3A_947 = arith.muli %mul3A_945, %mul3A_946 : i32
      %dma_start3A_948 = arith.constant 0 : i32
      %dma_start3A_949 = arith.constant 6 : i32
      %dma_start3A_950 = arith.constant 0 : i32
      %dma_start3A_951 = arith.constant 0 : i32
      %dma_start3A_952 = tpu.memref_slice %arg10[%dma_start3A_948, %dma_start3A_950, %dma_start3A_951] : memref<4x128x128xf32, #tpu.memory_space<vmem>> -> memref<1x128x128xf32, #tpu.memory_space<vmem>>
      %dma_start3A_953 = tpu.memref_squeeze %dma_start3A_952 : memref<1x128x128xf32, #tpu.memory_space<vmem>> -> memref<128x128xf32, #tpu.memory_space<vmem>>
      %dma_start3A_954 = arith.constant 0 : i32
      %dma_start3A_955 = tpu.memref_slice %arg8[%dma_start3A_949, %dma_start3A_954] : memref<8x128xi32, #tpu.memory_space<vmem>> -> memref<1x128xi32, #tpu.memory_space<vmem>>
      %dma_start3A_956 = tpu.memref_squeeze %dma_start3A_955 : memref<1x128xi32, #tpu.memory_space<vmem>> -> memref<128xi32, #tpu.memory_space<vmem>>
      %dma_start3A_957 = arith.constant 0 : i32
      %dma_start3A_958 = tpu.memref_slice %arg6[%add3A_30, %mul3A_947, %dma_start3A_957] : memref<16x5120x128xf32, #tpu.memory_space<hbm>> -> memref<1x640x128xf32, #tpu.memory_space<hbm>>
      %dma_start3A_959 = tpu.memref_squeeze %dma_start3A_958 : memref<1x640x128xf32, #tpu.memory_space<hbm>> -> memref<640x128xf32, #tpu.memory_space<hbm>>
      %dma_start3A_960 = arith.constant 0 : i32
      %dma_start3A_961 = arith.constant 0 : i32
      %dma_start3A_962 = tpu.memref_slice %dma_start3A_959[%dma_start3A_960, %dma_start3A_961] : memref<640x128xf32, #tpu.memory_space<hbm>> -> memref<640x128xf32, #tpu.memory_space<hbm>>
      tpu.enqueue_indirect_dma source(%dma_start3A_953 : memref<128x128xf32, #tpu.memory_space<vmem>>) target(%dma_start3A_962 : memref<640x128xf32, #tpu.memory_space<hbm>>) offsets(%dma_start3A_956 : memref<128xi32, #tpu.memory_space<vmem>>) semaphore(%arg16 : memref<!tpu.dma_semaphore, #tpu.memory_space<semaphore_mem>>)
      %sub3A_963 = arith.constant 1 : i32
      %sub3A_964 = arith.subi %add3A_856, %sub3A_963 : i32
      %mul3A_965 = arith.constant 5 : i32
      %mul3A_966 = arith.muli %sub3A_964, %mul3A_965 : i32
      %mul3A_967 = arith.constant 128 : i32
      %mul3A_968 = arith.muli %mul3A_966, %mul3A_967 : i32
      %dma_wait3A_969 = arith.constant 3 : i32
      %dma_wait3A_970 = arith.constant 2 : i32
      %dma_wait3A_971 = arith.constant 0 : i32
      %dma_wait3A_972 = arith.constant 0 : i32
      %dma_wait3A_973 = tpu.memref_slice %arg10[%dma_wait3A_969, %dma_wait3A_971, %dma_wait3A_972] : memref<4x128x128xf32, #tpu.memory_space<vmem>> -> memref<1x128x128xf32, #tpu.memory_space<vmem>>
      %dma_wait3A_974 = tpu.memref_squeeze %dma_wait3A_973 : memref<1x128x128xf32, #tpu.memory_space<vmem>> -> memref<128x128xf32, #tpu.memory_space<vmem>>
      %dma_wait3A_975 = arith.constant 0 : i32
      %dma_wait3A_976 = tpu.memref_slice %arg8[%dma_wait3A_970, %dma_wait3A_975] : memref<8x128xi32, #tpu.memory_space<vmem>> -> memref<1x128xi32, #tpu.memory_space<vmem>>
      %dma_wait3A_977 = tpu.memref_squeeze %dma_wait3A_976 : memref<1x128xi32, #tpu.memory_space<vmem>> -> memref<128xi32, #tpu.memory_space<vmem>>
      %dma_wait3A_978 = arith.constant 0 : i32
      %dma_wait3A_979 = tpu.memref_slice %arg6[%add3A_30, %mul3A_968, %dma_wait3A_978] : memref<16x5120x128xf32, #tpu.memory_space<hbm>> -> memref<1x640x128xf32, #tpu.memory_space<hbm>>
      %dma_wait3A_980 = tpu.memref_squeeze %dma_wait3A_979 : memref<1x640x128xf32, #tpu.memory_space<hbm>> -> memref<640x128xf32, #tpu.memory_space<hbm>>
      %dma_wait3A_981 = arith.constant 0 : i32
      %dma_wait3A_982 = arith.constant 0 : i32
      %dma_wait3A_983 = tpu.memref_slice %dma_wait3A_980[%dma_wait3A_981, %dma_wait3A_982] : memref<640x128xf32, #tpu.memory_space<hbm>> -> memref<640x128xf32, #tpu.memory_space<hbm>>
      tpu.wait_indirect_dma semaphore(%arg19 : memref<!tpu.dma_semaphore, #tpu.memory_space<semaphore_mem>>) src(%dma_wait3A_974 : memref<128x128xf32, #tpu.memory_space<vmem>>) dst(%dma_wait3A_983 : memref<640x128xf32, #tpu.memory_space<hbm>>)
      %mul3A_984 = arith.constant 5 : i32
      %mul3A_985 = arith.muli %sub3A_964, %mul3A_984 : i32
      %mul3A_986 = arith.constant 128 : i32
      %mul3A_987 = arith.muli %mul3A_985, %mul3A_986 : i32
      %dma_wait3A_988 = arith.constant 3 : i32
      %dma_wait3A_989 = arith.constant 3 : i32
      %dma_wait3A_990 = arith.constant 0 : i32
      %dma_wait3A_991 = arith.constant 0 : i32
      %dma_wait3A_992 = tpu.memref_slice %arg10[%dma_wait3A_988, %dma_wait3A_990, %dma_wait3A_991] : memref<4x128x128xf32, #tpu.memory_space<vmem>> -> memref<1x128x128xf32, #tpu.memory_space<vmem>>
      %dma_wait3A_993 = tpu.memref_squeeze %dma_wait3A_992 : memref<1x128x128xf32, #tpu.memory_space<vmem>> -> memref<128x128xf32, #tpu.memory_space<vmem>>
      %dma_wait3A_994 = arith.constant 0 : i32
      %dma_wait3A_995 = tpu.memref_slice %arg8[%dma_wait3A_989, %dma_wait3A_994] : memref<8x128xi32, #tpu.memory_space<vmem>> -> memref<1x128xi32, #tpu.memory_space<vmem>>
      %dma_wait3A_996 = tpu.memref_squeeze %dma_wait3A_995 : memref<1x128xi32, #tpu.memory_space<vmem>> -> memref<128xi32, #tpu.memory_space<vmem>>
      %dma_wait3A_997 = arith.constant 0 : i32
      %dma_wait3A_998 = tpu.memref_slice %arg6[%add3A_30, %mul3A_987, %dma_wait3A_997] : memref<16x5120x128xf32, #tpu.memory_space<hbm>> -> memref<1x640x128xf32, #tpu.memory_space<hbm>>
      %dma_wait3A_999 = tpu.memref_squeeze %dma_wait3A_998 : memref<1x640x128xf32, #tpu.memory_space<hbm>> -> memref<640x128xf32, #tpu.memory_space<hbm>>
      %dma_wait3A_1000 = arith.constant 0 : i32
      %dma_wait3A_1001 = arith.constant 0 : i32
      %dma_wait3A_1002 = tpu.memref_slice %dma_wait3A_999[%dma_wait3A_1000, %dma_wait3A_1001] : memref<640x128xf32, #tpu.memory_space<hbm>> -> memref<640x128xf32, #tpu.memory_space<hbm>>
      tpu.wait_indirect_dma semaphore(%arg19 : memref<!tpu.dma_semaphore, #tpu.memory_space<semaphore_mem>>) src(%dma_wait3A_993 : memref<128x128xf32, #tpu.memory_space<vmem>>) dst(%dma_wait3A_1002 : memref<640x128xf32, #tpu.memory_space<hbm>>)
      %mul3A_1003 = arith.constant 5 : i32
      %mul3A_1004 = arith.muli %sub3A_964, %mul3A_1003 : i32
      %mul3A_1005 = arith.constant 128 : i32
      %mul3A_1006 = arith.muli %mul3A_1004, %mul3A_1005 : i32
      %dma_wait3A_1007 = arith.constant 3 : i32
      %dma_wait3A_1008 = arith.constant 4 : i32
      %dma_wait3A_1009 = arith.constant 0 : i32
      %dma_wait3A_1010 = arith.constant 0 : i32
      %dma_wait3A_1011 = tpu.memref_slice %arg10[%dma_wait3A_1007, %dma_wait3A_1009, %dma_wait3A_1010] : memref<4x128x128xf32, #tpu.memory_space<vmem>> -> memref<1x128x128xf32, #tpu.memory_space<vmem>>
      %dma_wait3A_1012 = tpu.memref_squeeze %dma_wait3A_1011 : memref<1x128x128xf32, #tpu.memory_space<vmem>> -> memref<128x128xf32, #tpu.memory_space<vmem>>
      %dma_wait3A_1013 = arith.constant 0 : i32
      %dma_wait3A_1014 = tpu.memref_slice %arg8[%dma_wait3A_1008, %dma_wait3A_1013] : memref<8x128xi32, #tpu.memory_space<vmem>> -> memref<1x128xi32, #tpu.memory_space<vmem>>
      %dma_wait3A_1015 = tpu.memref_squeeze %dma_wait3A_1014 : memref<1x128xi32, #tpu.memory_space<vmem>> -> memref<128xi32, #tpu.memory_space<vmem>>
      %dma_wait3A_1016 = arith.constant 0 : i32
      %dma_wait3A_1017 = tpu.memref_slice %arg6[%add3A_30, %mul3A_1006, %dma_wait3A_1016] : memref<16x5120x128xf32, #tpu.memory_space<hbm>> -> memref<1x640x128xf32, #tpu.memory_space<hbm>>
      %dma_wait3A_1018 = tpu.memref_squeeze %dma_wait3A_1017 : memref<1x640x128xf32, #tpu.memory_space<hbm>> -> memref<640x128xf32, #tpu.memory_space<hbm>>
      %dma_wait3A_1019 = arith.constant 0 : i32
      %dma_wait3A_1020 = arith.constant 0 : i32
      %dma_wait3A_1021 = tpu.memref_slice %dma_wait3A_1018[%dma_wait3A_1019, %dma_wait3A_1020] : memref<640x128xf32, #tpu.memory_space<hbm>> -> memref<640x128xf32, #tpu.memory_space<hbm>>
      tpu.wait_indirect_dma semaphore(%arg19 : memref<!tpu.dma_semaphore, #tpu.memory_space<semaphore_mem>>) src(%dma_wait3A_1012 : memref<128x128xf32, #tpu.memory_space<vmem>>) dst(%dma_wait3A_1021 : memref<640x128xf32, #tpu.memory_space<hbm>>)
      %mul3A_1022 = arith.constant 5 : i32
      %mul3A_1023 = arith.muli %sub3A_964, %mul3A_1022 : i32
      %mul3A_1024 = arith.constant 128 : i32
      %mul3A_1025 = arith.muli %mul3A_1023, %mul3A_1024 : i32
      %dma_wait3A_1026 = arith.constant 3 : i32
      %dma_wait3A_1027 = arith.constant 5 : i32
      %dma_wait3A_1028 = arith.constant 0 : i32
      %dma_wait3A_1029 = arith.constant 0 : i32
      %dma_wait3A_1030 = tpu.memref_slice %arg10[%dma_wait3A_1026, %dma_wait3A_1028, %dma_wait3A_1029] : memref<4x128x128xf32, #tpu.memory_space<vmem>> -> memref<1x128x128xf32, #tpu.memory_space<vmem>>
      %dma_wait3A_1031 = tpu.memref_squeeze %dma_wait3A_1030 : memref<1x128x128xf32, #tpu.memory_space<vmem>> -> memref<128x128xf32, #tpu.memory_space<vmem>>
      %dma_wait3A_1032 = arith.constant 0 : i32
      %dma_wait3A_1033 = tpu.memref_slice %arg8[%dma_wait3A_1027, %dma_wait3A_1032] : memref<8x128xi32, #tpu.memory_space<vmem>> -> memref<1x128xi32, #tpu.memory_space<vmem>>
      %dma_wait3A_1034 = tpu.memref_squeeze %dma_wait3A_1033 : memref<1x128xi32, #tpu.memory_space<vmem>> -> memref<128xi32, #tpu.memory_space<vmem>>
      %dma_wait3A_1035 = arith.constant 0 : i32
      %dma_wait3A_1036 = tpu.memref_slice %arg6[%add3A_30, %mul3A_1025, %dma_wait3A_1035] : memref<16x5120x128xf32, #tpu.memory_space<hbm>> -> memref<1x640x128xf32, #tpu.memory_space<hbm>>
      %dma_wait3A_1037 = tpu.memref_squeeze %dma_wait3A_1036 : memref<1x640x128xf32, #tpu.memory_space<hbm>> -> memref<640x128xf32, #tpu.memory_space<hbm>>
      %dma_wait3A_1038 = arith.constant 0 : i32
      %dma_wait3A_1039 = arith.constant 0 : i32
      %dma_wait3A_1040 = tpu.memref_slice %dma_wait3A_1037[%dma_wait3A_1038, %dma_wait3A_1039] : memref<640x128xf32, #tpu.memory_space<hbm>> -> memref<640x128xf32, #tpu.memory_space<hbm>>
      tpu.wait_indirect_dma semaphore(%arg19 : memref<!tpu.dma_semaphore, #tpu.memory_space<semaphore_mem>>) src(%dma_wait3A_1031 : memref<128x128xf32, #tpu.memory_space<vmem>>) dst(%dma_wait3A_1040 : memref<640x128xf32, #tpu.memory_space<hbm>>)
      %mul3A_1041 = arith.constant 5 : i32
      %mul3A_1042 = arith.muli %sub3A_964, %mul3A_1041 : i32
      %mul3A_1043 = arith.constant 128 : i32
      %mul3A_1044 = arith.muli %mul3A_1042, %mul3A_1043 : i32
      %dma_wait3A_1045 = arith.constant 3 : i32
      %dma_wait3A_1046 = arith.constant 6 : i32
      %dma_wait3A_1047 = arith.constant 0 : i32
      %dma_wait3A_1048 = arith.constant 0 : i32
      %dma_wait3A_1049 = tpu.memref_slice %arg10[%dma_wait3A_1045, %dma_wait3A_1047, %dma_wait3A_1048] : memref<4x128x128xf32, #tpu.memory_space<vmem>> -> memref<1x128x128xf32, #tpu.memory_space<vmem>>
      %dma_wait3A_1050 = tpu.memref_squeeze %dma_wait3A_1049 : memref<1x128x128xf32, #tpu.memory_space<vmem>> -> memref<128x128xf32, #tpu.memory_space<vmem>>
      %dma_wait3A_1051 = arith.constant 0 : i32
      %dma_wait3A_1052 = tpu.memref_slice %arg8[%dma_wait3A_1046, %dma_wait3A_1051] : memref<8x128xi32, #tpu.memory_space<vmem>> -> memref<1x128xi32, #tpu.memory_space<vmem>>
      %dma_wait3A_1053 = tpu.memref_squeeze %dma_wait3A_1052 : memref<1x128xi32, #tpu.memory_space<vmem>> -> memref<128xi32, #tpu.memory_space<vmem>>
      %dma_wait3A_1054 = arith.constant 0 : i32
      %dma_wait3A_1055 = tpu.memref_slice %arg6[%add3A_30, %mul3A_1044, %dma_wait3A_1054] : memref<16x5120x128xf32, #tpu.memory_space<hbm>> -> memref<1x640x128xf32, #tpu.memory_space<hbm>>
      %dma_wait3A_1056 = tpu.memref_squeeze %dma_wait3A_1055 : memref<1x640x128xf32, #tpu.memory_space<hbm>> -> memref<640x128xf32, #tpu.memory_space<hbm>>
      %dma_wait3A_1057 = arith.constant 0 : i32
      %dma_wait3A_1058 = arith.constant 0 : i32
      %dma_wait3A_1059 = tpu.memref_slice %dma_wait3A_1056[%dma_wait3A_1057, %dma_wait3A_1058] : memref<640x128xf32, #tpu.memory_space<hbm>> -> memref<640x128xf32, #tpu.memory_space<hbm>>
      tpu.wait_indirect_dma semaphore(%arg19 : memref<!tpu.dma_semaphore, #tpu.memory_space<semaphore_mem>>) src(%dma_wait3A_1050 : memref<128x128xf32, #tpu.memory_space<vmem>>) dst(%dma_wait3A_1059 : memref<640x128xf32, #tpu.memory_space<hbm>>)
      %add3A_1060 = arith.constant 3 : i32
      %add3A_1061 = arith.addi %add3A_856, %add3A_1060 : i32
      %mul3A_1062 = arith.constant 128 : i32
      %mul3A_1063 = arith.muli %add3A_1061, %mul3A_1062 : i32
      %dma_start3A_1064 = arith.constant 3 : i32
      %dma_start3A_1065 = arith.constant 0 : i32
      %dma_start3A_1066 = arith.constant 0 : i32
      %dma_start3A_1067 = tpu.memref_slice %arg10[%dma_start3A_1064, %dma_start3A_1065, %dma_start3A_1066] : memref<4x128x128xf32, #tpu.memory_space<vmem>> -> memref<1x128x128xf32, #tpu.memory_space<vmem>>
      %dma_start3A_1068 = tpu.memref_squeeze %dma_start3A_1067 : memref<1x128x128xf32, #tpu.memory_space<vmem>> -> memref<128x128xf32, #tpu.memory_space<vmem>>
      %dma_start3A_1069 = tpu.memref_slice %arg9[%mul3A_1063] : memref<4112xi32, #tpu.memory_space<vmem>> -> memref<128xi32, #tpu.memory_space<vmem>>
      %dma_start3A_1070 = arith.constant 0 : i32
      %dma_start3A_1071 = arith.constant 0 : i32
      %dma_start3A_1072 = tpu.memref_slice %arg11[%dma_start3A_1070, %dma_start3A_1071] : memref<4096x128xf32, #tpu.memory_space<vmem_shared>> -> memref<4096x128xf32, #tpu.memory_space<vmem_shared>>
      tpu.enqueue_indirect_dma source(%dma_start3A_1072 : memref<4096x128xf32, #tpu.memory_space<vmem_shared>>) target(%dma_start3A_1068 : memref<128x128xf32, #tpu.memory_space<vmem>>) offsets(%dma_start3A_1069 : memref<128xi32, #tpu.memory_space<vmem>>) semaphore(%arg15 : memref<!tpu.dma_semaphore, #tpu.memory_space<semaphore_mem>>)
      %scan3A_1073 = arith.constant 1 : i32
      %dma_wait3A_1074 = arith.constant 1 : i32
      %dma_wait3A_1075 = arith.constant 0 : i32
      %dma_wait3A_1076 = arith.constant 0 : i32
      %dma_wait3A_1077 = tpu.memref_slice %arg10[%dma_wait3A_1074, %dma_wait3A_1075, %dma_wait3A_1076] : memref<4x128x128xf32, #tpu.memory_space<vmem>> -> memref<1x128x128xf32, #tpu.memory_space<vmem>>
      %dma_wait3A_1078 = tpu.memref_squeeze %dma_wait3A_1077 : memref<1x128x128xf32, #tpu.memory_space<vmem>> -> memref<128x128xf32, #tpu.memory_space<vmem>>
      %dma_wait3A_1079 = arith.constant 640 : i32
      %dma_wait3A_1080 = tpu.memref_slice %arg9[%dma_wait3A_1079] : memref<4112xi32, #tpu.memory_space<vmem>> -> memref<128xi32, #tpu.memory_space<vmem>>
      %dma_wait3A_1081 = arith.constant 0 : i32
      %dma_wait3A_1082 = arith.constant 0 : i32
      %dma_wait3A_1083 = tpu.memref_slice %arg11[%dma_wait3A_1081, %dma_wait3A_1082] : memref<4096x128xf32, #tpu.memory_space<vmem_shared>> -> memref<4096x128xf32, #tpu.memory_space<vmem_shared>>
      tpu.wait_indirect_dma semaphore(%arg13 : memref<!tpu.dma_semaphore, #tpu.memory_space<semaphore_mem>>) src(%dma_wait3A_1083 : memref<4096x128xf32, #tpu.memory_space<vmem_shared>>) dst(%dma_wait3A_1078 : memref<128x128xf32, #tpu.memory_space<vmem>>)
      %dma_start3A_1084 = arith.constant 1 : i32
      %dma_start3A_1085 = arith.constant 2 : i32
      %dma_start3A_1086 = arith.constant 0 : i32
      %dma_start3A_1087 = arith.constant 0 : i32
      %dma_start3A_1088 = tpu.memref_slice %arg10[%dma_start3A_1084, %dma_start3A_1086, %dma_start3A_1087] : memref<4x128x128xf32, #tpu.memory_space<vmem>> -> memref<1x128x128xf32, #tpu.memory_space<vmem>>
      %dma_start3A_1089 = tpu.memref_squeeze %dma_start3A_1088 : memref<1x128x128xf32, #tpu.memory_space<vmem>> -> memref<128x128xf32, #tpu.memory_space<vmem>>
      %dma_start3A_1090 = arith.constant 0 : i32
      %dma_start3A_1091 = tpu.memref_slice %arg8[%dma_start3A_1085, %dma_start3A_1090] : memref<8x128xi32, #tpu.memory_space<vmem>> -> memref<1x128xi32, #tpu.memory_space<vmem>>
      %dma_start3A_1092 = tpu.memref_squeeze %dma_start3A_1091 : memref<1x128xi32, #tpu.memory_space<vmem>> -> memref<128xi32, #tpu.memory_space<vmem>>
      %dma_start3A_1093 = arith.constant 3200 : i32
      %dma_start3A_1094 = arith.constant 0 : i32
      %dma_start3A_1095 = tpu.memref_slice %arg6[%add3A_30, %dma_start3A_1093, %dma_start3A_1094] : memref<16x5120x128xf32, #tpu.memory_space<hbm>> -> memref<1x640x128xf32, #tpu.memory_space<hbm>>
      %dma_start3A_1096 = tpu.memref_squeeze %dma_start3A_1095 : memref<1x640x128xf32, #tpu.memory_space<hbm>> -> memref<640x128xf32, #tpu.memory_space<hbm>>
      %dma_start3A_1097 = arith.constant 0 : i32
      %dma_start3A_1098 = arith.constant 0 : i32
      %dma_start3A_1099 = tpu.memref_slice %dma_start3A_1096[%dma_start3A_1097, %dma_start3A_1098] : memref<640x128xf32, #tpu.memory_space<hbm>> -> memref<640x128xf32, #tpu.memory_space<hbm>>
      tpu.enqueue_indirect_dma source(%dma_start3A_1089 : memref<128x128xf32, #tpu.memory_space<vmem>>) target(%dma_start3A_1099 : memref<640x128xf32, #tpu.memory_space<hbm>>) offsets(%dma_start3A_1092 : memref<128xi32, #tpu.memory_space<vmem>>) semaphore(%arg17 : memref<!tpu.dma_semaphore, #tpu.memory_space<semaphore_mem>>)
      %dma_start3A_1100 = arith.constant 1 : i32
      %dma_start3A_1101 = arith.constant 3 : i32
      %dma_start3A_1102 = arith.constant 0 : i32
      %dma_start3A_1103 = arith.constant 0 : i32
      %dma_start3A_1104 = tpu.memref_slice %arg10[%dma_start3A_1100, %dma_start3A_1102, %dma_start3A_1103] : memref<4x128x128xf32, #tpu.memory_space<vmem>> -> memref<1x128x128xf32, #tpu.memory_space<vmem>>
      %dma_start3A_1105 = tpu.memref_squeeze %dma_start3A_1104 : memref<1x128x128xf32, #tpu.memory_space<vmem>> -> memref<128x128xf32, #tpu.memory_space<vmem>>
      %dma_start3A_1106 = arith.constant 0 : i32
      %dma_start3A_1107 = tpu.memref_slice %arg8[%dma_start3A_1101, %dma_start3A_1106] : memref<8x128xi32, #tpu.memory_space<vmem>> -> memref<1x128xi32, #tpu.memory_space<vmem>>
      %dma_start3A_1108 = tpu.memref_squeeze %dma_start3A_1107 : memref<1x128xi32, #tpu.memory_space<vmem>> -> memref<128xi32, #tpu.memory_space<vmem>>
      %dma_start3A_1109 = arith.constant 3200 : i32
      %dma_start3A_1110 = arith.constant 0 : i32
      %dma_start3A_1111 = tpu.memref_slice %arg6[%add3A_30, %dma_start3A_1109, %dma_start3A_1110] : memref<16x5120x128xf32, #tpu.memory_space<hbm>> -> memref<1x640x128xf32, #tpu.memory_space<hbm>>
      %dma_start3A_1112 = tpu.memref_squeeze %dma_start3A_1111 : memref<1x640x128xf32, #tpu.memory_space<hbm>> -> memref<640x128xf32, #tpu.memory_space<hbm>>
      %dma_start3A_1113 = arith.constant 0 : i32
      %dma_start3A_1114 = arith.constant 0 : i32
      %dma_start3A_1115 = tpu.memref_slice %dma_start3A_1112[%dma_start3A_1113, %dma_start3A_1114] : memref<640x128xf32, #tpu.memory_space<hbm>> -> memref<640x128xf32, #tpu.memory_space<hbm>>
      tpu.enqueue_indirect_dma source(%dma_start3A_1105 : memref<128x128xf32, #tpu.memory_space<vmem>>) target(%dma_start3A_1115 : memref<640x128xf32, #tpu.memory_space<hbm>>) offsets(%dma_start3A_1108 : memref<128xi32, #tpu.memory_space<vmem>>) semaphore(%arg17 : memref<!tpu.dma_semaphore, #tpu.memory_space<semaphore_mem>>)
      %dma_start3A_1116 = arith.constant 1 : i32
      %dma_start3A_1117 = arith.constant 4 : i32
      %dma_start3A_1118 = arith.constant 0 : i32
      %dma_start3A_1119 = arith.constant 0 : i32
      %dma_start3A_1120 = tpu.memref_slice %arg10[%dma_start3A_1116, %dma_start3A_1118, %dma_start3A_1119] : memref<4x128x128xf32, #tpu.memory_space<vmem>> -> memref<1x128x128xf32, #tpu.memory_space<vmem>>
      %dma_start3A_1121 = tpu.memref_squeeze %dma_start3A_1120 : memref<1x128x128xf32, #tpu.memory_space<vmem>> -> memref<128x128xf32, #tpu.memory_space<vmem>>
      %dma_start3A_1122 = arith.constant 0 : i32
      %dma_start3A_1123 = tpu.memref_slice %arg8[%dma_start3A_1117, %dma_start3A_1122] : memref<8x128xi32, #tpu.memory_space<vmem>> -> memref<1x128xi32, #tpu.memory_space<vmem>>
      %dma_start3A_1124 = tpu.memref_squeeze %dma_start3A_1123 : memref<1x128xi32, #tpu.memory_space<vmem>> -> memref<128xi32, #tpu.memory_space<vmem>>
      %dma_start3A_1125 = arith.constant 3200 : i32
      %dma_start3A_1126 = arith.constant 0 : i32
      %dma_start3A_1127 = tpu.memref_slice %arg6[%add3A_30, %dma_start3A_1125, %dma_start3A_1126] : memref<16x5120x128xf32, #tpu.memory_space<hbm>> -> memref<1x640x128xf32, #tpu.memory_space<hbm>>
      %dma_start3A_1128 = tpu.memref_squeeze %dma_start3A_1127 : memref<1x640x128xf32, #tpu.memory_space<hbm>> -> memref<640x128xf32, #tpu.memory_space<hbm>>
      %dma_start3A_1129 = arith.constant 0 : i32
      %dma_start3A_1130 = arith.constant 0 : i32
      %dma_start3A_1131 = tpu.memref_slice %dma_start3A_1128[%dma_start3A_1129, %dma_start3A_1130] : memref<640x128xf32, #tpu.memory_space<hbm>> -> memref<640x128xf32, #tpu.memory_space<hbm>>
      tpu.enqueue_indirect_dma source(%dma_start3A_1121 : memref<128x128xf32, #tpu.memory_space<vmem>>) target(%dma_start3A_1131 : memref<640x128xf32, #tpu.memory_space<hbm>>) offsets(%dma_start3A_1124 : memref<128xi32, #tpu.memory_space<vmem>>) semaphore(%arg17 : memref<!tpu.dma_semaphore, #tpu.memory_space<semaphore_mem>>)
      %dma_start3A_1132 = arith.constant 1 : i32
      %dma_start3A_1133 = arith.constant 5 : i32
      %dma_start3A_1134 = arith.constant 0 : i32
      %dma_start3A_1135 = arith.constant 0 : i32
      %dma_start3A_1136 = tpu.memref_slice %arg10[%dma_start3A_1132, %dma_start3A_1134, %dma_start3A_1135] : memref<4x128x128xf32, #tpu.memory_space<vmem>> -> memref<1x128x128xf32, #tpu.memory_space<vmem>>
      %dma_start3A_1137 = tpu.memref_squeeze %dma_start3A_1136 : memref<1x128x128xf32, #tpu.memory_space<vmem>> -> memref<128x128xf32, #tpu.memory_space<vmem>>
      %dma_start3A_1138 = arith.constant 0 : i32
      %dma_start3A_1139 = tpu.memref_slice %arg8[%dma_start3A_1133, %dma_start3A_1138] : memref<8x128xi32, #tpu.memory_space<vmem>> -> memref<1x128xi32, #tpu.memory_space<vmem>>
      %dma_start3A_1140 = tpu.memref_squeeze %dma_start3A_1139 : memref<1x128xi32, #tpu.memory_space<vmem>> -> memref<128xi32, #tpu.memory_space<vmem>>
      %dma_start3A_1141 = arith.constant 3200 : i32
      %dma_start3A_1142 = arith.constant 0 : i32
      %dma_start3A_1143 = tpu.memref_slice %arg6[%add3A_30, %dma_start3A_1141, %dma_start3A_1142] : memref<16x5120x128xf32, #tpu.memory_space<hbm>> -> memref<1x640x128xf32, #tpu.memory_space<hbm>>
      %dma_start3A_1144 = tpu.memref_squeeze %dma_start3A_1143 : memref<1x640x128xf32, #tpu.memory_space<hbm>> -> memref<640x128xf32, #tpu.memory_space<hbm>>
      %dma_start3A_1145 = arith.constant 0 : i32
      %dma_start3A_1146 = arith.constant 0 : i32
      %dma_start3A_1147 = tpu.memref_slice %dma_start3A_1144[%dma_start3A_1145, %dma_start3A_1146] : memref<640x128xf32, #tpu.memory_space<hbm>> -> memref<640x128xf32, #tpu.memory_space<hbm>>
      tpu.enqueue_indirect_dma source(%dma_start3A_1137 : memref<128x128xf32, #tpu.memory_space<vmem>>) target(%dma_start3A_1147 : memref<640x128xf32, #tpu.memory_space<hbm>>) offsets(%dma_start3A_1140 : memref<128xi32, #tpu.memory_space<vmem>>) semaphore(%arg17 : memref<!tpu.dma_semaphore, #tpu.memory_space<semaphore_mem>>)
      %dma_start3A_1148 = arith.constant 1 : i32
      %dma_start3A_1149 = arith.constant 6 : i32
      %dma_start3A_1150 = arith.constant 0 : i32
      %dma_start3A_1151 = arith.constant 0 : i32
      %dma_start3A_1152 = tpu.memref_slice %arg10[%dma_start3A_1148, %dma_start3A_1150, %dma_start3A_1151] : memref<4x128x128xf32, #tpu.memory_space<vmem>> -> memref<1x128x128xf32, #tpu.memory_space<vmem>>
      %dma_start3A_1153 = tpu.memref_squeeze %dma_start3A_1152 : memref<1x128x128xf32, #tpu.memory_space<vmem>> -> memref<128x128xf32, #tpu.memory_space<vmem>>
      %dma_start3A_1154 = arith.constant 0 : i32
      %dma_start3A_1155 = tpu.memref_slice %arg8[%dma_start3A_1149, %dma_start3A_1154] : memref<8x128xi32, #tpu.memory_space<vmem>> -> memref<1x128xi32, #tpu.memory_space<vmem>>
      %dma_start3A_1156 = tpu.memref_squeeze %dma_start3A_1155 : memref<1x128xi32, #tpu.memory_space<vmem>> -> memref<128xi32, #tpu.memory_space<vmem>>
      %dma_start3A_1157 = arith.constant 3200 : i32
      %dma_start3A_1158 = arith.constant 0 : i32
      %dma_start3A_1159 = tpu.memref_slice %arg6[%add3A_30, %dma_start3A_1157, %dma_start3A_1158] : memref<16x5120x128xf32, #tpu.memory_space<hbm>> -> memref<1x640x128xf32, #tpu.memory_space<hbm>>
      %dma_start3A_1160 = tpu.memref_squeeze %dma_start3A_1159 : memref<1x640x128xf32, #tpu.memory_space<hbm>> -> memref<640x128xf32, #tpu.memory_space<hbm>>
      %dma_start3A_1161 = arith.constant 0 : i32
      %dma_start3A_1162 = arith.constant 0 : i32
      %dma_start3A_1163 = tpu.memref_slice %dma_start3A_1160[%dma_start3A_1161, %dma_start3A_1162] : memref<640x128xf32, #tpu.memory_space<hbm>> -> memref<640x128xf32, #tpu.memory_space<hbm>>
      tpu.enqueue_indirect_dma source(%dma_start3A_1153 : memref<128x128xf32, #tpu.memory_space<vmem>>) target(%dma_start3A_1163 : memref<640x128xf32, #tpu.memory_space<hbm>>) offsets(%dma_start3A_1156 : memref<128xi32, #tpu.memory_space<vmem>>) semaphore(%arg17 : memref<!tpu.dma_semaphore, #tpu.memory_space<semaphore_mem>>)
      %dma_wait3A_1164 = arith.constant 0 : i32
      %dma_wait3A_1165 = arith.constant 2 : i32
      %dma_wait3A_1166 = arith.constant 0 : i32
      %dma_wait3A_1167 = arith.constant 0 : i32
      %dma_wait3A_1168 = tpu.memref_slice %arg10[%dma_wait3A_1164, %dma_wait3A_1166, %dma_wait3A_1167] : memref<4x128x128xf32, #tpu.memory_space<vmem>> -> memref<1x128x128xf32, #tpu.memory_space<vmem>>
      %dma_wait3A_1169 = tpu.memref_squeeze %dma_wait3A_1168 : memref<1x128x128xf32, #tpu.memory_space<vmem>> -> memref<128x128xf32, #tpu.memory_space<vmem>>
      %dma_wait3A_1170 = arith.constant 0 : i32
      %dma_wait3A_1171 = tpu.memref_slice %arg8[%dma_wait3A_1165, %dma_wait3A_1170] : memref<8x128xi32, #tpu.memory_space<vmem>> -> memref<1x128xi32, #tpu.memory_space<vmem>>
      %dma_wait3A_1172 = tpu.memref_squeeze %dma_wait3A_1171 : memref<1x128xi32, #tpu.memory_space<vmem>> -> memref<128xi32, #tpu.memory_space<vmem>>
      %dma_wait3A_1173 = arith.constant 2560 : i32
      %dma_wait3A_1174 = arith.constant 0 : i32
      %dma_wait3A_1175 = tpu.memref_slice %arg6[%add3A_30, %dma_wait3A_1173, %dma_wait3A_1174] : memref<16x5120x128xf32, #tpu.memory_space<hbm>> -> memref<1x640x128xf32, #tpu.memory_space<hbm>>
      %dma_wait3A_1176 = tpu.memref_squeeze %dma_wait3A_1175 : memref<1x640x128xf32, #tpu.memory_space<hbm>> -> memref<640x128xf32, #tpu.memory_space<hbm>>
      %dma_wait3A_1177 = arith.constant 0 : i32
      %dma_wait3A_1178 = arith.constant 0 : i32
      %dma_wait3A_1179 = tpu.memref_slice %dma_wait3A_1176[%dma_wait3A_1177, %dma_wait3A_1178] : memref<640x128xf32, #tpu.memory_space<hbm>> -> memref<640x128xf32, #tpu.memory_space<hbm>>
      tpu.wait_indirect_dma semaphore(%arg16 : memref<!tpu.dma_semaphore, #tpu.memory_space<semaphore_mem>>) src(%dma_wait3A_1169 : memref<128x128xf32, #tpu.memory_space<vmem>>) dst(%dma_wait3A_1179 : memref<640x128xf32, #tpu.memory_space<hbm>>)
      %dma_wait3A_1180 = arith.constant 0 : i32
      %dma_wait3A_1181 = arith.constant 3 : i32
      %dma_wait3A_1182 = arith.constant 0 : i32
      %dma_wait3A_1183 = arith.constant 0 : i32
      %dma_wait3A_1184 = tpu.memref_slice %arg10[%dma_wait3A_1180, %dma_wait3A_1182, %dma_wait3A_1183] : memref<4x128x128xf32, #tpu.memory_space<vmem>> -> memref<1x128x128xf32, #tpu.memory_space<vmem>>
      %dma_wait3A_1185 = tpu.memref_squeeze %dma_wait3A_1184 : memref<1x128x128xf32, #tpu.memory_space<vmem>> -> memref<128x128xf32, #tpu.memory_space<vmem>>
      %dma_wait3A_1186 = arith.constant 0 : i32
      %dma_wait3A_1187 = tpu.memref_slice %arg8[%dma_wait3A_1181, %dma_wait3A_1186] : memref<8x128xi32, #tpu.memory_space<vmem>> -> memref<1x128xi32, #tpu.memory_space<vmem>>
      %dma_wait3A_1188 = tpu.memref_squeeze %dma_wait3A_1187 : memref<1x128xi32, #tpu.memory_space<vmem>> -> memref<128xi32, #tpu.memory_space<vmem>>
      %dma_wait3A_1189 = arith.constant 2560 : i32
      %dma_wait3A_1190 = arith.constant 0 : i32
      %dma_wait3A_1191 = tpu.memref_slice %arg6[%add3A_30, %dma_wait3A_1189, %dma_wait3A_1190] : memref<16x5120x128xf32, #tpu.memory_space<hbm>> -> memref<1x640x128xf32, #tpu.memory_space<hbm>>
      %dma_wait3A_1192 = tpu.memref_squeeze %dma_wait3A_1191 : memref<1x640x128xf32, #tpu.memory_space<hbm>> -> memref<640x128xf32, #tpu.memory_space<hbm>>
      %dma_wait3A_1193 = arith.constant 0 : i32
      %dma_wait3A_1194 = arith.constant 0 : i32
      %dma_wait3A_1195 = tpu.memref_slice %dma_wait3A_1192[%dma_wait3A_1193, %dma_wait3A_1194] : memref<640x128xf32, #tpu.memory_space<hbm>> -> memref<640x128xf32, #tpu.memory_space<hbm>>
      tpu.wait_indirect_dma semaphore(%arg16 : memref<!tpu.dma_semaphore, #tpu.memory_space<semaphore_mem>>) src(%dma_wait3A_1185 : memref<128x128xf32, #tpu.memory_space<vmem>>) dst(%dma_wait3A_1195 : memref<640x128xf32, #tpu.memory_space<hbm>>)
      %dma_wait3A_1196 = arith.constant 0 : i32
      %dma_wait3A_1197 = arith.constant 4 : i32
      %dma_wait3A_1198 = arith.constant 0 : i32
      %dma_wait3A_1199 = arith.constant 0 : i32
      %dma_wait3A_1200 = tpu.memref_slice %arg10[%dma_wait3A_1196, %dma_wait3A_1198, %dma_wait3A_1199] : memref<4x128x128xf32, #tpu.memory_space<vmem>> -> memref<1x128x128xf32, #tpu.memory_space<vmem>>
      %dma_wait3A_1201 = tpu.memref_squeeze %dma_wait3A_1200 : memref<1x128x128xf32, #tpu.memory_space<vmem>> -> memref<128x128xf32, #tpu.memory_space<vmem>>
      %dma_wait3A_1202 = arith.constant 0 : i32
      %dma_wait3A_1203 = tpu.memref_slice %arg8[%dma_wait3A_1197, %dma_wait3A_1202] : memref<8x128xi32, #tpu.memory_space<vmem>> -> memref<1x128xi32, #tpu.memory_space<vmem>>
      %dma_wait3A_1204 = tpu.memref_squeeze %dma_wait3A_1203 : memref<1x128xi32, #tpu.memory_space<vmem>> -> memref<128xi32, #tpu.memory_space<vmem>>
      %dma_wait3A_1205 = arith.constant 2560 : i32
      %dma_wait3A_1206 = arith.constant 0 : i32
      %dma_wait3A_1207 = tpu.memref_slice %arg6[%add3A_30, %dma_wait3A_1205, %dma_wait3A_1206] : memref<16x5120x128xf32, #tpu.memory_space<hbm>> -> memref<1x640x128xf32, #tpu.memory_space<hbm>>
      %dma_wait3A_1208 = tpu.memref_squeeze %dma_wait3A_1207 : memref<1x640x128xf32, #tpu.memory_space<hbm>> -> memref<640x128xf32, #tpu.memory_space<hbm>>
      %dma_wait3A_1209 = arith.constant 0 : i32
      %dma_wait3A_1210 = arith.constant 0 : i32
      %dma_wait3A_1211 = tpu.memref_slice %dma_wait3A_1208[%dma_wait3A_1209, %dma_wait3A_1210] : memref<640x128xf32, #tpu.memory_space<hbm>> -> memref<640x128xf32, #tpu.memory_space<hbm>>
      tpu.wait_indirect_dma semaphore(%arg16 : memref<!tpu.dma_semaphore, #tpu.memory_space<semaphore_mem>>) src(%dma_wait3A_1201 : memref<128x128xf32, #tpu.memory_space<vmem>>) dst(%dma_wait3A_1211 : memref<640x128xf32, #tpu.memory_space<hbm>>)
      %dma_wait3A_1212 = arith.constant 0 : i32
      %dma_wait3A_1213 = arith.constant 5 : i32
      %dma_wait3A_1214 = arith.constant 0 : i32
      %dma_wait3A_1215 = arith.constant 0 : i32
      %dma_wait3A_1216 = tpu.memref_slice %arg10[%dma_wait3A_1212, %dma_wait3A_1214, %dma_wait3A_1215] : memref<4x128x128xf32, #tpu.memory_space<vmem>> -> memref<1x128x128xf32, #tpu.memory_space<vmem>>
      %dma_wait3A_1217 = tpu.memref_squeeze %dma_wait3A_1216 : memref<1x128x128xf32, #tpu.memory_space<vmem>> -> memref<128x128xf32, #tpu.memory_space<vmem>>
      %dma_wait3A_1218 = arith.constant 0 : i32
      %dma_wait3A_1219 = tpu.memref_slice %arg8[%dma_wait3A_1213, %dma_wait3A_1218] : memref<8x128xi32, #tpu.memory_space<vmem>> -> memref<1x128xi32, #tpu.memory_space<vmem>>
      %dma_wait3A_1220 = tpu.memref_squeeze %dma_wait3A_1219 : memref<1x128xi32, #tpu.memory_space<vmem>> -> memref<128xi32, #tpu.memory_space<vmem>>
      %dma_wait3A_1221 = arith.constant 2560 : i32
      %dma_wait3A_1222 = arith.constant 0 : i32
      %dma_wait3A_1223 = tpu.memref_slice %arg6[%add3A_30, %dma_wait3A_1221, %dma_wait3A_1222] : memref<16x5120x128xf32, #tpu.memory_space<hbm>> -> memref<1x640x128xf32, #tpu.memory_space<hbm>>
      %dma_wait3A_1224 = tpu.memref_squeeze %dma_wait3A_1223 : memref<1x640x128xf32, #tpu.memory_space<hbm>> -> memref<640x128xf32, #tpu.memory_space<hbm>>
      %dma_wait3A_1225 = arith.constant 0 : i32
      %dma_wait3A_1226 = arith.constant 0 : i32
      %dma_wait3A_1227 = tpu.memref_slice %dma_wait3A_1224[%dma_wait3A_1225, %dma_wait3A_1226] : memref<640x128xf32, #tpu.memory_space<hbm>> -> memref<640x128xf32, #tpu.memory_space<hbm>>
      tpu.wait_indirect_dma semaphore(%arg16 : memref<!tpu.dma_semaphore, #tpu.memory_space<semaphore_mem>>) src(%dma_wait3A_1217 : memref<128x128xf32, #tpu.memory_space<vmem>>) dst(%dma_wait3A_1227 : memref<640x128xf32, #tpu.memory_space<hbm>>)
      %dma_wait3A_1228 = arith.constant 0 : i32
      %dma_wait3A_1229 = arith.constant 6 : i32
      %dma_wait3A_1230 = arith.constant 0 : i32
      %dma_wait3A_1231 = arith.constant 0 : i32
      %dma_wait3A_1232 = tpu.memref_slice %arg10[%dma_wait3A_1228, %dma_wait3A_1230, %dma_wait3A_1231] : memref<4x128x128xf32, #tpu.memory_space<vmem>> -> memref<1x128x128xf32, #tpu.memory_space<vmem>>
      %dma_wait3A_1233 = tpu.memref_squeeze %dma_wait3A_1232 : memref<1x128x128xf32, #tpu.memory_space<vmem>> -> memref<128x128xf32, #tpu.memory_space<vmem>>
      %dma_wait3A_1234 = arith.constant 0 : i32
      %dma_wait3A_1235 = tpu.memref_slice %arg8[%dma_wait3A_1229, %dma_wait3A_1234] : memref<8x128xi32, #tpu.memory_space<vmem>> -> memref<1x128xi32, #tpu.memory_space<vmem>>
      %dma_wait3A_1236 = tpu.memref_squeeze %dma_wait3A_1235 : memref<1x128xi32, #tpu.memory_space<vmem>> -> memref<128xi32, #tpu.memory_space<vmem>>
      %dma_wait3A_1237 = arith.constant 2560 : i32
      %dma_wait3A_1238 = arith.constant 0 : i32
      %dma_wait3A_1239 = tpu.memref_slice %arg6[%add3A_30, %dma_wait3A_1237, %dma_wait3A_1238] : memref<16x5120x128xf32, #tpu.memory_space<hbm>> -> memref<1x640x128xf32, #tpu.memory_space<hbm>>
      %dma_wait3A_1240 = tpu.memref_squeeze %dma_wait3A_1239 : memref<1x640x128xf32, #tpu.memory_space<hbm>> -> memref<640x128xf32, #tpu.memory_space<hbm>>
      %dma_wait3A_1241 = arith.constant 0 : i32
      %dma_wait3A_1242 = arith.constant 0 : i32
      %dma_wait3A_1243 = tpu.memref_slice %dma_wait3A_1240[%dma_wait3A_1241, %dma_wait3A_1242] : memref<640x128xf32, #tpu.memory_space<hbm>> -> memref<640x128xf32, #tpu.memory_space<hbm>>
      tpu.wait_indirect_dma semaphore(%arg16 : memref<!tpu.dma_semaphore, #tpu.memory_space<semaphore_mem>>) src(%dma_wait3A_1233 : memref<128x128xf32, #tpu.memory_space<vmem>>) dst(%dma_wait3A_1243 : memref<640x128xf32, #tpu.memory_space<hbm>>)
      %dma_wait3A_1244 = arith.constant 2 : i32
      %dma_wait3A_1245 = arith.constant 0 : i32
      %dma_wait3A_1246 = arith.constant 0 : i32
      %dma_wait3A_1247 = tpu.memref_slice %arg10[%dma_wait3A_1244, %dma_wait3A_1245, %dma_wait3A_1246] : memref<4x128x128xf32, #tpu.memory_space<vmem>> -> memref<1x128x128xf32, #tpu.memory_space<vmem>>
      %dma_wait3A_1248 = tpu.memref_squeeze %dma_wait3A_1247 : memref<1x128x128xf32, #tpu.memory_space<vmem>> -> memref<128x128xf32, #tpu.memory_space<vmem>>
      %dma_wait3A_1249 = arith.constant 768 : i32
      %dma_wait3A_1250 = tpu.memref_slice %arg9[%dma_wait3A_1249] : memref<4112xi32, #tpu.memory_space<vmem>> -> memref<128xi32, #tpu.memory_space<vmem>>
      %dma_wait3A_1251 = arith.constant 0 : i32
      %dma_wait3A_1252 = arith.constant 0 : i32
      %dma_wait3A_1253 = tpu.memref_slice %arg11[%dma_wait3A_1251, %dma_wait3A_1252] : memref<4096x128xf32, #tpu.memory_space<vmem_shared>> -> memref<4096x128xf32, #tpu.memory_space<vmem_shared>>
      tpu.wait_indirect_dma semaphore(%arg14 : memref<!tpu.dma_semaphore, #tpu.memory_space<semaphore_mem>>) src(%dma_wait3A_1253 : memref<4096x128xf32, #tpu.memory_space<vmem_shared>>) dst(%dma_wait3A_1248 : memref<128x128xf32, #tpu.memory_space<vmem>>)
      %dma_start3A_1254 = arith.constant 2 : i32
      %dma_start3A_1255 = arith.constant 2 : i32
      %dma_start3A_1256 = arith.constant 0 : i32
      %dma_start3A_1257 = arith.constant 0 : i32
      %dma_start3A_1258 = tpu.memref_slice %arg10[%dma_start3A_1254, %dma_start3A_1256, %dma_start3A_1257] : memref<4x128x128xf32, #tpu.memory_space<vmem>> -> memref<1x128x128xf32, #tpu.memory_space<vmem>>
      %dma_start3A_1259 = tpu.memref_squeeze %dma_start3A_1258 : memref<1x128x128xf32, #tpu.memory_space<vmem>> -> memref<128x128xf32, #tpu.memory_space<vmem>>
      %dma_start3A_1260 = arith.constant 0 : i32
      %dma_start3A_1261 = tpu.memref_slice %arg8[%dma_start3A_1255, %dma_start3A_1260] : memref<8x128xi32, #tpu.memory_space<vmem>> -> memref<1x128xi32, #tpu.memory_space<vmem>>
      %dma_start3A_1262 = tpu.memref_squeeze %dma_start3A_1261 : memref<1x128xi32, #tpu.memory_space<vmem>> -> memref<128xi32, #tpu.memory_space<vmem>>
      %dma_start3A_1263 = arith.constant 3840 : i32
      %dma_start3A_1264 = arith.constant 0 : i32
      %dma_start3A_1265 = tpu.memref_slice %arg6[%add3A_30, %dma_start3A_1263, %dma_start3A_1264] : memref<16x5120x128xf32, #tpu.memory_space<hbm>> -> memref<1x640x128xf32, #tpu.memory_space<hbm>>
      %dma_start3A_1266 = tpu.memref_squeeze %dma_start3A_1265 : memref<1x640x128xf32, #tpu.memory_space<hbm>> -> memref<640x128xf32, #tpu.memory_space<hbm>>
      %dma_start3A_1267 = arith.constant 0 : i32
      %dma_start3A_1268 = arith.constant 0 : i32
      %dma_start3A_1269 = tpu.memref_slice %dma_start3A_1266[%dma_start3A_1267, %dma_start3A_1268] : memref<640x128xf32, #tpu.memory_space<hbm>> -> memref<640x128xf32, #tpu.memory_space<hbm>>
      tpu.enqueue_indirect_dma source(%dma_start3A_1259 : memref<128x128xf32, #tpu.memory_space<vmem>>) target(%dma_start3A_1269 : memref<640x128xf32, #tpu.memory_space<hbm>>) offsets(%dma_start3A_1262 : memref<128xi32, #tpu.memory_space<vmem>>) semaphore(%arg18 : memref<!tpu.dma_semaphore, #tpu.memory_space<semaphore_mem>>)
      %dma_start3A_1270 = arith.constant 2 : i32
      %dma_start3A_1271 = arith.constant 3 : i32
      %dma_start3A_1272 = arith.constant 0 : i32
      %dma_start3A_1273 = arith.constant 0 : i32
      %dma_start3A_1274 = tpu.memref_slice %arg10[%dma_start3A_1270, %dma_start3A_1272, %dma_start3A_1273] : memref<4x128x128xf32, #tpu.memory_space<vmem>> -> memref<1x128x128xf32, #tpu.memory_space<vmem>>
      %dma_start3A_1275 = tpu.memref_squeeze %dma_start3A_1274 : memref<1x128x128xf32, #tpu.memory_space<vmem>> -> memref<128x128xf32, #tpu.memory_space<vmem>>
      %dma_start3A_1276 = arith.constant 0 : i32
      %dma_start3A_1277 = tpu.memref_slice %arg8[%dma_start3A_1271, %dma_start3A_1276] : memref<8x128xi32, #tpu.memory_space<vmem>> -> memref<1x128xi32, #tpu.memory_space<vmem>>
      %dma_start3A_1278 = tpu.memref_squeeze %dma_start3A_1277 : memref<1x128xi32, #tpu.memory_space<vmem>> -> memref<128xi32, #tpu.memory_space<vmem>>
      %dma_start3A_1279 = arith.constant 3840 : i32
      %dma_start3A_1280 = arith.constant 0 : i32
      %dma_start3A_1281 = tpu.memref_slice %arg6[%add3A_30, %dma_start3A_1279, %dma_start3A_1280] : memref<16x5120x128xf32, #tpu.memory_space<hbm>> -> memref<1x640x128xf32, #tpu.memory_space<hbm>>
      %dma_start3A_1282 = tpu.memref_squeeze %dma_start3A_1281 : memref<1x640x128xf32, #tpu.memory_space<hbm>> -> memref<640x128xf32, #tpu.memory_space<hbm>>
      %dma_start3A_1283 = arith.constant 0 : i32
      %dma_start3A_1284 = arith.constant 0 : i32
      %dma_start3A_1285 = tpu.memref_slice %dma_start3A_1282[%dma_start3A_1283, %dma_start3A_1284] : memref<640x128xf32, #tpu.memory_space<hbm>> -> memref<640x128xf32, #tpu.memory_space<hbm>>
      tpu.enqueue_indirect_dma source(%dma_start3A_1275 : memref<128x128xf32, #tpu.memory_space<vmem>>) target(%dma_start3A_1285 : memref<640x128xf32, #tpu.memory_space<hbm>>) offsets(%dma_start3A_1278 : memref<128xi32, #tpu.memory_space<vmem>>) semaphore(%arg18 : memref<!tpu.dma_semaphore, #tpu.memory_space<semaphore_mem>>)
      %dma_start3A_1286 = arith.constant 2 : i32
      %dma_start3A_1287 = arith.constant 4 : i32
      %dma_start3A_1288 = arith.constant 0 : i32
      %dma_start3A_1289 = arith.constant 0 : i32
      %dma_start3A_1290 = tpu.memref_slice %arg10[%dma_start3A_1286, %dma_start3A_1288, %dma_start3A_1289] : memref<4x128x128xf32, #tpu.memory_space<vmem>> -> memref<1x128x128xf32, #tpu.memory_space<vmem>>
      %dma_start3A_1291 = tpu.memref_squeeze %dma_start3A_1290 : memref<1x128x128xf32, #tpu.memory_space<vmem>> -> memref<128x128xf32, #tpu.memory_space<vmem>>
      %dma_start3A_1292 = arith.constant 0 : i32
      %dma_start3A_1293 = tpu.memref_slice %arg8[%dma_start3A_1287, %dma_start3A_1292] : memref<8x128xi32, #tpu.memory_space<vmem>> -> memref<1x128xi32, #tpu.memory_space<vmem>>
      %dma_start3A_1294 = tpu.memref_squeeze %dma_start3A_1293 : memref<1x128xi32, #tpu.memory_space<vmem>> -> memref<128xi32, #tpu.memory_space<vmem>>
      %dma_start3A_1295 = arith.constant 3840 : i32
      %dma_start3A_1296 = arith.constant 0 : i32
      %dma_start3A_1297 = tpu.memref_slice %arg6[%add3A_30, %dma_start3A_1295, %dma_start3A_1296] : memref<16x5120x128xf32, #tpu.memory_space<hbm>> -> memref<1x640x128xf32, #tpu.memory_space<hbm>>
      %dma_start3A_1298 = tpu.memref_squeeze %dma_start3A_1297 : memref<1x640x128xf32, #tpu.memory_space<hbm>> -> memref<640x128xf32, #tpu.memory_space<hbm>>
      %dma_start3A_1299 = arith.constant 0 : i32
      %dma_start3A_1300 = arith.constant 0 : i32
      %dma_start3A_1301 = tpu.memref_slice %dma_start3A_1298[%dma_start3A_1299, %dma_start3A_1300] : memref<640x128xf32, #tpu.memory_space<hbm>> -> memref<640x128xf32, #tpu.memory_space<hbm>>
      tpu.enqueue_indirect_dma source(%dma_start3A_1291 : memref<128x128xf32, #tpu.memory_space<vmem>>) target(%dma_start3A_1301 : memref<640x128xf32, #tpu.memory_space<hbm>>) offsets(%dma_start3A_1294 : memref<128xi32, #tpu.memory_space<vmem>>) semaphore(%arg18 : memref<!tpu.dma_semaphore, #tpu.memory_space<semaphore_mem>>)
      %dma_start3A_1302 = arith.constant 2 : i32
      %dma_start3A_1303 = arith.constant 5 : i32
      %dma_start3A_1304 = arith.constant 0 : i32
      %dma_start3A_1305 = arith.constant 0 : i32
      %dma_start3A_1306 = tpu.memref_slice %arg10[%dma_start3A_1302, %dma_start3A_1304, %dma_start3A_1305] : memref<4x128x128xf32, #tpu.memory_space<vmem>> -> memref<1x128x128xf32, #tpu.memory_space<vmem>>
      %dma_start3A_1307 = tpu.memref_squeeze %dma_start3A_1306 : memref<1x128x128xf32, #tpu.memory_space<vmem>> -> memref<128x128xf32, #tpu.memory_space<vmem>>
      %dma_start3A_1308 = arith.constant 0 : i32
      %dma_start3A_1309 = tpu.memref_slice %arg8[%dma_start3A_1303, %dma_start3A_1308] : memref<8x128xi32, #tpu.memory_space<vmem>> -> memref<1x128xi32, #tpu.memory_space<vmem>>
      %dma_start3A_1310 = tpu.memref_squeeze %dma_start3A_1309 : memref<1x128xi32, #tpu.memory_space<vmem>> -> memref<128xi32, #tpu.memory_space<vmem>>
      %dma_start3A_1311 = arith.constant 3840 : i32
      %dma_start3A_1312 = arith.constant 0 : i32
      %dma_start3A_1313 = tpu.memref_slice %arg6[%add3A_30, %dma_start3A_1311, %dma_start3A_1312] : memref<16x5120x128xf32, #tpu.memory_space<hbm>> -> memref<1x640x128xf32, #tpu.memory_space<hbm>>
      %dma_start3A_1314 = tpu.memref_squeeze %dma_start3A_1313 : memref<1x640x128xf32, #tpu.memory_space<hbm>> -> memref<640x128xf32, #tpu.memory_space<hbm>>
      %dma_start3A_1315 = arith.constant 0 : i32
      %dma_start3A_1316 = arith.constant 0 : i32
      %dma_start3A_1317 = tpu.memref_slice %dma_start3A_1314[%dma_start3A_1315, %dma_start3A_1316] : memref<640x128xf32, #tpu.memory_space<hbm>> -> memref<640x128xf32, #tpu.memory_space<hbm>>
      tpu.enqueue_indirect_dma source(%dma_start3A_1307 : memref<128x128xf32, #tpu.memory_space<vmem>>) target(%dma_start3A_1317 : memref<640x128xf32, #tpu.memory_space<hbm>>) offsets(%dma_start3A_1310 : memref<128xi32, #tpu.memory_space<vmem>>) semaphore(%arg18 : memref<!tpu.dma_semaphore, #tpu.memory_space<semaphore_mem>>)
      %dma_start3A_1318 = arith.constant 2 : i32
      %dma_start3A_1319 = arith.constant 6 : i32
      %dma_start3A_1320 = arith.constant 0 : i32
      %dma_start3A_1321 = arith.constant 0 : i32
      %dma_start3A_1322 = tpu.memref_slice %arg10[%dma_start3A_1318, %dma_start3A_1320, %dma_start3A_1321] : memref<4x128x128xf32, #tpu.memory_space<vmem>> -> memref<1x128x128xf32, #tpu.memory_space<vmem>>
      %dma_start3A_1323 = tpu.memref_squeeze %dma_start3A_1322 : memref<1x128x128xf32, #tpu.memory_space<vmem>> -> memref<128x128xf32, #tpu.memory_space<vmem>>
      %dma_start3A_1324 = arith.constant 0 : i32
      %dma_start3A_1325 = tpu.memref_slice %arg8[%dma_start3A_1319, %dma_start3A_1324] : memref<8x128xi32, #tpu.memory_space<vmem>> -> memref<1x128xi32, #tpu.memory_space<vmem>>
      %dma_start3A_1326 = tpu.memref_squeeze %dma_start3A_1325 : memref<1x128xi32, #tpu.memory_space<vmem>> -> memref<128xi32, #tpu.memory_space<vmem>>
      %dma_start3A_1327 = arith.constant 3840 : i32
      %dma_start3A_1328 = arith.constant 0 : i32
      %dma_start3A_1329 = tpu.memref_slice %arg6[%add3A_30, %dma_start3A_1327, %dma_start3A_1328] : memref<16x5120x128xf32, #tpu.memory_space<hbm>> -> memref<1x640x128xf32, #tpu.memory_space<hbm>>
      %dma_start3A_1330 = tpu.memref_squeeze %dma_start3A_1329 : memref<1x640x128xf32, #tpu.memory_space<hbm>> -> memref<640x128xf32, #tpu.memory_space<hbm>>
      %dma_start3A_1331 = arith.constant 0 : i32
      %dma_start3A_1332 = arith.constant 0 : i32
      %dma_start3A_1333 = tpu.memref_slice %dma_start3A_1330[%dma_start3A_1331, %dma_start3A_1332] : memref<640x128xf32, #tpu.memory_space<hbm>> -> memref<640x128xf32, #tpu.memory_space<hbm>>
      tpu.enqueue_indirect_dma source(%dma_start3A_1323 : memref<128x128xf32, #tpu.memory_space<vmem>>) target(%dma_start3A_1333 : memref<640x128xf32, #tpu.memory_space<hbm>>) offsets(%dma_start3A_1326 : memref<128xi32, #tpu.memory_space<vmem>>) semaphore(%arg18 : memref<!tpu.dma_semaphore, #tpu.memory_space<semaphore_mem>>)
      %dma_wait3A_1334 = arith.constant 1 : i32
      %dma_wait3A_1335 = arith.constant 2 : i32
      %dma_wait3A_1336 = arith.constant 0 : i32
      %dma_wait3A_1337 = arith.constant 0 : i32
      %dma_wait3A_1338 = tpu.memref_slice %arg10[%dma_wait3A_1334, %dma_wait3A_1336, %dma_wait3A_1337] : memref<4x128x128xf32, #tpu.memory_space<vmem>> -> memref<1x128x128xf32, #tpu.memory_space<vmem>>
      %dma_wait3A_1339 = tpu.memref_squeeze %dma_wait3A_1338 : memref<1x128x128xf32, #tpu.memory_space<vmem>> -> memref<128x128xf32, #tpu.memory_space<vmem>>
      %dma_wait3A_1340 = arith.constant 0 : i32
      %dma_wait3A_1341 = tpu.memref_slice %arg8[%dma_wait3A_1335, %dma_wait3A_1340] : memref<8x128xi32, #tpu.memory_space<vmem>> -> memref<1x128xi32, #tpu.memory_space<vmem>>
      %dma_wait3A_1342 = tpu.memref_squeeze %dma_wait3A_1341 : memref<1x128xi32, #tpu.memory_space<vmem>> -> memref<128xi32, #tpu.memory_space<vmem>>
      %dma_wait3A_1343 = arith.constant 3200 : i32
      %dma_wait3A_1344 = arith.constant 0 : i32
      %dma_wait3A_1345 = tpu.memref_slice %arg6[%add3A_30, %dma_wait3A_1343, %dma_wait3A_1344] : memref<16x5120x128xf32, #tpu.memory_space<hbm>> -> memref<1x640x128xf32, #tpu.memory_space<hbm>>
      %dma_wait3A_1346 = tpu.memref_squeeze %dma_wait3A_1345 : memref<1x640x128xf32, #tpu.memory_space<hbm>> -> memref<640x128xf32, #tpu.memory_space<hbm>>
      %dma_wait3A_1347 = arith.constant 0 : i32
      %dma_wait3A_1348 = arith.constant 0 : i32
      %dma_wait3A_1349 = tpu.memref_slice %dma_wait3A_1346[%dma_wait3A_1347, %dma_wait3A_1348] : memref<640x128xf32, #tpu.memory_space<hbm>> -> memref<640x128xf32, #tpu.memory_space<hbm>>
      tpu.wait_indirect_dma semaphore(%arg17 : memref<!tpu.dma_semaphore, #tpu.memory_space<semaphore_mem>>) src(%dma_wait3A_1339 : memref<128x128xf32, #tpu.memory_space<vmem>>) dst(%dma_wait3A_1349 : memref<640x128xf32, #tpu.memory_space<hbm>>)
      %dma_wait3A_1350 = arith.constant 1 : i32
      %dma_wait3A_1351 = arith.constant 3 : i32
      %dma_wait3A_1352 = arith.constant 0 : i32
      %dma_wait3A_1353 = arith.constant 0 : i32
      %dma_wait3A_1354 = tpu.memref_slice %arg10[%dma_wait3A_1350, %dma_wait3A_1352, %dma_wait3A_1353] : memref<4x128x128xf32, #tpu.memory_space<vmem>> -> memref<1x128x128xf32, #tpu.memory_space<vmem>>
      %dma_wait3A_1355 = tpu.memref_squeeze %dma_wait3A_1354 : memref<1x128x128xf32, #tpu.memory_space<vmem>> -> memref<128x128xf32, #tpu.memory_space<vmem>>
      %dma_wait3A_1356 = arith.constant 0 : i32
      %dma_wait3A_1357 = tpu.memref_slice %arg8[%dma_wait3A_1351, %dma_wait3A_1356] : memref<8x128xi32, #tpu.memory_space<vmem>> -> memref<1x128xi32, #tpu.memory_space<vmem>>
      %dma_wait3A_1358 = tpu.memref_squeeze %dma_wait3A_1357 : memref<1x128xi32, #tpu.memory_space<vmem>> -> memref<128xi32, #tpu.memory_space<vmem>>
      %dma_wait3A_1359 = arith.constant 3200 : i32
      %dma_wait3A_1360 = arith.constant 0 : i32
      %dma_wait3A_1361 = tpu.memref_slice %arg6[%add3A_30, %dma_wait3A_1359, %dma_wait3A_1360] : memref<16x5120x128xf32, #tpu.memory_space<hbm>> -> memref<1x640x128xf32, #tpu.memory_space<hbm>>
      %dma_wait3A_1362 = tpu.memref_squeeze %dma_wait3A_1361 : memref<1x640x128xf32, #tpu.memory_space<hbm>> -> memref<640x128xf32, #tpu.memory_space<hbm>>
      %dma_wait3A_1363 = arith.constant 0 : i32
      %dma_wait3A_1364 = arith.constant 0 : i32
      %dma_wait3A_1365 = tpu.memref_slice %dma_wait3A_1362[%dma_wait3A_1363, %dma_wait3A_1364] : memref<640x128xf32, #tpu.memory_space<hbm>> -> memref<640x128xf32, #tpu.memory_space<hbm>>
      tpu.wait_indirect_dma semaphore(%arg17 : memref<!tpu.dma_semaphore, #tpu.memory_space<semaphore_mem>>) src(%dma_wait3A_1355 : memref<128x128xf32, #tpu.memory_space<vmem>>) dst(%dma_wait3A_1365 : memref<640x128xf32, #tpu.memory_space<hbm>>)
      %dma_wait3A_1366 = arith.constant 1 : i32
      %dma_wait3A_1367 = arith.constant 4 : i32
      %dma_wait3A_1368 = arith.constant 0 : i32
      %dma_wait3A_1369 = arith.constant 0 : i32
      %dma_wait3A_1370 = tpu.memref_slice %arg10[%dma_wait3A_1366, %dma_wait3A_1368, %dma_wait3A_1369] : memref<4x128x128xf32, #tpu.memory_space<vmem>> -> memref<1x128x128xf32, #tpu.memory_space<vmem>>
      %dma_wait3A_1371 = tpu.memref_squeeze %dma_wait3A_1370 : memref<1x128x128xf32, #tpu.memory_space<vmem>> -> memref<128x128xf32, #tpu.memory_space<vmem>>
      %dma_wait3A_1372 = arith.constant 0 : i32
      %dma_wait3A_1373 = tpu.memref_slice %arg8[%dma_wait3A_1367, %dma_wait3A_1372] : memref<8x128xi32, #tpu.memory_space<vmem>> -> memref<1x128xi32, #tpu.memory_space<vmem>>
      %dma_wait3A_1374 = tpu.memref_squeeze %dma_wait3A_1373 : memref<1x128xi32, #tpu.memory_space<vmem>> -> memref<128xi32, #tpu.memory_space<vmem>>
      %dma_wait3A_1375 = arith.constant 3200 : i32
      %dma_wait3A_1376 = arith.constant 0 : i32
      %dma_wait3A_1377 = tpu.memref_slice %arg6[%add3A_30, %dma_wait3A_1375, %dma_wait3A_1376] : memref<16x5120x128xf32, #tpu.memory_space<hbm>> -> memref<1x640x128xf32, #tpu.memory_space<hbm>>
      %dma_wait3A_1378 = tpu.memref_squeeze %dma_wait3A_1377 : memref<1x640x128xf32, #tpu.memory_space<hbm>> -> memref<640x128xf32, #tpu.memory_space<hbm>>
      %dma_wait3A_1379 = arith.constant 0 : i32
      %dma_wait3A_1380 = arith.constant 0 : i32
      %dma_wait3A_1381 = tpu.memref_slice %dma_wait3A_1378[%dma_wait3A_1379, %dma_wait3A_1380] : memref<640x128xf32, #tpu.memory_space<hbm>> -> memref<640x128xf32, #tpu.memory_space<hbm>>
      tpu.wait_indirect_dma semaphore(%arg17 : memref<!tpu.dma_semaphore, #tpu.memory_space<semaphore_mem>>) src(%dma_wait3A_1371 : memref<128x128xf32, #tpu.memory_space<vmem>>) dst(%dma_wait3A_1381 : memref<640x128xf32, #tpu.memory_space<hbm>>)
      %dma_wait3A_1382 = arith.constant 1 : i32
      %dma_wait3A_1383 = arith.constant 5 : i32
      %dma_wait3A_1384 = arith.constant 0 : i32
      %dma_wait3A_1385 = arith.constant 0 : i32
      %dma_wait3A_1386 = tpu.memref_slice %arg10[%dma_wait3A_1382, %dma_wait3A_1384, %dma_wait3A_1385] : memref<4x128x128xf32, #tpu.memory_space<vmem>> -> memref<1x128x128xf32, #tpu.memory_space<vmem>>
      %dma_wait3A_1387 = tpu.memref_squeeze %dma_wait3A_1386 : memref<1x128x128xf32, #tpu.memory_space<vmem>> -> memref<128x128xf32, #tpu.memory_space<vmem>>
      %dma_wait3A_1388 = arith.constant 0 : i32
      %dma_wait3A_1389 = tpu.memref_slice %arg8[%dma_wait3A_1383, %dma_wait3A_1388] : memref<8x128xi32, #tpu.memory_space<vmem>> -> memref<1x128xi32, #tpu.memory_space<vmem>>
      %dma_wait3A_1390 = tpu.memref_squeeze %dma_wait3A_1389 : memref<1x128xi32, #tpu.memory_space<vmem>> -> memref<128xi32, #tpu.memory_space<vmem>>
      %dma_wait3A_1391 = arith.constant 3200 : i32
      %dma_wait3A_1392 = arith.constant 0 : i32
      %dma_wait3A_1393 = tpu.memref_slice %arg6[%add3A_30, %dma_wait3A_1391, %dma_wait3A_1392] : memref<16x5120x128xf32, #tpu.memory_space<hbm>> -> memref<1x640x128xf32, #tpu.memory_space<hbm>>
      %dma_wait3A_1394 = tpu.memref_squeeze %dma_wait3A_1393 : memref<1x640x128xf32, #tpu.memory_space<hbm>> -> memref<640x128xf32, #tpu.memory_space<hbm>>
      %dma_wait3A_1395 = arith.constant 0 : i32
      %dma_wait3A_1396 = arith.constant 0 : i32
      %dma_wait3A_1397 = tpu.memref_slice %dma_wait3A_1394[%dma_wait3A_1395, %dma_wait3A_1396] : memref<640x128xf32, #tpu.memory_space<hbm>> -> memref<640x128xf32, #tpu.memory_space<hbm>>
      tpu.wait_indirect_dma semaphore(%arg17 : memref<!tpu.dma_semaphore, #tpu.memory_space<semaphore_mem>>) src(%dma_wait3A_1387 : memref<128x128xf32, #tpu.memory_space<vmem>>) dst(%dma_wait3A_1397 : memref<640x128xf32, #tpu.memory_space<hbm>>)
      %dma_wait3A_1398 = arith.constant 1 : i32
      %dma_wait3A_1399 = arith.constant 6 : i32
      %dma_wait3A_1400 = arith.constant 0 : i32
      %dma_wait3A_1401 = arith.constant 0 : i32
      %dma_wait3A_1402 = tpu.memref_slice %arg10[%dma_wait3A_1398, %dma_wait3A_1400, %dma_wait3A_1401] : memref<4x128x128xf32, #tpu.memory_space<vmem>> -> memref<1x128x128xf32, #tpu.memory_space<vmem>>
      %dma_wait3A_1403 = tpu.memref_squeeze %dma_wait3A_1402 : memref<1x128x128xf32, #tpu.memory_space<vmem>> -> memref<128x128xf32, #tpu.memory_space<vmem>>
      %dma_wait3A_1404 = arith.constant 0 : i32
      %dma_wait3A_1405 = tpu.memref_slice %arg8[%dma_wait3A_1399, %dma_wait3A_1404] : memref<8x128xi32, #tpu.memory_space<vmem>> -> memref<1x128xi32, #tpu.memory_space<vmem>>
      %dma_wait3A_1406 = tpu.memref_squeeze %dma_wait3A_1405 : memref<1x128xi32, #tpu.memory_space<vmem>> -> memref<128xi32, #tpu.memory_space<vmem>>
      %dma_wait3A_1407 = arith.constant 3200 : i32
      %dma_wait3A_1408 = arith.constant 0 : i32
      %dma_wait3A_1409 = tpu.memref_slice %arg6[%add3A_30, %dma_wait3A_1407, %dma_wait3A_1408] : memref<16x5120x128xf32, #tpu.memory_space<hbm>> -> memref<1x640x128xf32, #tpu.memory_space<hbm>>
      %dma_wait3A_1410 = tpu.memref_squeeze %dma_wait3A_1409 : memref<1x640x128xf32, #tpu.memory_space<hbm>> -> memref<640x128xf32, #tpu.memory_space<hbm>>
      %dma_wait3A_1411 = arith.constant 0 : i32
      %dma_wait3A_1412 = arith.constant 0 : i32
      %dma_wait3A_1413 = tpu.memref_slice %dma_wait3A_1410[%dma_wait3A_1411, %dma_wait3A_1412] : memref<640x128xf32, #tpu.memory_space<hbm>> -> memref<640x128xf32, #tpu.memory_space<hbm>>
      tpu.wait_indirect_dma semaphore(%arg17 : memref<!tpu.dma_semaphore, #tpu.memory_space<semaphore_mem>>) src(%dma_wait3A_1403 : memref<128x128xf32, #tpu.memory_space<vmem>>) dst(%dma_wait3A_1413 : memref<640x128xf32, #tpu.memory_space<hbm>>)
      %dma_wait3A_1414 = arith.constant 3 : i32
      %dma_wait3A_1415 = arith.constant 0 : i32
      %dma_wait3A_1416 = arith.constant 0 : i32
      %dma_wait3A_1417 = tpu.memref_slice %arg10[%dma_wait3A_1414, %dma_wait3A_1415, %dma_wait3A_1416] : memref<4x128x128xf32, #tpu.memory_space<vmem>> -> memref<1x128x128xf32, #tpu.memory_space<vmem>>
      %dma_wait3A_1418 = tpu.memref_squeeze %dma_wait3A_1417 : memref<1x128x128xf32, #tpu.memory_space<vmem>> -> memref<128x128xf32, #tpu.memory_space<vmem>>
      %dma_wait3A_1419 = arith.constant 896 : i32
      %dma_wait3A_1420 = tpu.memref_slice %arg9[%dma_wait3A_1419] : memref<4112xi32, #tpu.memory_space<vmem>> -> memref<128xi32, #tpu.memory_space<vmem>>
      %dma_wait3A_1421 = arith.constant 0 : i32
      %dma_wait3A_1422 = arith.constant 0 : i32
      %dma_wait3A_1423 = tpu.memref_slice %arg11[%dma_wait3A_1421, %dma_wait3A_1422] : memref<4096x128xf32, #tpu.memory_space<vmem_shared>> -> memref<4096x128xf32, #tpu.memory_space<vmem_shared>>
      tpu.wait_indirect_dma semaphore(%arg15 : memref<!tpu.dma_semaphore, #tpu.memory_space<semaphore_mem>>) src(%dma_wait3A_1423 : memref<4096x128xf32, #tpu.memory_space<vmem_shared>>) dst(%dma_wait3A_1418 : memref<128x128xf32, #tpu.memory_space<vmem>>)
      %dma_start3A_1424 = arith.constant 3 : i32
      %dma_start3A_1425 = arith.constant 2 : i32
      %dma_start3A_1426 = arith.constant 0 : i32
      %dma_start3A_1427 = arith.constant 0 : i32
      %dma_start3A_1428 = tpu.memref_slice %arg10[%dma_start3A_1424, %dma_start3A_1426, %dma_start3A_1427] : memref<4x128x128xf32, #tpu.memory_space<vmem>> -> memref<1x128x128xf32, #tpu.memory_space<vmem>>
      %dma_start3A_1429 = tpu.memref_squeeze %dma_start3A_1428 : memref<1x128x128xf32, #tpu.memory_space<vmem>> -> memref<128x128xf32, #tpu.memory_space<vmem>>
      %dma_start3A_1430 = arith.constant 0 : i32
      %dma_start3A_1431 = tpu.memref_slice %arg8[%dma_start3A_1425, %dma_start3A_1430] : memref<8x128xi32, #tpu.memory_space<vmem>> -> memref<1x128xi32, #tpu.memory_space<vmem>>
      %dma_start3A_1432 = tpu.memref_squeeze %dma_start3A_1431 : memref<1x128xi32, #tpu.memory_space<vmem>> -> memref<128xi32, #tpu.memory_space<vmem>>
      %dma_start3A_1433 = arith.constant 4480 : i32
      %dma_start3A_1434 = arith.constant 0 : i32
      %dma_start3A_1435 = tpu.memref_slice %arg6[%add3A_30, %dma_start3A_1433, %dma_start3A_1434] : memref<16x5120x128xf32, #tpu.memory_space<hbm>> -> memref<1x640x128xf32, #tpu.memory_space<hbm>>
      %dma_start3A_1436 = tpu.memref_squeeze %dma_start3A_1435 : memref<1x640x128xf32, #tpu.memory_space<hbm>> -> memref<640x128xf32, #tpu.memory_space<hbm>>
      %dma_start3A_1437 = arith.constant 0 : i32
      %dma_start3A_1438 = arith.constant 0 : i32
      %dma_start3A_1439 = tpu.memref_slice %dma_start3A_1436[%dma_start3A_1437, %dma_start3A_1438] : memref<640x128xf32, #tpu.memory_space<hbm>> -> memref<640x128xf32, #tpu.memory_space<hbm>>
      tpu.enqueue_indirect_dma source(%dma_start3A_1429 : memref<128x128xf32, #tpu.memory_space<vmem>>) target(%dma_start3A_1439 : memref<640x128xf32, #tpu.memory_space<hbm>>) offsets(%dma_start3A_1432 : memref<128xi32, #tpu.memory_space<vmem>>) semaphore(%arg19 : memref<!tpu.dma_semaphore, #tpu.memory_space<semaphore_mem>>)
      %dma_start3A_1440 = arith.constant 3 : i32
      %dma_start3A_1441 = arith.constant 3 : i32
      %dma_start3A_1442 = arith.constant 0 : i32
      %dma_start3A_1443 = arith.constant 0 : i32
      %dma_start3A_1444 = tpu.memref_slice %arg10[%dma_start3A_1440, %dma_start3A_1442, %dma_start3A_1443] : memref<4x128x128xf32, #tpu.memory_space<vmem>> -> memref<1x128x128xf32, #tpu.memory_space<vmem>>
      %dma_start3A_1445 = tpu.memref_squeeze %dma_start3A_1444 : memref<1x128x128xf32, #tpu.memory_space<vmem>> -> memref<128x128xf32, #tpu.memory_space<vmem>>
      %dma_start3A_1446 = arith.constant 0 : i32
      %dma_start3A_1447 = tpu.memref_slice %arg8[%dma_start3A_1441, %dma_start3A_1446] : memref<8x128xi32, #tpu.memory_space<vmem>> -> memref<1x128xi32, #tpu.memory_space<vmem>>
      %dma_start3A_1448 = tpu.memref_squeeze %dma_start3A_1447 : memref<1x128xi32, #tpu.memory_space<vmem>> -> memref<128xi32, #tpu.memory_space<vmem>>
      %dma_start3A_1449 = arith.constant 4480 : i32
      %dma_start3A_1450 = arith.constant 0 : i32
      %dma_start3A_1451 = tpu.memref_slice %arg6[%add3A_30, %dma_start3A_1449, %dma_start3A_1450] : memref<16x5120x128xf32, #tpu.memory_space<hbm>> -> memref<1x640x128xf32, #tpu.memory_space<hbm>>
      %dma_start3A_1452 = tpu.memref_squeeze %dma_start3A_1451 : memref<1x640x128xf32, #tpu.memory_space<hbm>> -> memref<640x128xf32, #tpu.memory_space<hbm>>
      %dma_start3A_1453 = arith.constant 0 : i32
      %dma_start3A_1454 = arith.constant 0 : i32
      %dma_start3A_1455 = tpu.memref_slice %dma_start3A_1452[%dma_start3A_1453, %dma_start3A_1454] : memref<640x128xf32, #tpu.memory_space<hbm>> -> memref<640x128xf32, #tpu.memory_space<hbm>>
      tpu.enqueue_indirect_dma source(%dma_start3A_1445 : memref<128x128xf32, #tpu.memory_space<vmem>>) target(%dma_start3A_1455 : memref<640x128xf32, #tpu.memory_space<hbm>>) offsets(%dma_start3A_1448 : memref<128xi32, #tpu.memory_space<vmem>>) semaphore(%arg19 : memref<!tpu.dma_semaphore, #tpu.memory_space<semaphore_mem>>)
      %dma_start3A_1456 = arith.constant 3 : i32
      %dma_start3A_1457 = arith.constant 4 : i32
      %dma_start3A_1458 = arith.constant 0 : i32
      %dma_start3A_1459 = arith.constant 0 : i32
      %dma_start3A_1460 = tpu.memref_slice %arg10[%dma_start3A_1456, %dma_start3A_1458, %dma_start3A_1459] : memref<4x128x128xf32, #tpu.memory_space<vmem>> -> memref<1x128x128xf32, #tpu.memory_space<vmem>>
      %dma_start3A_1461 = tpu.memref_squeeze %dma_start3A_1460 : memref<1x128x128xf32, #tpu.memory_space<vmem>> -> memref<128x128xf32, #tpu.memory_space<vmem>>
      %dma_start3A_1462 = arith.constant 0 : i32
      %dma_start3A_1463 = tpu.memref_slice %arg8[%dma_start3A_1457, %dma_start3A_1462] : memref<8x128xi32, #tpu.memory_space<vmem>> -> memref<1x128xi32, #tpu.memory_space<vmem>>
      %dma_start3A_1464 = tpu.memref_squeeze %dma_start3A_1463 : memref<1x128xi32, #tpu.memory_space<vmem>> -> memref<128xi32, #tpu.memory_space<vmem>>
      %dma_start3A_1465 = arith.constant 4480 : i32
      %dma_start3A_1466 = arith.constant 0 : i32
      %dma_start3A_1467 = tpu.memref_slice %arg6[%add3A_30, %dma_start3A_1465, %dma_start3A_1466] : memref<16x5120x128xf32, #tpu.memory_space<hbm>> -> memref<1x640x128xf32, #tpu.memory_space<hbm>>
      %dma_start3A_1468 = tpu.memref_squeeze %dma_start3A_1467 : memref<1x640x128xf32, #tpu.memory_space<hbm>> -> memref<640x128xf32, #tpu.memory_space<hbm>>
      %dma_start3A_1469 = arith.constant 0 : i32
      %dma_start3A_1470 = arith.constant 0 : i32
      %dma_start3A_1471 = tpu.memref_slice %dma_start3A_1468[%dma_start3A_1469, %dma_start3A_1470] : memref<640x128xf32, #tpu.memory_space<hbm>> -> memref<640x128xf32, #tpu.memory_space<hbm>>
      tpu.enqueue_indirect_dma source(%dma_start3A_1461 : memref<128x128xf32, #tpu.memory_space<vmem>>) target(%dma_start3A_1471 : memref<640x128xf32, #tpu.memory_space<hbm>>) offsets(%dma_start3A_1464 : memref<128xi32, #tpu.memory_space<vmem>>) semaphore(%arg19 : memref<!tpu.dma_semaphore, #tpu.memory_space<semaphore_mem>>)
      %dma_start3A_1472 = arith.constant 3 : i32
      %dma_start3A_1473 = arith.constant 5 : i32
      %dma_start3A_1474 = arith.constant 0 : i32
      %dma_start3A_1475 = arith.constant 0 : i32
      %dma_start3A_1476 = tpu.memref_slice %arg10[%dma_start3A_1472, %dma_start3A_1474, %dma_start3A_1475] : memref<4x128x128xf32, #tpu.memory_space<vmem>> -> memref<1x128x128xf32, #tpu.memory_space<vmem>>
      %dma_start3A_1477 = tpu.memref_squeeze %dma_start3A_1476 : memref<1x128x128xf32, #tpu.memory_space<vmem>> -> memref<128x128xf32, #tpu.memory_space<vmem>>
      %dma_start3A_1478 = arith.constant 0 : i32
      %dma_start3A_1479 = tpu.memref_slice %arg8[%dma_start3A_1473, %dma_start3A_1478] : memref<8x128xi32, #tpu.memory_space<vmem>> -> memref<1x128xi32, #tpu.memory_space<vmem>>
      %dma_start3A_1480 = tpu.memref_squeeze %dma_start3A_1479 : memref<1x128xi32, #tpu.memory_space<vmem>> -> memref<128xi32, #tpu.memory_space<vmem>>
      %dma_start3A_1481 = arith.constant 4480 : i32
      %dma_start3A_1482 = arith.constant 0 : i32
      %dma_start3A_1483 = tpu.memref_slice %arg6[%add3A_30, %dma_start3A_1481, %dma_start3A_1482] : memref<16x5120x128xf32, #tpu.memory_space<hbm>> -> memref<1x640x128xf32, #tpu.memory_space<hbm>>
      %dma_start3A_1484 = tpu.memref_squeeze %dma_start3A_1483 : memref<1x640x128xf32, #tpu.memory_space<hbm>> -> memref<640x128xf32, #tpu.memory_space<hbm>>
      %dma_start3A_1485 = arith.constant 0 : i32
      %dma_start3A_1486 = arith.constant 0 : i32
      %dma_start3A_1487 = tpu.memref_slice %dma_start3A_1484[%dma_start3A_1485, %dma_start3A_1486] : memref<640x128xf32, #tpu.memory_space<hbm>> -> memref<640x128xf32, #tpu.memory_space<hbm>>
      tpu.enqueue_indirect_dma source(%dma_start3A_1477 : memref<128x128xf32, #tpu.memory_space<vmem>>) target(%dma_start3A_1487 : memref<640x128xf32, #tpu.memory_space<hbm>>) offsets(%dma_start3A_1480 : memref<128xi32, #tpu.memory_space<vmem>>) semaphore(%arg19 : memref<!tpu.dma_semaphore, #tpu.memory_space<semaphore_mem>>)
      %dma_start3A_1488 = arith.constant 3 : i32
      %dma_start3A_1489 = arith.constant 6 : i32
      %dma_start3A_1490 = arith.constant 0 : i32
      %dma_start3A_1491 = arith.constant 0 : i32
      %dma_start3A_1492 = tpu.memref_slice %arg10[%dma_start3A_1488, %dma_start3A_1490, %dma_start3A_1491] : memref<4x128x128xf32, #tpu.memory_space<vmem>> -> memref<1x128x128xf32, #tpu.memory_space<vmem>>
      %dma_start3A_1493 = tpu.memref_squeeze %dma_start3A_1492 : memref<1x128x128xf32, #tpu.memory_space<vmem>> -> memref<128x128xf32, #tpu.memory_space<vmem>>
      %dma_start3A_1494 = arith.constant 0 : i32
      %dma_start3A_1495 = tpu.memref_slice %arg8[%dma_start3A_1489, %dma_start3A_1494] : memref<8x128xi32, #tpu.memory_space<vmem>> -> memref<1x128xi32, #tpu.memory_space<vmem>>
      %dma_start3A_1496 = tpu.memref_squeeze %dma_start3A_1495 : memref<1x128xi32, #tpu.memory_space<vmem>> -> memref<128xi32, #tpu.memory_space<vmem>>
      %dma_start3A_1497 = arith.constant 4480 : i32
      %dma_start3A_1498 = arith.constant 0 : i32
      %dma_start3A_1499 = tpu.memref_slice %arg6[%add3A_30, %dma_start3A_1497, %dma_start3A_1498] : memref<16x5120x128xf32, #tpu.memory_space<hbm>> -> memref<1x640x128xf32, #tpu.memory_space<hbm>>
      %dma_start3A_1500 = tpu.memref_squeeze %dma_start3A_1499 : memref<1x640x128xf32, #tpu.memory_space<hbm>> -> memref<640x128xf32, #tpu.memory_space<hbm>>
      %dma_start3A_1501 = arith.constant 0 : i32
      %dma_start3A_1502 = arith.constant 0 : i32
      %dma_start3A_1503 = tpu.memref_slice %dma_start3A_1500[%dma_start3A_1501, %dma_start3A_1502] : memref<640x128xf32, #tpu.memory_space<hbm>> -> memref<640x128xf32, #tpu.memory_space<hbm>>
      tpu.enqueue_indirect_dma source(%dma_start3A_1493 : memref<128x128xf32, #tpu.memory_space<vmem>>) target(%dma_start3A_1503 : memref<640x128xf32, #tpu.memory_space<hbm>>) offsets(%dma_start3A_1496 : memref<128xi32, #tpu.memory_space<vmem>>) semaphore(%arg19 : memref<!tpu.dma_semaphore, #tpu.memory_space<semaphore_mem>>)
      %dma_wait3A_1504 = arith.constant 2 : i32
      %dma_wait3A_1505 = arith.constant 2 : i32
      %dma_wait3A_1506 = arith.constant 0 : i32
      %dma_wait3A_1507 = arith.constant 0 : i32
      %dma_wait3A_1508 = tpu.memref_slice %arg10[%dma_wait3A_1504, %dma_wait3A_1506, %dma_wait3A_1507] : memref<4x128x128xf32, #tpu.memory_space<vmem>> -> memref<1x128x128xf32, #tpu.memory_space<vmem>>
      %dma_wait3A_1509 = tpu.memref_squeeze %dma_wait3A_1508 : memref<1x128x128xf32, #tpu.memory_space<vmem>> -> memref<128x128xf32, #tpu.memory_space<vmem>>
      %dma_wait3A_1510 = arith.constant 0 : i32
      %dma_wait3A_1511 = tpu.memref_slice %arg8[%dma_wait3A_1505, %dma_wait3A_1510] : memref<8x128xi32, #tpu.memory_space<vmem>> -> memref<1x128xi32, #tpu.memory_space<vmem>>
      %dma_wait3A_1512 = tpu.memref_squeeze %dma_wait3A_1511 : memref<1x128xi32, #tpu.memory_space<vmem>> -> memref<128xi32, #tpu.memory_space<vmem>>
      %dma_wait3A_1513 = arith.constant 3840 : i32
      %dma_wait3A_1514 = arith.constant 0 : i32
      %dma_wait3A_1515 = tpu.memref_slice %arg6[%add3A_30, %dma_wait3A_1513, %dma_wait3A_1514] : memref<16x5120x128xf32, #tpu.memory_space<hbm>> -> memref<1x640x128xf32, #tpu.memory_space<hbm>>
      %dma_wait3A_1516 = tpu.memref_squeeze %dma_wait3A_1515 : memref<1x640x128xf32, #tpu.memory_space<hbm>> -> memref<640x128xf32, #tpu.memory_space<hbm>>
      %dma_wait3A_1517 = arith.constant 0 : i32
      %dma_wait3A_1518 = arith.constant 0 : i32
      %dma_wait3A_1519 = tpu.memref_slice %dma_wait3A_1516[%dma_wait3A_1517, %dma_wait3A_1518] : memref<640x128xf32, #tpu.memory_space<hbm>> -> memref<640x128xf32, #tpu.memory_space<hbm>>
      tpu.wait_indirect_dma semaphore(%arg18 : memref<!tpu.dma_semaphore, #tpu.memory_space<semaphore_mem>>) src(%dma_wait3A_1509 : memref<128x128xf32, #tpu.memory_space<vmem>>) dst(%dma_wait3A_1519 : memref<640x128xf32, #tpu.memory_space<hbm>>)
      %dma_wait3A_1520 = arith.constant 2 : i32
      %dma_wait3A_1521 = arith.constant 3 : i32
      %dma_wait3A_1522 = arith.constant 0 : i32
      %dma_wait3A_1523 = arith.constant 0 : i32
      %dma_wait3A_1524 = tpu.memref_slice %arg10[%dma_wait3A_1520, %dma_wait3A_1522, %dma_wait3A_1523] : memref<4x128x128xf32, #tpu.memory_space<vmem>> -> memref<1x128x128xf32, #tpu.memory_space<vmem>>
      %dma_wait3A_1525 = tpu.memref_squeeze %dma_wait3A_1524 : memref<1x128x128xf32, #tpu.memory_space<vmem>> -> memref<128x128xf32, #tpu.memory_space<vmem>>
      %dma_wait3A_1526 = arith.constant 0 : i32
      %dma_wait3A_1527 = tpu.memref_slice %arg8[%dma_wait3A_1521, %dma_wait3A_1526] : memref<8x128xi32, #tpu.memory_space<vmem>> -> memref<1x128xi32, #tpu.memory_space<vmem>>
      %dma_wait3A_1528 = tpu.memref_squeeze %dma_wait3A_1527 : memref<1x128xi32, #tpu.memory_space<vmem>> -> memref<128xi32, #tpu.memory_space<vmem>>
      %dma_wait3A_1529 = arith.constant 3840 : i32
      %dma_wait3A_1530 = arith.constant 0 : i32
      %dma_wait3A_1531 = tpu.memref_slice %arg6[%add3A_30, %dma_wait3A_1529, %dma_wait3A_1530] : memref<16x5120x128xf32, #tpu.memory_space<hbm>> -> memref<1x640x128xf32, #tpu.memory_space<hbm>>
      %dma_wait3A_1532 = tpu.memref_squeeze %dma_wait3A_1531 : memref<1x640x128xf32, #tpu.memory_space<hbm>> -> memref<640x128xf32, #tpu.memory_space<hbm>>
      %dma_wait3A_1533 = arith.constant 0 : i32
      %dma_wait3A_1534 = arith.constant 0 : i32
      %dma_wait3A_1535 = tpu.memref_slice %dma_wait3A_1532[%dma_wait3A_1533, %dma_wait3A_1534] : memref<640x128xf32, #tpu.memory_space<hbm>> -> memref<640x128xf32, #tpu.memory_space<hbm>>
      tpu.wait_indirect_dma semaphore(%arg18 : memref<!tpu.dma_semaphore, #tpu.memory_space<semaphore_mem>>) src(%dma_wait3A_1525 : memref<128x128xf32, #tpu.memory_space<vmem>>) dst(%dma_wait3A_1535 : memref<640x128xf32, #tpu.memory_space<hbm>>)
      %dma_wait3A_1536 = arith.constant 2 : i32
      %dma_wait3A_1537 = arith.constant 4 : i32
      %dma_wait3A_1538 = arith.constant 0 : i32
      %dma_wait3A_1539 = arith.constant 0 : i32
      %dma_wait3A_1540 = tpu.memref_slice %arg10[%dma_wait3A_1536, %dma_wait3A_1538, %dma_wait3A_1539] : memref<4x128x128xf32, #tpu.memory_space<vmem>> -> memref<1x128x128xf32, #tpu.memory_space<vmem>>
      %dma_wait3A_1541 = tpu.memref_squeeze %dma_wait3A_1540 : memref<1x128x128xf32, #tpu.memory_space<vmem>> -> memref<128x128xf32, #tpu.memory_space<vmem>>
      %dma_wait3A_1542 = arith.constant 0 : i32
      %dma_wait3A_1543 = tpu.memref_slice %arg8[%dma_wait3A_1537, %dma_wait3A_1542] : memref<8x128xi32, #tpu.memory_space<vmem>> -> memref<1x128xi32, #tpu.memory_space<vmem>>
      %dma_wait3A_1544 = tpu.memref_squeeze %dma_wait3A_1543 : memref<1x128xi32, #tpu.memory_space<vmem>> -> memref<128xi32, #tpu.memory_space<vmem>>
      %dma_wait3A_1545 = arith.constant 3840 : i32
      %dma_wait3A_1546 = arith.constant 0 : i32
      %dma_wait3A_1547 = tpu.memref_slice %arg6[%add3A_30, %dma_wait3A_1545, %dma_wait3A_1546] : memref<16x5120x128xf32, #tpu.memory_space<hbm>> -> memref<1x640x128xf32, #tpu.memory_space<hbm>>
      %dma_wait3A_1548 = tpu.memref_squeeze %dma_wait3A_1547 : memref<1x640x128xf32, #tpu.memory_space<hbm>> -> memref<640x128xf32, #tpu.memory_space<hbm>>
      %dma_wait3A_1549 = arith.constant 0 : i32
      %dma_wait3A_1550 = arith.constant 0 : i32
      %dma_wait3A_1551 = tpu.memref_slice %dma_wait3A_1548[%dma_wait3A_1549, %dma_wait3A_1550] : memref<640x128xf32, #tpu.memory_space<hbm>> -> memref<640x128xf32, #tpu.memory_space<hbm>>
      tpu.wait_indirect_dma semaphore(%arg18 : memref<!tpu.dma_semaphore, #tpu.memory_space<semaphore_mem>>) src(%dma_wait3A_1541 : memref<128x128xf32, #tpu.memory_space<vmem>>) dst(%dma_wait3A_1551 : memref<640x128xf32, #tpu.memory_space<hbm>>)
      %dma_wait3A_1552 = arith.constant 2 : i32
      %dma_wait3A_1553 = arith.constant 5 : i32
      %dma_wait3A_1554 = arith.constant 0 : i32
      %dma_wait3A_1555 = arith.constant 0 : i32
      %dma_wait3A_1556 = tpu.memref_slice %arg10[%dma_wait3A_1552, %dma_wait3A_1554, %dma_wait3A_1555] : memref<4x128x128xf32, #tpu.memory_space<vmem>> -> memref<1x128x128xf32, #tpu.memory_space<vmem>>
      %dma_wait3A_1557 = tpu.memref_squeeze %dma_wait3A_1556 : memref<1x128x128xf32, #tpu.memory_space<vmem>> -> memref<128x128xf32, #tpu.memory_space<vmem>>
      %dma_wait3A_1558 = arith.constant 0 : i32
      %dma_wait3A_1559 = tpu.memref_slice %arg8[%dma_wait3A_1553, %dma_wait3A_1558] : memref<8x128xi32, #tpu.memory_space<vmem>> -> memref<1x128xi32, #tpu.memory_space<vmem>>
      %dma_wait3A_1560 = tpu.memref_squeeze %dma_wait3A_1559 : memref<1x128xi32, #tpu.memory_space<vmem>> -> memref<128xi32, #tpu.memory_space<vmem>>
      %dma_wait3A_1561 = arith.constant 3840 : i32
      %dma_wait3A_1562 = arith.constant 0 : i32
      %dma_wait3A_1563 = tpu.memref_slice %arg6[%add3A_30, %dma_wait3A_1561, %dma_wait3A_1562] : memref<16x5120x128xf32, #tpu.memory_space<hbm>> -> memref<1x640x128xf32, #tpu.memory_space<hbm>>
      %dma_wait3A_1564 = tpu.memref_squeeze %dma_wait3A_1563 : memref<1x640x128xf32, #tpu.memory_space<hbm>> -> memref<640x128xf32, #tpu.memory_space<hbm>>
      %dma_wait3A_1565 = arith.constant 0 : i32
      %dma_wait3A_1566 = arith.constant 0 : i32
      %dma_wait3A_1567 = tpu.memref_slice %dma_wait3A_1564[%dma_wait3A_1565, %dma_wait3A_1566] : memref<640x128xf32, #tpu.memory_space<hbm>> -> memref<640x128xf32, #tpu.memory_space<hbm>>
      tpu.wait_indirect_dma semaphore(%arg18 : memref<!tpu.dma_semaphore, #tpu.memory_space<semaphore_mem>>) src(%dma_wait3A_1557 : memref<128x128xf32, #tpu.memory_space<vmem>>) dst(%dma_wait3A_1567 : memref<640x128xf32, #tpu.memory_space<hbm>>)
      %dma_wait3A_1568 = arith.constant 2 : i32
      %dma_wait3A_1569 = arith.constant 6 : i32
      %dma_wait3A_1570 = arith.constant 0 : i32
      %dma_wait3A_1571 = arith.constant 0 : i32
      %dma_wait3A_1572 = tpu.memref_slice %arg10[%dma_wait3A_1568, %dma_wait3A_1570, %dma_wait3A_1571] : memref<4x128x128xf32, #tpu.memory_space<vmem>> -> memref<1x128x128xf32, #tpu.memory_space<vmem>>
      %dma_wait3A_1573 = tpu.memref_squeeze %dma_wait3A_1572 : memref<1x128x128xf32, #tpu.memory_space<vmem>> -> memref<128x128xf32, #tpu.memory_space<vmem>>
      %dma_wait3A_1574 = arith.constant 0 : i32
      %dma_wait3A_1575 = tpu.memref_slice %arg8[%dma_wait3A_1569, %dma_wait3A_1574] : memref<8x128xi32, #tpu.memory_space<vmem>> -> memref<1x128xi32, #tpu.memory_space<vmem>>
      %dma_wait3A_1576 = tpu.memref_squeeze %dma_wait3A_1575 : memref<1x128xi32, #tpu.memory_space<vmem>> -> memref<128xi32, #tpu.memory_space<vmem>>
      %dma_wait3A_1577 = arith.constant 3840 : i32
      %dma_wait3A_1578 = arith.constant 0 : i32
      %dma_wait3A_1579 = tpu.memref_slice %arg6[%add3A_30, %dma_wait3A_1577, %dma_wait3A_1578] : memref<16x5120x128xf32, #tpu.memory_space<hbm>> -> memref<1x640x128xf32, #tpu.memory_space<hbm>>
      %dma_wait3A_1580 = tpu.memref_squeeze %dma_wait3A_1579 : memref<1x640x128xf32, #tpu.memory_space<hbm>> -> memref<640x128xf32, #tpu.memory_space<hbm>>
      %dma_wait3A_1581 = arith.constant 0 : i32
      %dma_wait3A_1582 = arith.constant 0 : i32
      %dma_wait3A_1583 = tpu.memref_slice %dma_wait3A_1580[%dma_wait3A_1581, %dma_wait3A_1582] : memref<640x128xf32, #tpu.memory_space<hbm>> -> memref<640x128xf32, #tpu.memory_space<hbm>>
      tpu.wait_indirect_dma semaphore(%arg18 : memref<!tpu.dma_semaphore, #tpu.memory_space<semaphore_mem>>) src(%dma_wait3A_1573 : memref<128x128xf32, #tpu.memory_space<vmem>>) dst(%dma_wait3A_1583 : memref<640x128xf32, #tpu.memory_space<hbm>>)
      %dma_wait3A_1584 = arith.constant 3 : i32
      %dma_wait3A_1585 = arith.constant 2 : i32
      %dma_wait3A_1586 = arith.constant 0 : i32
      %dma_wait3A_1587 = arith.constant 0 : i32
      %dma_wait3A_1588 = tpu.memref_slice %arg10[%dma_wait3A_1584, %dma_wait3A_1586, %dma_wait3A_1587] : memref<4x128x128xf32, #tpu.memory_space<vmem>> -> memref<1x128x128xf32, #tpu.memory_space<vmem>>
      %dma_wait3A_1589 = tpu.memref_squeeze %dma_wait3A_1588 : memref<1x128x128xf32, #tpu.memory_space<vmem>> -> memref<128x128xf32, #tpu.memory_space<vmem>>
      %dma_wait3A_1590 = arith.constant 0 : i32
      %dma_wait3A_1591 = tpu.memref_slice %arg8[%dma_wait3A_1585, %dma_wait3A_1590] : memref<8x128xi32, #tpu.memory_space<vmem>> -> memref<1x128xi32, #tpu.memory_space<vmem>>
      %dma_wait3A_1592 = tpu.memref_squeeze %dma_wait3A_1591 : memref<1x128xi32, #tpu.memory_space<vmem>> -> memref<128xi32, #tpu.memory_space<vmem>>
      %dma_wait3A_1593 = arith.constant 4480 : i32
      %dma_wait3A_1594 = arith.constant 0 : i32
      %dma_wait3A_1595 = tpu.memref_slice %arg6[%add3A_30, %dma_wait3A_1593, %dma_wait3A_1594] : memref<16x5120x128xf32, #tpu.memory_space<hbm>> -> memref<1x640x128xf32, #tpu.memory_space<hbm>>
      %dma_wait3A_1596 = tpu.memref_squeeze %dma_wait3A_1595 : memref<1x640x128xf32, #tpu.memory_space<hbm>> -> memref<640x128xf32, #tpu.memory_space<hbm>>
      %dma_wait3A_1597 = arith.constant 0 : i32
      %dma_wait3A_1598 = arith.constant 0 : i32
      %dma_wait3A_1599 = tpu.memref_slice %dma_wait3A_1596[%dma_wait3A_1597, %dma_wait3A_1598] : memref<640x128xf32, #tpu.memory_space<hbm>> -> memref<640x128xf32, #tpu.memory_space<hbm>>
      tpu.wait_indirect_dma semaphore(%arg19 : memref<!tpu.dma_semaphore, #tpu.memory_space<semaphore_mem>>) src(%dma_wait3A_1589 : memref<128x128xf32, #tpu.memory_space<vmem>>) dst(%dma_wait3A_1599 : memref<640x128xf32, #tpu.memory_space<hbm>>)
      %dma_wait3A_1600 = arith.constant 3 : i32
      %dma_wait3A_1601 = arith.constant 3 : i32
      %dma_wait3A_1602 = arith.constant 0 : i32
      %dma_wait3A_1603 = arith.constant 0 : i32
      %dma_wait3A_1604 = tpu.memref_slice %arg10[%dma_wait3A_1600, %dma_wait3A_1602, %dma_wait3A_1603] : memref<4x128x128xf32, #tpu.memory_space<vmem>> -> memref<1x128x128xf32, #tpu.memory_space<vmem>>
      %dma_wait3A_1605 = tpu.memref_squeeze %dma_wait3A_1604 : memref<1x128x128xf32, #tpu.memory_space<vmem>> -> memref<128x128xf32, #tpu.memory_space<vmem>>
      %dma_wait3A_1606 = arith.constant 0 : i32
      %dma_wait3A_1607 = tpu.memref_slice %arg8[%dma_wait3A_1601, %dma_wait3A_1606] : memref<8x128xi32, #tpu.memory_space<vmem>> -> memref<1x128xi32, #tpu.memory_space<vmem>>
      %dma_wait3A_1608 = tpu.memref_squeeze %dma_wait3A_1607 : memref<1x128xi32, #tpu.memory_space<vmem>> -> memref<128xi32, #tpu.memory_space<vmem>>
      %dma_wait3A_1609 = arith.constant 4480 : i32
      %dma_wait3A_1610 = arith.constant 0 : i32
      %dma_wait3A_1611 = tpu.memref_slice %arg6[%add3A_30, %dma_wait3A_1609, %dma_wait3A_1610] : memref<16x5120x128xf32, #tpu.memory_space<hbm>> -> memref<1x640x128xf32, #tpu.memory_space<hbm>>
      %dma_wait3A_1612 = tpu.memref_squeeze %dma_wait3A_1611 : memref<1x640x128xf32, #tpu.memory_space<hbm>> -> memref<640x128xf32, #tpu.memory_space<hbm>>
      %dma_wait3A_1613 = arith.constant 0 : i32
      %dma_wait3A_1614 = arith.constant 0 : i32
      %dma_wait3A_1615 = tpu.memref_slice %dma_wait3A_1612[%dma_wait3A_1613, %dma_wait3A_1614] : memref<640x128xf32, #tpu.memory_space<hbm>> -> memref<640x128xf32, #tpu.memory_space<hbm>>
      tpu.wait_indirect_dma semaphore(%arg19 : memref<!tpu.dma_semaphore, #tpu.memory_space<semaphore_mem>>) src(%dma_wait3A_1605 : memref<128x128xf32, #tpu.memory_space<vmem>>) dst(%dma_wait3A_1615 : memref<640x128xf32, #tpu.memory_space<hbm>>)
      %dma_wait3A_1616 = arith.constant 3 : i32
      %dma_wait3A_1617 = arith.constant 4 : i32
      %dma_wait3A_1618 = arith.constant 0 : i32
      %dma_wait3A_1619 = arith.constant 0 : i32
      %dma_wait3A_1620 = tpu.memref_slice %arg10[%dma_wait3A_1616, %dma_wait3A_1618, %dma_wait3A_1619] : memref<4x128x128xf32, #tpu.memory_space<vmem>> -> memref<1x128x128xf32, #tpu.memory_space<vmem>>
      %dma_wait3A_1621 = tpu.memref_squeeze %dma_wait3A_1620 : memref<1x128x128xf32, #tpu.memory_space<vmem>> -> memref<128x128xf32, #tpu.memory_space<vmem>>
      %dma_wait3A_1622 = arith.constant 0 : i32
      %dma_wait3A_1623 = tpu.memref_slice %arg8[%dma_wait3A_1617, %dma_wait3A_1622] : memref<8x128xi32, #tpu.memory_space<vmem>> -> memref<1x128xi32, #tpu.memory_space<vmem>>
      %dma_wait3A_1624 = tpu.memref_squeeze %dma_wait3A_1623 : memref<1x128xi32, #tpu.memory_space<vmem>> -> memref<128xi32, #tpu.memory_space<vmem>>
      %dma_wait3A_1625 = arith.constant 4480 : i32
      %dma_wait3A_1626 = arith.constant 0 : i32
      %dma_wait3A_1627 = tpu.memref_slice %arg6[%add3A_30, %dma_wait3A_1625, %dma_wait3A_1626] : memref<16x5120x128xf32, #tpu.memory_space<hbm>> -> memref<1x640x128xf32, #tpu.memory_space<hbm>>
      %dma_wait3A_1628 = tpu.memref_squeeze %dma_wait3A_1627 : memref<1x640x128xf32, #tpu.memory_space<hbm>> -> memref<640x128xf32, #tpu.memory_space<hbm>>
      %dma_wait3A_1629 = arith.constant 0 : i32
      %dma_wait3A_1630 = arith.constant 0 : i32
      %dma_wait3A_1631 = tpu.memref_slice %dma_wait3A_1628[%dma_wait3A_1629, %dma_wait3A_1630] : memref<640x128xf32, #tpu.memory_space<hbm>> -> memref<640x128xf32, #tpu.memory_space<hbm>>
      tpu.wait_indirect_dma semaphore(%arg19 : memref<!tpu.dma_semaphore, #tpu.memory_space<semaphore_mem>>) src(%dma_wait3A_1621 : memref<128x128xf32, #tpu.memory_space<vmem>>) dst(%dma_wait3A_1631 : memref<640x128xf32, #tpu.memory_space<hbm>>)
      %dma_wait3A_1632 = arith.constant 3 : i32
      %dma_wait3A_1633 = arith.constant 5 : i32
      %dma_wait3A_1634 = arith.constant 0 : i32
      %dma_wait3A_1635 = arith.constant 0 : i32
      %dma_wait3A_1636 = tpu.memref_slice %arg10[%dma_wait3A_1632, %dma_wait3A_1634, %dma_wait3A_1635] : memref<4x128x128xf32, #tpu.memory_space<vmem>> -> memref<1x128x128xf32, #tpu.memory_space<vmem>>
      %dma_wait3A_1637 = tpu.memref_squeeze %dma_wait3A_1636 : memref<1x128x128xf32, #tpu.memory_space<vmem>> -> memref<128x128xf32, #tpu.memory_space<vmem>>
      %dma_wait3A_1638 = arith.constant 0 : i32
      %dma_wait3A_1639 = tpu.memref_slice %arg8[%dma_wait3A_1633, %dma_wait3A_1638] : memref<8x128xi32, #tpu.memory_space<vmem>> -> memref<1x128xi32, #tpu.memory_space<vmem>>
      %dma_wait3A_1640 = tpu.memref_squeeze %dma_wait3A_1639 : memref<1x128xi32, #tpu.memory_space<vmem>> -> memref<128xi32, #tpu.memory_space<vmem>>
      %dma_wait3A_1641 = arith.constant 4480 : i32
      %dma_wait3A_1642 = arith.constant 0 : i32
      %dma_wait3A_1643 = tpu.memref_slice %arg6[%add3A_30, %dma_wait3A_1641, %dma_wait3A_1642] : memref<16x5120x128xf32, #tpu.memory_space<hbm>> -> memref<1x640x128xf32, #tpu.memory_space<hbm>>
      %dma_wait3A_1644 = tpu.memref_squeeze %dma_wait3A_1643 : memref<1x640x128xf32, #tpu.memory_space<hbm>> -> memref<640x128xf32, #tpu.memory_space<hbm>>
      %dma_wait3A_1645 = arith.constant 0 : i32
      %dma_wait3A_1646 = arith.constant 0 : i32
      %dma_wait3A_1647 = tpu.memref_slice %dma_wait3A_1644[%dma_wait3A_1645, %dma_wait3A_1646] : memref<640x128xf32, #tpu.memory_space<hbm>> -> memref<640x128xf32, #tpu.memory_space<hbm>>
      tpu.wait_indirect_dma semaphore(%arg19 : memref<!tpu.dma_semaphore, #tpu.memory_space<semaphore_mem>>) src(%dma_wait3A_1637 : memref<128x128xf32, #tpu.memory_space<vmem>>) dst(%dma_wait3A_1647 : memref<640x128xf32, #tpu.memory_space<hbm>>)
      %dma_wait3A_1648 = arith.constant 3 : i32
      %dma_wait3A_1649 = arith.constant 6 : i32
      %dma_wait3A_1650 = arith.constant 0 : i32
      %dma_wait3A_1651 = arith.constant 0 : i32
      %dma_wait3A_1652 = tpu.memref_slice %arg10[%dma_wait3A_1648, %dma_wait3A_1650, %dma_wait3A_1651] : memref<4x128x128xf32, #tpu.memory_space<vmem>> -> memref<1x128x128xf32, #tpu.memory_space<vmem>>
      %dma_wait3A_1653 = tpu.memref_squeeze %dma_wait3A_1652 : memref<1x128x128xf32, #tpu.memory_space<vmem>> -> memref<128x128xf32, #tpu.memory_space<vmem>>
      %dma_wait3A_1654 = arith.constant 0 : i32
      %dma_wait3A_1655 = tpu.memref_slice %arg8[%dma_wait3A_1649, %dma_wait3A_1654] : memref<8x128xi32, #tpu.memory_space<vmem>> -> memref<1x128xi32, #tpu.memory_space<vmem>>
      %dma_wait3A_1656 = tpu.memref_squeeze %dma_wait3A_1655 : memref<1x128xi32, #tpu.memory_space<vmem>> -> memref<128xi32, #tpu.memory_space<vmem>>
      %dma_wait3A_1657 = arith.constant 4480 : i32
      %dma_wait3A_1658 = arith.constant 0 : i32
      %dma_wait3A_1659 = tpu.memref_slice %arg6[%add3A_30, %dma_wait3A_1657, %dma_wait3A_1658] : memref<16x5120x128xf32, #tpu.memory_space<hbm>> -> memref<1x640x128xf32, #tpu.memory_space<hbm>>
      %dma_wait3A_1660 = tpu.memref_squeeze %dma_wait3A_1659 : memref<1x640x128xf32, #tpu.memory_space<hbm>> -> memref<640x128xf32, #tpu.memory_space<hbm>>
      %dma_wait3A_1661 = arith.constant 0 : i32
      %dma_wait3A_1662 = arith.constant 0 : i32
      %dma_wait3A_1663 = tpu.memref_slice %dma_wait3A_1660[%dma_wait3A_1661, %dma_wait3A_1662] : memref<640x128xf32, #tpu.memory_space<hbm>> -> memref<640x128xf32, #tpu.memory_space<hbm>>
      tpu.wait_indirect_dma semaphore(%arg19 : memref<!tpu.dma_semaphore, #tpu.memory_space<semaphore_mem>>) src(%dma_wait3A_1653 : memref<128x128xf32, #tpu.memory_space<vmem>>) dst(%dma_wait3A_1663 : memref<640x128xf32, #tpu.memory_space<hbm>>)
    } else {
    }
    return
  }
}

</mosaic_0001>

<sc_bundles>
// kernel: _positional_encoding_sc.3.cloned.1.call-start
scs
__scs_entry_jumppad:
0x0: {  	(pc) =	sbr.rel $0x88, $3  }
0x1: {  	(tag) =	ssettag $0x0;
	lr =	simm.s32 $0x1  }
0x2: {  	[smem:$0x3F9E] =	sst lr;
	_ =	strace $0xD0000000  }
0x3: {  	_ = 	snop  }
0x4: {  	_ = 	snop  }
0x5: {  	_ = 	snop  }
0x6: {  	_ = 	snop  }
0x7: {  	_ = 	snop  }
__scs_overlays_trampoline_lowered:
0x8: {  	[smem:$0x3FAD] =	sst s0  }
0x9: {  	[smem:$0x3FAE] =	sst s1  }
0xa: {  	[smem:$0x3FAF] =	sst s2  }
0xb: {  	[smem:$0x3FB0] =	sst s3  }
0xc: {  	[smem:$0x3FB1] =	sst s4  }
0xd: {  	[smem:$0x3FB2] =	sst s5  }
0xe: {  	[smem:$0x3FB3] =	sst s6  }
0xf: {  	[smem:$0x3FB4] =	sst s7  }
0x10: {  	[smem:$0x3FB5] =	sst s8  }
0x11: {  	[smem:$0x3FB6] =	sst s9;
	s0 =	simm.s32 @!p0 $0x0  }
0x12: {  	s1 =	sld [smem:$0x3F9C];
	s0 =	simm.s32 @p0 $0x1  }
0x13: {  	[smem:$0x3FB7] =	sst s0;
	s0 =	simm.s32 @!p1 $0x0  }
0x14: {  	s2 =	sld [smem:$0x3F9B];
	s0 =	simm.s32 @p1 $0x1  }
0x15: {  	[smem:$0x3FB8] =	sst s0;
	s0 =	simm.s32 @!p2 $0x0  }
0x16: {  	s3 =	sld [smem:$0x3FDB];
	s0 =	simm.s32 @p2 $0x1  }
0x17: {  	s4 =	simm.s32 $0x1BF5;
	[smem:$0x3FBA] =	sst s0  }
0x18: {  	s0 =	sld [smem:$0x3F9D];
	_ =	swait.ge [sflag:s4], $0x0  }
0x19: {  	s7 =	sld [smem:$0x3F9E]  }
0x1a: {  	s8 =	sadd.s32 $0xFFFFE003, lr  }
0x1b: {  	s9 =	sadd.s32 $0xFFFFFEF7, lr;
	s5 =	simm.s32 $0xFFFFFFFF;
	p2 =	slt.u32 s8, $0xFFFFF086  }
0x1c: {  	p1 =	slt.u32 s9, $0xF7A;
	s5 =	simm.s32 @!p2 $0x0  }
0x1d: {  	s5 =	simm.s32 @p1 $0x1;
	p0 =	seq.s32 s7, s2  }
0x1e: {  	s7 =	smul.u32 @!p0 $0xF7A, s2;
	p2 =	seq.s32 @!p0 s5, $0x0  }
0x1f: {  	s9 =	smul.u32 $0xF7A, s1;
	s8 =	simm.s32 @!p0 $0x1BF5;
	p2 =	por !p2, p0  }
0x20: {  	[sflag:s8] =	ssyncset.s32 @!p0 $0xFFFFF086;
	s6 =	sadd.s32 @!p0 s3, s7;
	s7 =	simm.s32 @!p0 $0x108  }
0x21: {  	s3 =	sadd.s32 s3, s9;
	s6 =	sadd.s32 @!p0 $0x88, s6;
	s7 =	simm.s32 @p2 $0x1082  }
0x22: {  	[simem:s7], [sflag:s8] =	dma.local @!p0 [hbm:s6], $0xF7A  }
0x23: {  	s9 =	sor.u32 $0xD0000000, s2;
	s6 =	simm.s32 $0x108;
	_ =	swait.ge @!p0 [sflag:s8], $0x0  }
0x24: {  	s3 =	sadd.s32 $0x88, s3;
	s6 =	simm.s32 @!p1 $0x1082;
	[sflag:s4] =	ssyncset.s32 $0xFFFFF086  }
0x25: {  	[simem:s6], [sflag:s4] =	dma.local [hbm:s3], $0xF7A  }
0x26: {  	[smem:$0x3F9E] =	sst s1;
	(tag) =	ssettag s2;
	_ =	strace s9  }
0x27: {  	s1 =	sld [smem:$0x3FAE]  }
0x28: {  	s2 =	sld [smem:$0x3FAF]  }
0x29: {  	s4 =	sld [smem:$0x3FB1]  }
0x2a: {  	p0 =	seq.s32 s5, $0x0;
	s5 =	sld [smem:$0x3FB2]  }
0x2b: {  	s6 =	sld [smem:$0x3FB3]  }
0x2c: {  	s7 =	sld [smem:$0x3FB4]  }
0x2d: {  	s3 =	simm.s32 $0x108;
	s8 =	sld [smem:$0x3FB5]  }
0x2e: {  	s3 =	simm.s32 @!p0 $0x1082;
	s9 =	sld [smem:$0x3FB6]  }
0x2f: {  	lr =	sadd.s32 s0, s3;
	s0 =	sld [smem:$0x3FAD]  }
0x30: {  	s3 =	sld [smem:$0x3FB0]  }
0x31: {  	[smem:$0x3FB9] =	sst s10  }
0x32: {  	s10 =	sld [smem:$0x3FB7];
	_ =	sdelay $0x3  }
0x33: {  	p0 =	seq.s32 s10, $0x1;
	s10 =	sld [smem:$0x3FB9];
	_ =	sdelay $0x3  }
0x34: {  	[smem:$0x3FB9] =	sst s10  }
0x35: {  	s10 =	sld [smem:$0x3FB8];
	_ =	sdelay $0x3  }
0x36: {  	p1 =	seq.s32 s10, $0x1;
	s10 =	sld [smem:$0x3FB9];
	_ =	sdelay $0x3  }
0x37: {  	[smem:$0x3FB9] =	sst s10  }
0x38: {  	s10 =	sld [smem:$0x3FBA]  }
0x39: {  	_ = 	snop;
	(pc) =	sbr.ind lr, $3  }
0x3a: {  	_ = 	snop  }
0x3b: {  	_ = 	snop  }
0x3c: {  	p2 =	seq.s32 s10, $0x1;
	s10 =	sld [smem:$0x3FB9]  }
0x3d: {  	_ =	shalt  }
0x3e: {  	_ =	shalt  }
0x3f: {  	_ =	shalt  }
0x40: {  	_ =	shalt  }
0x41: {  	_ =	shalt  }
0x42: {  	_ =	shalt  }
0x43: {  	_ =	shalt  }
0x44: {  	_ =	shalt  }
0x45: {  	_ =	shalt  }
0x46: {  	_ =	shalt  }
0x47: {  	_ =	shalt  }
0x48: {  	_ =	shalt  }
0x49: {  	_ =	shalt  }
0x4a: {  	_ =	shalt  }
0x4b: {  	_ =	shalt  }
0x4c: {  	_ =	shalt  }
0x4d: {  	_ =	shalt  }
0x4e: {  	_ =	shalt  }
0x4f: {  	_ =	shalt  }
0x50: {  	_ =	shalt  }
0x51: {  	_ =	shalt  }
0x52: {  	_ =	shalt  }
0x53: {  	_ =	shalt  }
0x54: {  	_ =	shalt  }
0x55: {  	_ =	shalt  }
0x56: {  	_ =	shalt  }
0x57: {  	_ =	shalt  }
0x58: {  	_ =	shalt  }
0x59: {  	_ =	shalt  }
0x5a: {  	_ =	shalt  }
0x5b: {  	_ =	shalt  }
0x5c: {  	_ =	shalt  }
0x5d: {  	_ =	shalt  }
0x5e: {  	_ =	shalt  }
0x5f: {  	_ =	shalt  }
0x60: {  	_ =	shalt  }
0x61: {  	_ =	shalt  }
0x62: {  	_ =	shalt  }
0x63: {  	_ =	shalt  }
0x64: {  	_ =	shalt  }
0x65: {  	_ =	shalt  }
0x66: {  	_ =	shalt  }
0x67: {  	_ =	shalt  }
0x68: {  	_ =	shalt  }
0x69: {  	_ =	shalt  }
0x6a: {  	_ =	shalt  }
0x6b: {  	_ =	shalt  }
0x6c: {  	_ =	shalt  }
0x6d: {  	_ =	shalt  }
0x6e: {  	_ =	shalt  }
0x6f: {  	_ =	shalt  }
0x70: {  	_ =	shalt  }
0x71: {  	_ =	shalt  }
0x72: {  	_ =	shalt  }
0x73: {  	_ =	shalt  }
0x74: {  	_ =	shalt  }
0x75: {  	_ =	shalt  }
0x76: {  	_ =	shalt  }
0x77: {  	_ =	shalt  }
0x78: {  	_ =	shalt  }
0x79: {  	_ =	shalt  }
0x7a: {  	_ =	shalt  }
0x7b: {  	_ =	shalt  }
0x7c: {  	_ =	shalt  }
0x7d: {  	_ =	shalt  }
0x7e: {  	_ =	shalt  }
0x7f: {  	_ =	shalt  }
0x80: {  	_ =	shalt  }
0x81: {  	_ =	shalt  }
0x82: {  	_ =	shalt  }
0x83: {  	_ =	shalt  }
0x84: {  	_ =	shalt  }
0x85: {  	_ =	shalt  }
0x86: {  	_ =	shalt  }
0x87: {  	_ =	shalt  }
.Lfunc_end0:
.L_simem_size_0:
called_computation_lowered:
.L_overlay_start_0:
0x88: {  	s2 =	sld [smem:$0x3FD9]  }
0x89: {  	s3 =	sld [smem:$0x3FFE];
	_ =	sdelay $0x1  }
0x8a: {  	s1 =	srdreg.scid  }
0x8b: {  	s0 =	sand.u32 $0x1, s1  }
0x8c: {  	s15 =	sshll.u32 s0, $0xA;
	s2 =	sadd.s32 s3, s2  }
0x8d: {  	s2 =	sadd.s32 s2, s15  }
0x8e: {  	[smem:$0x3FC5] =	sst s2  }
0x8f: {  	_ = 	snop  }
0x90: {  	s2 =	sld [smem:$0x3FD0]  }
0x91: {  	s16 =	sld [smem:$0x3FC9]  }
0x92: {  	s4 =	sld [smem:$0x3FC8]  }
0x93: {  	s6 =	simm.s32 $0xA;
	s7 =	simm.s32 $0x10;
	s5 =	sld [smem:$0x3FC7]  }
0x94: {  	[smem:s7], [sflag:s6] =	dma.local [hbm:s2], $0x1  }
0x95: {  	_ =	swait.eq [sflag:s6], $0x1  }
0x96: {  	[sflag:s6] =	ssyncset.done $0x0  }
0x97: {  	s17 =	sld [smem:$0x10];
	[sflag:s6] =	ssyncadd.s32 $0xFFFFFFFF  }
0x98: {  	s18 =	sld [smem:$0x11];
	(tm) =	ssettm $0x1  }
0x99: {  	s19 =	sld [smem:$0x3FFB];
	_ =	sdelay $0x3  }
0x9a: {  	_ =	strace s19  }
0x9b: {  	s7 =	sld [smem:$0x3FFC];
	_ =	sdelay $0x3  }
0x9c: {  	_ =	strace s7  }
0x9d: {  	s7 =	sld [smem:$0x3FFD];
	_ =	sdelay $0x3  }
0x9e: {  	_ =	strace s7  }
0x9f: {  	_ =	strace $0x8FFFFFFF  }
0xa0: {  	s20 =	sld [smem:$0x3FDB];
	_ =	sdelay $0x1  }
0xa1: {  	s8 =	simm.s32 $_scs_section_size  }
0xa2: {  	s9 =	simm.s32 $_size__tile_overlayer_lowered;
	s10 =	simm.s32 $_tile_overlayer_lowered  }
0xa3: {  	s23 =	simm.s32 $0x1BFF;
	s22 =	sshll.u32 s10, $0x1;
	s7 =	sadd.s32 s8, s20  }
0xa4: {  	s11 =	simm.s32 $0x0;
	s21 =	sshll.u32 s9, $0x1;
	s9 =	sadd.s32 s22, s7  }
0xa5: {  	[timem:s11], [sflag:s23] =	dma.local [hbm:s9], s21  }
0xa6: {  	_ =	swait.ge [sflag:s23], s21  }
0xa7: {  	s8 =	ssub.s32 $0x0, s21;
	[sflag:s23] =	ssyncset.done $0x0  }
0xa8: {  	[sflag:s23] =	ssyncadd.s32 s8;
	_ =	sdelay $0x1  }
0xa9: {  	s24 =	simm.s32 $0x1B8B  }
0xaa: {  	_ =	swait.ge [sflag:s24], $0x1  }
0xab: {  	[sflag:s24] =	ssyncset.done $0x0  }
0xac: {  	s25 =	simm.s32 $0x1B8E;
	[sflag:s24] =	ssyncadd.s32 $0xFFFFFFFF  }
0xad: {  	s26 =	simm.s32 $execute0_lowered;
	[smem:$0x3FD2] =	sst s25  }
0xae: {  	s8 =	sshll.u32 s26, $0x1;
	_ =	strace $0x80000046;
	[dreg:$0x1] =	wrdreg $0xFFFFFFFF  }
0xaf: {  	s28 =	simm.s32 $_size_execute0_lowered;
	s7 =	sadd.s32 s7, s8;
	[dreg:$0x0] =	wrdreg $0x0  }
0xb0: {  	s8 =	sshll.u32 s28, $0x1;
	[dreg:$0x2] =	wrdreg s7  }
0xb1: {  	[dreg:$0x3] =	wrdreg s8  }
0xb2: {  	[dreg:$0x4] =	wrdreg $0xC0  }
0xb3: {  	_ =	task [dreg:s11], $0x5FFFF  }
0xb4: {  	[dreg:$0x1] =	wrdreg $0xFFFFFFFF  }
0xb5: {  	[dreg:$0x0] =	wrdreg $0x60  }
0xb6: {  	[dreg:$0x2] =	wrdreg s16  }
0xb7: {  	[dreg:$0x3] =	wrdreg s4  }
0xb8: {  	[dreg:$0x4] =	wrdreg s5  }
0xb9: {  	[dreg:$0x5] =	wrdreg s17  }
0xba: {  	[dreg:$0x6] =	wrdreg s18  }
0xbb: {  	[dreg:$0x7] =	wrdreg $0x124800  }
0xbc: {  	[dreg:$0x8] =	wrdreg $0x9  }
0xbd: {  	_ =	task.clear_ibuf [dreg:s11], $0x9FFFF;
	_ =	strace $0x90000046  }
0xbe: {  	s29 =	simm.s32 $0x9;
	_ =	strace $0x80000048  }
0xbf: {  	_ =	swait.ge [sflag:s29], $0x1  }
0xc0: {  	[sflag:s29] =	ssyncadd.s32 $0xFFFFFFFF  }
0xc1: {  	_ =	strace $0x90000048  }
0xc2: {  	_ =	sfence  }
0xc3: {  	s30 =	sld [smem:$0x0];
	_ =	sdelay $0x2  }
0xc4: {  	s31 =	sshll.u32 s1, $0xD;
	s1 =	sshrl.u32 s1, $0x2  }
0xc5: {  	s3 =	sand.u32 $0x4000, s31;
	s1 =	sadd.s32 s1, s30  }
0xc6: {  	s0 =	sor.u32 s3, s0;
	s1 =	sshll.u32 s1, $0x11  }
0xc7: {  	s0 =	sor.u32 s1, s0  }
0xc8: {  	s0 =	sadd.s32 $0x8F2B, s0  }
0xc9: {  	[sflag:s0] =	ssyncadd.remote.s32 $0x1  }
0xca: {  	_ =	sfence.sel $0xFFFF  }
0xcb: {  	[dreg:$0x0] =	wrdreg $0xFFFFFFFF;
	(pc) =	sbr.abs _section_cstart, $3  }
0xcc: {  	[dreg:$0x1] =	wrdreg $0xFFFFFFFF  }
0xcd: {  	_ =	task.clear_ibuf [dreg:s11], $0x2FFFF;
	_ =	strace $0x9FFFFFFF  }
0xce: {  	(tm) =	ssettm $0x7FFFFFFF  }
0xcf: {  	_ =	shalt  }
tec
execute0_lowered:
.L_overlay_start_1:
0x0: {  	(tag) =	ssettag $0x1  }
0x1: {  	s0 =	rddreg [dreg:$0x0]  }
0x2: {  	s1 =	rddreg [dreg:$0x2]  }
0x3: {  	s3 =	rddreg [dreg:$0x3]  }
0x4: {  	s4 =	rddreg [dreg:$0x4];
	s5 =	srdreg.scid  }
0x5: {  	s2 =	rddreg [dreg:$0x5];
	s7 =	simm.s32 $0x0;
	s11 =	stileid.u32  }
0x6: {  	s29 =	simm.s32 $0x1000;
	s30 =	simm.s32 $0x1;
	s31 =	simm.s32 $0x2  }
0x7: {  	s28 =	simm.s32 $0x6480;
	s5 =	sand.u32 $0x1, s5;
	[smem:$0x7FF] =	sst s7  }
0x8: {  	s9 =	sshrl.u32 s11, $0x1;
	s8 =	sshll.u32 s11, $0xF;
	s10 =	sand.u32 $0x1, s11  }
0x9: {  	s24 =	sshll.u32 s11, $0xC;
	s25 =	sshll.u32 s11, $0x6;
	s6 =	ssub.s32 $0x2, s5  }
0xa: {  	_ =	strace $0x80000047;
	s23 =	sshll.u32 s5, $0x3;
	s17 =	sadd.s32 s8, s2  }
0xb: {  	s1 =	sadd.s32 s1, s24;
	s7 =	sor.u32 $0x1C09, s25;
	s8 =	sshll.u32 s5, $0xC  }
0xc: {  	s12 =	sshll.u32 s9, $0x4;
	p0 =	seq.s32 s10, $0x0;
	s19 =	sshll.u32 s5, $0x16  }
0xd: {  	s20 =	sshll.u32 s9, $0x13;
	s5 =	simm.s32 $0xE480;
	[dreg:$0x7] =	wrdreg s1  }
0xe: {  	s22 =	sshrl.u32 s6, $0x1;
	s16 =	sor.u32 s9, s23;
	[dreg:$0x8] =	wrdreg s7  }
0xf: {  	s0 =	sadd.s32 s0, s8;
	s7 =	simm.s32 $0x800;
	s9 =	simm.s32 $0x3  }
0x10: {  	s6 =	ssub.s32 s6, s22;
	s26 =	smul.u32 $0xA0000, s16;
	s0 =	sadd.s32 s12, s0  }
0x11: {  	s7 =	simm.s32 @!p0 $0x400;
	s21 =	sshll.u32 s16, $0x10;
	p0 =	sne.s32 s10, $0x0  }
0x12: {  	s12 =	simm.s32 $0x1280;
	[dreg:$0x9] =	wrdreg s0;
	s0 =	sor.u32 s20, s19  }
0x13: {  	s25 =	smax.u32 s6, $0x1;
	s6 =	simm.s32 $0x5;
	s19 =	simm.s32 $0x4  }
0x14: {  	s11 =	sshrl.u32 s26, $0x3;
	s1 =	sor.u32 $0x20000, s0;
	s0 =	sshrl.u32 s0, $0x3  }
0x15: {  	[dreg:$0x11] =	wrdreg s25;
	s26 =	sshrl.u32 s17, $0x3;
	s17 =	simm.s32 $0x0  }
0x16: {  	s8 =	sadd.s32 s4, s11;
	s4 =	sadd.s32 s3, s21;
	[dreg:$0x12] =	wrdreg s26  }
0x17: {  	s1 =	sshrl.u32 s1, $0x3;
	s13 =	sadd.s32 $0x2800, s8;
	[dreg:$0xc] =	wrdreg s4  }
0x18: {  	s0 =	sadd.s32 s0, s3;
	s14 =	sadd.s32 $0x5000, s8;
	[dreg:$0xa] =	wrdreg s13  }
0x19: {  	s26 =	simm.s32 $0x80;
	s15 =	sadd.s32 $0x7800, s8;
	[dreg:$0xb] =	wrdreg s14  }
0x1a: {  	s21 =	simm.s32 $0x7;
	s18 =	sadd.s32 $0xA000, s8;
	[dreg:$0x13] =	wrdreg s15  }
0x1b: {  	s16 =	sadd.s32 $0x11800, s8;
	s22 =	sadd.s32 $0xD000, s4;
	[dreg:$0x14] =	wrdreg s18  }
0x1c: {  	s23 =	sadd.s32 $0xE000, s4;
	s1 =	sadd.s32 s1, s3;
	[dreg:$0xd] =	wrdreg s22  }
.Ltmp0:
0x1d: {  	s24 =	sadd.s32 $0xF000, s4;
	[dreg:$0xe] =	wrdreg s23;
	(pc) =	sbr.rel .LBB2_1-.Ltmp0, $4  }
0x1e: {  	s4 =	simm.s32 $0x2480;
	s3 =	simm.s32 $0x1080;
	[dreg:$0xf] =	wrdreg s1  }
0x1f: {  	s14 =	sadd.s32 $0xC800, s8;
	s15 =	sadd.s32 $0xF000, s8;
	[dreg:$0x10] =	wrdreg s24  }
0x20: {  	s23 =	sadd.s32 $0x3000, s0;
	s1 =	simm.s32 $0x1400;
	s0 =	simm.s32 $0xA480  }
0x21: {  	v1 =	vimm.s32 $0x0;
	v2 =	vlaneseq.u32;
	v0 =	vmov s10;
	s18 =	simm.s32 $0x6;
	s22 =	simm.s32 $0x8;
	s13 =	simm.s32 $0x1300  }
.LBB2_9:
0x22: {  	s11 =	simm.s32 $0x1100  }
0x23: {  	[hbm4b:s8+s26] =	stream.indirect.scatter [tilespmem:s4], [sflag:$0x5], $0x80, s11, s26, $0xb8;
	[tilespmem:$0x1A480] =	vst v63  }
0x24: {  	s24 =	simm.s32 $0x1180  }
0x25: {  	[hbm4b:s8+s26] =	stream.indirect.scatter [tilespmem:s4], [sflag:$0x5], $0x80, s24, s26, $0xb8;
	[tilespmem:$0x1A480] =	vst v63  }
0x26: {  	s25 =	simm.s32 $0x1200  }
0x27: {  	[hbm4b:s8+s26] =	stream.indirect.scatter [tilespmem:s4], [sflag:$0x5], $0x80, s25, s26, $0xb8;
	[tilespmem:$0x1A480] =	vst v63  }
0x28: {  	_ = 	snop  }
0x29: {  	[hbm4b:s8+s26] =	stream.indirect.scatter [tilespmem:s4], [sflag:$0x5], $0x80, s12, s26, $0xb8;
	[tilespmem:$0x1A480] =	vst v63  }
0x2a: {  	_ = 	snop  }
0x2b: {  	[hbm4b:s8+s26] =	stream.indirect.scatter [tilespmem:s4], [sflag:$0x5], $0x80, s13, s26, $0xb8;
	[tilespmem:$0x1A480] =	vst v63  }
0x2c: {  	s10 =	simm.s32 $0x1580  }
0x2d: {  	[tilespmem:s5], [sflag:$0x4] =	stream.indirect.gather [spmem:s2], $0x80, s10, s26, $0xb8;
	[tilespmem:$0x1A480] =	vst v63  }
0x2e: {  	_ =	swait.ge [sflag:s31], $0x4000  }
0x2f: {  	[sflag:s31] =	ssyncset.done $0x0  }
0x30: {  	s20 =	rddreg [dreg:$0xa];
	[sflag:s31] =	ssyncadd.s32 $0xFFFFC000  }
0x31: {  	[hbm4b:s20+s26] =	stream.indirect.scatter [tilespmem:s28], [sflag:$0x6], $0x80, s11, s26, $0xb8;
	[tilespmem:$0x1A480] =	vst v63  }
0x32: {  	_ = 	snop  }
0x33: {  	[hbm4b:s20+s26] =	stream.indirect.scatter [tilespmem:s28], [sflag:$0x6], $0x80, s24, s26, $0xb8;
	[tilespmem:$0x1A480] =	vst v63  }
0x34: {  	_ = 	snop  }
0x35: {  	[hbm4b:s20+s26] =	stream.indirect.scatter [tilespmem:s28], [sflag:$0x6], $0x80, s25, s26, $0xb8;
	[tilespmem:$0x1A480] =	vst v63  }
0x36: {  	_ = 	snop  }
0x37: {  	[hbm4b:s20+s26] =	stream.indirect.scatter [tilespmem:s28], [sflag:$0x6], $0x80, s12, s26, $0xb8;
	[tilespmem:$0x1A480] =	vst v63  }
0x38: {  	_ = 	snop  }
0x39: {  	[hbm4b:s20+s26] =	stream.indirect.scatter [tilespmem:s28], [sflag:$0x6], $0x80, s13, s26, $0xb8;
	[tilespmem:$0x1A480] =	vst v63  }
0x3a: {  	_ =	swait.ge [sflag:s6], $0x4000  }
0x3b: {  	[sflag:s6] =	ssyncset.done $0x0  }
0x3c: {  	[sflag:s6] =	ssyncadd.s32 $0xFFFFC000  }
0x3d: {  	_ =	swait.ge [sflag:s6], $0x4000  }
0x3e: {  	[sflag:s6] =	ssyncset.done $0x0  }
0x3f: {  	[sflag:s6] =	ssyncadd.s32 $0xFFFFC000  }
0x40: {  	_ =	swait.ge [sflag:s6], $0x4000  }
0x41: {  	[sflag:s6] =	ssyncset.done $0x0  }
0x42: {  	[sflag:s6] =	ssyncadd.s32 $0xFFFFC000  }
0x43: {  	_ =	swait.ge [sflag:s6], $0x4000  }
0x44: {  	[sflag:s6] =	ssyncset.done $0x0  }
0x45: {  	[sflag:s6] =	ssyncadd.s32 $0xFFFFC000  }
0x46: {  	_ =	swait.ge [sflag:s6], $0x4000  }
0x47: {  	[sflag:s6] =	ssyncset.done $0x0  }
0x48: {  	s20 =	simm.s32 $0x1600;
	[sflag:s6] =	ssyncadd.s32 $0xFFFFC000  }
0x49: {  	[tilespmem:s4], [sflag:$0x1] =	stream.indirect.gather [spmem:s2], $0x80, s20, s26, $0xb8;
	[tilespmem:$0x1A480] =	vst v63  }
0x4a: {  	_ =	swait.ge [sflag:s9], $0x4000  }
0x4b: {  	[sflag:s9] =	ssyncset.done $0x0  }
0x4c: {  	s20 =	rddreg [dreg:$0xb];
	[sflag:s9] =	ssyncadd.s32 $0xFFFFC000  }
0x4d: {  	[hbm4b:s20+s26] =	stream.indirect.scatter [tilespmem:s0], [sflag:$0x7], $0x80, s11, s26, $0xb8;
	[tilespmem:$0x1A480] =	vst v63  }
0x4e: {  	_ = 	snop  }
0x4f: {  	[hbm4b:s20+s26] =	stream.indirect.scatter [tilespmem:s0], [sflag:$0x7], $0x80, s24, s26, $0xb8;
	[tilespmem:$0x1A480] =	vst v63  }
0x50: {  	_ = 	snop  }
0x51: {  	[hbm4b:s20+s26] =	stream.indirect.scatter [tilespmem:s0], [sflag:$0x7], $0x80, s25, s26, $0xb8;
	[tilespmem:$0x1A480] =	vst v63  }
0x52: {  	_ = 	snop  }
0x53: {  	[hbm4b:s20+s26] =	stream.indirect.scatter [tilespmem:s0], [sflag:$0x7], $0x80, s12, s26, $0xb8;
	[tilespmem:$0x1A480] =	vst v63  }
0x54: {  	_ = 	snop  }
0x55: {  	[hbm4b:s20+s26] =	stream.indirect.scatter [tilespmem:s0], [sflag:$0x7], $0x80, s13, s26, $0xb8;
	[tilespmem:$0x1A480] =	vst v63  }
0x56: {  	_ =	swait.ge [sflag:s18], $0x4000  }
0x57: {  	[sflag:s18] =	ssyncset.done $0x0  }
0x58: {  	[sflag:s18] =	ssyncadd.s32 $0xFFFFC000  }
0x59: {  	_ =	swait.ge [sflag:s18], $0x4000  }
0x5a: {  	[sflag:s18] =	ssyncset.done $0x0  }
0x5b: {  	[sflag:s18] =	ssyncadd.s32 $0xFFFFC000  }
0x5c: {  	_ =	swait.ge [sflag:s18], $0x4000  }
0x5d: {  	[sflag:s18] =	ssyncset.done $0x0  }
0x5e: {  	[sflag:s18] =	ssyncadd.s32 $0xFFFFC000  }
0x5f: {  	_ =	swait.ge [sflag:s18], $0x4000  }
0x60: {  	[sflag:s18] =	ssyncset.done $0x0  }
0x61: {  	[sflag:s18] =	ssyncadd.s32 $0xFFFFC000  }
0x62: {  	_ =	swait.ge [sflag:s18], $0x4000  }
0x63: {  	[sflag:s18] =	ssyncset.done $0x0  }
0x64: {  	s20 =	simm.s32 $0x1680;
	[sflag:s18] =	ssyncadd.s32 $0xFFFFC000  }
0x65: {  	[tilespmem:s28], [sflag:$0x2] =	stream.indirect.gather [spmem:s2], $0x80, s20, s26, $0xb8;
	[tilespmem:$0x1A480] =	vst v63  }
0x66: {  	_ =	swait.ge [sflag:s19], $0x4000  }
0x67: {  	[sflag:s19] =	ssyncset.done $0x0  }
0x68: {  	s20 =	rddreg [dreg:$0x13];
	[sflag:s19] =	ssyncadd.s32 $0xFFFFC000  }
0x69: {  	[hbm4b:s20+s26] =	stream.indirect.scatter [tilespmem:s5], [sflag:$0x8], $0x80, s11, s26, $0xb8;
	[tilespmem:$0x1A480] =	vst v63  }
0x6a: {  	_ = 	snop  }
0x6b: {  	[hbm4b:s20+s26] =	stream.indirect.scatter [tilespmem:s5], [sflag:$0x8], $0x80, s24, s26, $0xb8;
	[tilespmem:$0x1A480] =	vst v63  }
0x6c: {  	_ = 	snop  }
0x6d: {  	[hbm4b:s20+s26] =	stream.indirect.scatter [tilespmem:s5], [sflag:$0x8], $0x80, s25, s26, $0xb8;
	[tilespmem:$0x1A480] =	vst v63  }
0x6e: {  	_ = 	snop  }
0x6f: {  	[hbm4b:s20+s26] =	stream.indirect.scatter [tilespmem:s5], [sflag:$0x8], $0x80, s12, s26, $0xb8;
	[tilespmem:$0x1A480] =	vst v63  }
0x70: {  	_ = 	snop  }
0x71: {  	[hbm4b:s20+s26] =	stream.indirect.scatter [tilespmem:s5], [sflag:$0x8], $0x80, s13, s26, $0xb8;
	[tilespmem:$0x1A480] =	vst v63  }
0x72: {  	_ =	swait.ge [sflag:s21], $0x4000  }
0x73: {  	[sflag:s21] =	ssyncset.done $0x0  }
0x74: {  	[sflag:s21] =	ssyncadd.s32 $0xFFFFC000  }
0x75: {  	_ =	swait.ge [sflag:s21], $0x4000  }
0x76: {  	[sflag:s21] =	ssyncset.done $0x0  }
0x77: {  	[sflag:s21] =	ssyncadd.s32 $0xFFFFC000  }
0x78: {  	_ =	swait.ge [sflag:s21], $0x4000  }
0x79: {  	[sflag:s21] =	ssyncset.done $0x0  }
0x7a: {  	[sflag:s21] =	ssyncadd.s32 $0xFFFFC000  }
0x7b: {  	_ =	swait.ge [sflag:s21], $0x4000  }
0x7c: {  	[sflag:s21] =	ssyncset.done $0x0  }
0x7d: {  	[sflag:s21] =	ssyncadd.s32 $0xFFFFC000  }
0x7e: {  	_ =	swait.ge [sflag:s21], $0x4000  }
0x7f: {  	[sflag:s21] =	ssyncset.done $0x0  }
0x80: {  	s20 =	simm.s32 $0x1700;
	[sflag:s21] =	ssyncadd.s32 $0xFFFFC000  }
0x81: {  	[tilespmem:s0], [sflag:$0x3] =	stream.indirect.gather [spmem:s2], $0x80, s20, s26, $0xb8;
	[tilespmem:$0x1A480] =	vst v63  }
0x82: {  	_ =	swait.ge [sflag:s30], $0x4000  }
0x83: {  	[sflag:s30] =	ssyncset.done $0x0  }
0x84: {  	s20 =	rddreg [dreg:$0x14];
	[sflag:s30] =	ssyncadd.s32 $0xFFFFC000  }
0x85: {  	[hbm4b:s20+s26] =	stream.indirect.scatter [tilespmem:s4], [sflag:$0x5], $0x80, s11, s26, $0xb8;
	[tilespmem:$0x1A480] =	vst v63  }
0x86: {  	_ = 	snop  }
0x87: {  	[hbm4b:s20+s26] =	stream.indirect.scatter [tilespmem:s4], [sflag:$0x5], $0x80, s24, s26, $0xb8;
	[tilespmem:$0x1A480] =	vst v63  }
0x88: {  	_ = 	snop  }
0x89: {  	[hbm4b:s20+s26] =	stream.indirect.scatter [tilespmem:s4], [sflag:$0x5], $0x80, s25, s26, $0xb8;
	[tilespmem:$0x1A480] =	vst v63  }
0x8a: {  	_ = 	snop  }
0x8b: {  	[hbm4b:s20+s26] =	stream.indirect.scatter [tilespmem:s4], [sflag:$0x5], $0x80, s12, s26, $0xb8;
	[tilespmem:$0x1A480] =	vst v63  }
0x8c: {  	_ = 	snop  }
0x8d: {  	[hbm4b:s20+s26] =	stream.indirect.scatter [tilespmem:s4], [sflag:$0x5], $0x80, s13, s26, $0xb8;
	[tilespmem:$0x1A480] =	vst v63  }
0x8e: {  	s20 =	simm.s32 $0x8  }
0x8f: {  	_ =	swait.ge [sflag:s20], $0x4000  }
0x90: {  	[sflag:s20] =	ssyncset.done $0x0  }
0x91: {  	[sflag:s20] =	ssyncadd.s32 $0xFFFFC000  }
0x92: {  	_ =	swait.ge [sflag:s20], $0x4000  }
0x93: {  	[sflag:s20] =	ssyncset.done $0x0  }
0x94: {  	[sflag:s20] =	ssyncadd.s32 $0xFFFFC000  }
0x95: {  	_ =	swait.ge [sflag:s20], $0x4000  }
0x96: {  	[sflag:s20] =	ssyncset.done $0x0  }
0x97: {  	[sflag:s20] =	ssyncadd.s32 $0xFFFFC000  }
0x98: {  	_ =	swait.ge [sflag:s20], $0x4000  }
0x99: {  	[sflag:s20] =	ssyncset.done $0x0  }
0x9a: {  	[sflag:s20] =	ssyncadd.s32 $0xFFFFC000  }
0x9b: {  	_ =	swait.ge [sflag:s20], $0x4000  }
0x9c: {  	[sflag:s20] =	ssyncset.done $0x0  }
0x9d: {  	s10 =	simm.s32 $0x1780;
	[sflag:s20] =	ssyncadd.s32 $0xFFFFC000  }
0x9e: {  	[tilespmem:s5], [sflag:$0x4] =	stream.indirect.gather [spmem:s2], $0x80, s10, s26, $0xb8;
	[tilespmem:$0x1A480] =	vst v63  }
0x9f: {  	_ =	swait.ge [sflag:s31], $0x4000  }
0xa0: {  	[sflag:s31] =	ssyncset.done $0x0  }
0xa1: {  	[sflag:s31] =	ssyncadd.s32 $0xFFFFC000  }
0xa2: {  	[hbm4b:s14+s26] =	stream.indirect.scatter [tilespmem:s28], [sflag:$0x6], $0x80, s11, s26, $0xb8;
	[tilespmem:$0x1A480] =	vst v63  }
0xa3: {  	_ = 	snop  }
0xa4: {  	[hbm4b:s14+s26] =	stream.indirect.scatter [tilespmem:s28], [sflag:$0x6], $0x80, s24, s26, $0xb8;
	[tilespmem:$0x1A480] =	vst v63  }
0xa5: {  	_ = 	snop  }
0xa6: {  	[hbm4b:s14+s26] =	stream.indirect.scatter [tilespmem:s28], [sflag:$0x6], $0x80, s25, s26, $0xb8;
	[tilespmem:$0x1A480] =	vst v63  }
0xa7: {  	_ = 	snop  }
0xa8: {  	[hbm4b:s14+s26] =	stream.indirect.scatter [tilespmem:s28], [sflag:$0x6], $0x80, s12, s26, $0xb8;
	[tilespmem:$0x1A480] =	vst v63  }
0xa9: {  	_ = 	snop  }
0xaa: {  	[hbm4b:s14+s26] =	stream.indirect.scatter [tilespmem:s28], [sflag:$0x6], $0x80, s13, s26, $0xb8;
	[tilespmem:$0x1A480] =	vst v63  }
0xab: {  	_ =	swait.ge [sflag:s6], $0x4000  }
0xac: {  	[sflag:s6] =	ssyncset.done $0x0  }
0xad: {  	[sflag:s6] =	ssyncadd.s32 $0xFFFFC000  }
0xae: {  	_ =	swait.ge [sflag:s6], $0x4000  }
0xaf: {  	[sflag:s6] =	ssyncset.done $0x0  }
0xb0: {  	[sflag:s6] =	ssyncadd.s32 $0xFFFFC000  }
0xb1: {  	_ =	swait.ge [sflag:s6], $0x4000  }
0xb2: {  	[sflag:s6] =	ssyncset.done $0x0  }
0xb3: {  	[sflag:s6] =	ssyncadd.s32 $0xFFFFC000  }
0xb4: {  	_ =	swait.ge [sflag:s6], $0x4000  }
0xb5: {  	[sflag:s6] =	ssyncset.done $0x0  }
0xb6: {  	[sflag:s6] =	ssyncadd.s32 $0xFFFFC000  }
0xb7: {  	_ =	swait.ge [sflag:s6], $0x4000  }
0xb8: {  	[sflag:s6] =	ssyncset.done $0x0  }
0xb9: {  	[sflag:s6] =	ssyncadd.s32 $0xFFFFC000  }
0xba: {  	_ =	swait.ge [sflag:s9], $0x4000  }
0xbb: {  	[sflag:s9] =	ssyncset.done $0x0  }
0xbc: {  	[sflag:s9] =	ssyncadd.s32 $0xFFFFC000  }
0xbd: {  	[hbm4b:s15+s26] =	stream.indirect.scatter [tilespmem:s0], [sflag:$0x7], $0x80, s11, s26, $0xb8;
	[tilespmem:$0x1A480] =	vst v63  }
0xbe: {  	_ = 	snop  }
0xbf: {  	[hbm4b:s15+s26] =	stream.indirect.scatter [tilespmem:s0], [sflag:$0x7], $0x80, s24, s26, $0xb8;
	[tilespmem:$0x1A480] =	vst v63  }
0xc0: {  	_ = 	snop  }
0xc1: {  	[hbm4b:s15+s26] =	stream.indirect.scatter [tilespmem:s0], [sflag:$0x7], $0x80, s25, s26, $0xb8;
	[tilespmem:$0x1A480] =	vst v63  }
0xc2: {  	_ = 	snop  }
0xc3: {  	[hbm4b:s15+s26] =	stream.indirect.scatter [tilespmem:s0], [sflag:$0x7], $0x80, s12, s26, $0xb8;
	[tilespmem:$0x1A480] =	vst v63  }
0xc4: {  	_ = 	snop  }
0xc5: {  	[hbm4b:s15+s26] =	stream.indirect.scatter [tilespmem:s0], [sflag:$0x7], $0x80, s13, s26, $0xb8;
	[tilespmem:$0x1A480] =	vst v63  }
0xc6: {  	_ =	swait.ge [sflag:s18], $0x4000  }
0xc7: {  	[sflag:s18] =	ssyncset.done $0x0  }
0xc8: {  	[sflag:s18] =	ssyncadd.s32 $0xFFFFC000  }
0xc9: {  	_ =	swait.ge [sflag:s18], $0x4000  }
0xca: {  	[sflag:s18] =	ssyncset.done $0x0  }
0xcb: {  	[sflag:s18] =	ssyncadd.s32 $0xFFFFC000  }
0xcc: {  	_ =	swait.ge [sflag:s18], $0x4000  }
0xcd: {  	[sflag:s18] =	ssyncset.done $0x0  }
0xce: {  	[sflag:s18] =	ssyncadd.s32 $0xFFFFC000  }
0xcf: {  	_ =	swait.ge [sflag:s18], $0x4000  }
0xd0: {  	[sflag:s18] =	ssyncset.done $0x0  }
0xd1: {  	[sflag:s18] =	ssyncadd.s32 $0xFFFFC000  }
0xd2: {  	_ =	swait.ge [sflag:s18], $0x4000  }
0xd3: {  	[sflag:s18] =	ssyncset.done $0x0  }
0xd4: {  	[sflag:s18] =	ssyncadd.s32 $0xFFFFC000  }
0xd5: {  	_ =	swait.ge [sflag:s19], $0x4000  }
0xd6: {  	[sflag:s19] =	ssyncset.done $0x0  }
0xd7: {  	[sflag:s19] =	ssyncadd.s32 $0xFFFFC000  }
0xd8: {  	[hbm4b:s16+s26] =	stream.indirect.scatter [tilespmem:s5], [sflag:$0x8], $0x80, s11, s26, $0xb8;
	[tilespmem:$0x1A480] =	vst v63  }
0xd9: {  	_ = 	snop  }
0xda: {  	[hbm4b:s16+s26] =	stream.indirect.scatter [tilespmem:s5], [sflag:$0x8], $0x80, s24, s26, $0xb8;
	[tilespmem:$0x1A480] =	vst v63  }
0xdb: {  	_ = 	snop  }
0xdc: {  	[hbm4b:s16+s26] =	stream.indirect.scatter [tilespmem:s5], [sflag:$0x8], $0x80, s25, s26, $0xb8;
	[tilespmem:$0x1A480] =	vst v63  }
0xdd: {  	_ = 	snop  }
0xde: {  	[hbm4b:s16+s26] =	stream.indirect.scatter [tilespmem:s5], [sflag:$0x8], $0x80, s12, s26, $0xb8;
	[tilespmem:$0x1A480] =	vst v63  }
0xdf: {  	_ = 	snop  }
0xe0: {  	[hbm4b:s16+s26] =	stream.indirect.scatter [tilespmem:s5], [sflag:$0x8], $0x80, s13, s26, $0xb8;
	[tilespmem:$0x1A480] =	vst v63  }
0xe1: {  	_ =	swait.ge [sflag:s21], $0x4000  }
0xe2: {  	[sflag:s21] =	ssyncset.done $0x0  }
0xe3: {  	[sflag:s21] =	ssyncadd.s32 $0xFFFFC000  }
0xe4: {  	_ =	swait.ge [sflag:s21], $0x4000  }
0xe5: {  	[sflag:s21] =	ssyncset.done $0x0  }
0xe6: {  	[sflag:s21] =	ssyncadd.s32 $0xFFFFC000  }
0xe7: {  	_ =	swait.ge [sflag:s21], $0x4000  }
0xe8: {  	[sflag:s21] =	ssyncset.done $0x0  }
0xe9: {  	[sflag:s21] =	ssyncadd.s32 $0xFFFFC000  }
0xea: {  	_ =	swait.ge [sflag:s21], $0x4000  }
0xeb: {  	[sflag:s21] =	ssyncset.done $0x0  }
0xec: {  	[sflag:s21] =	ssyncadd.s32 $0xFFFFC000  }
0xed: {  	_ =	swait.ge [sflag:s21], $0x4000  }
0xee: {  	[sflag:s21] =	ssyncset.done $0x0  }
0xef: {  	[sflag:s21] =	ssyncadd.s32 $0xFFFFC000  }
0xf0: {  	_ =	swait.ge [sflag:s20], $0x4000  }
0xf1: {  	[sflag:s20] =	ssyncset.done $0x0  }
0xf2: {  	[sflag:s20] =	ssyncadd.s32 $0xFFFFC000  }
.LBB2_10:
0xf3: {  	_ =	swait.ge [sflag:s20], $0x4000  }
0xf4: {  	[sflag:s20] =	ssyncset.done $0x0  }
0xf5: {  	[sflag:s20] =	ssyncadd.s32 $0xFFFFC000  }
0xf6: {  	_ =	swait.ge [sflag:s20], $0x4000  }
0xf7: {  	[sflag:s20] =	ssyncset.done $0x0  }
0xf8: {  	[sflag:s20] =	ssyncadd.s32 $0xFFFFC000  }
0xf9: {  	_ =	swait.ge [sflag:s22], $0x4000  }
0xfa: {  	[sflag:s22] =	ssyncset.done $0x0  }
0xfb: {  	[sflag:s22] =	ssyncadd.s32 $0xFFFFC000  }
0xfc: {  	_ =	swait.ge [sflag:s22], $0x4000  }
0xfd: {  	s17 =	sadd.s32 $0x1, s17;
	s10 =	rddreg [dreg:$0x11]  }
0xfe: {  	p1 =	sne.s32 s17, s10  }
.Ltmp1:
0xff: {  	_ = 	snop;
	(pc) =	sbr.rel @!p1 .LBB2_11-.Ltmp1, $3  }
0x100: {  	_ =	sdelay $0x1  }
0x101: {  	[sflag:s22] =	ssyncset.done $0x0  }
0x102: {  	[sflag:s22] =	ssyncadd.s32 $0xFFFFC000  }
.LBB2_1:
0x103: {  	s10 =	rddreg [dreg:$0x7]  }
0x104: {  	s11 =	rddreg [dreg:$0x8]  }
0x105: {  	s20 =	rddreg [dreg:$0x12]  }
0x106: {  	[spmem:s20], [sflag:s11] =	dma.local [hbm:s10], $0x1000  }
0x107: {  	s11 =	simm.s32 $0x9  }
0x108: {  	_ =	swait.ge [sflag:s11], $0x1000  }
0x109: {  	[sflag:s11] =	ssyncset.done $0x0  }
0x10a: {  	[sflag:s11] =	ssyncadd.s32 $0xFFFFF000  }
0x10b: {  	[bflag:$0x0] =	sbarrier.arrive $0xFFFF  }
0x10c: {  	s24 =	simm.s32 $0x400;
	s11 =	simm.s32 $0x0;
	s20 =	rddreg [dreg:$0x9]  }
0x10d: {  	[tilespmem:s11], [sflag:$0x1] =	stream.strided.gather [hbm4b:s20+s26], $0x1000, s24, s26, $0x38;
	[tilespmem:$0x1A480] =	vst v63  }
0x10e: {  	s10 =	simm.s32 $0x40;
	s25 =	rddreg [dreg:$0x1];
	s20 =	simm.s32 $0x0  }
0x10f: {  	[tilespmem:s29], [sflag:$0x2] =	stream.linear.gather [hbm4b:s25+s11], $0x400, $0x38;
	[tilespmem:$0x1A480] =	vst v63  }
.LBB2_2:
0x110: {  	p1 =	sne.s32 s10, $0x2000;
	[tilespmem:s20+$0x1400] =	vst v1;
	s20 =	smov.u32 s10;
	s10 =	sadd.s32 $0x40, s10  }
.Ltmp2:
0x111: {  	(pc) =	sbr.rel @p1 .LBB2_2-.Ltmp2, $2  }
0x112: {  	_ =	sdelay $0x2  }
0x113: {  	s20 =	sshra.s32 s20, $0x2  }
0x114: {  	[tilespmem:s20+$0x1400] =	vst v1  }
0x115: {  	_ =	swait.ge [sflag:s30], $0x1000  }
0x116: {  	[sflag:s30] =	ssyncset.done $0x0  }
0x117: {  	[sflag:s30] =	ssyncadd.s32 $0xFFFFF000  }
0x118: {  	_ =	swait.ge [sflag:s31], $0x400  }
0x119: {  	s25 =	simm.s32 $0x0;
	s10 =	simm.s32 $0x0;
	[sflag:s31] =	ssyncset.done $0x0  }
0x11a: {  	s20 =	simm.s32 $0x0;
	s24 =	simm.s32 $0x0;
	[sflag:s31] =	ssyncadd.s32 $0xFFFFFC00  }
.LBB2_4:
0x11b: {  	v3 =	vld [tilespmem:s20+$0x0];
	_ =	sdelay $0x4  }
0x11c: {  	vm0 =	veq.s32 v3, v0  }
0x11d: {  	v3 =	vsel vm0, $0x1, v1  }
0x11e: {  	(xrf0) =	vadd.scan.msk.s32 $0xffff, v3;
	_ =	sdelay $0x5  }
0x11f: {  	v3, _, _ =	vpop (xrf0)  }
0x120: {  	(v2sf) =	vpush v3, $0xF;
	_ =	sdelay $0xd  }
0x121: {  	s11 =	sadd.s32 $0xFFFFFFFF, s24  }
0x122: {  	v3 =	vadd.s32 s11, v3;
	s11 =	spop (v2sf)  }
0x123: {  	p1 =	sgt.u32 s25, $0xFE;
	s24 =	sadd.s32 s24, s11  }
0x124: {  	p2 =	slt.s32 @!p1 s24, s7  }
0x125: {  	v3 =	vnsel vm0, $0x100F, v3;
	p1 =	por p1, !p2  }
.Ltmp3:
0x126: {  	_ = 	snop;
	(pc) =	sbr.rel @!p1 .LBB2_4-.Ltmp3, $3  }
0x127: {  	_ =	sdelay $0x1  }
0x128: {  	v4 =	vor.u32 s10, v2  }
0x129: {  	s25 =	sadd.s32 $0x1, s25;
	s20 =	sadd.s32 $0x10, s20;
	s10 =	sadd.s32 $0x10, s10;
	[tilespmem:v3+s1+$0x0] =	vst.idx.msk $0xffff, v4  }
0x12a: {  	[tilespmem:s4], [sflag:$0x1] =	stream.indirect.gather [spmem:s2], $0x80, s1, s26, $0xb8;
	[tilespmem:$0x1A480] =	vst v63  }
0x12b: {  	s10 =	simm.s32 $0x1480  }
0x12c: {  	[tilespmem:s28], [sflag:$0x2] =	stream.indirect.gather [spmem:s2], $0x80, s10, s26, $0xb8;
	[tilespmem:$0x1A480] =	vst v63  }
.Ltmp4:
0x12d: {  	s25 =	simm.s32 $0x1500;
	(pc) =	sbr.rel @p0 .LBB2_9-.Ltmp4, $4  }
0x12e: {  	[tilespmem:s0], [sflag:$0x3] =	stream.indirect.gather [spmem:s2], $0x80, s25, s26, $0xb8;
	[tilespmem:$0x1A480] =	vst v63  }
0x12f: {  	_ =	swait.ge [sflag:s30], $0x4000  }
0x130: {  	[sflag:s30] =	ssyncset.done $0x0  }
0x131: {  	[sflag:s30] =	ssyncadd.s32 $0xFFFFC000  }
0x132: {  	s10 =	rddreg [dreg:$0xc]  }
0x133: {  	[hbm4b:s10+s26] =	stream.indirect.scatter [tilespmem:s4], [sflag:$0x5], $0x80, s29, s26, $0xb8;
	[tilespmem:$0x1A480] =	vst v63  }
0x134: {  	_ = 	snop  }
0x135: {  	[hbm4b:s10+s26] =	stream.indirect.scatter [tilespmem:s4], [sflag:$0x5], $0x80, s3, s26, $0xb8;
	[tilespmem:$0x1A480] =	vst v63  }
0x136: {  	s20 =	simm.s32 $0x1580  }
0x137: {  	[tilespmem:s5], [sflag:$0x4] =	stream.indirect.gather [spmem:s2], $0x80, s20, s26, $0xb8;
	[tilespmem:$0x1A480] =	vst v63  }
0x138: {  	_ =	swait.ge [sflag:s31], $0x4000  }
0x139: {  	[sflag:s31] =	ssyncset.done $0x0  }
0x13a: {  	s24 =	sadd.s32 $0xFFFFE000, s23;
	[sflag:s31] =	ssyncadd.s32 $0xFFFFC000  }
0x13b: {  	[hbm4b:s24+s26] =	stream.indirect.scatter [tilespmem:s28], [sflag:$0x6], $0x80, s29, s26, $0xb8;
	[tilespmem:$0x1A480] =	vst v63  }
0x13c: {  	_ = 	snop  }
0x13d: {  	[hbm4b:s24+s26] =	stream.indirect.scatter [tilespmem:s28], [sflag:$0x6], $0x80, s3, s26, $0xb8;
	[tilespmem:$0x1A480] =	vst v63  }
0x13e: {  	_ =	swait.ge [sflag:s6], $0x4000  }
0x13f: {  	[sflag:s6] =	ssyncset.done $0x0  }
0x140: {  	[sflag:s6] =	ssyncadd.s32 $0xFFFFC000  }
0x141: {  	_ =	swait.ge [sflag:s6], $0x4000  }
0x142: {  	[sflag:s6] =	ssyncset.done $0x0  }
0x143: {  	s25 =	simm.s32 $0x1600;
	[sflag:s6] =	ssyncadd.s32 $0xFFFFC000  }
0x144: {  	[tilespmem:s4], [sflag:$0x1] =	stream.indirect.gather [spmem:s2], $0x80, s25, s26, $0xb8;
	[tilespmem:$0x1A480] =	vst v63  }
0x145: {  	_ =	swait.ge [sflag:s9], $0x4000  }
0x146: {  	[sflag:s9] =	ssyncset.done $0x0  }
0x147: {  	s11 =	sadd.s32 $0xFFFFF000, s23;
	[sflag:s9] =	ssyncadd.s32 $0xFFFFC000  }
0x148: {  	[hbm4b:s11+s26] =	stream.indirect.scatter [tilespmem:s0], [sflag:$0x7], $0x80, s29, s26, $0xb8;
	[tilespmem:$0x1A480] =	vst v63  }
0x149: {  	_ = 	snop  }
0x14a: {  	[hbm4b:s11+s26] =	stream.indirect.scatter [tilespmem:s0], [sflag:$0x7], $0x80, s3, s26, $0xb8;
	[tilespmem:$0x1A480] =	vst v63  }
0x14b: {  	_ =	swait.ge [sflag:s18], $0x4000  }
0x14c: {  	[sflag:s18] =	ssyncset.done $0x0  }
0x14d: {  	[sflag:s18] =	ssyncadd.s32 $0xFFFFC000  }
0x14e: {  	_ =	swait.ge [sflag:s18], $0x4000  }
0x14f: {  	[sflag:s18] =	ssyncset.done $0x0  }
0x150: {  	s20 =	simm.s32 $0x1680;
	[sflag:s18] =	ssyncadd.s32 $0xFFFFC000  }
0x151: {  	[tilespmem:s28], [sflag:$0x2] =	stream.indirect.gather [spmem:s2], $0x80, s20, s26, $0xb8;
	[tilespmem:$0x1A480] =	vst v63  }
0x152: {  	_ =	swait.ge [sflag:s19], $0x4000  }
0x153: {  	[sflag:s19] =	ssyncset.done $0x0  }
0x154: {  	[sflag:s19] =	ssyncadd.s32 $0xFFFFC000  }
0x155: {  	[hbm4b:s23+s26] =	stream.indirect.scatter [tilespmem:s5], [sflag:$0x8], $0x80, s29, s26, $0xb8;
	[tilespmem:$0x1A480] =	vst v63  }
0x156: {  	_ = 	snop  }
0x157: {  	[hbm4b:s23+s26] =	stream.indirect.scatter [tilespmem:s5], [sflag:$0x8], $0x80, s3, s26, $0xb8;
	[tilespmem:$0x1A480] =	vst v63  }
0x158: {  	_ =	swait.ge [sflag:s21], $0x4000  }
0x159: {  	[sflag:s21] =	ssyncset.done $0x0  }
0x15a: {  	[sflag:s21] =	ssyncadd.s32 $0xFFFFC000  }
0x15b: {  	_ =	swait.ge [sflag:s21], $0x4000  }
0x15c: {  	[sflag:s21] =	ssyncset.done $0x0  }
0x15d: {  	s24 =	simm.s32 $0x1700;
	[sflag:s21] =	ssyncadd.s32 $0xFFFFC000  }
0x15e: {  	[tilespmem:s0], [sflag:$0x3] =	stream.indirect.gather [spmem:s2], $0x80, s24, s26, $0xb8;
	[tilespmem:$0x1A480] =	vst v63  }
0x15f: {  	_ =	swait.ge [sflag:s30], $0x4000  }
0x160: {  	[sflag:s30] =	ssyncset.done $0x0  }
0x161: {  	s25 =	rddreg [dreg:$0xf];
	[sflag:s30] =	ssyncadd.s32 $0xFFFFC000  }
0x162: {  	[hbm4b:s25+s26] =	stream.indirect.scatter [tilespmem:s4], [sflag:$0x5], $0x80, s29, s26, $0xb8;
	[tilespmem:$0x1A480] =	vst v63  }
0x163: {  	_ = 	snop  }
0x164: {  	[hbm4b:s25+s26] =	stream.indirect.scatter [tilespmem:s4], [sflag:$0x5], $0x80, s3, s26, $0xb8;
	[tilespmem:$0x1A480] =	vst v63  }
0x165: {  	_ =	swait.ge [sflag:s22], $0x4000  }
0x166: {  	[sflag:s22] =	ssyncset.done $0x0  }
0x167: {  	[sflag:s22] =	ssyncadd.s32 $0xFFFFC000  }
0x168: {  	_ =	swait.ge [sflag:s22], $0x4000  }
0x169: {  	s10 =	simm.s32 $0x1780;
	s20 =	simm.s32 $0x800;
	[sflag:s22] =	ssyncset.done $0x0  }
0x16a: {  	s24 =	sadd.s32 $0x4000, s23;
	s25 =	sadd.s32 $0x4000, s25;
	[sflag:s22] =	ssyncadd.s32 $0xFFFFC000  }
.LBB2_7:
0x16b: {  	[tilespmem:s5], [sflag:$0x4] =	stream.indirect.gather [spmem:s2], $0x80, s10, s26, $0xb8;
	[tilespmem:$0x1A480] =	vst v63  }
0x16c: {  	s10 =	smov.u32 s20  }
0x16d: {  	p1 =	sne.s32 s20, $0x1000;
	s20 =	sadd.s32 $0x800, s20;
	_ =	swait.ge [sflag:s31], $0x4000  }
0x16e: {  	[sflag:s31] =	ssyncset.done $0x0  }
0x16f: {  	s11 =	sadd.s32 $0xFFFFE000, s24;
	[sflag:s31] =	ssyncadd.s32 $0xFFFFC000  }
0x170: {  	[hbm4b:s11+s26] =	stream.indirect.scatter [tilespmem:s28], [sflag:$0x6], $0x80, s29, s26, $0xb8;
	[tilespmem:$0x1A480] =	vst v63  }
0x171: {  	_ = 	snop  }
0x172: {  	[hbm4b:s11+s26] =	stream.indirect.scatter [tilespmem:s28], [sflag:$0x6], $0x80, s3, s26, $0xb8;
	[tilespmem:$0x1A480] =	vst v63  }
0x173: {  	_ =	swait.ge [sflag:s6], $0x4000  }
0x174: {  	[sflag:s6] =	ssyncset.done $0x0  }
0x175: {  	[sflag:s6] =	ssyncadd.s32 $0xFFFFC000  }
0x176: {  	_ =	swait.ge [sflag:s6], $0x4000  }
0x177: {  	s10 =	sshra.s32 s10, $0x2;
	[sflag:s6] =	ssyncset.done $0x0  }
0x178: {  	s11 =	sadd.s32 $0x1600, s10;
	[sflag:s6] =	ssyncadd.s32 $0xFFFFC000  }
0x179: {  	[tilespmem:s4], [sflag:$0x1] =	stream.indirect.gather [spmem:s2], $0x80, s11, s26, $0xb8;
	[tilespmem:$0x1A480] =	vst v63  }
0x17a: {  	_ =	swait.ge [sflag:s9], $0x4000  }
0x17b: {  	[sflag:s9] =	ssyncset.done $0x0  }
0x17c: {  	s11 =	sadd.s32 $0xFFFFF000, s24;
	[sflag:s9] =	ssyncadd.s32 $0xFFFFC000  }
0x17d: {  	[hbm4b:s11+s26] =	stream.indirect.scatter [tilespmem:s0], [sflag:$0x7], $0x80, s29, s26, $0xb8;
	[tilespmem:$0x1A480] =	vst v63  }
0x17e: {  	_ = 	snop  }
0x17f: {  	[hbm4b:s11+s26] =	stream.indirect.scatter [tilespmem:s0], [sflag:$0x7], $0x80, s3, s26, $0xb8;
	[tilespmem:$0x1A480] =	vst v63  }
0x180: {  	_ =	swait.ge [sflag:s18], $0x4000  }
0x181: {  	[sflag:s18] =	ssyncset.done $0x0  }
0x182: {  	[sflag:s18] =	ssyncadd.s32 $0xFFFFC000  }
0x183: {  	_ =	swait.ge [sflag:s18], $0x4000  }
0x184: {  	[sflag:s18] =	ssyncset.done $0x0  }
0x185: {  	s11 =	sadd.s32 $0x1680, s10;
	[sflag:s18] =	ssyncadd.s32 $0xFFFFC000  }
0x186: {  	[tilespmem:s28], [sflag:$0x2] =	stream.indirect.gather [spmem:s2], $0x80, s11, s26, $0xb8;
	[tilespmem:$0x1A480] =	vst v63  }
0x187: {  	_ =	swait.ge [sflag:s19], $0x4000  }
0x188: {  	[sflag:s19] =	ssyncset.done $0x0  }
0x189: {  	[sflag:s19] =	ssyncadd.s32 $0xFFFFC000  }
0x18a: {  	[hbm4b:s24+s26] =	stream.indirect.scatter [tilespmem:s5], [sflag:$0x8], $0x80, s29, s26, $0xb8;
	[tilespmem:$0x1A480] =	vst v63  }
0x18b: {  	_ = 	snop  }
0x18c: {  	[hbm4b:s24+s26] =	stream.indirect.scatter [tilespmem:s5], [sflag:$0x8], $0x80, s3, s26, $0xb8;
	[tilespmem:$0x1A480] =	vst v63  }
0x18d: {  	_ =	swait.ge [sflag:s21], $0x4000  }
0x18e: {  	[sflag:s21] =	ssyncset.done $0x0  }
0x18f: {  	[sflag:s21] =	ssyncadd.s32 $0xFFFFC000  }
0x190: {  	_ =	swait.ge [sflag:s21], $0x4000  }
0x191: {  	[sflag:s21] =	ssyncset.done $0x0  }
0x192: {  	s11 =	sadd.s32 $0x1700, s10;
	[sflag:s21] =	ssyncadd.s32 $0xFFFFC000  }
0x193: {  	[tilespmem:s0], [sflag:$0x3] =	stream.indirect.gather [spmem:s2], $0x80, s11, s26, $0xb8;
	[tilespmem:$0x1A480] =	vst v63  }
0x194: {  	_ =	swait.ge [sflag:s30], $0x4000  }
0x195: {  	[sflag:s30] =	ssyncset.done $0x0  }
0x196: {  	[sflag:s30] =	ssyncadd.s32 $0xFFFFC000  }
0x197: {  	[hbm4b:s25+s26] =	stream.indirect.scatter [tilespmem:s4], [sflag:$0x5], $0x80, s29, s26, $0xb8;
	[tilespmem:$0x1A480] =	vst v63  }
0x198: {  	_ = 	snop  }
0x199: {  	[hbm4b:s25+s26] =	stream.indirect.scatter [tilespmem:s4], [sflag:$0x5], $0x80, s3, s26, $0xb8;
	[tilespmem:$0x1A480] =	vst v63  }
0x19a: {  	_ =	swait.ge [sflag:s22], $0x4000  }
.Ltmp5:
0x19b: {  	[sflag:s22] =	ssyncset.done $0x0;
	(pc) =	sbr.rel @p1 .LBB2_7-.Ltmp5, $4  }
0x19c: {  	[sflag:s22] =	ssyncadd.s32 $0xFFFFC000  }
0x19d: {  	_ =	swait.ge [sflag:s22], $0x4000  }
0x19e: {  	s25 =	sadd.s32 $0x4000, s25;
	[sflag:s22] =	ssyncset.done $0x0  }
0x19f: {  	s10 =	sadd.s32 $0x1780, s10;
	s24 =	sadd.s32 $0x4000, s24;
	[sflag:s22] =	ssyncadd.s32 $0xFFFFC000  }
0x1a0: {  	[tilespmem:s5], [sflag:$0x4] =	stream.indirect.gather [spmem:s2], $0x80, s10, s26, $0xb8;
	[tilespmem:$0x1A480] =	vst v63  }
0x1a1: {  	_ =	swait.ge [sflag:s31], $0x4000  }
0x1a2: {  	[sflag:s31] =	ssyncset.done $0x0  }
0x1a3: {  	s20 =	rddreg [dreg:$0xd];
	[sflag:s31] =	ssyncadd.s32 $0xFFFFC000  }
0x1a4: {  	[hbm4b:s20+s26] =	stream.indirect.scatter [tilespmem:s28], [sflag:$0x6], $0x80, s29, s26, $0xb8;
	[tilespmem:$0x1A480] =	vst v63  }
0x1a5: {  	_ = 	snop  }
0x1a6: {  	[hbm4b:s20+s26] =	stream.indirect.scatter [tilespmem:s28], [sflag:$0x6], $0x80, s3, s26, $0xb8;
	[tilespmem:$0x1A480] =	vst v63  }
0x1a7: {  	_ =	swait.ge [sflag:s6], $0x4000  }
0x1a8: {  	[sflag:s6] =	ssyncset.done $0x0  }
0x1a9: {  	[sflag:s6] =	ssyncadd.s32 $0xFFFFC000  }
0x1aa: {  	_ =	swait.ge [sflag:s6], $0x4000  }
0x1ab: {  	[sflag:s6] =	ssyncset.done $0x0  }
0x1ac: {  	[sflag:s6] =	ssyncadd.s32 $0xFFFFC000  }
0x1ad: {  	_ =	swait.ge [sflag:s9], $0x4000  }
0x1ae: {  	[sflag:s9] =	ssyncset.done $0x0  }
0x1af: {  	s24 =	rddreg [dreg:$0xe];
	[sflag:s9] =	ssyncadd.s32 $0xFFFFC000  }
0x1b0: {  	[hbm4b:s24+s26] =	stream.indirect.scatter [tilespmem:s0], [sflag:$0x7], $0x80, s29, s26, $0xb8;
	[tilespmem:$0x1A480] =	vst v63  }
0x1b1: {  	_ = 	snop  }
0x1b2: {  	[hbm4b:s24+s26] =	stream.indirect.scatter [tilespmem:s0], [sflag:$0x7], $0x80, s3, s26, $0xb8;
	[tilespmem:$0x1A480] =	vst v63  }
0x1b3: {  	_ =	swait.ge [sflag:s18], $0x4000  }
0x1b4: {  	[sflag:s18] =	ssyncset.done $0x0  }
0x1b5: {  	[sflag:s18] =	ssyncadd.s32 $0xFFFFC000  }
0x1b6: {  	_ =	swait.ge [sflag:s18], $0x4000  }
0x1b7: {  	[sflag:s18] =	ssyncset.done $0x0  }
0x1b8: {  	[sflag:s18] =	ssyncadd.s32 $0xFFFFC000  }
0x1b9: {  	_ =	swait.ge [sflag:s19], $0x4000  }
.Ltmp6:
0x1ba: {  	[sflag:s19] =	ssyncset.done $0x0;
	(pc) =	sbr.rel .LBB2_10-.Ltmp6, $4  }
0x1bb: {  	s25 =	rddreg [dreg:$0x10];
	[sflag:s19] =	ssyncadd.s32 $0xFFFFC000  }
0x1bc: {  	[hbm4b:s25+s26] =	stream.indirect.scatter [tilespmem:s5], [sflag:$0x8], $0x80, s29, s26, $0xb8;
	[tilespmem:$0x1A480] =	vst v63  }
0x1bd: {  	s20 =	simm.s32 $0x7  }
0x1be: {  	[hbm4b:s25+s26] =	stream.indirect.scatter [tilespmem:s5], [sflag:$0x8], $0x80, s3, s26, $0xb8;
	[tilespmem:$0x1A480] =	vst v63  }
.LBB2_11:
0x1bf: {  	_ =	sfence.sel $0x180000  }
0x1c0: {  	[bflag:$0x0] =	sbarrier.arrive $0xFFFF  }
0x1c1: {  	_ =	strace $0x90000047  }
0x1c2: {  	s0 =	stileid.u32;
	[bflag:$0x2] =	sbarrier.arrive $0xFFFF  }
0x1c3: {  	p0 =	sne.s32 s0, $0x0;
	s0 =	rddreg [dreg:$0x6]  }
0x1c4: {  	s0 =	sadd.s32 @!p0 $0x100000, s0  }
0x1c5: {  	[sflag:s0] =	ssyncadd.tile.s32 @!p0 $0x1;
	_ =	shalt  }
.Lfunc_end2:
_tile_overlayer_lowered:
.L_overlay_start_2:
0x1c6: {  	(tag) =	ssettag $0x2  }
0x1c7: {  	s0 =	rddreg [dreg:$0x0];
	s2 =	stileid.u32  }
0x1c8: {  	s1 =	rddreg [dreg:$0x1];
	p0 =	sne.s32 s2, $0x0  }
0x1c9: {  	s3 =	rddreg [dreg:$0x2];
	[bflag:$0x3] =	sbarrier.arrive $0xFFFF;
	s2 =	simm.s32 @!p0 $0x1C09  }
0x1ca: {  	[timem:s3], [sflag:s2] =	dma.local @!p0 [hbm:s0], s1  }
0x1cb: {  	s0 =	simm.s32 @!p0 $0x9  }
0x1cc: {  	_ =	swait.ge @!p0 [sflag:s0], s1  }
0x1cd: {  	s1 =	ssub.s32 @!p0 $0x0, s1;
	[sflag:s0] =	ssyncset.done @!p0 $0x0  }
0x1ce: {  	[sflag:s0] =	ssyncadd.s32 @!p0 s1  }
0x1cf: {  	[bflag:$0x3] =	sbarrier.arrive $0xFFFF  }
0x1d0: {  	_ =	shalt  }

</sc_bundles>
